<compile_context>
chip_gen: v7x
topology: tpu7x:2x2x1
jax: 0.10.2.dev20260603
libtpu: 0.0.44.dev20260713+nightly
codegen_flags: <defaults>
</compile_context>

<pallas_src>
import functools

import jax
import jax.numpy as jnp
from jax import lax
from jax.experimental import pallas as pl
from jax.experimental.pallas import tpu as pltpu
from jax.experimental.pallas import tpu_sc as plsc

HID = 768
NIDS = 8192
LN_EPS = 1e-5


_BLK = 512


def _ln_table_body(emb_ref, pos_ref, seg_ref, gam_ref, bet_ref, out_ref):
    c = emb_ref[...] + pos_ref[...]
    gam = gam_ref[...].reshape(1, HID)
    bet = bet_ref[...].reshape(1, HID)
    for m in range(2):
        x = c + seg_ref[m:m + 1, :]
        mean = jnp.mean(x, axis=-1, keepdims=True)
        xc = x - mean
        var = jnp.mean(xc * xc, axis=-1, keepdims=True)
        out_ref[m, :, :] = xc * lax.rsqrt(var + LN_EPS) * gam + bet


def _build_ln_table(emb_table, pos_table, seg_table, gamma, beta):
    return pl.pallas_call(
        _ln_table_body,
        grid=(NIDS // _BLK,),
        in_specs=[
            pl.BlockSpec((_BLK, HID), lambda i: (i, 0)),
            pl.BlockSpec((_BLK, HID), lambda i: (i, 0)),
            pl.BlockSpec((2, HID), lambda i: (0, 0)),
            pl.BlockSpec((HID,), lambda i: (0,)),
            pl.BlockSpec((HID,), lambda i: (0,)),
        ],
        out_specs=pl.BlockSpec((2, _BLK, HID), lambda i: (0, i, 0)),
        out_shape=jax.ShapeDtypeStruct((2, NIDS, HID), jnp.float32),
    )(emb_table, pos_table, seg_table, gamma, beta)



_NTOK = 32768
_NW = 32
_PER_W = _NTOK // _NW
_CHUNK = 32
_NBUF = 4
_NCH = _PER_W // _CHUNK
_L = 16


_BATCH = 4
_WPB = _NW // _BATCH


@functools.partial(
    pl.kernel,
    out_type=jax.ShapeDtypeStruct((_BATCH, _NTOK // _BATCH, HID), jnp.float32),
    mesh=plsc.VectorSubcoreMesh(core_axis_name="c", subcore_axis_name="s"),
    scratch_types=[
        pltpu.VMEM((_PER_W,), jnp.int32),
        pltpu.VMEM((_PER_W,), jnp.int32),
        pltpu.VMEM((_PER_W,), jnp.int32),
        [pltpu.VMEM((_CHUNK, HID), jnp.float32)] * _NBUF,
        [pltpu.SemaphoreType.DMA] * _NBUF,
        [pltpu.SemaphoreType.DMA] * _NBUF,
    ],
)
def _gather_rows(table_hbm, tok_hbm, msk_hbm, out_hbm,
                 tok_v, msk_v, idx_v, bufs, gsem, ssem):
    wid = lax.axis_index("s") * 2 + lax.axis_index("c")
    q0 = wid * _PER_W
    ld_t = pltpu.async_copy(tok_hbm.at[pl.ds(q0, _PER_W)], tok_v, gsem[0])
    ld_m = pltpu.async_copy(msk_hbm.at[pl.ds(q0, _PER_W)], msk_v, gsem[1])
    ld_t.wait()
    ld_m.wait()

    def mk_idx(j, carry):
        off = j * _L
        t = tok_v[pl.ds(off, _L)]
        m = msk_v[pl.ds(off, _L)]
        idx_v[pl.ds(off, _L)] = t + lax.shift_left(m, 13)
        return carry

    def gather(c):
        b = c % _NBUF
        return pltpu.async_copy(
            table_hbm.at[idx_v.at[pl.ds(c * _CHUNK, _CHUNK)]],
            bufs[b], gsem[b])

    def out_dst(c):
        q = q0 + c * _CHUNK
        r = (q // 128) % _BATCH
        col = (q // 512) * 128 + q % 128
        return out_hbm.at[r, pl.ds(col, _CHUNK)]

    K = 2
    head = K * _CHUNK // _L
    lax.fori_loop(0, head, mk_idx, 0)
    gat = [None] * _NBUF
    scat = [None] * _NBUF
    for c in range(K):
        gat[c % _NBUF] = gather(c)
    lax.fori_loop(head, _PER_W // _L, mk_idx, 0)
    for c in range(_NCH):
        b = c % _NBUF
        if c + K < _NCH:
            bk = (c + K) % _NBUF
            if scat[bk] is not None:
                scat[bk].wait()
                scat[bk] = None
            gat[bk] = gather(c + K)
        gat[b].wait()
        scat[b] = pltpu.async_copy(bufs[b], out_dst(c), ssem[b])
    for b in range(_NBUF):
        if scat[b] is not None:
            scat[b].wait()



def _mem_order(x):
    return x.reshape(_BATCH, 64, 128).transpose(1, 0, 2).reshape(-1)


def kernel(tokens, mask, emb_table, pos_table, seg_table, ln_gamma, ln_beta):
    table = _build_ln_table(emb_table, pos_table, seg_table, ln_gamma, ln_beta)
    return _gather_rows(table.reshape(2 * NIDS, HID),
                        _mem_order(tokens), _mem_order(mask))

# --- scband reference (transcript-rebuilt; emitter-appended) ---
"""Pipeline reference for scband-bertembeddings-42554535969181 (READ-ONLY COPY).

The authoritative reference and input builder live on the scoring server;
editing this copy changes nothing except your own understanding.
"""

import jax, jax.numpy as jnp
import numpy as np

VOCAB = 100000
SEQ_LEN = 8192
HIDDEN = 768
BATCH = 4


def setup_inputs(seed: int = 0) -> dict:
    key = jax.random.key(seed)
    k1, k2, k3, k4, k5, k6, k7 = jax.random.split(key, 7)
    tokens = jax.random.randint(k1, (BATCH, SEQ_LEN), 0, SEQ_LEN)
    mask = jax.random.randint(k2, (BATCH, SEQ_LEN), 0, 2)
    emb_table = jax.random.normal(k3, (VOCAB, HIDDEN), dtype=jnp.float32)
    pos_table = jax.random.normal(k4, (SEQ_LEN, HIDDEN), dtype=jnp.float32)
    seg_table = jax.random.normal(k5, (2, HIDDEN), dtype=jnp.float32)
    ln_gamma = jnp.ones((HIDDEN,), dtype=jnp.float32)
    ln_beta = jnp.zeros((HIDDEN,), dtype=jnp.float32)
    return {
        "tokens": tokens,
        "mask": mask,
        "emb_table": emb_table,
        "pos_table": pos_table,
        "seg_table": seg_table,
        "ln_gamma": ln_gamma,
        "ln_beta": ln_beta,
    }


def _layer_norm(x, gamma, beta, eps=1e-5):
    mean = jnp.mean(x, axis=-1, keepdims=True)
    var = jnp.mean(jnp.square(x - mean), axis=-1, keepdims=True)
    return (x - mean) / jnp.sqrt(var + eps) * gamma + beta


def reference(tokens, mask, emb_table, pos_table, seg_table, ln_gamma, ln_beta):
    # Faithful to the original forward: positional embeddings are indexed by
    # token ids (as in the source module), not by position.
    x = jnp.take(emb_table, tokens, axis=0) \
        + jnp.take(pos_table, tokens, axis=0) \
        + jnp.take(seg_table, mask, axis=0)
    return _layer_norm(x, ln_gamma, ln_beta)

if __name__ == "__main__":
    import jax
    _d = setup_inputs()
    print(jax.jit(kernel)(*tuple(_d.values())))

</pallas_src>

<mosaic_0001>
#map = affine_map<(d0, d1) -> (0, 0)>
#map1 = affine_map<(d0, d1) -> (0)>
#map2 = affine_map<(d0, d1) -> (0, 0, 0)>
module attributes {stable_mosaic.version = 14 : i64} {
  func.func @_gather_rows(%arg0: i32, %arg1: i32, %arg2: memref<16384x768xf32, #tpu.memory_space<hbm>>, %arg3: memref<32768xi32, #tpu.memory_space<hbm>>, %arg4: memref<32768xi32, #tpu.memory_space<hbm>>, %arg5: memref<4x8192x768xf32, #tpu.memory_space<hbm>>, %arg6: memref<1024xi32, #tpu.memory_space<vmem>>, %arg7: memref<1024xi32, #tpu.memory_space<vmem>>, %arg8: memref<1024xi32, #tpu.memory_space<vmem>>, %arg9: memref<32x768xf32, #tpu.memory_space<vmem>>, %arg10: memref<32x768xf32, #tpu.memory_space<vmem>>, %arg11: memref<32x768xf32, #tpu.memory_space<vmem>>, %arg12: memref<32x768xf32, #tpu.memory_space<vmem>>, %arg13: memref<!tpu.dma_semaphore, #tpu.memory_space<semaphore_mem>>, %arg14: memref<!tpu.dma_semaphore, #tpu.memory_space<semaphore_mem>>, %arg15: memref<!tpu.dma_semaphore, #tpu.memory_space<semaphore_mem>>, %arg16: memref<!tpu.dma_semaphore, #tpu.memory_space<semaphore_mem>>, %arg17: memref<!tpu.dma_semaphore, #tpu.memory_space<semaphore_mem>>, %arg18: memref<!tpu.dma_semaphore, #tpu.memory_space<semaphore_mem>>, %arg19: memref<!tpu.dma_semaphore, #tpu.memory_space<semaphore_mem>>, %arg20: memref<!tpu.dma_semaphore, #tpu.memory_space<semaphore_mem>>) attributes {dimension_semantics = [#tpu.dimension_semantics<core_parallel>, #tpu.dimension_semantics<subcore_parallel>], iteration_bounds = array<i64: 2, 16>, scalar_prefetch = 0 : i64, scratch_operands = 15 : i64, tpu.core_type = #tpu.core_type<sc_vector_subcore>, window_params = [{transform_indices = #map}, {transform_indices = #map1}, {transform_indices = #map1}, {transform_indices = #map2}]} {
    %mul3A = arith.constant 2 : i32
    %mul3A_0 = arith.muli %arg1, %mul3A : i32
    %add3A = arith.addi %mul3A_0, %arg0 : i32
    %mul3A_1 = arith.constant 1024 : i32
    %mul3A_2 = arith.muli %add3A, %mul3A_1 : i32
    %dma_start3A = tpu.memref_slice %arg3[%mul3A_2] : memref<32768xi32, #tpu.memory_space<hbm>> -> memref<1024xi32, #tpu.memory_space<hbm>>
    %dma_start3A_3 = tpu.memref_slice %arg3[%mul3A_2] : memref<32768xi32, #tpu.memory_space<hbm>> -> memref<1024xi32, #tpu.memory_space<hbm>>
    tpu.enqueue_dma source(%dma_start3A_3 : memref<1024xi32, #tpu.memory_space<hbm>>) target(%arg6 : memref<1024xi32, #tpu.memory_space<vmem>>) target_semaphore(%arg13 : memref<!tpu.dma_semaphore, #tpu.memory_space<semaphore_mem>>)
    %dma_start3A_4 = tpu.memref_slice %arg4[%mul3A_2] : memref<32768xi32, #tpu.memory_space<hbm>> -> memref<1024xi32, #tpu.memory_space<hbm>>
    %dma_start3A_5 = tpu.memref_slice %arg4[%mul3A_2] : memref<32768xi32, #tpu.memory_space<hbm>> -> memref<1024xi32, #tpu.memory_space<hbm>>
    tpu.enqueue_dma source(%dma_start3A_5 : memref<1024xi32, #tpu.memory_space<hbm>>) target(%arg7 : memref<1024xi32, #tpu.memory_space<vmem>>) target_semaphore(%arg14 : memref<!tpu.dma_semaphore, #tpu.memory_space<semaphore_mem>>)
    %dma_wait3A = tpu.memref_slice %arg3[%mul3A_2] : memref<32768xi32, #tpu.memory_space<hbm>> -> memref<1024xi32, #tpu.memory_space<hbm>>
    %dma_wait3A_6 = tpu.memref_slice %arg3[%mul3A_2] : memref<32768xi32, #tpu.memory_space<hbm>> -> memref<1024xi32, #tpu.memory_space<hbm>>
    tpu.wait_dma2 semaphore(%arg13 : memref<!tpu.dma_semaphore, #tpu.memory_space<semaphore_mem>>) src(%dma_wait3A_6 : memref<1024xi32, #tpu.memory_space<hbm>>) dst(%arg6 : memref<1024xi32, #tpu.memory_space<vmem>>)
    %dma_wait3A_7 = tpu.memref_slice %arg4[%mul3A_2] : memref<32768xi32, #tpu.memory_space<hbm>> -> memref<1024xi32, #tpu.memory_space<hbm>>
    %dma_wait3A_8 = tpu.memref_slice %arg4[%mul3A_2] : memref<32768xi32, #tpu.memory_space<hbm>> -> memref<1024xi32, #tpu.memory_space<hbm>>
    tpu.wait_dma2 semaphore(%arg14 : memref<!tpu.dma_semaphore, #tpu.memory_space<semaphore_mem>>) src(%dma_wait3A_8 : memref<1024xi32, #tpu.memory_space<hbm>>) dst(%arg7 : memref<1024xi32, #tpu.memory_space<vmem>>)
    %scan3A = arith.constant 0 : i32
    %scan3A_9 = arith.constant 0 : i32
    %scan3A_10 = arith.constant 4 : i32
    %scan3A_11 = arith.addi %scan3A_9, %scan3A_10 : i32
    %scan3A_12 = arith.constant 1 : i32
    scf.for %scan3A_3434 = %scan3A_9 to %scan3A_11 step %scan3A_12  : i32 {
      %mul3A_3435 = arith.constant 16 : i32
      %mul3A_3436 = arith.muli %scan3A_3434, %mul3A_3435 : i32
      %get3A = arith.index_cast %mul3A_3436 : i32 to index
      %get3A_3437 = tpu.vector_load %arg6[%get3A] {strides = array<i32>} : memref<1024xi32, #tpu.memory_space<vmem>>, vector<16xi32>,
      %get3A_3438 = vector.shape_cast %get3A_3437 : vector<16xi32> to vector<16xi32>
      %get3A_3439 = arith.index_cast %mul3A_3436 : i32 to index
      %get3A_3440 = tpu.vector_load %arg7[%get3A_3439] {strides = array<i32>} : memref<1024xi32, #tpu.memory_space<vmem>>, vector<16xi32>,
      %get3A_3441 = vector.shape_cast %get3A_3440 : vector<16xi32> to vector<16xi32>
      %shift_left3A = arith.constant 13 : i32
      %shift_left3A_3442 = vector.broadcast %shift_left3A : i32 to vector<16xi32>
      %shift_left3A_3443 = arith.shli %get3A_3441, %shift_left3A_3442 : vector<16xi32>
      %add3A_3444 = arith.addi %get3A_3438, %shift_left3A_3443 : vector<16xi32>
      %swap3A = arith.index_cast %mul3A_3436 : i32 to index
      %swap3A_3445 = tpu.vector_load %arg8[%swap3A] {strides = array<i32>} : memref<1024xi32, #tpu.memory_space<vmem>>, vector<16xi32>,
      %swap3A_3446 = vector.shape_cast %swap3A_3445 : vector<16xi32> to vector<16xi32>
      %swap3A_3447 = vector.shape_cast %add3A_3444 : vector<16xi32> to vector<16xi32>
      tpu.vector_store %arg8[%swap3A], %swap3A_3447 {strides = array<i32>} : memref<1024xi32, #tpu.memory_space<vmem>>, vector<16xi32>,
    }
    %scan3A_13 = arith.constant 4 : i32
    %dma_start3A_14 = arith.constant 0 : i32
    %dma_start3A_15 = tpu.memref_slice %arg8[%dma_start3A_14] : memref<1024xi32, #tpu.memory_space<vmem>> -> memref<32xi32, #tpu.memory_space<vmem>>
    %dma_start3A_16 = arith.constant 0 : i32
    %dma_start3A_17 = arith.constant 0 : i32
    %dma_start3A_18 = tpu.memref_slice %arg2[%dma_start3A_16, %dma_start3A_17] : memref<16384x768xf32, #tpu.memory_space<hbm>> -> memref<16384x768xf32, #tpu.memory_space<hbm>>
    tpu.enqueue_indirect_dma source(%dma_start3A_18 : memref<16384x768xf32, #tpu.memory_space<hbm>>) target(%arg9 : memref<32x768xf32, #tpu.memory_space<vmem>>) offsets(%dma_start3A_15 : memref<32xi32, #tpu.memory_space<vmem>>) semaphore(%arg13 : memref<!tpu.dma_semaphore, #tpu.memory_space<semaphore_mem>>)
    %dma_start3A_19 = arith.constant 32 : i32
    %dma_start3A_20 = tpu.memref_slice %arg8[%dma_start3A_19] : memref<1024xi32, #tpu.memory_space<vmem>> -> memref<32xi32, #tpu.memory_space<vmem>>
    %dma_start3A_21 = arith.constant 0 : i32
    %dma_start3A_22 = arith.constant 0 : i32
    %dma_start3A_23 = tpu.memref_slice %arg2[%dma_start3A_21, %dma_start3A_22] : memref<16384x768xf32, #tpu.memory_space<hbm>> -> memref<16384x768xf32, #tpu.memory_space<hbm>>
    tpu.enqueue_indirect_dma source(%dma_start3A_23 : memref<16384x768xf32, #tpu.memory_space<hbm>>) target(%arg10 : memref<32x768xf32, #tpu.memory_space<vmem>>) offsets(%dma_start3A_20 : memref<32xi32, #tpu.memory_space<vmem>>) semaphore(%arg14 : memref<!tpu.dma_semaphore, #tpu.memory_space<semaphore_mem>>)
    %scan3A_24 = arith.constant 0 : i32
    %scan3A_25 = arith.constant 4 : i32
    %scan3A_26 = arith.constant 60 : i32
    %scan3A_27 = arith.addi %scan3A_25, %scan3A_26 : i32
    %scan3A_28 = arith.constant 1 : i32
    scf.for %scan3A_3434 = %scan3A_25 to %scan3A_27 step %scan3A_28  : i32 {
      %mul3A_3435 = arith.constant 16 : i32
      %mul3A_3436 = arith.muli %scan3A_3434, %mul3A_3435 : i32
      %get3A = arith.index_cast %mul3A_3436 : i32 to index
      %get3A_3437 = tpu.vector_load %arg6[%get3A] {strides = array<i32>} : memref<1024xi32, #tpu.memory_space<vmem>>, vector<16xi32>,
      %get3A_3438 = vector.shape_cast %get3A_3437 : vector<16xi32> to vector<16xi32>
      %get3A_3439 = arith.index_cast %mul3A_3436 : i32 to index
      %get3A_3440 = tpu.vector_load %arg7[%get3A_3439] {strides = array<i32>} : memref<1024xi32, #tpu.memory_space<vmem>>, vector<16xi32>,
      %get3A_3441 = vector.shape_cast %get3A_3440 : vector<16xi32> to vector<16xi32>
      %shift_left3A = arith.constant 13 : i32
      %shift_left3A_3442 = vector.broadcast %shift_left3A : i32 to vector<16xi32>
      %shift_left3A_3443 = arith.shli %get3A_3441, %shift_left3A_3442 : vector<16xi32>
      %add3A_3444 = arith.addi %get3A_3438, %shift_left3A_3443 : vector<16xi32>
      %swap3A = arith.index_cast %mul3A_3436 : i32 to index
      %swap3A_3445 = tpu.vector_load %arg8[%swap3A] {strides = array<i32>} : memref<1024xi32, #tpu.memory_space<vmem>>, vector<16xi32>,
      %swap3A_3446 = vector.shape_cast %swap3A_3445 : vector<16xi32> to vector<16xi32>
      %swap3A_3447 = vector.shape_cast %add3A_3444 : vector<16xi32> to vector<16xi32>
      tpu.vector_store %arg8[%swap3A], %swap3A_3447 {strides = array<i32>} : memref<1024xi32, #tpu.memory_space<vmem>>, vector<16xi32>,
    }
    %scan3A_29 = arith.constant 60 : i32
    %dma_start3A_30 = arith.constant 64 : i32
    %dma_start3A_31 = tpu.memref_slice %arg8[%dma_start3A_30] : memref<1024xi32, #tpu.memory_space<vmem>> -> memref<32xi32, #tpu.memory_space<vmem>>
    %dma_start3A_32 = arith.constant 0 : i32
    %dma_start3A_33 = arith.constant 0 : i32
    %dma_start3A_34 = tpu.memref_slice %arg2[%dma_start3A_32, %dma_start3A_33] : memref<16384x768xf32, #tpu.memory_space<hbm>> -> memref<16384x768xf32, #tpu.memory_space<hbm>>
    tpu.enqueue_indirect_dma source(%dma_start3A_34 : memref<16384x768xf32, #tpu.memory_space<hbm>>) target(%arg11 : memref<32x768xf32, #tpu.memory_space<vmem>>) offsets(%dma_start3A_31 : memref<32xi32, #tpu.memory_space<vmem>>) semaphore(%arg15 : memref<!tpu.dma_semaphore, #tpu.memory_space<semaphore_mem>>)
    %dma_wait3A_35 = arith.constant 0 : i32
    %dma_wait3A_36 = tpu.memref_slice %arg8[%dma_wait3A_35] : memref<1024xi32, #tpu.memory_space<vmem>> -> memref<32xi32, #tpu.memory_space<vmem>>
    %dma_wait3A_37 = arith.constant 0 : i32
    %dma_wait3A_38 = arith.constant 0 : i32
    %dma_wait3A_39 = tpu.memref_slice %arg2[%dma_wait3A_37, %dma_wait3A_38] : memref<16384x768xf32, #tpu.memory_space<hbm>> -> memref<16384x768xf32, #tpu.memory_space<hbm>>
    tpu.wait_indirect_dma semaphore(%arg13 : memref<!tpu.dma_semaphore, #tpu.memory_space<semaphore_mem>>) src(%dma_wait3A_39 : memref<16384x768xf32, #tpu.memory_space<hbm>>) dst(%arg9 : memref<32x768xf32, #tpu.memory_space<vmem>>)
    %add3A_40 = arith.constant 0 : i32
    %add3A_41 = arith.addi %mul3A_2, %add3A_40 : i32
    %jit3A = arith.constant 128 : i32
    %div3A = arith.divsi %add3A_41, %jit3A : i32
    %sign3A = arith.constant 0 : i32
    %sign3A_42 = arith.cmpi sgt, %add3A_41, %sign3A : i32
    %sign3A_43 = arith.extui %sign3A_42 : i1 to i32
    %sign3A_44 = arith.constant 0 : i32
    %sign3A_45 = arith.cmpi slt, %add3A_41, %sign3A_44 : i32
    %sign3A_46 = arith.extui %sign3A_45 : i1 to i32
    %sign3A_47 = arith.subi %sign3A_43, %sign3A_46 : i32
    %sign3A_48 = arith.constant 0 : i32
    %sign3A_49 = arith.cmpi sgt, %jit3A, %sign3A_48 : i32
    %sign3A_50 = arith.extui %sign3A_49 : i1 to i32
    %sign3A_51 = arith.constant 0 : i32
    %sign3A_52 = arith.cmpi slt, %jit3A, %sign3A_51 : i32
    %sign3A_53 = arith.extui %sign3A_52 : i1 to i32
    %sign3A_54 = arith.subi %sign3A_50, %sign3A_53 : i32
    %ne3A = arith.cmpi ne, %sign3A_47, %sign3A_54 : i32
    %rem3A = arith.remsi %add3A_41, %jit3A : i32
    %ne3A_55 = arith.constant 0 : i32
    %ne3A_56 = arith.cmpi ne, %rem3A, %ne3A_55 : i32
    %and3A = arith.andi %ne3A, %ne3A_56 : i1
    %sub3A = arith.constant 1 : i32
    %sub3A_57 = arith.subi %div3A, %sub3A : i32
    %select_n3A = arith.select %and3A, %sub3A_57, %div3A : i32
    %jit3A_58 = arith.constant 4 : i32
    %eq3A = arith.constant 0 : i32
    %eq3A_59 = arith.cmpi eq, %jit3A_58, %eq3A : i32
    %jit3A_60 = arith.constant 1 : i32
    %select_n3A_61 = arith.select %eq3A_59, %jit3A_60, %jit3A_58 : i32
    %rem3A_62 = arith.remsi %select_n3A, %select_n3A_61 : i32
    %ne3A_63 = arith.constant 0 : i32
    %ne3A_64 = arith.cmpi ne, %rem3A_62, %ne3A_63 : i32
    %lt3A = arith.constant 0 : i32
    %lt3A_65 = arith.cmpi slt, %rem3A_62, %lt3A : i32
    %lt3A_66 = arith.constant 0 : i32
    %lt3A_67 = arith.cmpi slt, %select_n3A_61, %lt3A_66 : i32
    %ne3A_68 = arith.xori %lt3A_65, %lt3A_67 : i1
    %and3A_69 = arith.andi %ne3A_68, %ne3A_64 : i1
    %add3A_70 = arith.addi %rem3A_62, %select_n3A_61 : i32
    %select_n3A_71 = arith.select %and3A_69, %add3A_70, %rem3A_62 : i32
    %jit3A_72 = arith.constant 512 : i32
    %div3A_73 = arith.divsi %add3A_41, %jit3A_72 : i32
    %sign3A_74 = arith.constant 0 : i32
    %sign3A_75 = arith.cmpi sgt, %add3A_41, %sign3A_74 : i32
    %sign3A_76 = arith.extui %sign3A_75 : i1 to i32
    %sign3A_77 = arith.constant 0 : i32
    %sign3A_78 = arith.cmpi slt, %add3A_41, %sign3A_77 : i32
    %sign3A_79 = arith.extui %sign3A_78 : i1 to i32
    %sign3A_80 = arith.subi %sign3A_76, %sign3A_79 : i32
    %sign3A_81 = arith.constant 0 : i32
    %sign3A_82 = arith.cmpi sgt, %jit3A_72, %sign3A_81 : i32
    %sign3A_83 = arith.extui %sign3A_82 : i1 to i32
    %sign3A_84 = arith.constant 0 : i32
    %sign3A_85 = arith.cmpi slt, %jit3A_72, %sign3A_84 : i32
    %sign3A_86 = arith.extui %sign3A_85 : i1 to i32
    %sign3A_87 = arith.subi %sign3A_83, %sign3A_86 : i32
    %ne3A_88 = arith.cmpi ne, %sign3A_80, %sign3A_87 : i32
    %rem3A_89 = arith.remsi %add3A_41, %jit3A_72 : i32
    %ne3A_90 = arith.constant 0 : i32
    %ne3A_91 = arith.cmpi ne, %rem3A_89, %ne3A_90 : i32
    %and3A_92 = arith.andi %ne3A_88, %ne3A_91 : i1
    %sub3A_93 = arith.constant 1 : i32
    %sub3A_94 = arith.subi %div3A_73, %sub3A_93 : i32
    %select_n3A_95 = arith.select %and3A_92, %sub3A_94, %div3A_73 : i32
    %mul3A_96 = arith.constant 128 : i32
    %mul3A_97 = arith.muli %select_n3A_95, %mul3A_96 : i32
    %jit3A_98 = arith.constant 128 : i32
    %eq3A_99 = arith.constant 0 : i32
    %eq3A_100 = arith.cmpi eq, %jit3A_98, %eq3A_99 : i32
    %jit3A_101 = arith.constant 1 : i32
    %select_n3A_102 = arith.select %eq3A_100, %jit3A_101, %jit3A_98 : i32
    %rem3A_103 = arith.remsi %add3A_41, %select_n3A_102 : i32
    %ne3A_104 = arith.constant 0 : i32
    %ne3A_105 = arith.cmpi ne, %rem3A_103, %ne3A_104 : i32
    %lt3A_106 = arith.constant 0 : i32
    %lt3A_107 = arith.cmpi slt, %rem3A_103, %lt3A_106 : i32
    %lt3A_108 = arith.constant 0 : i32
    %lt3A_109 = arith.cmpi slt, %select_n3A_102, %lt3A_108 : i32
    %ne3A_110 = arith.xori %lt3A_107, %lt3A_109 : i1
    %and3A_111 = arith.andi %ne3A_110, %ne3A_105 : i1
    %add3A_112 = arith.addi %rem3A_103, %select_n3A_102 : i32
    %select_n3A_113 = arith.select %and3A_111, %add3A_112, %rem3A_103 : i32
    %add3A_114 = arith.addi %mul3A_97, %select_n3A_113 : i32
    %dma_start3A_115 = arith.constant 0 : i32
    %dma_start3A_116 = tpu.memref_slice %arg5[%select_n3A_71, %add3A_114, %dma_start3A_115] : memref<4x8192x768xf32, #tpu.memory_space<hbm>> -> memref<1x32x768xf32, #tpu.memory_space<hbm>>
    %dma_start3A_117 = tpu.memref_squeeze %dma_start3A_116 : memref<1x32x768xf32, #tpu.memory_space<hbm>> -> memref<32x768xf32, #tpu.memory_space<hbm>>
    %dma_start3A_118 = arith.constant 0 : i32
    %dma_start3A_119 = tpu.memref_slice %arg5[%select_n3A_71, %add3A_114, %dma_start3A_118] : memref<4x8192x768xf32, #tpu.memory_space<hbm>> -> memref<1x32x768xf32, #tpu.memory_space<hbm>>
    %dma_start3A_120 = tpu.memref_squeeze %dma_start3A_119 : memref<1x32x768xf32, #tpu.memory_space<hbm>> -> memref<32x768xf32, #tpu.memory_space<hbm>>
    tpu.enqueue_dma source(%arg9 : memref<32x768xf32, #tpu.memory_space<vmem>>) target(%dma_start3A_120 : memref<32x768xf32, #tpu.memory_space<hbm>>) target_semaphore(%arg17 : memref<!tpu.dma_semaphore, #tpu.memory_space<semaphore_mem>>)
    %dma_start3A_121 = arith.constant 96 : i32
    %dma_start3A_122 = tpu.memref_slice %arg8[%dma_start3A_121] : memref<1024xi32, #tpu.memory_space<vmem>> -> memref<32xi32, #tpu.memory_space<vmem>>
    %dma_start3A_123 = arith.constant 0 : i32
    %dma_start3A_124 = arith.constant 0 : i32
    %dma_start3A_125 = tpu.memref_slice %arg2[%dma_start3A_123, %dma_start3A_124] : memref<16384x768xf32, #tpu.memory_space<hbm>> -> memref<16384x768xf32, #tpu.memory_space<hbm>>
    tpu.enqueue_indirect_dma source(%dma_start3A_125 : memref<16384x768xf32, #tpu.memory_space<hbm>>) target(%arg12 : memref<32x768xf32, #tpu.memory_space<vmem>>) offsets(%dma_start3A_122 : memref<32xi32, #tpu.memory_space<vmem>>) semaphore(%arg16 : memref<!tpu.dma_semaphore, #tpu.memory_space<semaphore_mem>>)
    %dma_wait3A_126 = arith.constant 32 : i32
    %dma_wait3A_127 = tpu.memref_slice %arg8[%dma_wait3A_126] : memref<1024xi32, #tpu.memory_space<vmem>> -> memref<32xi32, #tpu.memory_space<vmem>>
    %dma_wait3A_128 = arith.constant 0 : i32
    %dma_wait3A_129 = arith.constant 0 : i32
    %dma_wait3A_130 = tpu.memref_slice %arg2[%dma_wait3A_128, %dma_wait3A_129] : memref<16384x768xf32, #tpu.memory_space<hbm>> -> memref<16384x768xf32, #tpu.memory_space<hbm>>
    tpu.wait_indirect_dma semaphore(%arg14 : memref<!tpu.dma_semaphore, #tpu.memory_space<semaphore_mem>>) src(%dma_wait3A_130 : memref<16384x768xf32, #tpu.memory_space<hbm>>) dst(%arg10 : memref<32x768xf32, #tpu.memory_space<vmem>>)
    %add3A_131 = arith.constant 32 : i32
    %add3A_132 = arith.addi %mul3A_2, %add3A_131 : i32
    %jit3A_133 = arith.constant 128 : i32
    %div3A_134 = arith.divsi %add3A_132, %jit3A_133 : i32
    %sign3A_135 = arith.constant 0 : i32
    %sign3A_136 = arith.cmpi sgt, %add3A_132, %sign3A_135 : i32
    %sign3A_137 = arith.extui %sign3A_136 : i1 to i32
    %sign3A_138 = arith.constant 0 : i32
    %sign3A_139 = arith.cmpi slt, %add3A_132, %sign3A_138 : i32
    %sign3A_140 = arith.extui %sign3A_139 : i1 to i32
    %sign3A_141 = arith.subi %sign3A_137, %sign3A_140 : i32
    %sign3A_142 = arith.constant 0 : i32
    %sign3A_143 = arith.cmpi sgt, %jit3A_133, %sign3A_142 : i32
    %sign3A_144 = arith.extui %sign3A_143 : i1 to i32
    %sign3A_145 = arith.constant 0 : i32
    %sign3A_146 = arith.cmpi slt, %jit3A_133, %sign3A_145 : i32
    %sign3A_147 = arith.extui %sign3A_146 : i1 to i32
    %sign3A_148 = arith.subi %sign3A_144, %sign3A_147 : i32
    %ne3A_149 = arith.cmpi ne, %sign3A_141, %sign3A_148 : i32
    %rem3A_150 = arith.remsi %add3A_132, %jit3A_133 : i32
    %ne3A_151 = arith.constant 0 : i32
    %ne3A_152 = arith.cmpi ne, %rem3A_150, %ne3A_151 : i32
    %and3A_153 = arith.andi %ne3A_149, %ne3A_152 : i1
    %sub3A_154 = arith.constant 1 : i32
    %sub3A_155 = arith.subi %div3A_134, %sub3A_154 : i32
    %select_n3A_156 = arith.select %and3A_153, %sub3A_155, %div3A_134 : i32
    %jit3A_157 = arith.constant 4 : i32
    %eq3A_158 = arith.constant 0 : i32
    %eq3A_159 = arith.cmpi eq, %jit3A_157, %eq3A_158 : i32
    %jit3A_160 = arith.constant 1 : i32
    %select_n3A_161 = arith.select %eq3A_159, %jit3A_160, %jit3A_157 : i32
    %rem3A_162 = arith.remsi %select_n3A_156, %select_n3A_161 : i32
    %ne3A_163 = arith.constant 0 : i32
    %ne3A_164 = arith.cmpi ne, %rem3A_162, %ne3A_163 : i32
    %lt3A_165 = arith.constant 0 : i32
    %lt3A_166 = arith.cmpi slt, %rem3A_162, %lt3A_165 : i32
    %lt3A_167 = arith.constant 0 : i32
    %lt3A_168 = arith.cmpi slt, %select_n3A_161, %lt3A_167 : i32
    %ne3A_169 = arith.xori %lt3A_166, %lt3A_168 : i1
    %and3A_170 = arith.andi %ne3A_169, %ne3A_164 : i1
    %add3A_171 = arith.addi %rem3A_162, %select_n3A_161 : i32
    %select_n3A_172 = arith.select %and3A_170, %add3A_171, %rem3A_162 : i32
    %jit3A_173 = arith.constant 512 : i32
    %div3A_174 = arith.divsi %add3A_132, %jit3A_173 : i32
    %sign3A_175 = arith.constant 0 : i32
    %sign3A_176 = arith.cmpi sgt, %add3A_132, %sign3A_175 : i32
    %sign3A_177 = arith.extui %sign3A_176 : i1 to i32
    %sign3A_178 = arith.constant 0 : i32
    %sign3A_179 = arith.cmpi slt, %add3A_132, %sign3A_178 : i32
    %sign3A_180 = arith.extui %sign3A_179 : i1 to i32
    %sign3A_181 = arith.subi %sign3A_177, %sign3A_180 : i32
    %sign3A_182 = arith.constant 0 : i32
    %sign3A_183 = arith.cmpi sgt, %jit3A_173, %sign3A_182 : i32
    %sign3A_184 = arith.extui %sign3A_183 : i1 to i32
    %sign3A_185 = arith.constant 0 : i32
    %sign3A_186 = arith.cmpi slt, %jit3A_173, %sign3A_185 : i32
    %sign3A_187 = arith.extui %sign3A_186 : i1 to i32
    %sign3A_188 = arith.subi %sign3A_184, %sign3A_187 : i32
    %ne3A_189 = arith.cmpi ne, %sign3A_181, %sign3A_188 : i32
    %rem3A_190 = arith.remsi %add3A_132, %jit3A_173 : i32
    %ne3A_191 = arith.constant 0 : i32
    %ne3A_192 = arith.cmpi ne, %rem3A_190, %ne3A_191 : i32
    %and3A_193 = arith.andi %ne3A_189, %ne3A_192 : i1
    %sub3A_194 = arith.constant 1 : i32
    %sub3A_195 = arith.subi %div3A_174, %sub3A_194 : i32
    %select_n3A_196 = arith.select %and3A_193, %sub3A_195, %div3A_174 : i32
    %mul3A_197 = arith.constant 128 : i32
    %mul3A_198 = arith.muli %select_n3A_196, %mul3A_197 : i32
    %jit3A_199 = arith.constant 128 : i32
    %eq3A_200 = arith.constant 0 : i32
    %eq3A_201 = arith.cmpi eq, %jit3A_199, %eq3A_200 : i32
    %jit3A_202 = arith.constant 1 : i32
    %select_n3A_203 = arith.select %eq3A_201, %jit3A_202, %jit3A_199 : i32
    %rem3A_204 = arith.remsi %add3A_132, %select_n3A_203 : i32
    %ne3A_205 = arith.constant 0 : i32
    %ne3A_206 = arith.cmpi ne, %rem3A_204, %ne3A_205 : i32
    %lt3A_207 = arith.constant 0 : i32
    %lt3A_208 = arith.cmpi slt, %rem3A_204, %lt3A_207 : i32
    %lt3A_209 = arith.constant 0 : i32
    %lt3A_210 = arith.cmpi slt, %select_n3A_203, %lt3A_209 : i32
    %ne3A_211 = arith.xori %lt3A_208, %lt3A_210 : i1
    %and3A_212 = arith.andi %ne3A_211, %ne3A_206 : i1
    %add3A_213 = arith.addi %rem3A_204, %select_n3A_203 : i32
    %select_n3A_214 = arith.select %and3A_212, %add3A_213, %rem3A_204 : i32
    %add3A_215 = arith.addi %mul3A_198, %select_n3A_214 : i32
    %dma_start3A_216 = arith.constant 0 : i32
    %dma_start3A_217 = tpu.memref_slice %arg5[%select_n3A_172, %add3A_215, %dma_start3A_216] : memref<4x8192x768xf32, #tpu.memory_space<hbm>> -> memref<1x32x768xf32, #tpu.memory_space<hbm>>
    %dma_start3A_218 = tpu.memref_squeeze %dma_start3A_217 : memref<1x32x768xf32, #tpu.memory_space<hbm>> -> memref<32x768xf32, #tpu.memory_space<hbm>>
    %dma_start3A_219 = arith.constant 0 : i32
    %dma_start3A_220 = tpu.memref_slice %arg5[%select_n3A_172, %add3A_215, %dma_start3A_219] : memref<4x8192x768xf32, #tpu.memory_space<hbm>> -> memref<1x32x768xf32, #tpu.memory_space<hbm>>
    %dma_start3A_221 = tpu.memref_squeeze %dma_start3A_220 : memref<1x32x768xf32, #tpu.memory_space<hbm>> -> memref<32x768xf32, #tpu.memory_space<hbm>>
    tpu.enqueue_dma source(%arg10 : memref<32x768xf32, #tpu.memory_space<vmem>>) target(%dma_start3A_221 : memref<32x768xf32, #tpu.memory_space<hbm>>) target_semaphore(%arg18 : memref<!tpu.dma_semaphore, #tpu.memory_space<semaphore_mem>>)
    %dma_wait3A_222 = arith.constant 0 : i32
    %dma_wait3A_223 = tpu.memref_slice %arg5[%select_n3A_71, %add3A_114, %dma_wait3A_222] : memref<4x8192x768xf32, #tpu.memory_space<hbm>> -> memref<1x32x768xf32, #tpu.memory_space<hbm>>
    %dma_wait3A_224 = tpu.memref_squeeze %dma_wait3A_223 : memref<1x32x768xf32, #tpu.memory_space<hbm>> -> memref<32x768xf32, #tpu.memory_space<hbm>>
    %dma_wait3A_225 = arith.constant 0 : i32
    %dma_wait3A_226 = tpu.memref_slice %arg5[%select_n3A_71, %add3A_114, %dma_wait3A_225] : memref<4x8192x768xf32, #tpu.memory_space<hbm>> -> memref<1x32x768xf32, #tpu.memory_space<hbm>>
    %dma_wait3A_227 = tpu.memref_squeeze %dma_wait3A_226 : memref<1x32x768xf32, #tpu.memory_space<hbm>> -> memref<32x768xf32, #tpu.memory_space<hbm>>
    tpu.wait_dma2 semaphore(%arg17 : memref<!tpu.dma_semaphore, #tpu.memory_space<semaphore_mem>>) src(%arg9 : memref<32x768xf32, #tpu.memory_space<vmem>>) dst(%dma_wait3A_227 : memref<32x768xf32, #tpu.memory_space<hbm>>)
    %dma_start3A_228 = arith.constant 128 : i32
    %dma_start3A_229 = tpu.memref_slice %arg8[%dma_start3A_228] : memref<1024xi32, #tpu.memory_space<vmem>> -> memref<32xi32, #tpu.memory_space<vmem>>
    %dma_start3A_230 = arith.constant 0 : i32
    %dma_start3A_231 = arith.constant 0 : i32
    %dma_start3A_232 = tpu.memref_slice %arg2[%dma_start3A_230, %dma_start3A_231] : memref<16384x768xf32, #tpu.memory_space<hbm>> -> memref<16384x768xf32, #tpu.memory_space<hbm>>
    tpu.enqueue_indirect_dma source(%dma_start3A_232 : memref<16384x768xf32, #tpu.memory_space<hbm>>) target(%arg9 : memref<32x768xf32, #tpu.memory_space<vmem>>) offsets(%dma_start3A_229 : memref<32xi32, #tpu.memory_space<vmem>>) semaphore(%arg13 : memref<!tpu.dma_semaphore, #tpu.memory_space<semaphore_mem>>)
    %dma_wait3A_233 = arith.constant 64 : i32
    %dma_wait3A_234 = tpu.memref_slice %arg8[%dma_wait3A_233] : memref<1024xi32, #tpu.memory_space<vmem>> -> memref<32xi32, #tpu.memory_space<vmem>>
    %dma_wait3A_235 = arith.constant 0 : i32
    %dma_wait3A_236 = arith.constant 0 : i32
    %dma_wait3A_237 = tpu.memref_slice %arg2[%dma_wait3A_235, %dma_wait3A_236] : memref<16384x768xf32, #tpu.memory_space<hbm>> -> memref<16384x768xf32, #tpu.memory_space<hbm>>
    tpu.wait_indirect_dma semaphore(%arg15 : memref<!tpu.dma_semaphore, #tpu.memory_space<semaphore_mem>>) src(%dma_wait3A_237 : memref<16384x768xf32, #tpu.memory_space<hbm>>) dst(%arg11 : memref<32x768xf32, #tpu.memory_space<vmem>>)
    %add3A_238 = arith.constant 64 : i32
    %add3A_239 = arith.addi %mul3A_2, %add3A_238 : i32
    %jit3A_240 = arith.constant 128 : i32
    %div3A_241 = arith.divsi %add3A_239, %jit3A_240 : i32
    %sign3A_242 = arith.constant 0 : i32
    %sign3A_243 = arith.cmpi sgt, %add3A_239, %sign3A_242 : i32
    %sign3A_244 = arith.extui %sign3A_243 : i1 to i32
    %sign3A_245 = arith.constant 0 : i32
    %sign3A_246 = arith.cmpi slt, %add3A_239, %sign3A_245 : i32
    %sign3A_247 = arith.extui %sign3A_246 : i1 to i32
    %sign3A_248 = arith.subi %sign3A_244, %sign3A_247 : i32
    %sign3A_249 = arith.constant 0 : i32
    %sign3A_250 = arith.cmpi sgt, %jit3A_240, %sign3A_249 : i32
    %sign3A_251 = arith.extui %sign3A_250 : i1 to i32
    %sign3A_252 = arith.constant 0 : i32
    %sign3A_253 = arith.cmpi slt, %jit3A_240, %sign3A_252 : i32
    %sign3A_254 = arith.extui %sign3A_253 : i1 to i32
    %sign3A_255 = arith.subi %sign3A_251, %sign3A_254 : i32
    %ne3A_256 = arith.cmpi ne, %sign3A_248, %sign3A_255 : i32
    %rem3A_257 = arith.remsi %add3A_239, %jit3A_240 : i32
    %ne3A_258 = arith.constant 0 : i32
    %ne3A_259 = arith.cmpi ne, %rem3A_257, %ne3A_258 : i32
    %and3A_260 = arith.andi %ne3A_256, %ne3A_259 : i1
    %sub3A_261 = arith.constant 1 : i32
    %sub3A_262 = arith.subi %div3A_241, %sub3A_261 : i32
    %select_n3A_263 = arith.select %and3A_260, %sub3A_262, %div3A_241 : i32
    %jit3A_264 = arith.constant 4 : i32
    %eq3A_265 = arith.constant 0 : i32
    %eq3A_266 = arith.cmpi eq, %jit3A_264, %eq3A_265 : i32
    %jit3A_267 = arith.constant 1 : i32
    %select_n3A_268 = arith.select %eq3A_266, %jit3A_267, %jit3A_264 : i32
    %rem3A_269 = arith.remsi %select_n3A_263, %select_n3A_268 : i32
    %ne3A_270 = arith.constant 0 : i32
    %ne3A_271 = arith.cmpi ne, %rem3A_269, %ne3A_270 : i32
    %lt3A_272 = arith.constant 0 : i32
    %lt3A_273 = arith.cmpi slt, %rem3A_269, %lt3A_272 : i32
    %lt3A_274 = arith.constant 0 : i32
    %lt3A_275 = arith.cmpi slt, %select_n3A_268, %lt3A_274 : i32
    %ne3A_276 = arith.xori %lt3A_273, %lt3A_275 : i1
    %and3A_277 = arith.andi %ne3A_276, %ne3A_271 : i1
    %add3A_278 = arith.addi %rem3A_269, %select_n3A_268 : i32
    %select_n3A_279 = arith.select %and3A_277, %add3A_278, %rem3A_269 : i32
    %jit3A_280 = arith.constant 512 : i32
    %div3A_281 = arith.divsi %add3A_239, %jit3A_280 : i32
    %sign3A_282 = arith.constant 0 : i32
    %sign3A_283 = arith.cmpi sgt, %add3A_239, %sign3A_282 : i32
    %sign3A_284 = arith.extui %sign3A_283 : i1 to i32
    %sign3A_285 = arith.constant 0 : i32
    %sign3A_286 = arith.cmpi slt, %add3A_239, %sign3A_285 : i32
    %sign3A_287 = arith.extui %sign3A_286 : i1 to i32
    %sign3A_288 = arith.subi %sign3A_284, %sign3A_287 : i32
    %sign3A_289 = arith.constant 0 : i32
    %sign3A_290 = arith.cmpi sgt, %jit3A_280, %sign3A_289 : i32
    %sign3A_291 = arith.extui %sign3A_290 : i1 to i32
    %sign3A_292 = arith.constant 0 : i32
    %sign3A_293 = arith.cmpi slt, %jit3A_280, %sign3A_292 : i32
    %sign3A_294 = arith.extui %sign3A_293 : i1 to i32
    %sign3A_295 = arith.subi %sign3A_291, %sign3A_294 : i32
    %ne3A_296 = arith.cmpi ne, %sign3A_288, %sign3A_295 : i32
    %rem3A_297 = arith.remsi %add3A_239, %jit3A_280 : i32
    %ne3A_298 = arith.constant 0 : i32
    %ne3A_299 = arith.cmpi ne, %rem3A_297, %ne3A_298 : i32
    %and3A_300 = arith.andi %ne3A_296, %ne3A_299 : i1
    %sub3A_301 = arith.constant 1 : i32
    %sub3A_302 = arith.subi %div3A_281, %sub3A_301 : i32
    %select_n3A_303 = arith.select %and3A_300, %sub3A_302, %div3A_281 : i32
    %mul3A_304 = arith.constant 128 : i32
    %mul3A_305 = arith.muli %select_n3A_303, %mul3A_304 : i32
    %jit3A_306 = arith.constant 128 : i32
    %eq3A_307 = arith.constant 0 : i32
    %eq3A_308 = arith.cmpi eq, %jit3A_306, %eq3A_307 : i32
    %jit3A_309 = arith.constant 1 : i32
    %select_n3A_310 = arith.select %eq3A_308, %jit3A_309, %jit3A_306 : i32
    %rem3A_311 = arith.remsi %add3A_239, %select_n3A_310 : i32
    %ne3A_312 = arith.constant 0 : i32
    %ne3A_313 = arith.cmpi ne, %rem3A_311, %ne3A_312 : i32
    %lt3A_314 = arith.constant 0 : i32
    %lt3A_315 = arith.cmpi slt, %rem3A_311, %lt3A_314 : i32
    %lt3A_316 = arith.constant 0 : i32
    %lt3A_317 = arith.cmpi slt, %select_n3A_310, %lt3A_316 : i32
    %ne3A_318 = arith.xori %lt3A_315, %lt3A_317 : i1
    %and3A_319 = arith.andi %ne3A_318, %ne3A_313 : i1
    %add3A_320 = arith.addi %rem3A_311, %select_n3A_310 : i32
    %select_n3A_321 = arith.select %and3A_319, %add3A_320, %rem3A_311 : i32
    %add3A_322 = arith.addi %mul3A_305, %select_n3A_321 : i32
    %dma_start3A_323 = arith.constant 0 : i32
    %dma_start3A_324 = tpu.memref_slice %arg5[%select_n3A_279, %add3A_322, %dma_start3A_323] : memref<4x8192x768xf32, #tpu.memory_space<hbm>> -> memref<1x32x768xf32, #tpu.memory_space<hbm>>
    %dma_start3A_325 = tpu.memref_squeeze %dma_start3A_324 : memref<1x32x768xf32, #tpu.memory_space<hbm>> -> memref<32x768xf32, #tpu.memory_space<hbm>>
    %dma_start3A_326 = arith.constant 0 : i32
    %dma_start3A_327 = tpu.memref_slice %arg5[%select_n3A_279, %add3A_322, %dma_start3A_326] : memref<4x8192x768xf32, #tpu.memory_space<hbm>> -> memref<1x32x768xf32, #tpu.memory_space<hbm>>
    %dma_start3A_328 = tpu.memref_squeeze %dma_start3A_327 : memref<1x32x768xf32, #tpu.memory_space<hbm>> -> memref<32x768xf32, #tpu.memory_space<hbm>>
    tpu.enqueue_dma source(%arg11 : memref<32x768xf32, #tpu.memory_space<vmem>>) target(%dma_start3A_328 : memref<32x768xf32, #tpu.memory_space<hbm>>) target_semaphore(%arg19 : memref<!tpu.dma_semaphore, #tpu.memory_space<semaphore_mem>>)
    %dma_wait3A_329 = arith.constant 0 : i32
    %dma_wait3A_330 = tpu.memref_slice %arg5[%select_n3A_172, %add3A_215, %dma_wait3A_329] : memref<4x8192x768xf32, #tpu.memory_space<hbm>> -> memref<1x32x768xf32, #tpu.memory_space<hbm>>
    %dma_wait3A_331 = tpu.memref_squeeze %dma_wait3A_330 : memref<1x32x768xf32, #tpu.memory_space<hbm>> -> memref<32x768xf32, #tpu.memory_space<hbm>>
    %dma_wait3A_332 = arith.constant 0 : i32
    %dma_wait3A_333 = tpu.memref_slice %arg5[%select_n3A_172, %add3A_215, %dma_wait3A_332] : memref<4x8192x768xf32, #tpu.memory_space<hbm>> -> memref<1x32x768xf32, #tpu.memory_space<hbm>>
    %dma_wait3A_334 = tpu.memref_squeeze %dma_wait3A_333 : memref<1x32x768xf32, #tpu.memory_space<hbm>> -> memref<32x768xf32, #tpu.memory_space<hbm>>
    tpu.wait_dma2 semaphore(%arg18 : memref<!tpu.dma_semaphore, #tpu.memory_space<semaphore_mem>>) src(%arg10 : memref<32x768xf32, #tpu.memory_space<vmem>>) dst(%dma_wait3A_334 : memref<32x768xf32, #tpu.memory_space<hbm>>)
    %dma_start3A_335 = arith.constant 160 : i32
    %dma_start3A_336 = tpu.memref_slice %arg8[%dma_start3A_335] : memref<1024xi32, #tpu.memory_space<vmem>> -> memref<32xi32, #tpu.memory_space<vmem>>
    %dma_start3A_337 = arith.constant 0 : i32
    %dma_start3A_338 = arith.constant 0 : i32
    %dma_start3A_339 = tpu.memref_slice %arg2[%dma_start3A_337, %dma_start3A_338] : memref<16384x768xf32, #tpu.memory_space<hbm>> -> memref<16384x768xf32, #tpu.memory_space<hbm>>
    tpu.enqueue_indirect_dma source(%dma_start3A_339 : memref<16384x768xf32, #tpu.memory_space<hbm>>) target(%arg10 : memref<32x768xf32, #tpu.memory_space<vmem>>) offsets(%dma_start3A_336 : memref<32xi32, #tpu.memory_space<vmem>>) semaphore(%arg14 : memref<!tpu.dma_semaphore, #tpu.memory_space<semaphore_mem>>)
    %dma_wait3A_340 = arith.constant 96 : i32
    %dma_wait3A_341 = tpu.memref_slice %arg8[%dma_wait3A_340] : memref<1024xi32, #tpu.memory_space<vmem>> -> memref<32xi32, #tpu.memory_space<vmem>>
    %dma_wait3A_342 = arith.constant 0 : i32
    %dma_wait3A_343 = arith.constant 0 : i32
    %dma_wait3A_344 = tpu.memref_slice %arg2[%dma_wait3A_342, %dma_wait3A_343] : memref<16384x768xf32, #tpu.memory_space<hbm>> -> memref<16384x768xf32, #tpu.memory_space<hbm>>
    tpu.wait_indirect_dma semaphore(%arg16 : memref<!tpu.dma_semaphore, #tpu.memory_space<semaphore_mem>>) src(%dma_wait3A_344 : memref<16384x768xf32, #tpu.memory_space<hbm>>) dst(%arg12 : memref<32x768xf32, #tpu.memory_space<vmem>>)
    %add3A_345 = arith.constant 96 : i32
    %add3A_346 = arith.addi %mul3A_2, %add3A_345 : i32
    %jit3A_347 = arith.constant 128 : i32
    %div3A_348 = arith.divsi %add3A_346, %jit3A_347 : i32
    %sign3A_349 = arith.constant 0 : i32
    %sign3A_350 = arith.cmpi sgt, %add3A_346, %sign3A_349 : i32
    %sign3A_351 = arith.extui %sign3A_350 : i1 to i32
    %sign3A_352 = arith.constant 0 : i32
    %sign3A_353 = arith.cmpi slt, %add3A_346, %sign3A_352 : i32
    %sign3A_354 = arith.extui %sign3A_353 : i1 to i32
    %sign3A_355 = arith.subi %sign3A_351, %sign3A_354 : i32
    %sign3A_356 = arith.constant 0 : i32
    %sign3A_357 = arith.cmpi sgt, %jit3A_347, %sign3A_356 : i32
    %sign3A_358 = arith.extui %sign3A_357 : i1 to i32
    %sign3A_359 = arith.constant 0 : i32
    %sign3A_360 = arith.cmpi slt, %jit3A_347, %sign3A_359 : i32
    %sign3A_361 = arith.extui %sign3A_360 : i1 to i32
    %sign3A_362 = arith.subi %sign3A_358, %sign3A_361 : i32
    %ne3A_363 = arith.cmpi ne, %sign3A_355, %sign3A_362 : i32
    %rem3A_364 = arith.remsi %add3A_346, %jit3A_347 : i32
    %ne3A_365 = arith.constant 0 : i32
    %ne3A_366 = arith.cmpi ne, %rem3A_364, %ne3A_365 : i32
    %and3A_367 = arith.andi %ne3A_363, %ne3A_366 : i1
    %sub3A_368 = arith.constant 1 : i32
    %sub3A_369 = arith.subi %div3A_348, %sub3A_368 : i32
    %select_n3A_370 = arith.select %and3A_367, %sub3A_369, %div3A_348 : i32
    %jit3A_371 = arith.constant 4 : i32
    %eq3A_372 = arith.constant 0 : i32
    %eq3A_373 = arith.cmpi eq, %jit3A_371, %eq3A_372 : i32
    %jit3A_374 = arith.constant 1 : i32
    %select_n3A_375 = arith.select %eq3A_373, %jit3A_374, %jit3A_371 : i32
    %rem3A_376 = arith.remsi %select_n3A_370, %select_n3A_375 : i32
    %ne3A_377 = arith.constant 0 : i32
    %ne3A_378 = arith.cmpi ne, %rem3A_376, %ne3A_377 : i32
    %lt3A_379 = arith.constant 0 : i32
    %lt3A_380 = arith.cmpi slt, %rem3A_376, %lt3A_379 : i32
    %lt3A_381 = arith.constant 0 : i32
    %lt3A_382 = arith.cmpi slt, %select_n3A_375, %lt3A_381 : i32
    %ne3A_383 = arith.xori %lt3A_380, %lt3A_382 : i1
    %and3A_384 = arith.andi %ne3A_383, %ne3A_378 : i1
    %add3A_385 = arith.addi %rem3A_376, %select_n3A_375 : i32
    %select_n3A_386 = arith.select %and3A_384, %add3A_385, %rem3A_376 : i32
    %jit3A_387 = arith.constant 512 : i32
    %div3A_388 = arith.divsi %add3A_346, %jit3A_387 : i32
    %sign3A_389 = arith.constant 0 : i32
    %sign3A_390 = arith.cmpi sgt, %add3A_346, %sign3A_389 : i32
    %sign3A_391 = arith.extui %sign3A_390 : i1 to i32
    %sign3A_392 = arith.constant 0 : i32
    %sign3A_393 = arith.cmpi slt, %add3A_346, %sign3A_392 : i32
    %sign3A_394 = arith.extui %sign3A_393 : i1 to i32
    %sign3A_395 = arith.subi %sign3A_391, %sign3A_394 : i32
    %sign3A_396 = arith.constant 0 : i32
    %sign3A_397 = arith.cmpi sgt, %jit3A_387, %sign3A_396 : i32
    %sign3A_398 = arith.extui %sign3A_397 : i1 to i32
    %sign3A_399 = arith.constant 0 : i32
    %sign3A_400 = arith.cmpi slt, %jit3A_387, %sign3A_399 : i32
    %sign3A_401 = arith.extui %sign3A_400 : i1 to i32
    %sign3A_402 = arith.subi %sign3A_398, %sign3A_401 : i32
    %ne3A_403 = arith.cmpi ne, %sign3A_395, %sign3A_402 : i32
    %rem3A_404 = arith.remsi %add3A_346, %jit3A_387 : i32
    %ne3A_405 = arith.constant 0 : i32
    %ne3A_406 = arith.cmpi ne, %rem3A_404, %ne3A_405 : i32
    %and3A_407 = arith.andi %ne3A_403, %ne3A_406 : i1
    %sub3A_408 = arith.constant 1 : i32
    %sub3A_409 = arith.subi %div3A_388, %sub3A_408 : i32
    %select_n3A_410 = arith.select %and3A_407, %sub3A_409, %div3A_388 : i32
    %mul3A_411 = arith.constant 128 : i32
    %mul3A_412 = arith.muli %select_n3A_410, %mul3A_411 : i32
    %jit3A_413 = arith.constant 128 : i32
    %eq3A_414 = arith.constant 0 : i32
    %eq3A_415 = arith.cmpi eq, %jit3A_413, %eq3A_414 : i32
    %jit3A_416 = arith.constant 1 : i32
    %select_n3A_417 = arith.select %eq3A_415, %jit3A_416, %jit3A_413 : i32
    %rem3A_418 = arith.remsi %add3A_346, %select_n3A_417 : i32
    %ne3A_419 = arith.constant 0 : i32
    %ne3A_420 = arith.cmpi ne, %rem3A_418, %ne3A_419 : i32
    %lt3A_421 = arith.constant 0 : i32
    %lt3A_422 = arith.cmpi slt, %rem3A_418, %lt3A_421 : i32
    %lt3A_423 = arith.constant 0 : i32
    %lt3A_424 = arith.cmpi slt, %select_n3A_417, %lt3A_423 : i32
    %ne3A_425 = arith.xori %lt3A_422, %lt3A_424 : i1
    %and3A_426 = arith.andi %ne3A_425, %ne3A_420 : i1
    %add3A_427 = arith.addi %rem3A_418, %select_n3A_417 : i32
    %select_n3A_428 = arith.select %and3A_426, %add3A_427, %rem3A_418 : i32
    %add3A_429 = arith.addi %mul3A_412, %select_n3A_428 : i32
    %dma_start3A_430 = arith.constant 0 : i32
    %dma_start3A_431 = tpu.memref_slice %arg5[%select_n3A_386, %add3A_429, %dma_start3A_430] : memref<4x8192x768xf32, #tpu.memory_space<hbm>> -> memref<1x32x768xf32, #tpu.memory_space<hbm>>
    %dma_start3A_432 = tpu.memref_squeeze %dma_start3A_431 : memref<1x32x768xf32, #tpu.memory_space<hbm>> -> memref<32x768xf32, #tpu.memory_space<hbm>>
    %dma_start3A_433 = arith.constant 0 : i32
    %dma_start3A_434 = tpu.memref_slice %arg5[%select_n3A_386, %add3A_429, %dma_start3A_433] : memref<4x8192x768xf32, #tpu.memory_space<hbm>> -> memref<1x32x768xf32, #tpu.memory_space<hbm>>
    %dma_start3A_435 = tpu.memref_squeeze %dma_start3A_434 : memref<1x32x768xf32, #tpu.memory_space<hbm>> -> memref<32x768xf32, #tpu.memory_space<hbm>>
    tpu.enqueue_dma source(%arg12 : memref<32x768xf32, #tpu.memory_space<vmem>>) target(%dma_start3A_435 : memref<32x768xf32, #tpu.memory_space<hbm>>) target_semaphore(%arg20 : memref<!tpu.dma_semaphore, #tpu.memory_space<semaphore_mem>>)
    %dma_wait3A_436 = arith.constant 0 : i32
    %dma_wait3A_437 = tpu.memref_slice %arg5[%select_n3A_279, %add3A_322, %dma_wait3A_436] : memref<4x8192x768xf32, #tpu.memory_space<hbm>> -> memref<1x32x768xf32, #tpu.memory_space<hbm>>
    %dma_wait3A_438 = tpu.memref_squeeze %dma_wait3A_437 : memref<1x32x768xf32, #tpu.memory_space<hbm>> -> memref<32x768xf32, #tpu.memory_space<hbm>>
    %dma_wait3A_439 = arith.constant 0 : i32
    %dma_wait3A_440 = tpu.memref_slice %arg5[%select_n3A_279, %add3A_322, %dma_wait3A_439] : memref<4x8192x768xf32, #tpu.memory_space<hbm>> -> memref<1x32x768xf32, #tpu.memory_space<hbm>>
    %dma_wait3A_441 = tpu.memref_squeeze %dma_wait3A_440 : memref<1x32x768xf32, #tpu.memory_space<hbm>> -> memref<32x768xf32, #tpu.memory_space<hbm>>
    tpu.wait_dma2 semaphore(%arg19 : memref<!tpu.dma_semaphore, #tpu.memory_space<semaphore_mem>>) src(%arg11 : memref<32x768xf32, #tpu.memory_space<vmem>>) dst(%dma_wait3A_441 : memref<32x768xf32, #tpu.memory_space<hbm>>)
    %dma_start3A_442 = arith.constant 192 : i32
    %dma_start3A_443 = tpu.memref_slice %arg8[%dma_start3A_442] : memref<1024xi32, #tpu.memory_space<vmem>> -> memref<32xi32, #tpu.memory_space<vmem>>
    %dma_start3A_444 = arith.constant 0 : i32
    %dma_start3A_445 = arith.constant 0 : i32
    %dma_start3A_446 = tpu.memref_slice %arg2[%dma_start3A_444, %dma_start3A_445] : memref<16384x768xf32, #tpu.memory_space<hbm>> -> memref<16384x768xf32, #tpu.memory_space<hbm>>
    tpu.enqueue_indirect_dma source(%dma_start3A_446 : memref<16384x768xf32, #tpu.memory_space<hbm>>) target(%arg11 : memref<32x768xf32, #tpu.memory_space<vmem>>) offsets(%dma_start3A_443 : memref<32xi32, #tpu.memory_space<vmem>>) semaphore(%arg15 : memref<!tpu.dma_semaphore, #tpu.memory_space<semaphore_mem>>)
    %dma_wait3A_447 = arith.constant 128 : i32
    %dma_wait3A_448 = tpu.memref_slice %arg8[%dma_wait3A_447] : memref<1024xi32, #tpu.memory_space<vmem>> -> memref<32xi32, #tpu.memory_space<vmem>>
    %dma_wait3A_449 = arith.constant 0 : i32
    %dma_wait3A_450 = arith.constant 0 : i32
    %dma_wait3A_451 = tpu.memref_slice %arg2[%dma_wait3A_449, %dma_wait3A_450] : memref<16384x768xf32, #tpu.memory_space<hbm>> -> memref<16384x768xf32, #tpu.memory_space<hbm>>
    tpu.wait_indirect_dma semaphore(%arg13 : memref<!tpu.dma_semaphore, #tpu.memory_space<semaphore_mem>>) src(%dma_wait3A_451 : memref<16384x768xf32, #tpu.memory_space<hbm>>) dst(%arg9 : memref<32x768xf32, #tpu.memory_space<vmem>>)
    %add3A_452 = arith.constant 128 : i32
    %add3A_453 = arith.addi %mul3A_2, %add3A_452 : i32
    %jit3A_454 = arith.constant 128 : i32
    %div3A_455 = arith.divsi %add3A_453, %jit3A_454 : i32
    %sign3A_456 = arith.constant 0 : i32
    %sign3A_457 = arith.cmpi sgt, %add3A_453, %sign3A_456 : i32
    %sign3A_458 = arith.extui %sign3A_457 : i1 to i32
    %sign3A_459 = arith.constant 0 : i32
    %sign3A_460 = arith.cmpi slt, %add3A_453, %sign3A_459 : i32
    %sign3A_461 = arith.extui %sign3A_460 : i1 to i32
    %sign3A_462 = arith.subi %sign3A_458, %sign3A_461 : i32
    %sign3A_463 = arith.constant 0 : i32
    %sign3A_464 = arith.cmpi sgt, %jit3A_454, %sign3A_463 : i32
    %sign3A_465 = arith.extui %sign3A_464 : i1 to i32
    %sign3A_466 = arith.constant 0 : i32
    %sign3A_467 = arith.cmpi slt, %jit3A_454, %sign3A_466 : i32
    %sign3A_468 = arith.extui %sign3A_467 : i1 to i32
    %sign3A_469 = arith.subi %sign3A_465, %sign3A_468 : i32
    %ne3A_470 = arith.cmpi ne, %sign3A_462, %sign3A_469 : i32
    %rem3A_471 = arith.remsi %add3A_453, %jit3A_454 : i32
    %ne3A_472 = arith.constant 0 : i32
    %ne3A_473 = arith.cmpi ne, %rem3A_471, %ne3A_472 : i32
    %and3A_474 = arith.andi %ne3A_470, %ne3A_473 : i1
    %sub3A_475 = arith.constant 1 : i32
    %sub3A_476 = arith.subi %div3A_455, %sub3A_475 : i32
    %select_n3A_477 = arith.select %and3A_474, %sub3A_476, %div3A_455 : i32
    %jit3A_478 = arith.constant 4 : i32
    %eq3A_479 = arith.constant 0 : i32
    %eq3A_480 = arith.cmpi eq, %jit3A_478, %eq3A_479 : i32
    %jit3A_481 = arith.constant 1 : i32
    %select_n3A_482 = arith.select %eq3A_480, %jit3A_481, %jit3A_478 : i32
    %rem3A_483 = arith.remsi %select_n3A_477, %select_n3A_482 : i32
    %ne3A_484 = arith.constant 0 : i32
    %ne3A_485 = arith.cmpi ne, %rem3A_483, %ne3A_484 : i32
    %lt3A_486 = arith.constant 0 : i32
    %lt3A_487 = arith.cmpi slt, %rem3A_483, %lt3A_486 : i32
    %lt3A_488 = arith.constant 0 : i32
    %lt3A_489 = arith.cmpi slt, %select_n3A_482, %lt3A_488 : i32
    %ne3A_490 = arith.xori %lt3A_487, %lt3A_489 : i1
    %and3A_491 = arith.andi %ne3A_490, %ne3A_485 : i1
    %add3A_492 = arith.addi %rem3A_483, %select_n3A_482 : i32
    %select_n3A_493 = arith.select %and3A_491, %add3A_492, %rem3A_483 : i32
    %jit3A_494 = arith.constant 512 : i32
    %div3A_495 = arith.divsi %add3A_453, %jit3A_494 : i32
    %sign3A_496 = arith.constant 0 : i32
    %sign3A_497 = arith.cmpi sgt, %add3A_453, %sign3A_496 : i32
    %sign3A_498 = arith.extui %sign3A_497 : i1 to i32
    %sign3A_499 = arith.constant 0 : i32
    %sign3A_500 = arith.cmpi slt, %add3A_453, %sign3A_499 : i32
    %sign3A_501 = arith.extui %sign3A_500 : i1 to i32
    %sign3A_502 = arith.subi %sign3A_498, %sign3A_501 : i32
    %sign3A_503 = arith.constant 0 : i32
    %sign3A_504 = arith.cmpi sgt, %jit3A_494, %sign3A_503 : i32
    %sign3A_505 = arith.extui %sign3A_504 : i1 to i32
    %sign3A_506 = arith.constant 0 : i32
    %sign3A_507 = arith.cmpi slt, %jit3A_494, %sign3A_506 : i32
    %sign3A_508 = arith.extui %sign3A_507 : i1 to i32
    %sign3A_509 = arith.subi %sign3A_505, %sign3A_508 : i32
    %ne3A_510 = arith.cmpi ne, %sign3A_502, %sign3A_509 : i32
    %rem3A_511 = arith.remsi %add3A_453, %jit3A_494 : i32
    %ne3A_512 = arith.constant 0 : i32
    %ne3A_513 = arith.cmpi ne, %rem3A_511, %ne3A_512 : i32
    %and3A_514 = arith.andi %ne3A_510, %ne3A_513 : i1
    %sub3A_515 = arith.constant 1 : i32
    %sub3A_516 = arith.subi %div3A_495, %sub3A_515 : i32
    %select_n3A_517 = arith.select %and3A_514, %sub3A_516, %div3A_495 : i32
    %mul3A_518 = arith.constant 128 : i32
    %mul3A_519 = arith.muli %select_n3A_517, %mul3A_518 : i32
    %jit3A_520 = arith.constant 128 : i32
    %eq3A_521 = arith.constant 0 : i32
    %eq3A_522 = arith.cmpi eq, %jit3A_520, %eq3A_521 : i32
    %jit3A_523 = arith.constant 1 : i32
    %select_n3A_524 = arith.select %eq3A_522, %jit3A_523, %jit3A_520 : i32
    %rem3A_525 = arith.remsi %add3A_453, %select_n3A_524 : i32
    %ne3A_526 = arith.constant 0 : i32
    %ne3A_527 = arith.cmpi ne, %rem3A_525, %ne3A_526 : i32
    %lt3A_528 = arith.constant 0 : i32
    %lt3A_529 = arith.cmpi slt, %rem3A_525, %lt3A_528 : i32
    %lt3A_530 = arith.constant 0 : i32
    %lt3A_531 = arith.cmpi slt, %select_n3A_524, %lt3A_530 : i32
    %ne3A_532 = arith.xori %lt3A_529, %lt3A_531 : i1
    %and3A_533 = arith.andi %ne3A_532, %ne3A_527 : i1
    %add3A_534 = arith.addi %rem3A_525, %select_n3A_524 : i32
    %select_n3A_535 = arith.select %and3A_533, %add3A_534, %rem3A_525 : i32
    %add3A_536 = arith.addi %mul3A_519, %select_n3A_535 : i32
    %dma_start3A_537 = arith.constant 0 : i32
    %dma_start3A_538 = tpu.memref_slice %arg5[%select_n3A_493, %add3A_536, %dma_start3A_537] : memref<4x8192x768xf32, #tpu.memory_space<hbm>> -> memref<1x32x768xf32, #tpu.memory_space<hbm>>
    %dma_start3A_539 = tpu.memref_squeeze %dma_start3A_538 : memref<1x32x768xf32, #tpu.memory_space<hbm>> -> memref<32x768xf32, #tpu.memory_space<hbm>>
    %dma_start3A_540 = arith.constant 0 : i32
    %dma_start3A_541 = tpu.memref_slice %arg5[%select_n3A_493, %add3A_536, %dma_start3A_540] : memref<4x8192x768xf32, #tpu.memory_space<hbm>> -> memref<1x32x768xf32, #tpu.memory_space<hbm>>
    %dma_start3A_542 = tpu.memref_squeeze %dma_start3A_541 : memref<1x32x768xf32, #tpu.memory_space<hbm>> -> memref<32x768xf32, #tpu.memory_space<hbm>>
    tpu.enqueue_dma source(%arg9 : memref<32x768xf32, #tpu.memory_space<vmem>>) target(%dma_start3A_542 : memref<32x768xf32, #tpu.memory_space<hbm>>) target_semaphore(%arg17 : memref<!tpu.dma_semaphore, #tpu.memory_space<semaphore_mem>>)
    %dma_wait3A_543 = arith.constant 0 : i32
    %dma_wait3A_544 = tpu.memref_slice %arg5[%select_n3A_386, %add3A_429, %dma_wait3A_543] : memref<4x8192x768xf32, #tpu.memory_space<hbm>> -> memref<1x32x768xf32, #tpu.memory_space<hbm>>
    %dma_wait3A_545 = tpu.memref_squeeze %dma_wait3A_544 : memref<1x32x768xf32, #tpu.memory_space<hbm>> -> memref<32x768xf32, #tpu.memory_space<hbm>>
    %dma_wait3A_546 = arith.constant 0 : i32
    %dma_wait3A_547 = tpu.memref_slice %arg5[%select_n3A_386, %add3A_429, %dma_wait3A_546] : memref<4x8192x768xf32, #tpu.memory_space<hbm>> -> memref<1x32x768xf32, #tpu.memory_space<hbm>>
    %dma_wait3A_548 = tpu.memref_squeeze %dma_wait3A_547 : memref<1x32x768xf32, #tpu.memory_space<hbm>> -> memref<32x768xf32, #tpu.memory_space<hbm>>
    tpu.wait_dma2 semaphore(%arg20 : memref<!tpu.dma_semaphore, #tpu.memory_space<semaphore_mem>>) src(%arg12 : memref<32x768xf32, #tpu.memory_space<vmem>>) dst(%dma_wait3A_548 : memref<32x768xf32, #tpu.memory_space<hbm>>)
    %dma_start3A_549 = arith.constant 224 : i32
    %dma_start3A_550 = tpu.memref_slice %arg8[%dma_start3A_549] : memref<1024xi32, #tpu.memory_space<vmem>> -> memref<32xi32, #tpu.memory_space<vmem>>
    %dma_start3A_551 = arith.constant 0 : i32
    %dma_start3A_552 = arith.constant 0 : i32
    %dma_start3A_553 = tpu.memref_slice %arg2[%dma_start3A_551, %dma_start3A_552] : memref<16384x768xf32, #tpu.memory_space<hbm>> -> memref<16384x768xf32, #tpu.memory_space<hbm>>
    tpu.enqueue_indirect_dma source(%dma_start3A_553 : memref<16384x768xf32, #tpu.memory_space<hbm>>) target(%arg12 : memref<32x768xf32, #tpu.memory_space<vmem>>) offsets(%dma_start3A_550 : memref<32xi32, #tpu.memory_space<vmem>>) semaphore(%arg16 : memref<!tpu.dma_semaphore, #tpu.memory_space<semaphore_mem>>)
    %dma_wait3A_554 = arith.constant 160 : i32
    %dma_wait3A_555 = tpu.memref_slice %arg8[%dma_wait3A_554] : memref<1024xi32, #tpu.memory_space<vmem>> -> memref<32xi32, #tpu.memory_space<vmem>>
    %dma_wait3A_556 = arith.constant 0 : i32
    %dma_wait3A_557 = arith.constant 0 : i32
    %dma_wait3A_558 = tpu.memref_slice %arg2[%dma_wait3A_556, %dma_wait3A_557] : memref<16384x768xf32, #tpu.memory_space<hbm>> -> memref<16384x768xf32, #tpu.memory_space<hbm>>
    tpu.wait_indirect_dma semaphore(%arg14 : memref<!tpu.dma_semaphore, #tpu.memory_space<semaphore_mem>>) src(%dma_wait3A_558 : memref<16384x768xf32, #tpu.memory_space<hbm>>) dst(%arg10 : memref<32x768xf32, #tpu.memory_space<vmem>>)
    %add3A_559 = arith.constant 160 : i32
    %add3A_560 = arith.addi %mul3A_2, %add3A_559 : i32
    %jit3A_561 = arith.constant 128 : i32
    %div3A_562 = arith.divsi %add3A_560, %jit3A_561 : i32
    %sign3A_563 = arith.constant 0 : i32
    %sign3A_564 = arith.cmpi sgt, %add3A_560, %sign3A_563 : i32
    %sign3A_565 = arith.extui %sign3A_564 : i1 to i32
    %sign3A_566 = arith.constant 0 : i32
    %sign3A_567 = arith.cmpi slt, %add3A_560, %sign3A_566 : i32
    %sign3A_568 = arith.extui %sign3A_567 : i1 to i32
    %sign3A_569 = arith.subi %sign3A_565, %sign3A_568 : i32
    %sign3A_570 = arith.constant 0 : i32
    %sign3A_571 = arith.cmpi sgt, %jit3A_561, %sign3A_570 : i32
    %sign3A_572 = arith.extui %sign3A_571 : i1 to i32
    %sign3A_573 = arith.constant 0 : i32
    %sign3A_574 = arith.cmpi slt, %jit3A_561, %sign3A_573 : i32
    %sign3A_575 = arith.extui %sign3A_574 : i1 to i32
    %sign3A_576 = arith.subi %sign3A_572, %sign3A_575 : i32
    %ne3A_577 = arith.cmpi ne, %sign3A_569, %sign3A_576 : i32
    %rem3A_578 = arith.remsi %add3A_560, %jit3A_561 : i32
    %ne3A_579 = arith.constant 0 : i32
    %ne3A_580 = arith.cmpi ne, %rem3A_578, %ne3A_579 : i32
    %and3A_581 = arith.andi %ne3A_577, %ne3A_580 : i1
    %sub3A_582 = arith.constant 1 : i32
    %sub3A_583 = arith.subi %div3A_562, %sub3A_582 : i32
    %select_n3A_584 = arith.select %and3A_581, %sub3A_583, %div3A_562 : i32
    %jit3A_585 = arith.constant 4 : i32
    %eq3A_586 = arith.constant 0 : i32
    %eq3A_587 = arith.cmpi eq, %jit3A_585, %eq3A_586 : i32
    %jit3A_588 = arith.constant 1 : i32
    %select_n3A_589 = arith.select %eq3A_587, %jit3A_588, %jit3A_585 : i32
    %rem3A_590 = arith.remsi %select_n3A_584, %select_n3A_589 : i32
    %ne3A_591 = arith.constant 0 : i32
    %ne3A_592 = arith.cmpi ne, %rem3A_590, %ne3A_591 : i32
    %lt3A_593 = arith.constant 0 : i32
    %lt3A_594 = arith.cmpi slt, %rem3A_590, %lt3A_593 : i32
    %lt3A_595 = arith.constant 0 : i32
    %lt3A_596 = arith.cmpi slt, %select_n3A_589, %lt3A_595 : i32
    %ne3A_597 = arith.xori %lt3A_594, %lt3A_596 : i1
    %and3A_598 = arith.andi %ne3A_597, %ne3A_592 : i1
    %add3A_599 = arith.addi %rem3A_590, %select_n3A_589 : i32
    %select_n3A_600 = arith.select %and3A_598, %add3A_599, %rem3A_590 : i32
    %jit3A_601 = arith.constant 512 : i32
    %div3A_602 = arith.divsi %add3A_560, %jit3A_601 : i32
    %sign3A_603 = arith.constant 0 : i32
    %sign3A_604 = arith.cmpi sgt, %add3A_560, %sign3A_603 : i32
    %sign3A_605 = arith.extui %sign3A_604 : i1 to i32
    %sign3A_606 = arith.constant 0 : i32
    %sign3A_607 = arith.cmpi slt, %add3A_560, %sign3A_606 : i32
    %sign3A_608 = arith.extui %sign3A_607 : i1 to i32
    %sign3A_609 = arith.subi %sign3A_605, %sign3A_608 : i32
    %sign3A_610 = arith.constant 0 : i32
    %sign3A_611 = arith.cmpi sgt, %jit3A_601, %sign3A_610 : i32
    %sign3A_612 = arith.extui %sign3A_611 : i1 to i32
    %sign3A_613 = arith.constant 0 : i32
    %sign3A_614 = arith.cmpi slt, %jit3A_601, %sign3A_613 : i32
    %sign3A_615 = arith.extui %sign3A_614 : i1 to i32
    %sign3A_616 = arith.subi %sign3A_612, %sign3A_615 : i32
    %ne3A_617 = arith.cmpi ne, %sign3A_609, %sign3A_616 : i32
    %rem3A_618 = arith.remsi %add3A_560, %jit3A_601 : i32
    %ne3A_619 = arith.constant 0 : i32
    %ne3A_620 = arith.cmpi ne, %rem3A_618, %ne3A_619 : i32
    %and3A_621 = arith.andi %ne3A_617, %ne3A_620 : i1
    %sub3A_622 = arith.constant 1 : i32
    %sub3A_623 = arith.subi %div3A_602, %sub3A_622 : i32
    %select_n3A_624 = arith.select %and3A_621, %sub3A_623, %div3A_602 : i32
    %mul3A_625 = arith.constant 128 : i32
    %mul3A_626 = arith.muli %select_n3A_624, %mul3A_625 : i32
    %jit3A_627 = arith.constant 128 : i32
    %eq3A_628 = arith.constant 0 : i32
    %eq3A_629 = arith.cmpi eq, %jit3A_627, %eq3A_628 : i32
    %jit3A_630 = arith.constant 1 : i32
    %select_n3A_631 = arith.select %eq3A_629, %jit3A_630, %jit3A_627 : i32
    %rem3A_632 = arith.remsi %add3A_560, %select_n3A_631 : i32
    %ne3A_633 = arith.constant 0 : i32
    %ne3A_634 = arith.cmpi ne, %rem3A_632, %ne3A_633 : i32
    %lt3A_635 = arith.constant 0 : i32
    %lt3A_636 = arith.cmpi slt, %rem3A_632, %lt3A_635 : i32
    %lt3A_637 = arith.constant 0 : i32
    %lt3A_638 = arith.cmpi slt, %select_n3A_631, %lt3A_637 : i32
    %ne3A_639 = arith.xori %lt3A_636, %lt3A_638 : i1
    %and3A_640 = arith.andi %ne3A_639, %ne3A_634 : i1
    %add3A_641 = arith.addi %rem3A_632, %select_n3A_631 : i32
    %select_n3A_642 = arith.select %and3A_640, %add3A_641, %rem3A_632 : i32
    %add3A_643 = arith.addi %mul3A_626, %select_n3A_642 : i32
    %dma_start3A_644 = arith.constant 0 : i32
    %dma_start3A_645 = tpu.memref_slice %arg5[%select_n3A_600, %add3A_643, %dma_start3A_644] : memref<4x8192x768xf32, #tpu.memory_space<hbm>> -> memref<1x32x768xf32, #tpu.memory_space<hbm>>
    %dma_start3A_646 = tpu.memref_squeeze %dma_start3A_645 : memref<1x32x768xf32, #tpu.memory_space<hbm>> -> memref<32x768xf32, #tpu.memory_space<hbm>>
    %dma_start3A_647 = arith.constant 0 : i32
    %dma_start3A_648 = tpu.memref_slice %arg5[%select_n3A_600, %add3A_643, %dma_start3A_647] : memref<4x8192x768xf32, #tpu.memory_space<hbm>> -> memref<1x32x768xf32, #tpu.memory_space<hbm>>
    %dma_start3A_649 = tpu.memref_squeeze %dma_start3A_648 : memref<1x32x768xf32, #tpu.memory_space<hbm>> -> memref<32x768xf32, #tpu.memory_space<hbm>>
    tpu.enqueue_dma source(%arg10 : memref<32x768xf32, #tpu.memory_space<vmem>>) target(%dma_start3A_649 : memref<32x768xf32, #tpu.memory_space<hbm>>) target_semaphore(%arg18 : memref<!tpu.dma_semaphore, #tpu.memory_space<semaphore_mem>>)
    %dma_wait3A_650 = arith.constant 0 : i32
    %dma_wait3A_651 = tpu.memref_slice %arg5[%select_n3A_493, %add3A_536, %dma_wait3A_650] : memref<4x8192x768xf32, #tpu.memory_space<hbm>> -> memref<1x32x768xf32, #tpu.memory_space<hbm>>
    %dma_wait3A_652 = tpu.memref_squeeze %dma_wait3A_651 : memref<1x32x768xf32, #tpu.memory_space<hbm>> -> memref<32x768xf32, #tpu.memory_space<hbm>>
    %dma_wait3A_653 = arith.constant 0 : i32
    %dma_wait3A_654 = tpu.memref_slice %arg5[%select_n3A_493, %add3A_536, %dma_wait3A_653] : memref<4x8192x768xf32, #tpu.memory_space<hbm>> -> memref<1x32x768xf32, #tpu.memory_space<hbm>>
    %dma_wait3A_655 = tpu.memref_squeeze %dma_wait3A_654 : memref<1x32x768xf32, #tpu.memory_space<hbm>> -> memref<32x768xf32, #tpu.memory_space<hbm>>
    tpu.wait_dma2 semaphore(%arg17 : memref<!tpu.dma_semaphore, #tpu.memory_space<semaphore_mem>>) src(%arg9 : memref<32x768xf32, #tpu.memory_space<vmem>>) dst(%dma_wait3A_655 : memref<32x768xf32, #tpu.memory_space<hbm>>)
    %dma_start3A_656 = arith.constant 256 : i32
    %dma_start3A_657 = tpu.memref_slice %arg8[%dma_start3A_656] : memref<1024xi32, #tpu.memory_space<vmem>> -> memref<32xi32, #tpu.memory_space<vmem>>
    %dma_start3A_658 = arith.constant 0 : i32
    %dma_start3A_659 = arith.constant 0 : i32
    %dma_start3A_660 = tpu.memref_slice %arg2[%dma_start3A_658, %dma_start3A_659] : memref<16384x768xf32, #tpu.memory_space<hbm>> -> memref<16384x768xf32, #tpu.memory_space<hbm>>
    tpu.enqueue_indirect_dma source(%dma_start3A_660 : memref<16384x768xf32, #tpu.memory_space<hbm>>) target(%arg9 : memref<32x768xf32, #tpu.memory_space<vmem>>) offsets(%dma_start3A_657 : memref<32xi32, #tpu.memory_space<vmem>>) semaphore(%arg13 : memref<!tpu.dma_semaphore, #tpu.memory_space<semaphore_mem>>)
    %dma_wait3A_661 = arith.constant 192 : i32
    %dma_wait3A_662 = tpu.memref_slice %arg8[%dma_wait3A_661] : memref<1024xi32, #tpu.memory_space<vmem>> -> memref<32xi32, #tpu.memory_space<vmem>>
    %dma_wait3A_663 = arith.constant 0 : i32
    %dma_wait3A_664 = arith.constant 0 : i32
    %dma_wait3A_665 = tpu.memref_slice %arg2[%dma_wait3A_663, %dma_wait3A_664] : memref<16384x768xf32, #tpu.memory_space<hbm>> -> memref<16384x768xf32, #tpu.memory_space<hbm>>
    tpu.wait_indirect_dma semaphore(%arg15 : memref<!tpu.dma_semaphore, #tpu.memory_space<semaphore_mem>>) src(%dma_wait3A_665 : memref<16384x768xf32, #tpu.memory_space<hbm>>) dst(%arg11 : memref<32x768xf32, #tpu.memory_space<vmem>>)
    %add3A_666 = arith.constant 192 : i32
    %add3A_667 = arith.addi %mul3A_2, %add3A_666 : i32
    %jit3A_668 = arith.constant 128 : i32
    %div3A_669 = arith.divsi %add3A_667, %jit3A_668 : i32
    %sign3A_670 = arith.constant 0 : i32
    %sign3A_671 = arith.cmpi sgt, %add3A_667, %sign3A_670 : i32
    %sign3A_672 = arith.extui %sign3A_671 : i1 to i32
    %sign3A_673 = arith.constant 0 : i32
    %sign3A_674 = arith.cmpi slt, %add3A_667, %sign3A_673 : i32
    %sign3A_675 = arith.extui %sign3A_674 : i1 to i32
    %sign3A_676 = arith.subi %sign3A_672, %sign3A_675 : i32
    %sign3A_677 = arith.constant 0 : i32
    %sign3A_678 = arith.cmpi sgt, %jit3A_668, %sign3A_677 : i32
    %sign3A_679 = arith.extui %sign3A_678 : i1 to i32
    %sign3A_680 = arith.constant 0 : i32
    %sign3A_681 = arith.cmpi slt, %jit3A_668, %sign3A_680 : i32
    %sign3A_682 = arith.extui %sign3A_681 : i1 to i32
    %sign3A_683 = arith.subi %sign3A_679, %sign3A_682 : i32
    %ne3A_684 = arith.cmpi ne, %sign3A_676, %sign3A_683 : i32
    %rem3A_685 = arith.remsi %add3A_667, %jit3A_668 : i32
    %ne3A_686 = arith.constant 0 : i32
    %ne3A_687 = arith.cmpi ne, %rem3A_685, %ne3A_686 : i32
    %and3A_688 = arith.andi %ne3A_684, %ne3A_687 : i1
    %sub3A_689 = arith.constant 1 : i32
    %sub3A_690 = arith.subi %div3A_669, %sub3A_689 : i32
    %select_n3A_691 = arith.select %and3A_688, %sub3A_690, %div3A_669 : i32
    %jit3A_692 = arith.constant 4 : i32
    %eq3A_693 = arith.constant 0 : i32
    %eq3A_694 = arith.cmpi eq, %jit3A_692, %eq3A_693 : i32
    %jit3A_695 = arith.constant 1 : i32
    %select_n3A_696 = arith.select %eq3A_694, %jit3A_695, %jit3A_692 : i32
    %rem3A_697 = arith.remsi %select_n3A_691, %select_n3A_696 : i32
    %ne3A_698 = arith.constant 0 : i32
    %ne3A_699 = arith.cmpi ne, %rem3A_697, %ne3A_698 : i32
    %lt3A_700 = arith.constant 0 : i32
    %lt3A_701 = arith.cmpi slt, %rem3A_697, %lt3A_700 : i32
    %lt3A_702 = arith.constant 0 : i32
    %lt3A_703 = arith.cmpi slt, %select_n3A_696, %lt3A_702 : i32
    %ne3A_704 = arith.xori %lt3A_701, %lt3A_703 : i1
    %and3A_705 = arith.andi %ne3A_704, %ne3A_699 : i1
    %add3A_706 = arith.addi %rem3A_697, %select_n3A_696 : i32
    %select_n3A_707 = arith.select %and3A_705, %add3A_706, %rem3A_697 : i32
    %jit3A_708 = arith.constant 512 : i32
    %div3A_709 = arith.divsi %add3A_667, %jit3A_708 : i32
    %sign3A_710 = arith.constant 0 : i32
    %sign3A_711 = arith.cmpi sgt, %add3A_667, %sign3A_710 : i32
    %sign3A_712 = arith.extui %sign3A_711 : i1 to i32
    %sign3A_713 = arith.constant 0 : i32
    %sign3A_714 = arith.cmpi slt, %add3A_667, %sign3A_713 : i32
    %sign3A_715 = arith.extui %sign3A_714 : i1 to i32
    %sign3A_716 = arith.subi %sign3A_712, %sign3A_715 : i32
    %sign3A_717 = arith.constant 0 : i32
    %sign3A_718 = arith.cmpi sgt, %jit3A_708, %sign3A_717 : i32
    %sign3A_719 = arith.extui %sign3A_718 : i1 to i32
    %sign3A_720 = arith.constant 0 : i32
    %sign3A_721 = arith.cmpi slt, %jit3A_708, %sign3A_720 : i32
    %sign3A_722 = arith.extui %sign3A_721 : i1 to i32
    %sign3A_723 = arith.subi %sign3A_719, %sign3A_722 : i32
    %ne3A_724 = arith.cmpi ne, %sign3A_716, %sign3A_723 : i32
    %rem3A_725 = arith.remsi %add3A_667, %jit3A_708 : i32
    %ne3A_726 = arith.constant 0 : i32
    %ne3A_727 = arith.cmpi ne, %rem3A_725, %ne3A_726 : i32
    %and3A_728 = arith.andi %ne3A_724, %ne3A_727 : i1
    %sub3A_729 = arith.constant 1 : i32
    %sub3A_730 = arith.subi %div3A_709, %sub3A_729 : i32
    %select_n3A_731 = arith.select %and3A_728, %sub3A_730, %div3A_709 : i32
    %mul3A_732 = arith.constant 128 : i32
    %mul3A_733 = arith.muli %select_n3A_731, %mul3A_732 : i32
    %jit3A_734 = arith.constant 128 : i32
    %eq3A_735 = arith.constant 0 : i32
    %eq3A_736 = arith.cmpi eq, %jit3A_734, %eq3A_735 : i32
    %jit3A_737 = arith.constant 1 : i32
    %select_n3A_738 = arith.select %eq3A_736, %jit3A_737, %jit3A_734 : i32
    %rem3A_739 = arith.remsi %add3A_667, %select_n3A_738 : i32
    %ne3A_740 = arith.constant 0 : i32
    %ne3A_741 = arith.cmpi ne, %rem3A_739, %ne3A_740 : i32
    %lt3A_742 = arith.constant 0 : i32
    %lt3A_743 = arith.cmpi slt, %rem3A_739, %lt3A_742 : i32
    %lt3A_744 = arith.constant 0 : i32
    %lt3A_745 = arith.cmpi slt, %select_n3A_738, %lt3A_744 : i32
    %ne3A_746 = arith.xori %lt3A_743, %lt3A_745 : i1
    %and3A_747 = arith.andi %ne3A_746, %ne3A_741 : i1
    %add3A_748 = arith.addi %rem3A_739, %select_n3A_738 : i32
    %select_n3A_749 = arith.select %and3A_747, %add3A_748, %rem3A_739 : i32
    %add3A_750 = arith.addi %mul3A_733, %select_n3A_749 : i32
    %dma_start3A_751 = arith.constant 0 : i32
    %dma_start3A_752 = tpu.memref_slice %arg5[%select_n3A_707, %add3A_750, %dma_start3A_751] : memref<4x8192x768xf32, #tpu.memory_space<hbm>> -> memref<1x32x768xf32, #tpu.memory_space<hbm>>
    %dma_start3A_753 = tpu.memref_squeeze %dma_start3A_752 : memref<1x32x768xf32, #tpu.memory_space<hbm>> -> memref<32x768xf32, #tpu.memory_space<hbm>>
    %dma_start3A_754 = arith.constant 0 : i32
    %dma_start3A_755 = tpu.memref_slice %arg5[%select_n3A_707, %add3A_750, %dma_start3A_754] : memref<4x8192x768xf32, #tpu.memory_space<hbm>> -> memref<1x32x768xf32, #tpu.memory_space<hbm>>
    %dma_start3A_756 = tpu.memref_squeeze %dma_start3A_755 : memref<1x32x768xf32, #tpu.memory_space<hbm>> -> memref<32x768xf32, #tpu.memory_space<hbm>>
    tpu.enqueue_dma source(%arg11 : memref<32x768xf32, #tpu.memory_space<vmem>>) target(%dma_start3A_756 : memref<32x768xf32, #tpu.memory_space<hbm>>) target_semaphore(%arg19 : memref<!tpu.dma_semaphore, #tpu.memory_space<semaphore_mem>>)
    %dma_wait3A_757 = arith.constant 0 : i32
    %dma_wait3A_758 = tpu.memref_slice %arg5[%select_n3A_600, %add3A_643, %dma_wait3A_757] : memref<4x8192x768xf32, #tpu.memory_space<hbm>> -> memref<1x32x768xf32, #tpu.memory_space<hbm>>
    %dma_wait3A_759 = tpu.memref_squeeze %dma_wait3A_758 : memref<1x32x768xf32, #tpu.memory_space<hbm>> -> memref<32x768xf32, #tpu.memory_space<hbm>>
    %dma_wait3A_760 = arith.constant 0 : i32
    %dma_wait3A_761 = tpu.memref_slice %arg5[%select_n3A_600, %add3A_643, %dma_wait3A_760] : memref<4x8192x768xf32, #tpu.memory_space<hbm>> -> memref<1x32x768xf32, #tpu.memory_space<hbm>>
    %dma_wait3A_762 = tpu.memref_squeeze %dma_wait3A_761 : memref<1x32x768xf32, #tpu.memory_space<hbm>> -> memref<32x768xf32, #tpu.memory_space<hbm>>
    tpu.wait_dma2 semaphore(%arg18 : memref<!tpu.dma_semaphore, #tpu.memory_space<semaphore_mem>>) src(%arg10 : memref<32x768xf32, #tpu.memory_space<vmem>>) dst(%dma_wait3A_762 : memref<32x768xf32, #tpu.memory_space<hbm>>)
    %dma_start3A_763 = arith.constant 288 : i32
    %dma_start3A_764 = tpu.memref_slice %arg8[%dma_start3A_763] : memref<1024xi32, #tpu.memory_space<vmem>> -> memref<32xi32, #tpu.memory_space<vmem>>
    %dma_start3A_765 = arith.constant 0 : i32
    %dma_start3A_766 = arith.constant 0 : i32
    %dma_start3A_767 = tpu.memref_slice %arg2[%dma_start3A_765, %dma_start3A_766] : memref<16384x768xf32, #tpu.memory_space<hbm>> -> memref<16384x768xf32, #tpu.memory_space<hbm>>
    tpu.enqueue_indirect_dma source(%dma_start3A_767 : memref<16384x768xf32, #tpu.memory_space<hbm>>) target(%arg10 : memref<32x768xf32, #tpu.memory_space<vmem>>) offsets(%dma_start3A_764 : memref<32xi32, #tpu.memory_space<vmem>>) semaphore(%arg14 : memref<!tpu.dma_semaphore, #tpu.memory_space<semaphore_mem>>)
    %dma_wait3A_768 = arith.constant 224 : i32
    %dma_wait3A_769 = tpu.memref_slice %arg8[%dma_wait3A_768] : memref<1024xi32, #tpu.memory_space<vmem>> -> memref<32xi32, #tpu.memory_space<vmem>>
    %dma_wait3A_770 = arith.constant 0 : i32
    %dma_wait3A_771 = arith.constant 0 : i32
    %dma_wait3A_772 = tpu.memref_slice %arg2[%dma_wait3A_770, %dma_wait3A_771] : memref<16384x768xf32, #tpu.memory_space<hbm>> -> memref<16384x768xf32, #tpu.memory_space<hbm>>
    tpu.wait_indirect_dma semaphore(%arg16 : memref<!tpu.dma_semaphore, #tpu.memory_space<semaphore_mem>>) src(%dma_wait3A_772 : memref<16384x768xf32, #tpu.memory_space<hbm>>) dst(%arg12 : memref<32x768xf32, #tpu.memory_space<vmem>>)
    %add3A_773 = arith.constant 224 : i32
    %add3A_774 = arith.addi %mul3A_2, %add3A_773 : i32
    %jit3A_775 = arith.constant 128 : i32
    %div3A_776 = arith.divsi %add3A_774, %jit3A_775 : i32
    %sign3A_777 = arith.constant 0 : i32
    %sign3A_778 = arith.cmpi sgt, %add3A_774, %sign3A_777 : i32
    %sign3A_779 = arith.extui %sign3A_778 : i1 to i32
    %sign3A_780 = arith.constant 0 : i32
    %sign3A_781 = arith.cmpi slt, %add3A_774, %sign3A_780 : i32
    %sign3A_782 = arith.extui %sign3A_781 : i1 to i32
    %sign3A_783 = arith.subi %sign3A_779, %sign3A_782 : i32
    %sign3A_784 = arith.constant 0 : i32
    %sign3A_785 = arith.cmpi sgt, %jit3A_775, %sign3A_784 : i32
    %sign3A_786 = arith.extui %sign3A_785 : i1 to i32
    %sign3A_787 = arith.constant 0 : i32
    %sign3A_788 = arith.cmpi slt, %jit3A_775, %sign3A_787 : i32
    %sign3A_789 = arith.extui %sign3A_788 : i1 to i32
    %sign3A_790 = arith.subi %sign3A_786, %sign3A_789 : i32
    %ne3A_791 = arith.cmpi ne, %sign3A_783, %sign3A_790 : i32
    %rem3A_792 = arith.remsi %add3A_774, %jit3A_775 : i32
    %ne3A_793 = arith.constant 0 : i32
    %ne3A_794 = arith.cmpi ne, %rem3A_792, %ne3A_793 : i32
    %and3A_795 = arith.andi %ne3A_791, %ne3A_794 : i1
    %sub3A_796 = arith.constant 1 : i32
    %sub3A_797 = arith.subi %div3A_776, %sub3A_796 : i32
    %select_n3A_798 = arith.select %and3A_795, %sub3A_797, %div3A_776 : i32
    %jit3A_799 = arith.constant 4 : i32
    %eq3A_800 = arith.constant 0 : i32
    %eq3A_801 = arith.cmpi eq, %jit3A_799, %eq3A_800 : i32
    %jit3A_802 = arith.constant 1 : i32
    %select_n3A_803 = arith.select %eq3A_801, %jit3A_802, %jit3A_799 : i32
    %rem3A_804 = arith.remsi %select_n3A_798, %select_n3A_803 : i32
    %ne3A_805 = arith.constant 0 : i32
    %ne3A_806 = arith.cmpi ne, %rem3A_804, %ne3A_805 : i32
    %lt3A_807 = arith.constant 0 : i32
    %lt3A_808 = arith.cmpi slt, %rem3A_804, %lt3A_807 : i32
    %lt3A_809 = arith.constant 0 : i32
    %lt3A_810 = arith.cmpi slt, %select_n3A_803, %lt3A_809 : i32
    %ne3A_811 = arith.xori %lt3A_808, %lt3A_810 : i1
    %and3A_812 = arith.andi %ne3A_811, %ne3A_806 : i1
    %add3A_813 = arith.addi %rem3A_804, %select_n3A_803 : i32
    %select_n3A_814 = arith.select %and3A_812, %add3A_813, %rem3A_804 : i32
    %jit3A_815 = arith.constant 512 : i32
    %div3A_816 = arith.divsi %add3A_774, %jit3A_815 : i32
    %sign3A_817 = arith.constant 0 : i32
    %sign3A_818 = arith.cmpi sgt, %add3A_774, %sign3A_817 : i32
    %sign3A_819 = arith.extui %sign3A_818 : i1 to i32
    %sign3A_820 = arith.constant 0 : i32
    %sign3A_821 = arith.cmpi slt, %add3A_774, %sign3A_820 : i32
    %sign3A_822 = arith.extui %sign3A_821 : i1 to i32
    %sign3A_823 = arith.subi %sign3A_819, %sign3A_822 : i32
    %sign3A_824 = arith.constant 0 : i32
    %sign3A_825 = arith.cmpi sgt, %jit3A_815, %sign3A_824 : i32
    %sign3A_826 = arith.extui %sign3A_825 : i1 to i32
    %sign3A_827 = arith.constant 0 : i32
    %sign3A_828 = arith.cmpi slt, %jit3A_815, %sign3A_827 : i32
    %sign3A_829 = arith.extui %sign3A_828 : i1 to i32
    %sign3A_830 = arith.subi %sign3A_826, %sign3A_829 : i32
    %ne3A_831 = arith.cmpi ne, %sign3A_823, %sign3A_830 : i32
    %rem3A_832 = arith.remsi %add3A_774, %jit3A_815 : i32
    %ne3A_833 = arith.constant 0 : i32
    %ne3A_834 = arith.cmpi ne, %rem3A_832, %ne3A_833 : i32
    %and3A_835 = arith.andi %ne3A_831, %ne3A_834 : i1
    %sub3A_836 = arith.constant 1 : i32
    %sub3A_837 = arith.subi %div3A_816, %sub3A_836 : i32
    %select_n3A_838 = arith.select %and3A_835, %sub3A_837, %div3A_816 : i32
    %mul3A_839 = arith.constant 128 : i32
    %mul3A_840 = arith.muli %select_n3A_838, %mul3A_839 : i32
    %jit3A_841 = arith.constant 128 : i32
    %eq3A_842 = arith.constant 0 : i32
    %eq3A_843 = arith.cmpi eq, %jit3A_841, %eq3A_842 : i32
    %jit3A_844 = arith.constant 1 : i32
    %select_n3A_845 = arith.select %eq3A_843, %jit3A_844, %jit3A_841 : i32
    %rem3A_846 = arith.remsi %add3A_774, %select_n3A_845 : i32
    %ne3A_847 = arith.constant 0 : i32
    %ne3A_848 = arith.cmpi ne, %rem3A_846, %ne3A_847 : i32
    %lt3A_849 = arith.constant 0 : i32
    %lt3A_850 = arith.cmpi slt, %rem3A_846, %lt3A_849 : i32
    %lt3A_851 = arith.constant 0 : i32
    %lt3A_852 = arith.cmpi slt, %select_n3A_845, %lt3A_851 : i32
    %ne3A_853 = arith.xori %lt3A_850, %lt3A_852 : i1
    %and3A_854 = arith.andi %ne3A_853, %ne3A_848 : i1
    %add3A_855 = arith.addi %rem3A_846, %select_n3A_845 : i32
    %select_n3A_856 = arith.select %and3A_854, %add3A_855, %rem3A_846 : i32
    %add3A_857 = arith.addi %mul3A_840, %select_n3A_856 : i32
    %dma_start3A_858 = arith.constant 0 : i32
    %dma_start3A_859 = tpu.memref_slice %arg5[%select_n3A_814, %add3A_857, %dma_start3A_858] : memref<4x8192x768xf32, #tpu.memory_space<hbm>> -> memref<1x32x768xf32, #tpu.memory_space<hbm>>
    %dma_start3A_860 = tpu.memref_squeeze %dma_start3A_859 : memref<1x32x768xf32, #tpu.memory_space<hbm>> -> memref<32x768xf32, #tpu.memory_space<hbm>>
    %dma_start3A_861 = arith.constant 0 : i32
    %dma_start3A_862 = tpu.memref_slice %arg5[%select_n3A_814, %add3A_857, %dma_start3A_861] : memref<4x8192x768xf32, #tpu.memory_space<hbm>> -> memref<1x32x768xf32, #tpu.memory_space<hbm>>
    %dma_start3A_863 = tpu.memref_squeeze %dma_start3A_862 : memref<1x32x768xf32, #tpu.memory_space<hbm>> -> memref<32x768xf32, #tpu.memory_space<hbm>>
    tpu.enqueue_dma source(%arg12 : memref<32x768xf32, #tpu.memory_space<vmem>>) target(%dma_start3A_863 : memref<32x768xf32, #tpu.memory_space<hbm>>) target_semaphore(%arg20 : memref<!tpu.dma_semaphore, #tpu.memory_space<semaphore_mem>>)
    %dma_wait3A_864 = arith.constant 0 : i32
    %dma_wait3A_865 = tpu.memref_slice %arg5[%select_n3A_707, %add3A_750, %dma_wait3A_864] : memref<4x8192x768xf32, #tpu.memory_space<hbm>> -> memref<1x32x768xf32, #tpu.memory_space<hbm>>
    %dma_wait3A_866 = tpu.memref_squeeze %dma_wait3A_865 : memref<1x32x768xf32, #tpu.memory_space<hbm>> -> memref<32x768xf32, #tpu.memory_space<hbm>>
    %dma_wait3A_867 = arith.constant 0 : i32
    %dma_wait3A_868 = tpu.memref_slice %arg5[%select_n3A_707, %add3A_750, %dma_wait3A_867] : memref<4x8192x768xf32, #tpu.memory_space<hbm>> -> memref<1x32x768xf32, #tpu.memory_space<hbm>>
    %dma_wait3A_869 = tpu.memref_squeeze %dma_wait3A_868 : memref<1x32x768xf32, #tpu.memory_space<hbm>> -> memref<32x768xf32, #tpu.memory_space<hbm>>
    tpu.wait_dma2 semaphore(%arg19 : memref<!tpu.dma_semaphore, #tpu.memory_space<semaphore_mem>>) src(%arg11 : memref<32x768xf32, #tpu.memory_space<vmem>>) dst(%dma_wait3A_869 : memref<32x768xf32, #tpu.memory_space<hbm>>)
    %dma_start3A_870 = arith.constant 320 : i32
    %dma_start3A_871 = tpu.memref_slice %arg8[%dma_start3A_870] : memref<1024xi32, #tpu.memory_space<vmem>> -> memref<32xi32, #tpu.memory_space<vmem>>
    %dma_start3A_872 = arith.constant 0 : i32
    %dma_start3A_873 = arith.constant 0 : i32
    %dma_start3A_874 = tpu.memref_slice %arg2[%dma_start3A_872, %dma_start3A_873] : memref<16384x768xf32, #tpu.memory_space<hbm>> -> memref<16384x768xf32, #tpu.memory_space<hbm>>
    tpu.enqueue_indirect_dma source(%dma_start3A_874 : memref<16384x768xf32, #tpu.memory_space<hbm>>) target(%arg11 : memref<32x768xf32, #tpu.memory_space<vmem>>) offsets(%dma_start3A_871 : memref<32xi32, #tpu.memory_space<vmem>>) semaphore(%arg15 : memref<!tpu.dma_semaphore, #tpu.memory_space<semaphore_mem>>)
    %dma_wait3A_875 = arith.constant 256 : i32
    %dma_wait3A_876 = tpu.memref_slice %arg8[%dma_wait3A_875] : memref<1024xi32, #tpu.memory_space<vmem>> -> memref<32xi32, #tpu.memory_space<vmem>>
    %dma_wait3A_877 = arith.constant 0 : i32
    %dma_wait3A_878 = arith.constant 0 : i32
    %dma_wait3A_879 = tpu.memref_slice %arg2[%dma_wait3A_877, %dma_wait3A_878] : memref<16384x768xf32, #tpu.memory_space<hbm>> -> memref<16384x768xf32, #tpu.memory_space<hbm>>
    tpu.wait_indirect_dma semaphore(%arg13 : memref<!tpu.dma_semaphore, #tpu.memory_space<semaphore_mem>>) src(%dma_wait3A_879 : memref<16384x768xf32, #tpu.memory_space<hbm>>) dst(%arg9 : memref<32x768xf32, #tpu.memory_space<vmem>>)
    %add3A_880 = arith.constant 256 : i32
    %add3A_881 = arith.addi %mul3A_2, %add3A_880 : i32
    %jit3A_882 = arith.constant 128 : i32
    %div3A_883 = arith.divsi %add3A_881, %jit3A_882 : i32
    %sign3A_884 = arith.constant 0 : i32
    %sign3A_885 = arith.cmpi sgt, %add3A_881, %sign3A_884 : i32
    %sign3A_886 = arith.extui %sign3A_885 : i1 to i32
    %sign3A_887 = arith.constant 0 : i32
    %sign3A_888 = arith.cmpi slt, %add3A_881, %sign3A_887 : i32
    %sign3A_889 = arith.extui %sign3A_888 : i1 to i32
    %sign3A_890 = arith.subi %sign3A_886, %sign3A_889 : i32
    %sign3A_891 = arith.constant 0 : i32
    %sign3A_892 = arith.cmpi sgt, %jit3A_882, %sign3A_891 : i32
    %sign3A_893 = arith.extui %sign3A_892 : i1 to i32
    %sign3A_894 = arith.constant 0 : i32
    %sign3A_895 = arith.cmpi slt, %jit3A_882, %sign3A_894 : i32
    %sign3A_896 = arith.extui %sign3A_895 : i1 to i32
    %sign3A_897 = arith.subi %sign3A_893, %sign3A_896 : i32
    %ne3A_898 = arith.cmpi ne, %sign3A_890, %sign3A_897 : i32
    %rem3A_899 = arith.remsi %add3A_881, %jit3A_882 : i32
    %ne3A_900 = arith.constant 0 : i32
    %ne3A_901 = arith.cmpi ne, %rem3A_899, %ne3A_900 : i32
    %and3A_902 = arith.andi %ne3A_898, %ne3A_901 : i1
    %sub3A_903 = arith.constant 1 : i32
    %sub3A_904 = arith.subi %div3A_883, %sub3A_903 : i32
    %select_n3A_905 = arith.select %and3A_902, %sub3A_904, %div3A_883 : i32
    %jit3A_906 = arith.constant 4 : i32
    %eq3A_907 = arith.constant 0 : i32
    %eq3A_908 = arith.cmpi eq, %jit3A_906, %eq3A_907 : i32
    %jit3A_909 = arith.constant 1 : i32
    %select_n3A_910 = arith.select %eq3A_908, %jit3A_909, %jit3A_906 : i32
    %rem3A_911 = arith.remsi %select_n3A_905, %select_n3A_910 : i32
    %ne3A_912 = arith.constant 0 : i32
    %ne3A_913 = arith.cmpi ne, %rem3A_911, %ne3A_912 : i32
    %lt3A_914 = arith.constant 0 : i32
    %lt3A_915 = arith.cmpi slt, %rem3A_911, %lt3A_914 : i32
    %lt3A_916 = arith.constant 0 : i32
    %lt3A_917 = arith.cmpi slt, %select_n3A_910, %lt3A_916 : i32
    %ne3A_918 = arith.xori %lt3A_915, %lt3A_917 : i1
    %and3A_919 = arith.andi %ne3A_918, %ne3A_913 : i1
    %add3A_920 = arith.addi %rem3A_911, %select_n3A_910 : i32
    %select_n3A_921 = arith.select %and3A_919, %add3A_920, %rem3A_911 : i32
    %jit3A_922 = arith.constant 512 : i32
    %div3A_923 = arith.divsi %add3A_881, %jit3A_922 : i32
    %sign3A_924 = arith.constant 0 : i32
    %sign3A_925 = arith.cmpi sgt, %add3A_881, %sign3A_924 : i32
    %sign3A_926 = arith.extui %sign3A_925 : i1 to i32
    %sign3A_927 = arith.constant 0 : i32
    %sign3A_928 = arith.cmpi slt, %add3A_881, %sign3A_927 : i32
    %sign3A_929 = arith.extui %sign3A_928 : i1 to i32
    %sign3A_930 = arith.subi %sign3A_926, %sign3A_929 : i32
    %sign3A_931 = arith.constant 0 : i32
    %sign3A_932 = arith.cmpi sgt, %jit3A_922, %sign3A_931 : i32
    %sign3A_933 = arith.extui %sign3A_932 : i1 to i32
    %sign3A_934 = arith.constant 0 : i32
    %sign3A_935 = arith.cmpi slt, %jit3A_922, %sign3A_934 : i32
    %sign3A_936 = arith.extui %sign3A_935 : i1 to i32
    %sign3A_937 = arith.subi %sign3A_933, %sign3A_936 : i32
    %ne3A_938 = arith.cmpi ne, %sign3A_930, %sign3A_937 : i32
    %rem3A_939 = arith.remsi %add3A_881, %jit3A_922 : i32
    %ne3A_940 = arith.constant 0 : i32
    %ne3A_941 = arith.cmpi ne, %rem3A_939, %ne3A_940 : i32
    %and3A_942 = arith.andi %ne3A_938, %ne3A_941 : i1
    %sub3A_943 = arith.constant 1 : i32
    %sub3A_944 = arith.subi %div3A_923, %sub3A_943 : i32
    %select_n3A_945 = arith.select %and3A_942, %sub3A_944, %div3A_923 : i32
    %mul3A_946 = arith.constant 128 : i32
    %mul3A_947 = arith.muli %select_n3A_945, %mul3A_946 : i32
    %jit3A_948 = arith.constant 128 : i32
    %eq3A_949 = arith.constant 0 : i32
    %eq3A_950 = arith.cmpi eq, %jit3A_948, %eq3A_949 : i32
    %jit3A_951 = arith.constant 1 : i32
    %select_n3A_952 = arith.select %eq3A_950, %jit3A_951, %jit3A_948 : i32
    %rem3A_953 = arith.remsi %add3A_881, %select_n3A_952 : i32
    %ne3A_954 = arith.constant 0 : i32
    %ne3A_955 = arith.cmpi ne, %rem3A_953, %ne3A_954 : i32
    %lt3A_956 = arith.constant 0 : i32
    %lt3A_957 = arith.cmpi slt, %rem3A_953, %lt3A_956 : i32
    %lt3A_958 = arith.constant 0 : i32
    %lt3A_959 = arith.cmpi slt, %select_n3A_952, %lt3A_958 : i32
    %ne3A_960 = arith.xori %lt3A_957, %lt3A_959 : i1
    %and3A_961 = arith.andi %ne3A_960, %ne3A_955 : i1
    %add3A_962 = arith.addi %rem3A_953, %select_n3A_952 : i32
    %select_n3A_963 = arith.select %and3A_961, %add3A_962, %rem3A_953 : i32
    %add3A_964 = arith.addi %mul3A_947, %select_n3A_963 : i32
    %dma_start3A_965 = arith.constant 0 : i32
    %dma_start3A_966 = tpu.memref_slice %arg5[%select_n3A_921, %add3A_964, %dma_start3A_965] : memref<4x8192x768xf32, #tpu.memory_space<hbm>> -> memref<1x32x768xf32, #tpu.memory_space<hbm>>
    %dma_start3A_967 = tpu.memref_squeeze %dma_start3A_966 : memref<1x32x768xf32, #tpu.memory_space<hbm>> -> memref<32x768xf32, #tpu.memory_space<hbm>>
    %dma_start3A_968 = arith.constant 0 : i32
    %dma_start3A_969 = tpu.memref_slice %arg5[%select_n3A_921, %add3A_964, %dma_start3A_968] : memref<4x8192x768xf32, #tpu.memory_space<hbm>> -> memref<1x32x768xf32, #tpu.memory_space<hbm>>
    %dma_start3A_970 = tpu.memref_squeeze %dma_start3A_969 : memref<1x32x768xf32, #tpu.memory_space<hbm>> -> memref<32x768xf32, #tpu.memory_space<hbm>>
    tpu.enqueue_dma source(%arg9 : memref<32x768xf32, #tpu.memory_space<vmem>>) target(%dma_start3A_970 : memref<32x768xf32, #tpu.memory_space<hbm>>) target_semaphore(%arg17 : memref<!tpu.dma_semaphore, #tpu.memory_space<semaphore_mem>>)
    %dma_wait3A_971 = arith.constant 0 : i32
    %dma_wait3A_972 = tpu.memref_slice %arg5[%select_n3A_814, %add3A_857, %dma_wait3A_971] : memref<4x8192x768xf32, #tpu.memory_space<hbm>> -> memref<1x32x768xf32, #tpu.memory_space<hbm>>
    %dma_wait3A_973 = tpu.memref_squeeze %dma_wait3A_972 : memref<1x32x768xf32, #tpu.memory_space<hbm>> -> memref<32x768xf32, #tpu.memory_space<hbm>>
    %dma_wait3A_974 = arith.constant 0 : i32
    %dma_wait3A_975 = tpu.memref_slice %arg5[%select_n3A_814, %add3A_857, %dma_wait3A_974] : memref<4x8192x768xf32, #tpu.memory_space<hbm>> -> memref<1x32x768xf32, #tpu.memory_space<hbm>>
    %dma_wait3A_976 = tpu.memref_squeeze %dma_wait3A_975 : memref<1x32x768xf32, #tpu.memory_space<hbm>> -> memref<32x768xf32, #tpu.memory_space<hbm>>
    tpu.wait_dma2 semaphore(%arg20 : memref<!tpu.dma_semaphore, #tpu.memory_space<semaphore_mem>>) src(%arg12 : memref<32x768xf32, #tpu.memory_space<vmem>>) dst(%dma_wait3A_976 : memref<32x768xf32, #tpu.memory_space<hbm>>)
    %dma_start3A_977 = arith.constant 352 : i32
    %dma_start3A_978 = tpu.memref_slice %arg8[%dma_start3A_977] : memref<1024xi32, #tpu.memory_space<vmem>> -> memref<32xi32, #tpu.memory_space<vmem>>
    %dma_start3A_979 = arith.constant 0 : i32
    %dma_start3A_980 = arith.constant 0 : i32
    %dma_start3A_981 = tpu.memref_slice %arg2[%dma_start3A_979, %dma_start3A_980] : memref<16384x768xf32, #tpu.memory_space<hbm>> -> memref<16384x768xf32, #tpu.memory_space<hbm>>
    tpu.enqueue_indirect_dma source(%dma_start3A_981 : memref<16384x768xf32, #tpu.memory_space<hbm>>) target(%arg12 : memref<32x768xf32, #tpu.memory_space<vmem>>) offsets(%dma_start3A_978 : memref<32xi32, #tpu.memory_space<vmem>>) semaphore(%arg16 : memref<!tpu.dma_semaphore, #tpu.memory_space<semaphore_mem>>)
    %dma_wait3A_982 = arith.constant 288 : i32
    %dma_wait3A_983 = tpu.memref_slice %arg8[%dma_wait3A_982] : memref<1024xi32, #tpu.memory_space<vmem>> -> memref<32xi32, #tpu.memory_space<vmem>>
    %dma_wait3A_984 = arith.constant 0 : i32
    %dma_wait3A_985 = arith.constant 0 : i32
    %dma_wait3A_986 = tpu.memref_slice %arg2[%dma_wait3A_984, %dma_wait3A_985] : memref<16384x768xf32, #tpu.memory_space<hbm>> -> memref<16384x768xf32, #tpu.memory_space<hbm>>
    tpu.wait_indirect_dma semaphore(%arg14 : memref<!tpu.dma_semaphore, #tpu.memory_space<semaphore_mem>>) src(%dma_wait3A_986 : memref<16384x768xf32, #tpu.memory_space<hbm>>) dst(%arg10 : memref<32x768xf32, #tpu.memory_space<vmem>>)
    %add3A_987 = arith.constant 288 : i32
    %add3A_988 = arith.addi %mul3A_2, %add3A_987 : i32
    %jit3A_989 = arith.constant 128 : i32
    %div3A_990 = arith.divsi %add3A_988, %jit3A_989 : i32
    %sign3A_991 = arith.constant 0 : i32
    %sign3A_992 = arith.cmpi sgt, %add3A_988, %sign3A_991 : i32
    %sign3A_993 = arith.extui %sign3A_992 : i1 to i32
    %sign3A_994 = arith.constant 0 : i32
    %sign3A_995 = arith.cmpi slt, %add3A_988, %sign3A_994 : i32
    %sign3A_996 = arith.extui %sign3A_995 : i1 to i32
    %sign3A_997 = arith.subi %sign3A_993, %sign3A_996 : i32
    %sign3A_998 = arith.constant 0 : i32
    %sign3A_999 = arith.cmpi sgt, %jit3A_989, %sign3A_998 : i32
    %sign3A_1000 = arith.extui %sign3A_999 : i1 to i32
    %sign3A_1001 = arith.constant 0 : i32
    %sign3A_1002 = arith.cmpi slt, %jit3A_989, %sign3A_1001 : i32
    %sign3A_1003 = arith.extui %sign3A_1002 : i1 to i32
    %sign3A_1004 = arith.subi %sign3A_1000, %sign3A_1003 : i32
    %ne3A_1005 = arith.cmpi ne, %sign3A_997, %sign3A_1004 : i32
    %rem3A_1006 = arith.remsi %add3A_988, %jit3A_989 : i32
    %ne3A_1007 = arith.constant 0 : i32
    %ne3A_1008 = arith.cmpi ne, %rem3A_1006, %ne3A_1007 : i32
    %and3A_1009 = arith.andi %ne3A_1005, %ne3A_1008 : i1
    %sub3A_1010 = arith.constant 1 : i32
    %sub3A_1011 = arith.subi %div3A_990, %sub3A_1010 : i32
    %select_n3A_1012 = arith.select %and3A_1009, %sub3A_1011, %div3A_990 : i32
    %jit3A_1013 = arith.constant 4 : i32
    %eq3A_1014 = arith.constant 0 : i32
    %eq3A_1015 = arith.cmpi eq, %jit3A_1013, %eq3A_1014 : i32
    %jit3A_1016 = arith.constant 1 : i32
    %select_n3A_1017 = arith.select %eq3A_1015, %jit3A_1016, %jit3A_1013 : i32
    %rem3A_1018 = arith.remsi %select_n3A_1012, %select_n3A_1017 : i32
    %ne3A_1019 = arith.constant 0 : i32
    %ne3A_1020 = arith.cmpi ne, %rem3A_1018, %ne3A_1019 : i32
    %lt3A_1021 = arith.constant 0 : i32
    %lt3A_1022 = arith.cmpi slt, %rem3A_1018, %lt3A_1021 : i32
    %lt3A_1023 = arith.constant 0 : i32
    %lt3A_1024 = arith.cmpi slt, %select_n3A_1017, %lt3A_1023 : i32
    %ne3A_1025 = arith.xori %lt3A_1022, %lt3A_1024 : i1
    %and3A_1026 = arith.andi %ne3A_1025, %ne3A_1020 : i1
    %add3A_1027 = arith.addi %rem3A_1018, %select_n3A_1017 : i32
    %select_n3A_1028 = arith.select %and3A_1026, %add3A_1027, %rem3A_1018 : i32
    %jit3A_1029 = arith.constant 512 : i32
    %div3A_1030 = arith.divsi %add3A_988, %jit3A_1029 : i32
    %sign3A_1031 = arith.constant 0 : i32
    %sign3A_1032 = arith.cmpi sgt, %add3A_988, %sign3A_1031 : i32
    %sign3A_1033 = arith.extui %sign3A_1032 : i1 to i32
    %sign3A_1034 = arith.constant 0 : i32
    %sign3A_1035 = arith.cmpi slt, %add3A_988, %sign3A_1034 : i32
    %sign3A_1036 = arith.extui %sign3A_1035 : i1 to i32
    %sign3A_1037 = arith.subi %sign3A_1033, %sign3A_1036 : i32
    %sign3A_1038 = arith.constant 0 : i32
    %sign3A_1039 = arith.cmpi sgt, %jit3A_1029, %sign3A_1038 : i32
    %sign3A_1040 = arith.extui %sign3A_1039 : i1 to i32
    %sign3A_1041 = arith.constant 0 : i32
    %sign3A_1042 = arith.cmpi slt, %jit3A_1029, %sign3A_1041 : i32
    %sign3A_1043 = arith.extui %sign3A_1042 : i1 to i32
    %sign3A_1044 = arith.subi %sign3A_1040, %sign3A_1043 : i32
    %ne3A_1045 = arith.cmpi ne, %sign3A_1037, %sign3A_1044 : i32
    %rem3A_1046 = arith.remsi %add3A_988, %jit3A_1029 : i32
    %ne3A_1047 = arith.constant 0 : i32
    %ne3A_1048 = arith.cmpi ne, %rem3A_1046, %ne3A_1047 : i32
    %and3A_1049 = arith.andi %ne3A_1045, %ne3A_1048 : i1
    %sub3A_1050 = arith.constant 1 : i32
    %sub3A_1051 = arith.subi %div3A_1030, %sub3A_1050 : i32
    %select_n3A_1052 = arith.select %and3A_1049, %sub3A_1051, %div3A_1030 : i32
    %mul3A_1053 = arith.constant 128 : i32
    %mul3A_1054 = arith.muli %select_n3A_1052, %mul3A_1053 : i32
    %jit3A_1055 = arith.constant 128 : i32
    %eq3A_1056 = arith.constant 0 : i32
    %eq3A_1057 = arith.cmpi eq, %jit3A_1055, %eq3A_1056 : i32
    %jit3A_1058 = arith.constant 1 : i32
    %select_n3A_1059 = arith.select %eq3A_1057, %jit3A_1058, %jit3A_1055 : i32
    %rem3A_1060 = arith.remsi %add3A_988, %select_n3A_1059 : i32
    %ne3A_1061 = arith.constant 0 : i32
    %ne3A_1062 = arith.cmpi ne, %rem3A_1060, %ne3A_1061 : i32
    %lt3A_1063 = arith.constant 0 : i32
    %lt3A_1064 = arith.cmpi slt, %rem3A_1060, %lt3A_1063 : i32
    %lt3A_1065 = arith.constant 0 : i32
    %lt3A_1066 = arith.cmpi slt, %select_n3A_1059, %lt3A_1065 : i32
    %ne3A_1067 = arith.xori %lt3A_1064, %lt3A_1066 : i1
    %and3A_1068 = arith.andi %ne3A_1067, %ne3A_1062 : i1
    %add3A_1069 = arith.addi %rem3A_1060, %select_n3A_1059 : i32
    %select_n3A_1070 = arith.select %and3A_1068, %add3A_1069, %rem3A_1060 : i32
    %add3A_1071 = arith.addi %mul3A_1054, %select_n3A_1070 : i32
    %dma_start3A_1072 = arith.constant 0 : i32
    %dma_start3A_1073 = tpu.memref_slice %arg5[%select_n3A_1028, %add3A_1071, %dma_start3A_1072] : memref<4x8192x768xf32, #tpu.memory_space<hbm>> -> memref<1x32x768xf32, #tpu.memory_space<hbm>>
    %dma_start3A_1074 = tpu.memref_squeeze %dma_start3A_1073 : memref<1x32x768xf32, #tpu.memory_space<hbm>> -> memref<32x768xf32, #tpu.memory_space<hbm>>
    %dma_start3A_1075 = arith.constant 0 : i32
    %dma_start3A_1076 = tpu.memref_slice %arg5[%select_n3A_1028, %add3A_1071, %dma_start3A_1075] : memref<4x8192x768xf32, #tpu.memory_space<hbm>> -> memref<1x32x768xf32, #tpu.memory_space<hbm>>
    %dma_start3A_1077 = tpu.memref_squeeze %dma_start3A_1076 : memref<1x32x768xf32, #tpu.memory_space<hbm>> -> memref<32x768xf32, #tpu.memory_space<hbm>>
    tpu.enqueue_dma source(%arg10 : memref<32x768xf32, #tpu.memory_space<vmem>>) target(%dma_start3A_1077 : memref<32x768xf32, #tpu.memory_space<hbm>>) target_semaphore(%arg18 : memref<!tpu.dma_semaphore, #tpu.memory_space<semaphore_mem>>)
    %dma_wait3A_1078 = arith.constant 0 : i32
    %dma_wait3A_1079 = tpu.memref_slice %arg5[%select_n3A_921, %add3A_964, %dma_wait3A_1078] : memref<4x8192x768xf32, #tpu.memory_space<hbm>> -> memref<1x32x768xf32, #tpu.memory_space<hbm>>
    %dma_wait3A_1080 = tpu.memref_squeeze %dma_wait3A_1079 : memref<1x32x768xf32, #tpu.memory_space<hbm>> -> memref<32x768xf32, #tpu.memory_space<hbm>>
    %dma_wait3A_1081 = arith.constant 0 : i32
    %dma_wait3A_1082 = tpu.memref_slice %arg5[%select_n3A_921, %add3A_964, %dma_wait3A_1081] : memref<4x8192x768xf32, #tpu.memory_space<hbm>> -> memref<1x32x768xf32, #tpu.memory_space<hbm>>
    %dma_wait3A_1083 = tpu.memref_squeeze %dma_wait3A_1082 : memref<1x32x768xf32, #tpu.memory_space<hbm>> -> memref<32x768xf32, #tpu.memory_space<hbm>>
    tpu.wait_dma2 semaphore(%arg17 : memref<!tpu.dma_semaphore, #tpu.memory_space<semaphore_mem>>) src(%arg9 : memref<32x768xf32, #tpu.memory_space<vmem>>) dst(%dma_wait3A_1083 : memref<32x768xf32, #tpu.memory_space<hbm>>)
    %dma_start3A_1084 = arith.constant 384 : i32
    %dma_start3A_1085 = tpu.memref_slice %arg8[%dma_start3A_1084] : memref<1024xi32, #tpu.memory_space<vmem>> -> memref<32xi32, #tpu.memory_space<vmem>>
    %dma_start3A_1086 = arith.constant 0 : i32
    %dma_start3A_1087 = arith.constant 0 : i32
    %dma_start3A_1088 = tpu.memref_slice %arg2[%dma_start3A_1086, %dma_start3A_1087] : memref<16384x768xf32, #tpu.memory_space<hbm>> -> memref<16384x768xf32, #tpu.memory_space<hbm>>
    tpu.enqueue_indirect_dma source(%dma_start3A_1088 : memref<16384x768xf32, #tpu.memory_space<hbm>>) target(%arg9 : memref<32x768xf32, #tpu.memory_space<vmem>>) offsets(%dma_start3A_1085 : memref<32xi32, #tpu.memory_space<vmem>>) semaphore(%arg13 : memref<!tpu.dma_semaphore, #tpu.memory_space<semaphore_mem>>)
    %dma_wait3A_1089 = arith.constant 320 : i32
    %dma_wait3A_1090 = tpu.memref_slice %arg8[%dma_wait3A_1089] : memref<1024xi32, #tpu.memory_space<vmem>> -> memref<32xi32, #tpu.memory_space<vmem>>
    %dma_wait3A_1091 = arith.constant 0 : i32
    %dma_wait3A_1092 = arith.constant 0 : i32
    %dma_wait3A_1093 = tpu.memref_slice %arg2[%dma_wait3A_1091, %dma_wait3A_1092] : memref<16384x768xf32, #tpu.memory_space<hbm>> -> memref<16384x768xf32, #tpu.memory_space<hbm>>
    tpu.wait_indirect_dma semaphore(%arg15 : memref<!tpu.dma_semaphore, #tpu.memory_space<semaphore_mem>>) src(%dma_wait3A_1093 : memref<16384x768xf32, #tpu.memory_space<hbm>>) dst(%arg11 : memref<32x768xf32, #tpu.memory_space<vmem>>)
    %add3A_1094 = arith.constant 320 : i32
    %add3A_1095 = arith.addi %mul3A_2, %add3A_1094 : i32
    %jit3A_1096 = arith.constant 128 : i32
    %div3A_1097 = arith.divsi %add3A_1095, %jit3A_1096 : i32
    %sign3A_1098 = arith.constant 0 : i32
    %sign3A_1099 = arith.cmpi sgt, %add3A_1095, %sign3A_1098 : i32
    %sign3A_1100 = arith.extui %sign3A_1099 : i1 to i32
    %sign3A_1101 = arith.constant 0 : i32
    %sign3A_1102 = arith.cmpi slt, %add3A_1095, %sign3A_1101 : i32
    %sign3A_1103 = arith.extui %sign3A_1102 : i1 to i32
    %sign3A_1104 = arith.subi %sign3A_1100, %sign3A_1103 : i32
    %sign3A_1105 = arith.constant 0 : i32
    %sign3A_1106 = arith.cmpi sgt, %jit3A_1096, %sign3A_1105 : i32
    %sign3A_1107 = arith.extui %sign3A_1106 : i1 to i32
    %sign3A_1108 = arith.constant 0 : i32
    %sign3A_1109 = arith.cmpi slt, %jit3A_1096, %sign3A_1108 : i32
    %sign3A_1110 = arith.extui %sign3A_1109 : i1 to i32
    %sign3A_1111 = arith.subi %sign3A_1107, %sign3A_1110 : i32
    %ne3A_1112 = arith.cmpi ne, %sign3A_1104, %sign3A_1111 : i32
    %rem3A_1113 = arith.remsi %add3A_1095, %jit3A_1096 : i32
    %ne3A_1114 = arith.constant 0 : i32
    %ne3A_1115 = arith.cmpi ne, %rem3A_1113, %ne3A_1114 : i32
    %and3A_1116 = arith.andi %ne3A_1112, %ne3A_1115 : i1
    %sub3A_1117 = arith.constant 1 : i32
    %sub3A_1118 = arith.subi %div3A_1097, %sub3A_1117 : i32
    %select_n3A_1119 = arith.select %and3A_1116, %sub3A_1118, %div3A_1097 : i32
    %jit3A_1120 = arith.constant 4 : i32
    %eq3A_1121 = arith.constant 0 : i32
    %eq3A_1122 = arith.cmpi eq, %jit3A_1120, %eq3A_1121 : i32
    %jit3A_1123 = arith.constant 1 : i32
    %select_n3A_1124 = arith.select %eq3A_1122, %jit3A_1123, %jit3A_1120 : i32
    %rem3A_1125 = arith.remsi %select_n3A_1119, %select_n3A_1124 : i32
    %ne3A_1126 = arith.constant 0 : i32
    %ne3A_1127 = arith.cmpi ne, %rem3A_1125, %ne3A_1126 : i32
    %lt3A_1128 = arith.constant 0 : i32
    %lt3A_1129 = arith.cmpi slt, %rem3A_1125, %lt3A_1128 : i32
    %lt3A_1130 = arith.constant 0 : i32
    %lt3A_1131 = arith.cmpi slt, %select_n3A_1124, %lt3A_1130 : i32
    %ne3A_1132 = arith.xori %lt3A_1129, %lt3A_1131 : i1
    %and3A_1133 = arith.andi %ne3A_1132, %ne3A_1127 : i1
    %add3A_1134 = arith.addi %rem3A_1125, %select_n3A_1124 : i32
    %select_n3A_1135 = arith.select %and3A_1133, %add3A_1134, %rem3A_1125 : i32
    %jit3A_1136 = arith.constant 512 : i32
    %div3A_1137 = arith.divsi %add3A_1095, %jit3A_1136 : i32
    %sign3A_1138 = arith.constant 0 : i32
    %sign3A_1139 = arith.cmpi sgt, %add3A_1095, %sign3A_1138 : i32
    %sign3A_1140 = arith.extui %sign3A_1139 : i1 to i32
    %sign3A_1141 = arith.constant 0 : i32
    %sign3A_1142 = arith.cmpi slt, %add3A_1095, %sign3A_1141 : i32
    %sign3A_1143 = arith.extui %sign3A_1142 : i1 to i32
    %sign3A_1144 = arith.subi %sign3A_1140, %sign3A_1143 : i32
    %sign3A_1145 = arith.constant 0 : i32
    %sign3A_1146 = arith.cmpi sgt, %jit3A_1136, %sign3A_1145 : i32
    %sign3A_1147 = arith.extui %sign3A_1146 : i1 to i32
    %sign3A_1148 = arith.constant 0 : i32
    %sign3A_1149 = arith.cmpi slt, %jit3A_1136, %sign3A_1148 : i32
    %sign3A_1150 = arith.extui %sign3A_1149 : i1 to i32
    %sign3A_1151 = arith.subi %sign3A_1147, %sign3A_1150 : i32
    %ne3A_1152 = arith.cmpi ne, %sign3A_1144, %sign3A_1151 : i32
    %rem3A_1153 = arith.remsi %add3A_1095, %jit3A_1136 : i32
    %ne3A_1154 = arith.constant 0 : i32
    %ne3A_1155 = arith.cmpi ne, %rem3A_1153, %ne3A_1154 : i32
    %and3A_1156 = arith.andi %ne3A_1152, %ne3A_1155 : i1
    %sub3A_1157 = arith.constant 1 : i32
    %sub3A_1158 = arith.subi %div3A_1137, %sub3A_1157 : i32
    %select_n3A_1159 = arith.select %and3A_1156, %sub3A_1158, %div3A_1137 : i32
    %mul3A_1160 = arith.constant 128 : i32
    %mul3A_1161 = arith.muli %select_n3A_1159, %mul3A_1160 : i32
    %jit3A_1162 = arith.constant 128 : i32
    %eq3A_1163 = arith.constant 0 : i32
    %eq3A_1164 = arith.cmpi eq, %jit3A_1162, %eq3A_1163 : i32
    %jit3A_1165 = arith.constant 1 : i32
    %select_n3A_1166 = arith.select %eq3A_1164, %jit3A_1165, %jit3A_1162 : i32
    %rem3A_1167 = arith.remsi %add3A_1095, %select_n3A_1166 : i32
    %ne3A_1168 = arith.constant 0 : i32
    %ne3A_1169 = arith.cmpi ne, %rem3A_1167, %ne3A_1168 : i32
    %lt3A_1170 = arith.constant 0 : i32
    %lt3A_1171 = arith.cmpi slt, %rem3A_1167, %lt3A_1170 : i32
    %lt3A_1172 = arith.constant 0 : i32
    %lt3A_1173 = arith.cmpi slt, %select_n3A_1166, %lt3A_1172 : i32
    %ne3A_1174 = arith.xori %lt3A_1171, %lt3A_1173 : i1
    %and3A_1175 = arith.andi %ne3A_1174, %ne3A_1169 : i1
    %add3A_1176 = arith.addi %rem3A_1167, %select_n3A_1166 : i32
    %select_n3A_1177 = arith.select %and3A_1175, %add3A_1176, %rem3A_1167 : i32
    %add3A_1178 = arith.addi %mul3A_1161, %select_n3A_1177 : i32
    %dma_start3A_1179 = arith.constant 0 : i32
    %dma_start3A_1180 = tpu.memref_slice %arg5[%select_n3A_1135, %add3A_1178, %dma_start3A_1179] : memref<4x8192x768xf32, #tpu.memory_space<hbm>> -> memref<1x32x768xf32, #tpu.memory_space<hbm>>
    %dma_start3A_1181 = tpu.memref_squeeze %dma_start3A_1180 : memref<1x32x768xf32, #tpu.memory_space<hbm>> -> memref<32x768xf32, #tpu.memory_space<hbm>>
    %dma_start3A_1182 = arith.constant 0 : i32
    %dma_start3A_1183 = tpu.memref_slice %arg5[%select_n3A_1135, %add3A_1178, %dma_start3A_1182] : memref<4x8192x768xf32, #tpu.memory_space<hbm>> -> memref<1x32x768xf32, #tpu.memory_space<hbm>>
    %dma_start3A_1184 = tpu.memref_squeeze %dma_start3A_1183 : memref<1x32x768xf32, #tpu.memory_space<hbm>> -> memref<32x768xf32, #tpu.memory_space<hbm>>
    tpu.enqueue_dma source(%arg11 : memref<32x768xf32, #tpu.memory_space<vmem>>) target(%dma_start3A_1184 : memref<32x768xf32, #tpu.memory_space<hbm>>) target_semaphore(%arg19 : memref<!tpu.dma_semaphore, #tpu.memory_space<semaphore_mem>>)
    %dma_wait3A_1185 = arith.constant 0 : i32
    %dma_wait3A_1186 = tpu.memref_slice %arg5[%select_n3A_1028, %add3A_1071, %dma_wait3A_1185] : memref<4x8192x768xf32, #tpu.memory_space<hbm>> -> memref<1x32x768xf32, #tpu.memory_space<hbm>>
    %dma_wait3A_1187 = tpu.memref_squeeze %dma_wait3A_1186 : memref<1x32x768xf32, #tpu.memory_space<hbm>> -> memref<32x768xf32, #tpu.memory_space<hbm>>
    %dma_wait3A_1188 = arith.constant 0 : i32
    %dma_wait3A_1189 = tpu.memref_slice %arg5[%select_n3A_1028, %add3A_1071, %dma_wait3A_1188] : memref<4x8192x768xf32, #tpu.memory_space<hbm>> -> memref<1x32x768xf32, #tpu.memory_space<hbm>>
    %dma_wait3A_1190 = tpu.memref_squeeze %dma_wait3A_1189 : memref<1x32x768xf32, #tpu.memory_space<hbm>> -> memref<32x768xf32, #tpu.memory_space<hbm>>
    tpu.wait_dma2 semaphore(%arg18 : memref<!tpu.dma_semaphore, #tpu.memory_space<semaphore_mem>>) src(%arg10 : memref<32x768xf32, #tpu.memory_space<vmem>>) dst(%dma_wait3A_1190 : memref<32x768xf32, #tpu.memory_space<hbm>>)
    %dma_start3A_1191 = arith.constant 416 : i32
    %dma_start3A_1192 = tpu.memref_slice %arg8[%dma_start3A_1191] : memref<1024xi32, #tpu.memory_space<vmem>> -> memref<32xi32, #tpu.memory_space<vmem>>
    %dma_start3A_1193 = arith.constant 0 : i32
    %dma_start3A_1194 = arith.constant 0 : i32
    %dma_start3A_1195 = tpu.memref_slice %arg2[%dma_start3A_1193, %dma_start3A_1194] : memref<16384x768xf32, #tpu.memory_space<hbm>> -> memref<16384x768xf32, #tpu.memory_space<hbm>>
    tpu.enqueue_indirect_dma source(%dma_start3A_1195 : memref<16384x768xf32, #tpu.memory_space<hbm>>) target(%arg10 : memref<32x768xf32, #tpu.memory_space<vmem>>) offsets(%dma_start3A_1192 : memref<32xi32, #tpu.memory_space<vmem>>) semaphore(%arg14 : memref<!tpu.dma_semaphore, #tpu.memory_space<semaphore_mem>>)
    %dma_wait3A_1196 = arith.constant 352 : i32
    %dma_wait3A_1197 = tpu.memref_slice %arg8[%dma_wait3A_1196] : memref<1024xi32, #tpu.memory_space<vmem>> -> memref<32xi32, #tpu.memory_space<vmem>>
    %dma_wait3A_1198 = arith.constant 0 : i32
    %dma_wait3A_1199 = arith.constant 0 : i32
    %dma_wait3A_1200 = tpu.memref_slice %arg2[%dma_wait3A_1198, %dma_wait3A_1199] : memref<16384x768xf32, #tpu.memory_space<hbm>> -> memref<16384x768xf32, #tpu.memory_space<hbm>>
    tpu.wait_indirect_dma semaphore(%arg16 : memref<!tpu.dma_semaphore, #tpu.memory_space<semaphore_mem>>) src(%dma_wait3A_1200 : memref<16384x768xf32, #tpu.memory_space<hbm>>) dst(%arg12 : memref<32x768xf32, #tpu.memory_space<vmem>>)
    %add3A_1201 = arith.constant 352 : i32
    %add3A_1202 = arith.addi %mul3A_2, %add3A_1201 : i32
    %jit3A_1203 = arith.constant 128 : i32
    %div3A_1204 = arith.divsi %add3A_1202, %jit3A_1203 : i32
    %sign3A_1205 = arith.constant 0 : i32
    %sign3A_1206 = arith.cmpi sgt, %add3A_1202, %sign3A_1205 : i32
    %sign3A_1207 = arith.extui %sign3A_1206 : i1 to i32
    %sign3A_1208 = arith.constant 0 : i32
    %sign3A_1209 = arith.cmpi slt, %add3A_1202, %sign3A_1208 : i32
    %sign3A_1210 = arith.extui %sign3A_1209 : i1 to i32
    %sign3A_1211 = arith.subi %sign3A_1207, %sign3A_1210 : i32
    %sign3A_1212 = arith.constant 0 : i32
    %sign3A_1213 = arith.cmpi sgt, %jit3A_1203, %sign3A_1212 : i32
    %sign3A_1214 = arith.extui %sign3A_1213 : i1 to i32
    %sign3A_1215 = arith.constant 0 : i32
    %sign3A_1216 = arith.cmpi slt, %jit3A_1203, %sign3A_1215 : i32
    %sign3A_1217 = arith.extui %sign3A_1216 : i1 to i32
    %sign3A_1218 = arith.subi %sign3A_1214, %sign3A_1217 : i32
    %ne3A_1219 = arith.cmpi ne, %sign3A_1211, %sign3A_1218 : i32
    %rem3A_1220 = arith.remsi %add3A_1202, %jit3A_1203 : i32
    %ne3A_1221 = arith.constant 0 : i32
    %ne3A_1222 = arith.cmpi ne, %rem3A_1220, %ne3A_1221 : i32
    %and3A_1223 = arith.andi %ne3A_1219, %ne3A_1222 : i1
    %sub3A_1224 = arith.constant 1 : i32
    %sub3A_1225 = arith.subi %div3A_1204, %sub3A_1224 : i32
    %select_n3A_1226 = arith.select %and3A_1223, %sub3A_1225, %div3A_1204 : i32
    %jit3A_1227 = arith.constant 4 : i32
    %eq3A_1228 = arith.constant 0 : i32
    %eq3A_1229 = arith.cmpi eq, %jit3A_1227, %eq3A_1228 : i32
    %jit3A_1230 = arith.constant 1 : i32
    %select_n3A_1231 = arith.select %eq3A_1229, %jit3A_1230, %jit3A_1227 : i32
    %rem3A_1232 = arith.remsi %select_n3A_1226, %select_n3A_1231 : i32
    %ne3A_1233 = arith.constant 0 : i32
    %ne3A_1234 = arith.cmpi ne, %rem3A_1232, %ne3A_1233 : i32
    %lt3A_1235 = arith.constant 0 : i32
    %lt3A_1236 = arith.cmpi slt, %rem3A_1232, %lt3A_1235 : i32
    %lt3A_1237 = arith.constant 0 : i32
    %lt3A_1238 = arith.cmpi slt, %select_n3A_1231, %lt3A_1237 : i32
    %ne3A_1239 = arith.xori %lt3A_1236, %lt3A_1238 : i1
    %and3A_1240 = arith.andi %ne3A_1239, %ne3A_1234 : i1
    %add3A_1241 = arith.addi %rem3A_1232, %select_n3A_1231 : i32
    %select_n3A_1242 = arith.select %and3A_1240, %add3A_1241, %rem3A_1232 : i32
    %jit3A_1243 = arith.constant 512 : i32
    %div3A_1244 = arith.divsi %add3A_1202, %jit3A_1243 : i32
    %sign3A_1245 = arith.constant 0 : i32
    %sign3A_1246 = arith.cmpi sgt, %add3A_1202, %sign3A_1245 : i32
    %sign3A_1247 = arith.extui %sign3A_1246 : i1 to i32
    %sign3A_1248 = arith.constant 0 : i32
    %sign3A_1249 = arith.cmpi slt, %add3A_1202, %sign3A_1248 : i32
    %sign3A_1250 = arith.extui %sign3A_1249 : i1 to i32
    %sign3A_1251 = arith.subi %sign3A_1247, %sign3A_1250 : i32
    %sign3A_1252 = arith.constant 0 : i32
    %sign3A_1253 = arith.cmpi sgt, %jit3A_1243, %sign3A_1252 : i32
    %sign3A_1254 = arith.extui %sign3A_1253 : i1 to i32
    %sign3A_1255 = arith.constant 0 : i32
    %sign3A_1256 = arith.cmpi slt, %jit3A_1243, %sign3A_1255 : i32
    %sign3A_1257 = arith.extui %sign3A_1256 : i1 to i32
    %sign3A_1258 = arith.subi %sign3A_1254, %sign3A_1257 : i32
    %ne3A_1259 = arith.cmpi ne, %sign3A_1251, %sign3A_1258 : i32
    %rem3A_1260 = arith.remsi %add3A_1202, %jit3A_1243 : i32
    %ne3A_1261 = arith.constant 0 : i32
    %ne3A_1262 = arith.cmpi ne, %rem3A_1260, %ne3A_1261 : i32
    %and3A_1263 = arith.andi %ne3A_1259, %ne3A_1262 : i1
    %sub3A_1264 = arith.constant 1 : i32
    %sub3A_1265 = arith.subi %div3A_1244, %sub3A_1264 : i32
    %select_n3A_1266 = arith.select %and3A_1263, %sub3A_1265, %div3A_1244 : i32
    %mul3A_1267 = arith.constant 128 : i32
    %mul3A_1268 = arith.muli %select_n3A_1266, %mul3A_1267 : i32
    %jit3A_1269 = arith.constant 128 : i32
    %eq3A_1270 = arith.constant 0 : i32
    %eq3A_1271 = arith.cmpi eq, %jit3A_1269, %eq3A_1270 : i32
    %jit3A_1272 = arith.constant 1 : i32
    %select_n3A_1273 = arith.select %eq3A_1271, %jit3A_1272, %jit3A_1269 : i32
    %rem3A_1274 = arith.remsi %add3A_1202, %select_n3A_1273 : i32
    %ne3A_1275 = arith.constant 0 : i32
    %ne3A_1276 = arith.cmpi ne, %rem3A_1274, %ne3A_1275 : i32
    %lt3A_1277 = arith.constant 0 : i32
    %lt3A_1278 = arith.cmpi slt, %rem3A_1274, %lt3A_1277 : i32
    %lt3A_1279 = arith.constant 0 : i32
    %lt3A_1280 = arith.cmpi slt, %select_n3A_1273, %lt3A_1279 : i32
    %ne3A_1281 = arith.xori %lt3A_1278, %lt3A_1280 : i1
    %and3A_1282 = arith.andi %ne3A_1281, %ne3A_1276 : i1
    %add3A_1283 = arith.addi %rem3A_1274, %select_n3A_1273 : i32
    %select_n3A_1284 = arith.select %and3A_1282, %add3A_1283, %rem3A_1274 : i32
    %add3A_1285 = arith.addi %mul3A_1268, %select_n3A_1284 : i32
    %dma_start3A_1286 = arith.constant 0 : i32
    %dma_start3A_1287 = tpu.memref_slice %arg5[%select_n3A_1242, %add3A_1285, %dma_start3A_1286] : memref<4x8192x768xf32, #tpu.memory_space<hbm>> -> memref<1x32x768xf32, #tpu.memory_space<hbm>>
    %dma_start3A_1288 = tpu.memref_squeeze %dma_start3A_1287 : memref<1x32x768xf32, #tpu.memory_space<hbm>> -> memref<32x768xf32, #tpu.memory_space<hbm>>
    %dma_start3A_1289 = arith.constant 0 : i32
    %dma_start3A_1290 = tpu.memref_slice %arg5[%select_n3A_1242, %add3A_1285, %dma_start3A_1289] : memref<4x8192x768xf32, #tpu.memory_space<hbm>> -> memref<1x32x768xf32, #tpu.memory_space<hbm>>
    %dma_start3A_1291 = tpu.memref_squeeze %dma_start3A_1290 : memref<1x32x768xf32, #tpu.memory_space<hbm>> -> memref<32x768xf32, #tpu.memory_space<hbm>>
    tpu.enqueue_dma source(%arg12 : memref<32x768xf32, #tpu.memory_space<vmem>>) target(%dma_start3A_1291 : memref<32x768xf32, #tpu.memory_space<hbm>>) target_semaphore(%arg20 : memref<!tpu.dma_semaphore, #tpu.memory_space<semaphore_mem>>)
    %dma_wait3A_1292 = arith.constant 0 : i32
    %dma_wait3A_1293 = tpu.memref_slice %arg5[%select_n3A_1135, %add3A_1178, %dma_wait3A_1292] : memref<4x8192x768xf32, #tpu.memory_space<hbm>> -> memref<1x32x768xf32, #tpu.memory_space<hbm>>
    %dma_wait3A_1294 = tpu.memref_squeeze %dma_wait3A_1293 : memref<1x32x768xf32, #tpu.memory_space<hbm>> -> memref<32x768xf32, #tpu.memory_space<hbm>>
    %dma_wait3A_1295 = arith.constant 0 : i32
    %dma_wait3A_1296 = tpu.memref_slice %arg5[%select_n3A_1135, %add3A_1178, %dma_wait3A_1295] : memref<4x8192x768xf32, #tpu.memory_space<hbm>> -> memref<1x32x768xf32, #tpu.memory_space<hbm>>
    %dma_wait3A_1297 = tpu.memref_squeeze %dma_wait3A_1296 : memref<1x32x768xf32, #tpu.memory_space<hbm>> -> memref<32x768xf32, #tpu.memory_space<hbm>>
    tpu.wait_dma2 semaphore(%arg19 : memref<!tpu.dma_semaphore, #tpu.memory_space<semaphore_mem>>) src(%arg11 : memref<32x768xf32, #tpu.memory_space<vmem>>) dst(%dma_wait3A_1297 : memref<32x768xf32, #tpu.memory_space<hbm>>)
    %dma_start3A_1298 = arith.constant 448 : i32
    %dma_start3A_1299 = tpu.memref_slice %arg8[%dma_start3A_1298] : memref<1024xi32, #tpu.memory_space<vmem>> -> memref<32xi32, #tpu.memory_space<vmem>>
    %dma_start3A_1300 = arith.constant 0 : i32
    %dma_start3A_1301 = arith.constant 0 : i32
    %dma_start3A_1302 = tpu.memref_slice %arg2[%dma_start3A_1300, %dma_start3A_1301] : memref<16384x768xf32, #tpu.memory_space<hbm>> -> memref<16384x768xf32, #tpu.memory_space<hbm>>
    tpu.enqueue_indirect_dma source(%dma_start3A_1302 : memref<16384x768xf32, #tpu.memory_space<hbm>>) target(%arg11 : memref<32x768xf32, #tpu.memory_space<vmem>>) offsets(%dma_start3A_1299 : memref<32xi32, #tpu.memory_space<vmem>>) semaphore(%arg15 : memref<!tpu.dma_semaphore, #tpu.memory_space<semaphore_mem>>)
    %dma_wait3A_1303 = arith.constant 384 : i32
    %dma_wait3A_1304 = tpu.memref_slice %arg8[%dma_wait3A_1303] : memref<1024xi32, #tpu.memory_space<vmem>> -> memref<32xi32, #tpu.memory_space<vmem>>
    %dma_wait3A_1305 = arith.constant 0 : i32
    %dma_wait3A_1306 = arith.constant 0 : i32
    %dma_wait3A_1307 = tpu.memref_slice %arg2[%dma_wait3A_1305, %dma_wait3A_1306] : memref<16384x768xf32, #tpu.memory_space<hbm>> -> memref<16384x768xf32, #tpu.memory_space<hbm>>
    tpu.wait_indirect_dma semaphore(%arg13 : memref<!tpu.dma_semaphore, #tpu.memory_space<semaphore_mem>>) src(%dma_wait3A_1307 : memref<16384x768xf32, #tpu.memory_space<hbm>>) dst(%arg9 : memref<32x768xf32, #tpu.memory_space<vmem>>)
    %add3A_1308 = arith.constant 384 : i32
    %add3A_1309 = arith.addi %mul3A_2, %add3A_1308 : i32
    %jit3A_1310 = arith.constant 128 : i32
    %div3A_1311 = arith.divsi %add3A_1309, %jit3A_1310 : i32
    %sign3A_1312 = arith.constant 0 : i32
    %sign3A_1313 = arith.cmpi sgt, %add3A_1309, %sign3A_1312 : i32
    %sign3A_1314 = arith.extui %sign3A_1313 : i1 to i32
    %sign3A_1315 = arith.constant 0 : i32
    %sign3A_1316 = arith.cmpi slt, %add3A_1309, %sign3A_1315 : i32
    %sign3A_1317 = arith.extui %sign3A_1316 : i1 to i32
    %sign3A_1318 = arith.subi %sign3A_1314, %sign3A_1317 : i32
    %sign3A_1319 = arith.constant 0 : i32
    %sign3A_1320 = arith.cmpi sgt, %jit3A_1310, %sign3A_1319 : i32
    %sign3A_1321 = arith.extui %sign3A_1320 : i1 to i32
    %sign3A_1322 = arith.constant 0 : i32
    %sign3A_1323 = arith.cmpi slt, %jit3A_1310, %sign3A_1322 : i32
    %sign3A_1324 = arith.extui %sign3A_1323 : i1 to i32
    %sign3A_1325 = arith.subi %sign3A_1321, %sign3A_1324 : i32
    %ne3A_1326 = arith.cmpi ne, %sign3A_1318, %sign3A_1325 : i32
    %rem3A_1327 = arith.remsi %add3A_1309, %jit3A_1310 : i32
    %ne3A_1328 = arith.constant 0 : i32
    %ne3A_1329 = arith.cmpi ne, %rem3A_1327, %ne3A_1328 : i32
    %and3A_1330 = arith.andi %ne3A_1326, %ne3A_1329 : i1
    %sub3A_1331 = arith.constant 1 : i32
    %sub3A_1332 = arith.subi %div3A_1311, %sub3A_1331 : i32
    %select_n3A_1333 = arith.select %and3A_1330, %sub3A_1332, %div3A_1311 : i32
    %jit3A_1334 = arith.constant 4 : i32
    %eq3A_1335 = arith.constant 0 : i32
    %eq3A_1336 = arith.cmpi eq, %jit3A_1334, %eq3A_1335 : i32
    %jit3A_1337 = arith.constant 1 : i32
    %select_n3A_1338 = arith.select %eq3A_1336, %jit3A_1337, %jit3A_1334 : i32
    %rem3A_1339 = arith.remsi %select_n3A_1333, %select_n3A_1338 : i32
    %ne3A_1340 = arith.constant 0 : i32
    %ne3A_1341 = arith.cmpi ne, %rem3A_1339, %ne3A_1340 : i32
    %lt3A_1342 = arith.constant 0 : i32
    %lt3A_1343 = arith.cmpi slt, %rem3A_1339, %lt3A_1342 : i32
    %lt3A_1344 = arith.constant 0 : i32
    %lt3A_1345 = arith.cmpi slt, %select_n3A_1338, %lt3A_1344 : i32
    %ne3A_1346 = arith.xori %lt3A_1343, %lt3A_1345 : i1
    %and3A_1347 = arith.andi %ne3A_1346, %ne3A_1341 : i1
    %add3A_1348 = arith.addi %rem3A_1339, %select_n3A_1338 : i32
    %select_n3A_1349 = arith.select %and3A_1347, %add3A_1348, %rem3A_1339 : i32
    %jit3A_1350 = arith.constant 512 : i32
    %div3A_1351 = arith.divsi %add3A_1309, %jit3A_1350 : i32
    %sign3A_1352 = arith.constant 0 : i32
    %sign3A_1353 = arith.cmpi sgt, %add3A_1309, %sign3A_1352 : i32
    %sign3A_1354 = arith.extui %sign3A_1353 : i1 to i32
    %sign3A_1355 = arith.constant 0 : i32
    %sign3A_1356 = arith.cmpi slt, %add3A_1309, %sign3A_1355 : i32
    %sign3A_1357 = arith.extui %sign3A_1356 : i1 to i32
    %sign3A_1358 = arith.subi %sign3A_1354, %sign3A_1357 : i32
    %sign3A_1359 = arith.constant 0 : i32
    %sign3A_1360 = arith.cmpi sgt, %jit3A_1350, %sign3A_1359 : i32
    %sign3A_1361 = arith.extui %sign3A_1360 : i1 to i32
    %sign3A_1362 = arith.constant 0 : i32
    %sign3A_1363 = arith.cmpi slt, %jit3A_1350, %sign3A_1362 : i32
    %sign3A_1364 = arith.extui %sign3A_1363 : i1 to i32
    %sign3A_1365 = arith.subi %sign3A_1361, %sign3A_1364 : i32
    %ne3A_1366 = arith.cmpi ne, %sign3A_1358, %sign3A_1365 : i32
    %rem3A_1367 = arith.remsi %add3A_1309, %jit3A_1350 : i32
    %ne3A_1368 = arith.constant 0 : i32
    %ne3A_1369 = arith.cmpi ne, %rem3A_1367, %ne3A_1368 : i32
    %and3A_1370 = arith.andi %ne3A_1366, %ne3A_1369 : i1
    %sub3A_1371 = arith.constant 1 : i32
    %sub3A_1372 = arith.subi %div3A_1351, %sub3A_1371 : i32
    %select_n3A_1373 = arith.select %and3A_1370, %sub3A_1372, %div3A_1351 : i32
    %mul3A_1374 = arith.constant 128 : i32
    %mul3A_1375 = arith.muli %select_n3A_1373, %mul3A_1374 : i32
    %jit3A_1376 = arith.constant 128 : i32
    %eq3A_1377 = arith.constant 0 : i32
    %eq3A_1378 = arith.cmpi eq, %jit3A_1376, %eq3A_1377 : i32
    %jit3A_1379 = arith.constant 1 : i32
    %select_n3A_1380 = arith.select %eq3A_1378, %jit3A_1379, %jit3A_1376 : i32
    %rem3A_1381 = arith.remsi %add3A_1309, %select_n3A_1380 : i32
    %ne3A_1382 = arith.constant 0 : i32
    %ne3A_1383 = arith.cmpi ne, %rem3A_1381, %ne3A_1382 : i32
    %lt3A_1384 = arith.constant 0 : i32
    %lt3A_1385 = arith.cmpi slt, %rem3A_1381, %lt3A_1384 : i32
    %lt3A_1386 = arith.constant 0 : i32
    %lt3A_1387 = arith.cmpi slt, %select_n3A_1380, %lt3A_1386 : i32
    %ne3A_1388 = arith.xori %lt3A_1385, %lt3A_1387 : i1
    %and3A_1389 = arith.andi %ne3A_1388, %ne3A_1383 : i1
    %add3A_1390 = arith.addi %rem3A_1381, %select_n3A_1380 : i32
    %select_n3A_1391 = arith.select %and3A_1389, %add3A_1390, %rem3A_1381 : i32
    %add3A_1392 = arith.addi %mul3A_1375, %select_n3A_1391 : i32
    %dma_start3A_1393 = arith.constant 0 : i32
    %dma_start3A_1394 = tpu.memref_slice %arg5[%select_n3A_1349, %add3A_1392, %dma_start3A_1393] : memref<4x8192x768xf32, #tpu.memory_space<hbm>> -> memref<1x32x768xf32, #tpu.memory_space<hbm>>
    %dma_start3A_1395 = tpu.memref_squeeze %dma_start3A_1394 : memref<1x32x768xf32, #tpu.memory_space<hbm>> -> memref<32x768xf32, #tpu.memory_space<hbm>>
    %dma_start3A_1396 = arith.constant 0 : i32
    %dma_start3A_1397 = tpu.memref_slice %arg5[%select_n3A_1349, %add3A_1392, %dma_start3A_1396] : memref<4x8192x768xf32, #tpu.memory_space<hbm>> -> memref<1x32x768xf32, #tpu.memory_space<hbm>>
    %dma_start3A_1398 = tpu.memref_squeeze %dma_start3A_1397 : memref<1x32x768xf32, #tpu.memory_space<hbm>> -> memref<32x768xf32, #tpu.memory_space<hbm>>
    tpu.enqueue_dma source(%arg9 : memref<32x768xf32, #tpu.memory_space<vmem>>) target(%dma_start3A_1398 : memref<32x768xf32, #tpu.memory_space<hbm>>) target_semaphore(%arg17 : memref<!tpu.dma_semaphore, #tpu.memory_space<semaphore_mem>>)
    %dma_wait3A_1399 = arith.constant 0 : i32
    %dma_wait3A_1400 = tpu.memref_slice %arg5[%select_n3A_1242, %add3A_1285, %dma_wait3A_1399] : memref<4x8192x768xf32, #tpu.memory_space<hbm>> -> memref<1x32x768xf32, #tpu.memory_space<hbm>>
    %dma_wait3A_1401 = tpu.memref_squeeze %dma_wait3A_1400 : memref<1x32x768xf32, #tpu.memory_space<hbm>> -> memref<32x768xf32, #tpu.memory_space<hbm>>
    %dma_wait3A_1402 = arith.constant 0 : i32
    %dma_wait3A_1403 = tpu.memref_slice %arg5[%select_n3A_1242, %add3A_1285, %dma_wait3A_1402] : memref<4x8192x768xf32, #tpu.memory_space<hbm>> -> memref<1x32x768xf32, #tpu.memory_space<hbm>>
    %dma_wait3A_1404 = tpu.memref_squeeze %dma_wait3A_1403 : memref<1x32x768xf32, #tpu.memory_space<hbm>> -> memref<32x768xf32, #tpu.memory_space<hbm>>
    tpu.wait_dma2 semaphore(%arg20 : memref<!tpu.dma_semaphore, #tpu.memory_space<semaphore_mem>>) src(%arg12 : memref<32x768xf32, #tpu.memory_space<vmem>>) dst(%dma_wait3A_1404 : memref<32x768xf32, #tpu.memory_space<hbm>>)
    %dma_start3A_1405 = arith.constant 480 : i32
    %dma_start3A_1406 = tpu.memref_slice %arg8[%dma_start3A_1405] : memref<1024xi32, #tpu.memory_space<vmem>> -> memref<32xi32, #tpu.memory_space<vmem>>
    %dma_start3A_1407 = arith.constant 0 : i32
    %dma_start3A_1408 = arith.constant 0 : i32
    %dma_start3A_1409 = tpu.memref_slice %arg2[%dma_start3A_1407, %dma_start3A_1408] : memref<16384x768xf32, #tpu.memory_space<hbm>> -> memref<16384x768xf32, #tpu.memory_space<hbm>>
    tpu.enqueue_indirect_dma source(%dma_start3A_1409 : memref<16384x768xf32, #tpu.memory_space<hbm>>) target(%arg12 : memref<32x768xf32, #tpu.memory_space<vmem>>) offsets(%dma_start3A_1406 : memref<32xi32, #tpu.memory_space<vmem>>) semaphore(%arg16 : memref<!tpu.dma_semaphore, #tpu.memory_space<semaphore_mem>>)
    %dma_wait3A_1410 = arith.constant 416 : i32
    %dma_wait3A_1411 = tpu.memref_slice %arg8[%dma_wait3A_1410] : memref<1024xi32, #tpu.memory_space<vmem>> -> memref<32xi32, #tpu.memory_space<vmem>>
    %dma_wait3A_1412 = arith.constant 0 : i32
    %dma_wait3A_1413 = arith.constant 0 : i32
    %dma_wait3A_1414 = tpu.memref_slice %arg2[%dma_wait3A_1412, %dma_wait3A_1413] : memref<16384x768xf32, #tpu.memory_space<hbm>> -> memref<16384x768xf32, #tpu.memory_space<hbm>>
    tpu.wait_indirect_dma semaphore(%arg14 : memref<!tpu.dma_semaphore, #tpu.memory_space<semaphore_mem>>) src(%dma_wait3A_1414 : memref<16384x768xf32, #tpu.memory_space<hbm>>) dst(%arg10 : memref<32x768xf32, #tpu.memory_space<vmem>>)
    %add3A_1415 = arith.constant 416 : i32
    %add3A_1416 = arith.addi %mul3A_2, %add3A_1415 : i32
    %jit3A_1417 = arith.constant 128 : i32
    %div3A_1418 = arith.divsi %add3A_1416, %jit3A_1417 : i32
    %sign3A_1419 = arith.constant 0 : i32
    %sign3A_1420 = arith.cmpi sgt, %add3A_1416, %sign3A_1419 : i32
    %sign3A_1421 = arith.extui %sign3A_1420 : i1 to i32
    %sign3A_1422 = arith.constant 0 : i32
    %sign3A_1423 = arith.cmpi slt, %add3A_1416, %sign3A_1422 : i32
    %sign3A_1424 = arith.extui %sign3A_1423 : i1 to i32
    %sign3A_1425 = arith.subi %sign3A_1421, %sign3A_1424 : i32
    %sign3A_1426 = arith.constant 0 : i32
    %sign3A_1427 = arith.cmpi sgt, %jit3A_1417, %sign3A_1426 : i32
    %sign3A_1428 = arith.extui %sign3A_1427 : i1 to i32
    %sign3A_1429 = arith.constant 0 : i32
    %sign3A_1430 = arith.cmpi slt, %jit3A_1417, %sign3A_1429 : i32
    %sign3A_1431 = arith.extui %sign3A_1430 : i1 to i32
    %sign3A_1432 = arith.subi %sign3A_1428, %sign3A_1431 : i32
    %ne3A_1433 = arith.cmpi ne, %sign3A_1425, %sign3A_1432 : i32
    %rem3A_1434 = arith.remsi %add3A_1416, %jit3A_1417 : i32
    %ne3A_1435 = arith.constant 0 : i32
    %ne3A_1436 = arith.cmpi ne, %rem3A_1434, %ne3A_1435 : i32
    %and3A_1437 = arith.andi %ne3A_1433, %ne3A_1436 : i1
    %sub3A_1438 = arith.constant 1 : i32
    %sub3A_1439 = arith.subi %div3A_1418, %sub3A_1438 : i32
    %select_n3A_1440 = arith.select %and3A_1437, %sub3A_1439, %div3A_1418 : i32
    %jit3A_1441 = arith.constant 4 : i32
    %eq3A_1442 = arith.constant 0 : i32
    %eq3A_1443 = arith.cmpi eq, %jit3A_1441, %eq3A_1442 : i32
    %jit3A_1444 = arith.constant 1 : i32
    %select_n3A_1445 = arith.select %eq3A_1443, %jit3A_1444, %jit3A_1441 : i32
    %rem3A_1446 = arith.remsi %select_n3A_1440, %select_n3A_1445 : i32
    %ne3A_1447 = arith.constant 0 : i32
    %ne3A_1448 = arith.cmpi ne, %rem3A_1446, %ne3A_1447 : i32
    %lt3A_1449 = arith.constant 0 : i32
    %lt3A_1450 = arith.cmpi slt, %rem3A_1446, %lt3A_1449 : i32
    %lt3A_1451 = arith.constant 0 : i32
    %lt3A_1452 = arith.cmpi slt, %select_n3A_1445, %lt3A_1451 : i32
    %ne3A_1453 = arith.xori %lt3A_1450, %lt3A_1452 : i1
    %and3A_1454 = arith.andi %ne3A_1453, %ne3A_1448 : i1
    %add3A_1455 = arith.addi %rem3A_1446, %select_n3A_1445 : i32
    %select_n3A_1456 = arith.select %and3A_1454, %add3A_1455, %rem3A_1446 : i32
    %jit3A_1457 = arith.constant 512 : i32
    %div3A_1458 = arith.divsi %add3A_1416, %jit3A_1457 : i32
    %sign3A_1459 = arith.constant 0 : i32
    %sign3A_1460 = arith.cmpi sgt, %add3A_1416, %sign3A_1459 : i32
    %sign3A_1461 = arith.extui %sign3A_1460 : i1 to i32
    %sign3A_1462 = arith.constant 0 : i32
    %sign3A_1463 = arith.cmpi slt, %add3A_1416, %sign3A_1462 : i32
    %sign3A_1464 = arith.extui %sign3A_1463 : i1 to i32
    %sign3A_1465 = arith.subi %sign3A_1461, %sign3A_1464 : i32
    %sign3A_1466 = arith.constant 0 : i32
    %sign3A_1467 = arith.cmpi sgt, %jit3A_1457, %sign3A_1466 : i32
    %sign3A_1468 = arith.extui %sign3A_1467 : i1 to i32
    %sign3A_1469 = arith.constant 0 : i32
    %sign3A_1470 = arith.cmpi slt, %jit3A_1457, %sign3A_1469 : i32
    %sign3A_1471 = arith.extui %sign3A_1470 : i1 to i32
    %sign3A_1472 = arith.subi %sign3A_1468, %sign3A_1471 : i32
    %ne3A_1473 = arith.cmpi ne, %sign3A_1465, %sign3A_1472 : i32
    %rem3A_1474 = arith.remsi %add3A_1416, %jit3A_1457 : i32
    %ne3A_1475 = arith.constant 0 : i32
    %ne3A_1476 = arith.cmpi ne, %rem3A_1474, %ne3A_1475 : i32
    %and3A_1477 = arith.andi %ne3A_1473, %ne3A_1476 : i1
    %sub3A_1478 = arith.constant 1 : i32
    %sub3A_1479 = arith.subi %div3A_1458, %sub3A_1478 : i32
    %select_n3A_1480 = arith.select %and3A_1477, %sub3A_1479, %div3A_1458 : i32
    %mul3A_1481 = arith.constant 128 : i32
    %mul3A_1482 = arith.muli %select_n3A_1480, %mul3A_1481 : i32
    %jit3A_1483 = arith.constant 128 : i32
    %eq3A_1484 = arith.constant 0 : i32
    %eq3A_1485 = arith.cmpi eq, %jit3A_1483, %eq3A_1484 : i32
    %jit3A_1486 = arith.constant 1 : i32
    %select_n3A_1487 = arith.select %eq3A_1485, %jit3A_1486, %jit3A_1483 : i32
    %rem3A_1488 = arith.remsi %add3A_1416, %select_n3A_1487 : i32
    %ne3A_1489 = arith.constant 0 : i32
    %ne3A_1490 = arith.cmpi ne, %rem3A_1488, %ne3A_1489 : i32
    %lt3A_1491 = arith.constant 0 : i32
    %lt3A_1492 = arith.cmpi slt, %rem3A_1488, %lt3A_1491 : i32
    %lt3A_1493 = arith.constant 0 : i32
    %lt3A_1494 = arith.cmpi slt, %select_n3A_1487, %lt3A_1493 : i32
    %ne3A_1495 = arith.xori %lt3A_1492, %lt3A_1494 : i1
    %and3A_1496 = arith.andi %ne3A_1495, %ne3A_1490 : i1
    %add3A_1497 = arith.addi %rem3A_1488, %select_n3A_1487 : i32
    %select_n3A_1498 = arith.select %and3A_1496, %add3A_1497, %rem3A_1488 : i32
    %add3A_1499 = arith.addi %mul3A_1482, %select_n3A_1498 : i32
    %dma_start3A_1500 = arith.constant 0 : i32
    %dma_start3A_1501 = tpu.memref_slice %arg5[%select_n3A_1456, %add3A_1499, %dma_start3A_1500] : memref<4x8192x768xf32, #tpu.memory_space<hbm>> -> memref<1x32x768xf32, #tpu.memory_space<hbm>>
    %dma_start3A_1502 = tpu.memref_squeeze %dma_start3A_1501 : memref<1x32x768xf32, #tpu.memory_space<hbm>> -> memref<32x768xf32, #tpu.memory_space<hbm>>
    %dma_start3A_1503 = arith.constant 0 : i32
    %dma_start3A_1504 = tpu.memref_slice %arg5[%select_n3A_1456, %add3A_1499, %dma_start3A_1503] : memref<4x8192x768xf32, #tpu.memory_space<hbm>> -> memref<1x32x768xf32, #tpu.memory_space<hbm>>
    %dma_start3A_1505 = tpu.memref_squeeze %dma_start3A_1504 : memref<1x32x768xf32, #tpu.memory_space<hbm>> -> memref<32x768xf32, #tpu.memory_space<hbm>>
    tpu.enqueue_dma source(%arg10 : memref<32x768xf32, #tpu.memory_space<vmem>>) target(%dma_start3A_1505 : memref<32x768xf32, #tpu.memory_space<hbm>>) target_semaphore(%arg18 : memref<!tpu.dma_semaphore, #tpu.memory_space<semaphore_mem>>)
    %dma_wait3A_1506 = arith.constant 0 : i32
    %dma_wait3A_1507 = tpu.memref_slice %arg5[%select_n3A_1349, %add3A_1392, %dma_wait3A_1506] : memref<4x8192x768xf32, #tpu.memory_space<hbm>> -> memref<1x32x768xf32, #tpu.memory_space<hbm>>
    %dma_wait3A_1508 = tpu.memref_squeeze %dma_wait3A_1507 : memref<1x32x768xf32, #tpu.memory_space<hbm>> -> memref<32x768xf32, #tpu.memory_space<hbm>>
    %dma_wait3A_1509 = arith.constant 0 : i32
    %dma_wait3A_1510 = tpu.memref_slice %arg5[%select_n3A_1349, %add3A_1392, %dma_wait3A_1509] : memref<4x8192x768xf32, #tpu.memory_space<hbm>> -> memref<1x32x768xf32, #tpu.memory_space<hbm>>
    %dma_wait3A_1511 = tpu.memref_squeeze %dma_wait3A_1510 : memref<1x32x768xf32, #tpu.memory_space<hbm>> -> memref<32x768xf32, #tpu.memory_space<hbm>>
    tpu.wait_dma2 semaphore(%arg17 : memref<!tpu.dma_semaphore, #tpu.memory_space<semaphore_mem>>) src(%arg9 : memref<32x768xf32, #tpu.memory_space<vmem>>) dst(%dma_wait3A_1511 : memref<32x768xf32, #tpu.memory_space<hbm>>)
    %dma_start3A_1512 = arith.constant 512 : i32
    %dma_start3A_1513 = tpu.memref_slice %arg8[%dma_start3A_1512] : memref<1024xi32, #tpu.memory_space<vmem>> -> memref<32xi32, #tpu.memory_space<vmem>>
    %dma_start3A_1514 = arith.constant 0 : i32
    %dma_start3A_1515 = arith.constant 0 : i32
    %dma_start3A_1516 = tpu.memref_slice %arg2[%dma_start3A_1514, %dma_start3A_1515] : memref<16384x768xf32, #tpu.memory_space<hbm>> -> memref<16384x768xf32, #tpu.memory_space<hbm>>
    tpu.enqueue_indirect_dma source(%dma_start3A_1516 : memref<16384x768xf32, #tpu.memory_space<hbm>>) target(%arg9 : memref<32x768xf32, #tpu.memory_space<vmem>>) offsets(%dma_start3A_1513 : memref<32xi32, #tpu.memory_space<vmem>>) semaphore(%arg13 : memref<!tpu.dma_semaphore, #tpu.memory_space<semaphore_mem>>)
    %dma_wait3A_1517 = arith.constant 448 : i32
    %dma_wait3A_1518 = tpu.memref_slice %arg8[%dma_wait3A_1517] : memref<1024xi32, #tpu.memory_space<vmem>> -> memref<32xi32, #tpu.memory_space<vmem>>
    %dma_wait3A_1519 = arith.constant 0 : i32
    %dma_wait3A_1520 = arith.constant 0 : i32
    %dma_wait3A_1521 = tpu.memref_slice %arg2[%dma_wait3A_1519, %dma_wait3A_1520] : memref<16384x768xf32, #tpu.memory_space<hbm>> -> memref<16384x768xf32, #tpu.memory_space<hbm>>
    tpu.wait_indirect_dma semaphore(%arg15 : memref<!tpu.dma_semaphore, #tpu.memory_space<semaphore_mem>>) src(%dma_wait3A_1521 : memref<16384x768xf32, #tpu.memory_space<hbm>>) dst(%arg11 : memref<32x768xf32, #tpu.memory_space<vmem>>)
    %add3A_1522 = arith.constant 448 : i32
    %add3A_1523 = arith.addi %mul3A_2, %add3A_1522 : i32
    %jit3A_1524 = arith.constant 128 : i32
    %div3A_1525 = arith.divsi %add3A_1523, %jit3A_1524 : i32
    %sign3A_1526 = arith.constant 0 : i32
    %sign3A_1527 = arith.cmpi sgt, %add3A_1523, %sign3A_1526 : i32
    %sign3A_1528 = arith.extui %sign3A_1527 : i1 to i32
    %sign3A_1529 = arith.constant 0 : i32
    %sign3A_1530 = arith.cmpi slt, %add3A_1523, %sign3A_1529 : i32
    %sign3A_1531 = arith.extui %sign3A_1530 : i1 to i32
    %sign3A_1532 = arith.subi %sign3A_1528, %sign3A_1531 : i32
    %sign3A_1533 = arith.constant 0 : i32
    %sign3A_1534 = arith.cmpi sgt, %jit3A_1524, %sign3A_1533 : i32
    %sign3A_1535 = arith.extui %sign3A_1534 : i1 to i32
    %sign3A_1536 = arith.constant 0 : i32
    %sign3A_1537 = arith.cmpi slt, %jit3A_1524, %sign3A_1536 : i32
    %sign3A_1538 = arith.extui %sign3A_1537 : i1 to i32
    %sign3A_1539 = arith.subi %sign3A_1535, %sign3A_1538 : i32
    %ne3A_1540 = arith.cmpi ne, %sign3A_1532, %sign3A_1539 : i32
    %rem3A_1541 = arith.remsi %add3A_1523, %jit3A_1524 : i32
    %ne3A_1542 = arith.constant 0 : i32
    %ne3A_1543 = arith.cmpi ne, %rem3A_1541, %ne3A_1542 : i32
    %and3A_1544 = arith.andi %ne3A_1540, %ne3A_1543 : i1
    %sub3A_1545 = arith.constant 1 : i32
    %sub3A_1546 = arith.subi %div3A_1525, %sub3A_1545 : i32
    %select_n3A_1547 = arith.select %and3A_1544, %sub3A_1546, %div3A_1525 : i32
    %jit3A_1548 = arith.constant 4 : i32
    %eq3A_1549 = arith.constant 0 : i32
    %eq3A_1550 = arith.cmpi eq, %jit3A_1548, %eq3A_1549 : i32
    %jit3A_1551 = arith.constant 1 : i32
    %select_n3A_1552 = arith.select %eq3A_1550, %jit3A_1551, %jit3A_1548 : i32
    %rem3A_1553 = arith.remsi %select_n3A_1547, %select_n3A_1552 : i32
    %ne3A_1554 = arith.constant 0 : i32
    %ne3A_1555 = arith.cmpi ne, %rem3A_1553, %ne3A_1554 : i32
    %lt3A_1556 = arith.constant 0 : i32
    %lt3A_1557 = arith.cmpi slt, %rem3A_1553, %lt3A_1556 : i32
    %lt3A_1558 = arith.constant 0 : i32
    %lt3A_1559 = arith.cmpi slt, %select_n3A_1552, %lt3A_1558 : i32
    %ne3A_1560 = arith.xori %lt3A_1557, %lt3A_1559 : i1
    %and3A_1561 = arith.andi %ne3A_1560, %ne3A_1555 : i1
    %add3A_1562 = arith.addi %rem3A_1553, %select_n3A_1552 : i32
    %select_n3A_1563 = arith.select %and3A_1561, %add3A_1562, %rem3A_1553 : i32
    %jit3A_1564 = arith.constant 512 : i32
    %div3A_1565 = arith.divsi %add3A_1523, %jit3A_1564 : i32
    %sign3A_1566 = arith.constant 0 : i32
    %sign3A_1567 = arith.cmpi sgt, %add3A_1523, %sign3A_1566 : i32
    %sign3A_1568 = arith.extui %sign3A_1567 : i1 to i32
    %sign3A_1569 = arith.constant 0 : i32
    %sign3A_1570 = arith.cmpi slt, %add3A_1523, %sign3A_1569 : i32
    %sign3A_1571 = arith.extui %sign3A_1570 : i1 to i32
    %sign3A_1572 = arith.subi %sign3A_1568, %sign3A_1571 : i32
    %sign3A_1573 = arith.constant 0 : i32
    %sign3A_1574 = arith.cmpi sgt, %jit3A_1564, %sign3A_1573 : i32
    %sign3A_1575 = arith.extui %sign3A_1574 : i1 to i32
    %sign3A_1576 = arith.constant 0 : i32
    %sign3A_1577 = arith.cmpi slt, %jit3A_1564, %sign3A_1576 : i32
    %sign3A_1578 = arith.extui %sign3A_1577 : i1 to i32
    %sign3A_1579 = arith.subi %sign3A_1575, %sign3A_1578 : i32
    %ne3A_1580 = arith.cmpi ne, %sign3A_1572, %sign3A_1579 : i32
    %rem3A_1581 = arith.remsi %add3A_1523, %jit3A_1564 : i32
    %ne3A_1582 = arith.constant 0 : i32
    %ne3A_1583 = arith.cmpi ne, %rem3A_1581, %ne3A_1582 : i32
    %and3A_1584 = arith.andi %ne3A_1580, %ne3A_1583 : i1
    %sub3A_1585 = arith.constant 1 : i32
    %sub3A_1586 = arith.subi %div3A_1565, %sub3A_1585 : i32
    %select_n3A_1587 = arith.select %and3A_1584, %sub3A_1586, %div3A_1565 : i32
    %mul3A_1588 = arith.constant 128 : i32
    %mul3A_1589 = arith.muli %select_n3A_1587, %mul3A_1588 : i32
    %jit3A_1590 = arith.constant 128 : i32
    %eq3A_1591 = arith.constant 0 : i32
    %eq3A_1592 = arith.cmpi eq, %jit3A_1590, %eq3A_1591 : i32
    %jit3A_1593 = arith.constant 1 : i32
    %select_n3A_1594 = arith.select %eq3A_1592, %jit3A_1593, %jit3A_1590 : i32
    %rem3A_1595 = arith.remsi %add3A_1523, %select_n3A_1594 : i32
    %ne3A_1596 = arith.constant 0 : i32
    %ne3A_1597 = arith.cmpi ne, %rem3A_1595, %ne3A_1596 : i32
    %lt3A_1598 = arith.constant 0 : i32
    %lt3A_1599 = arith.cmpi slt, %rem3A_1595, %lt3A_1598 : i32
    %lt3A_1600 = arith.constant 0 : i32
    %lt3A_1601 = arith.cmpi slt, %select_n3A_1594, %lt3A_1600 : i32
    %ne3A_1602 = arith.xori %lt3A_1599, %lt3A_1601 : i1
    %and3A_1603 = arith.andi %ne3A_1602, %ne3A_1597 : i1
    %add3A_1604 = arith.addi %rem3A_1595, %select_n3A_1594 : i32
    %select_n3A_1605 = arith.select %and3A_1603, %add3A_1604, %rem3A_1595 : i32
    %add3A_1606 = arith.addi %mul3A_1589, %select_n3A_1605 : i32
    %dma_start3A_1607 = arith.constant 0 : i32
    %dma_start3A_1608 = tpu.memref_slice %arg5[%select_n3A_1563, %add3A_1606, %dma_start3A_1607] : memref<4x8192x768xf32, #tpu.memory_space<hbm>> -> memref<1x32x768xf32, #tpu.memory_space<hbm>>
    %dma_start3A_1609 = tpu.memref_squeeze %dma_start3A_1608 : memref<1x32x768xf32, #tpu.memory_space<hbm>> -> memref<32x768xf32, #tpu.memory_space<hbm>>
    %dma_start3A_1610 = arith.constant 0 : i32
    %dma_start3A_1611 = tpu.memref_slice %arg5[%select_n3A_1563, %add3A_1606, %dma_start3A_1610] : memref<4x8192x768xf32, #tpu.memory_space<hbm>> -> memref<1x32x768xf32, #tpu.memory_space<hbm>>
    %dma_start3A_1612 = tpu.memref_squeeze %dma_start3A_1611 : memref<1x32x768xf32, #tpu.memory_space<hbm>> -> memref<32x768xf32, #tpu.memory_space<hbm>>
    tpu.enqueue_dma source(%arg11 : memref<32x768xf32, #tpu.memory_space<vmem>>) target(%dma_start3A_1612 : memref<32x768xf32, #tpu.memory_space<hbm>>) target_semaphore(%arg19 : memref<!tpu.dma_semaphore, #tpu.memory_space<semaphore_mem>>)
    %dma_wait3A_1613 = arith.constant 0 : i32
    %dma_wait3A_1614 = tpu.memref_slice %arg5[%select_n3A_1456, %add3A_1499, %dma_wait3A_1613] : memref<4x8192x768xf32, #tpu.memory_space<hbm>> -> memref<1x32x768xf32, #tpu.memory_space<hbm>>
    %dma_wait3A_1615 = tpu.memref_squeeze %dma_wait3A_1614 : memref<1x32x768xf32, #tpu.memory_space<hbm>> -> memref<32x768xf32, #tpu.memory_space<hbm>>
    %dma_wait3A_1616 = arith.constant 0 : i32
    %dma_wait3A_1617 = tpu.memref_slice %arg5[%select_n3A_1456, %add3A_1499, %dma_wait3A_1616] : memref<4x8192x768xf32, #tpu.memory_space<hbm>> -> memref<1x32x768xf32, #tpu.memory_space<hbm>>
    %dma_wait3A_1618 = tpu.memref_squeeze %dma_wait3A_1617 : memref<1x32x768xf32, #tpu.memory_space<hbm>> -> memref<32x768xf32, #tpu.memory_space<hbm>>
    tpu.wait_dma2 semaphore(%arg18 : memref<!tpu.dma_semaphore, #tpu.memory_space<semaphore_mem>>) src(%arg10 : memref<32x768xf32, #tpu.memory_space<vmem>>) dst(%dma_wait3A_1618 : memref<32x768xf32, #tpu.memory_space<hbm>>)
    %dma_start3A_1619 = arith.constant 544 : i32
    %dma_start3A_1620 = tpu.memref_slice %arg8[%dma_start3A_1619] : memref<1024xi32, #tpu.memory_space<vmem>> -> memref<32xi32, #tpu.memory_space<vmem>>
    %dma_start3A_1621 = arith.constant 0 : i32
    %dma_start3A_1622 = arith.constant 0 : i32
    %dma_start3A_1623 = tpu.memref_slice %arg2[%dma_start3A_1621, %dma_start3A_1622] : memref<16384x768xf32, #tpu.memory_space<hbm>> -> memref<16384x768xf32, #tpu.memory_space<hbm>>
    tpu.enqueue_indirect_dma source(%dma_start3A_1623 : memref<16384x768xf32, #tpu.memory_space<hbm>>) target(%arg10 : memref<32x768xf32, #tpu.memory_space<vmem>>) offsets(%dma_start3A_1620 : memref<32xi32, #tpu.memory_space<vmem>>) semaphore(%arg14 : memref<!tpu.dma_semaphore, #tpu.memory_space<semaphore_mem>>)
    %dma_wait3A_1624 = arith.constant 480 : i32
    %dma_wait3A_1625 = tpu.memref_slice %arg8[%dma_wait3A_1624] : memref<1024xi32, #tpu.memory_space<vmem>> -> memref<32xi32, #tpu.memory_space<vmem>>
    %dma_wait3A_1626 = arith.constant 0 : i32
    %dma_wait3A_1627 = arith.constant 0 : i32
    %dma_wait3A_1628 = tpu.memref_slice %arg2[%dma_wait3A_1626, %dma_wait3A_1627] : memref<16384x768xf32, #tpu.memory_space<hbm>> -> memref<16384x768xf32, #tpu.memory_space<hbm>>
    tpu.wait_indirect_dma semaphore(%arg16 : memref<!tpu.dma_semaphore, #tpu.memory_space<semaphore_mem>>) src(%dma_wait3A_1628 : memref<16384x768xf32, #tpu.memory_space<hbm>>) dst(%arg12 : memref<32x768xf32, #tpu.memory_space<vmem>>)
    %add3A_1629 = arith.constant 480 : i32
    %add3A_1630 = arith.addi %mul3A_2, %add3A_1629 : i32
    %jit3A_1631 = arith.constant 128 : i32
    %div3A_1632 = arith.divsi %add3A_1630, %jit3A_1631 : i32
    %sign3A_1633 = arith.constant 0 : i32
    %sign3A_1634 = arith.cmpi sgt, %add3A_1630, %sign3A_1633 : i32
    %sign3A_1635 = arith.extui %sign3A_1634 : i1 to i32
    %sign3A_1636 = arith.constant 0 : i32
    %sign3A_1637 = arith.cmpi slt, %add3A_1630, %sign3A_1636 : i32
    %sign3A_1638 = arith.extui %sign3A_1637 : i1 to i32
    %sign3A_1639 = arith.subi %sign3A_1635, %sign3A_1638 : i32
    %sign3A_1640 = arith.constant 0 : i32
    %sign3A_1641 = arith.cmpi sgt, %jit3A_1631, %sign3A_1640 : i32
    %sign3A_1642 = arith.extui %sign3A_1641 : i1 to i32
    %sign3A_1643 = arith.constant 0 : i32
    %sign3A_1644 = arith.cmpi slt, %jit3A_1631, %sign3A_1643 : i32
    %sign3A_1645 = arith.extui %sign3A_1644 : i1 to i32
    %sign3A_1646 = arith.subi %sign3A_1642, %sign3A_1645 : i32
    %ne3A_1647 = arith.cmpi ne, %sign3A_1639, %sign3A_1646 : i32
    %rem3A_1648 = arith.remsi %add3A_1630, %jit3A_1631 : i32
    %ne3A_1649 = arith.constant 0 : i32
    %ne3A_1650 = arith.cmpi ne, %rem3A_1648, %ne3A_1649 : i32
    %and3A_1651 = arith.andi %ne3A_1647, %ne3A_1650 : i1
    %sub3A_1652 = arith.constant 1 : i32
    %sub3A_1653 = arith.subi %div3A_1632, %sub3A_1652 : i32
    %select_n3A_1654 = arith.select %and3A_1651, %sub3A_1653, %div3A_1632 : i32
    %jit3A_1655 = arith.constant 4 : i32
    %eq3A_1656 = arith.constant 0 : i32
    %eq3A_1657 = arith.cmpi eq, %jit3A_1655, %eq3A_1656 : i32
    %jit3A_1658 = arith.constant 1 : i32
    %select_n3A_1659 = arith.select %eq3A_1657, %jit3A_1658, %jit3A_1655 : i32
    %rem3A_1660 = arith.remsi %select_n3A_1654, %select_n3A_1659 : i32
    %ne3A_1661 = arith.constant 0 : i32
    %ne3A_1662 = arith.cmpi ne, %rem3A_1660, %ne3A_1661 : i32
    %lt3A_1663 = arith.constant 0 : i32
    %lt3A_1664 = arith.cmpi slt, %rem3A_1660, %lt3A_1663 : i32
    %lt3A_1665 = arith.constant 0 : i32
    %lt3A_1666 = arith.cmpi slt, %select_n3A_1659, %lt3A_1665 : i32
    %ne3A_1667 = arith.xori %lt3A_1664, %lt3A_1666 : i1
    %and3A_1668 = arith.andi %ne3A_1667, %ne3A_1662 : i1
    %add3A_1669 = arith.addi %rem3A_1660, %select_n3A_1659 : i32
    %select_n3A_1670 = arith.select %and3A_1668, %add3A_1669, %rem3A_1660 : i32
    %jit3A_1671 = arith.constant 512 : i32
    %div3A_1672 = arith.divsi %add3A_1630, %jit3A_1671 : i32
    %sign3A_1673 = arith.constant 0 : i32
    %sign3A_1674 = arith.cmpi sgt, %add3A_1630, %sign3A_1673 : i32
    %sign3A_1675 = arith.extui %sign3A_1674 : i1 to i32
    %sign3A_1676 = arith.constant 0 : i32
    %sign3A_1677 = arith.cmpi slt, %add3A_1630, %sign3A_1676 : i32
    %sign3A_1678 = arith.extui %sign3A_1677 : i1 to i32
    %sign3A_1679 = arith.subi %sign3A_1675, %sign3A_1678 : i32
    %sign3A_1680 = arith.constant 0 : i32
    %sign3A_1681 = arith.cmpi sgt, %jit3A_1671, %sign3A_1680 : i32
    %sign3A_1682 = arith.extui %sign3A_1681 : i1 to i32
    %sign3A_1683 = arith.constant 0 : i32
    %sign3A_1684 = arith.cmpi slt, %jit3A_1671, %sign3A_1683 : i32
    %sign3A_1685 = arith.extui %sign3A_1684 : i1 to i32
    %sign3A_1686 = arith.subi %sign3A_1682, %sign3A_1685 : i32
    %ne3A_1687 = arith.cmpi ne, %sign3A_1679, %sign3A_1686 : i32
    %rem3A_1688 = arith.remsi %add3A_1630, %jit3A_1671 : i32
    %ne3A_1689 = arith.constant 0 : i32
    %ne3A_1690 = arith.cmpi ne, %rem3A_1688, %ne3A_1689 : i32
    %and3A_1691 = arith.andi %ne3A_1687, %ne3A_1690 : i1
    %sub3A_1692 = arith.constant 1 : i32
    %sub3A_1693 = arith.subi %div3A_1672, %sub3A_1692 : i32
    %select_n3A_1694 = arith.select %and3A_1691, %sub3A_1693, %div3A_1672 : i32
    %mul3A_1695 = arith.constant 128 : i32
    %mul3A_1696 = arith.muli %select_n3A_1694, %mul3A_1695 : i32
    %jit3A_1697 = arith.constant 128 : i32
    %eq3A_1698 = arith.constant 0 : i32
    %eq3A_1699 = arith.cmpi eq, %jit3A_1697, %eq3A_1698 : i32
    %jit3A_1700 = arith.constant 1 : i32
    %select_n3A_1701 = arith.select %eq3A_1699, %jit3A_1700, %jit3A_1697 : i32
    %rem3A_1702 = arith.remsi %add3A_1630, %select_n3A_1701 : i32
    %ne3A_1703 = arith.constant 0 : i32
    %ne3A_1704 = arith.cmpi ne, %rem3A_1702, %ne3A_1703 : i32
    %lt3A_1705 = arith.constant 0 : i32
    %lt3A_1706 = arith.cmpi slt, %rem3A_1702, %lt3A_1705 : i32
    %lt3A_1707 = arith.constant 0 : i32
    %lt3A_1708 = arith.cmpi slt, %select_n3A_1701, %lt3A_1707 : i32
    %ne3A_1709 = arith.xori %lt3A_1706, %lt3A_1708 : i1
    %and3A_1710 = arith.andi %ne3A_1709, %ne3A_1704 : i1
    %add3A_1711 = arith.addi %rem3A_1702, %select_n3A_1701 : i32
    %select_n3A_1712 = arith.select %and3A_1710, %add3A_1711, %rem3A_1702 : i32
    %add3A_1713 = arith.addi %mul3A_1696, %select_n3A_1712 : i32
    %dma_start3A_1714 = arith.constant 0 : i32
    %dma_start3A_1715 = tpu.memref_slice %arg5[%select_n3A_1670, %add3A_1713, %dma_start3A_1714] : memref<4x8192x768xf32, #tpu.memory_space<hbm>> -> memref<1x32x768xf32, #tpu.memory_space<hbm>>
    %dma_start3A_1716 = tpu.memref_squeeze %dma_start3A_1715 : memref<1x32x768xf32, #tpu.memory_space<hbm>> -> memref<32x768xf32, #tpu.memory_space<hbm>>
    %dma_start3A_1717 = arith.constant 0 : i32
    %dma_start3A_1718 = tpu.memref_slice %arg5[%select_n3A_1670, %add3A_1713, %dma_start3A_1717] : memref<4x8192x768xf32, #tpu.memory_space<hbm>> -> memref<1x32x768xf32, #tpu.memory_space<hbm>>
    %dma_start3A_1719 = tpu.memref_squeeze %dma_start3A_1718 : memref<1x32x768xf32, #tpu.memory_space<hbm>> -> memref<32x768xf32, #tpu.memory_space<hbm>>
    tpu.enqueue_dma source(%arg12 : memref<32x768xf32, #tpu.memory_space<vmem>>) target(%dma_start3A_1719 : memref<32x768xf32, #tpu.memory_space<hbm>>) target_semaphore(%arg20 : memref<!tpu.dma_semaphore, #tpu.memory_space<semaphore_mem>>)
    %dma_wait3A_1720 = arith.constant 0 : i32
    %dma_wait3A_1721 = tpu.memref_slice %arg5[%select_n3A_1563, %add3A_1606, %dma_wait3A_1720] : memref<4x8192x768xf32, #tpu.memory_space<hbm>> -> memref<1x32x768xf32, #tpu.memory_space<hbm>>
    %dma_wait3A_1722 = tpu.memref_squeeze %dma_wait3A_1721 : memref<1x32x768xf32, #tpu.memory_space<hbm>> -> memref<32x768xf32, #tpu.memory_space<hbm>>
    %dma_wait3A_1723 = arith.constant 0 : i32
    %dma_wait3A_1724 = tpu.memref_slice %arg5[%select_n3A_1563, %add3A_1606, %dma_wait3A_1723] : memref<4x8192x768xf32, #tpu.memory_space<hbm>> -> memref<1x32x768xf32, #tpu.memory_space<hbm>>
    %dma_wait3A_1725 = tpu.memref_squeeze %dma_wait3A_1724 : memref<1x32x768xf32, #tpu.memory_space<hbm>> -> memref<32x768xf32, #tpu.memory_space<hbm>>
    tpu.wait_dma2 semaphore(%arg19 : memref<!tpu.dma_semaphore, #tpu.memory_space<semaphore_mem>>) src(%arg11 : memref<32x768xf32, #tpu.memory_space<vmem>>) dst(%dma_wait3A_1725 : memref<32x768xf32, #tpu.memory_space<hbm>>)
    %dma_start3A_1726 = arith.constant 576 : i32
    %dma_start3A_1727 = tpu.memref_slice %arg8[%dma_start3A_1726] : memref<1024xi32, #tpu.memory_space<vmem>> -> memref<32xi32, #tpu.memory_space<vmem>>
    %dma_start3A_1728 = arith.constant 0 : i32
    %dma_start3A_1729 = arith.constant 0 : i32
    %dma_start3A_1730 = tpu.memref_slice %arg2[%dma_start3A_1728, %dma_start3A_1729] : memref<16384x768xf32, #tpu.memory_space<hbm>> -> memref<16384x768xf32, #tpu.memory_space<hbm>>
    tpu.enqueue_indirect_dma source(%dma_start3A_1730 : memref<16384x768xf32, #tpu.memory_space<hbm>>) target(%arg11 : memref<32x768xf32, #tpu.memory_space<vmem>>) offsets(%dma_start3A_1727 : memref<32xi32, #tpu.memory_space<vmem>>) semaphore(%arg15 : memref<!tpu.dma_semaphore, #tpu.memory_space<semaphore_mem>>)
    %dma_wait3A_1731 = arith.constant 512 : i32
    %dma_wait3A_1732 = tpu.memref_slice %arg8[%dma_wait3A_1731] : memref<1024xi32, #tpu.memory_space<vmem>> -> memref<32xi32, #tpu.memory_space<vmem>>
    %dma_wait3A_1733 = arith.constant 0 : i32
    %dma_wait3A_1734 = arith.constant 0 : i32
    %dma_wait3A_1735 = tpu.memref_slice %arg2[%dma_wait3A_1733, %dma_wait3A_1734] : memref<16384x768xf32, #tpu.memory_space<hbm>> -> memref<16384x768xf32, #tpu.memory_space<hbm>>
    tpu.wait_indirect_dma semaphore(%arg13 : memref<!tpu.dma_semaphore, #tpu.memory_space<semaphore_mem>>) src(%dma_wait3A_1735 : memref<16384x768xf32, #tpu.memory_space<hbm>>) dst(%arg9 : memref<32x768xf32, #tpu.memory_space<vmem>>)
    %add3A_1736 = arith.constant 512 : i32
    %add3A_1737 = arith.addi %mul3A_2, %add3A_1736 : i32
    %jit3A_1738 = arith.constant 128 : i32
    %div3A_1739 = arith.divsi %add3A_1737, %jit3A_1738 : i32
    %sign3A_1740 = arith.constant 0 : i32
    %sign3A_1741 = arith.cmpi sgt, %add3A_1737, %sign3A_1740 : i32
    %sign3A_1742 = arith.extui %sign3A_1741 : i1 to i32
    %sign3A_1743 = arith.constant 0 : i32
    %sign3A_1744 = arith.cmpi slt, %add3A_1737, %sign3A_1743 : i32
    %sign3A_1745 = arith.extui %sign3A_1744 : i1 to i32
    %sign3A_1746 = arith.subi %sign3A_1742, %sign3A_1745 : i32
    %sign3A_1747 = arith.constant 0 : i32
    %sign3A_1748 = arith.cmpi sgt, %jit3A_1738, %sign3A_1747 : i32
    %sign3A_1749 = arith.extui %sign3A_1748 : i1 to i32
    %sign3A_1750 = arith.constant 0 : i32
    %sign3A_1751 = arith.cmpi slt, %jit3A_1738, %sign3A_1750 : i32
    %sign3A_1752 = arith.extui %sign3A_1751 : i1 to i32
    %sign3A_1753 = arith.subi %sign3A_1749, %sign3A_1752 : i32
    %ne3A_1754 = arith.cmpi ne, %sign3A_1746, %sign3A_1753 : i32
    %rem3A_1755 = arith.remsi %add3A_1737, %jit3A_1738 : i32
    %ne3A_1756 = arith.constant 0 : i32
    %ne3A_1757 = arith.cmpi ne, %rem3A_1755, %ne3A_1756 : i32
    %and3A_1758 = arith.andi %ne3A_1754, %ne3A_1757 : i1
    %sub3A_1759 = arith.constant 1 : i32
    %sub3A_1760 = arith.subi %div3A_1739, %sub3A_1759 : i32
    %select_n3A_1761 = arith.select %and3A_1758, %sub3A_1760, %div3A_1739 : i32
    %jit3A_1762 = arith.constant 4 : i32
    %eq3A_1763 = arith.constant 0 : i32
    %eq3A_1764 = arith.cmpi eq, %jit3A_1762, %eq3A_1763 : i32
    %jit3A_1765 = arith.constant 1 : i32
    %select_n3A_1766 = arith.select %eq3A_1764, %jit3A_1765, %jit3A_1762 : i32
    %rem3A_1767 = arith.remsi %select_n3A_1761, %select_n3A_1766 : i32
    %ne3A_1768 = arith.constant 0 : i32
    %ne3A_1769 = arith.cmpi ne, %rem3A_1767, %ne3A_1768 : i32
    %lt3A_1770 = arith.constant 0 : i32
    %lt3A_1771 = arith.cmpi slt, %rem3A_1767, %lt3A_1770 : i32
    %lt3A_1772 = arith.constant 0 : i32
    %lt3A_1773 = arith.cmpi slt, %select_n3A_1766, %lt3A_1772 : i32
    %ne3A_1774 = arith.xori %lt3A_1771, %lt3A_1773 : i1
    %and3A_1775 = arith.andi %ne3A_1774, %ne3A_1769 : i1
    %add3A_1776 = arith.addi %rem3A_1767, %select_n3A_1766 : i32
    %select_n3A_1777 = arith.select %and3A_1775, %add3A_1776, %rem3A_1767 : i32
    %jit3A_1778 = arith.constant 512 : i32
    %div3A_1779 = arith.divsi %add3A_1737, %jit3A_1778 : i32
    %sign3A_1780 = arith.constant 0 : i32
    %sign3A_1781 = arith.cmpi sgt, %add3A_1737, %sign3A_1780 : i32
    %sign3A_1782 = arith.extui %sign3A_1781 : i1 to i32
    %sign3A_1783 = arith.constant 0 : i32
    %sign3A_1784 = arith.cmpi slt, %add3A_1737, %sign3A_1783 : i32
    %sign3A_1785 = arith.extui %sign3A_1784 : i1 to i32
    %sign3A_1786 = arith.subi %sign3A_1782, %sign3A_1785 : i32
    %sign3A_1787 = arith.constant 0 : i32
    %sign3A_1788 = arith.cmpi sgt, %jit3A_1778, %sign3A_1787 : i32
    %sign3A_1789 = arith.extui %sign3A_1788 : i1 to i32
    %sign3A_1790 = arith.constant 0 : i32
    %sign3A_1791 = arith.cmpi slt, %jit3A_1778, %sign3A_1790 : i32
    %sign3A_1792 = arith.extui %sign3A_1791 : i1 to i32
    %sign3A_1793 = arith.subi %sign3A_1789, %sign3A_1792 : i32
    %ne3A_1794 = arith.cmpi ne, %sign3A_1786, %sign3A_1793 : i32
    %rem3A_1795 = arith.remsi %add3A_1737, %jit3A_1778 : i32
    %ne3A_1796 = arith.constant 0 : i32
    %ne3A_1797 = arith.cmpi ne, %rem3A_1795, %ne3A_1796 : i32
    %and3A_1798 = arith.andi %ne3A_1794, %ne3A_1797 : i1
    %sub3A_1799 = arith.constant 1 : i32
    %sub3A_1800 = arith.subi %div3A_1779, %sub3A_1799 : i32
    %select_n3A_1801 = arith.select %and3A_1798, %sub3A_1800, %div3A_1779 : i32
    %mul3A_1802 = arith.constant 128 : i32
    %mul3A_1803 = arith.muli %select_n3A_1801, %mul3A_1802 : i32
    %jit3A_1804 = arith.constant 128 : i32
    %eq3A_1805 = arith.constant 0 : i32
    %eq3A_1806 = arith.cmpi eq, %jit3A_1804, %eq3A_1805 : i32
    %jit3A_1807 = arith.constant 1 : i32
    %select_n3A_1808 = arith.select %eq3A_1806, %jit3A_1807, %jit3A_1804 : i32
    %rem3A_1809 = arith.remsi %add3A_1737, %select_n3A_1808 : i32
    %ne3A_1810 = arith.constant 0 : i32
    %ne3A_1811 = arith.cmpi ne, %rem3A_1809, %ne3A_1810 : i32
    %lt3A_1812 = arith.constant 0 : i32
    %lt3A_1813 = arith.cmpi slt, %rem3A_1809, %lt3A_1812 : i32
    %lt3A_1814 = arith.constant 0 : i32
    %lt3A_1815 = arith.cmpi slt, %select_n3A_1808, %lt3A_1814 : i32
    %ne3A_1816 = arith.xori %lt3A_1813, %lt3A_1815 : i1
    %and3A_1817 = arith.andi %ne3A_1816, %ne3A_1811 : i1
    %add3A_1818 = arith.addi %rem3A_1809, %select_n3A_1808 : i32
    %select_n3A_1819 = arith.select %and3A_1817, %add3A_1818, %rem3A_1809 : i32
    %add3A_1820 = arith.addi %mul3A_1803, %select_n3A_1819 : i32
    %dma_start3A_1821 = arith.constant 0 : i32
    %dma_start3A_1822 = tpu.memref_slice %arg5[%select_n3A_1777, %add3A_1820, %dma_start3A_1821] : memref<4x8192x768xf32, #tpu.memory_space<hbm>> -> memref<1x32x768xf32, #tpu.memory_space<hbm>>
    %dma_start3A_1823 = tpu.memref_squeeze %dma_start3A_1822 : memref<1x32x768xf32, #tpu.memory_space<hbm>> -> memref<32x768xf32, #tpu.memory_space<hbm>>
    %dma_start3A_1824 = arith.constant 0 : i32
    %dma_start3A_1825 = tpu.memref_slice %arg5[%select_n3A_1777, %add3A_1820, %dma_start3A_1824] : memref<4x8192x768xf32, #tpu.memory_space<hbm>> -> memref<1x32x768xf32, #tpu.memory_space<hbm>>
    %dma_start3A_1826 = tpu.memref_squeeze %dma_start3A_1825 : memref<1x32x768xf32, #tpu.memory_space<hbm>> -> memref<32x768xf32, #tpu.memory_space<hbm>>
    tpu.enqueue_dma source(%arg9 : memref<32x768xf32, #tpu.memory_space<vmem>>) target(%dma_start3A_1826 : memref<32x768xf32, #tpu.memory_space<hbm>>) target_semaphore(%arg17 : memref<!tpu.dma_semaphore, #tpu.memory_space<semaphore_mem>>)
    %dma_wait3A_1827 = arith.constant 0 : i32
    %dma_wait3A_1828 = tpu.memref_slice %arg5[%select_n3A_1670, %add3A_1713, %dma_wait3A_1827] : memref<4x8192x768xf32, #tpu.memory_space<hbm>> -> memref<1x32x768xf32, #tpu.memory_space<hbm>>
    %dma_wait3A_1829 = tpu.memref_squeeze %dma_wait3A_1828 : memref<1x32x768xf32, #tpu.memory_space<hbm>> -> memref<32x768xf32, #tpu.memory_space<hbm>>
    %dma_wait3A_1830 = arith.constant 0 : i32
    %dma_wait3A_1831 = tpu.memref_slice %arg5[%select_n3A_1670, %add3A_1713, %dma_wait3A_1830] : memref<4x8192x768xf32, #tpu.memory_space<hbm>> -> memref<1x32x768xf32, #tpu.memory_space<hbm>>
    %dma_wait3A_1832 = tpu.memref_squeeze %dma_wait3A_1831 : memref<1x32x768xf32, #tpu.memory_space<hbm>> -> memref<32x768xf32, #tpu.memory_space<hbm>>
    tpu.wait_dma2 semaphore(%arg20 : memref<!tpu.dma_semaphore, #tpu.memory_space<semaphore_mem>>) src(%arg12 : memref<32x768xf32, #tpu.memory_space<vmem>>) dst(%dma_wait3A_1832 : memref<32x768xf32, #tpu.memory_space<hbm>>)
    %dma_start3A_1833 = arith.constant 608 : i32
    %dma_start3A_1834 = tpu.memref_slice %arg8[%dma_start3A_1833] : memref<1024xi32, #tpu.memory_space<vmem>> -> memref<32xi32, #tpu.memory_space<vmem>>
    %dma_start3A_1835 = arith.constant 0 : i32
    %dma_start3A_1836 = arith.constant 0 : i32
    %dma_start3A_1837 = tpu.memref_slice %arg2[%dma_start3A_1835, %dma_start3A_1836] : memref<16384x768xf32, #tpu.memory_space<hbm>> -> memref<16384x768xf32, #tpu.memory_space<hbm>>
    tpu.enqueue_indirect_dma source(%dma_start3A_1837 : memref<16384x768xf32, #tpu.memory_space<hbm>>) target(%arg12 : memref<32x768xf32, #tpu.memory_space<vmem>>) offsets(%dma_start3A_1834 : memref<32xi32, #tpu.memory_space<vmem>>) semaphore(%arg16 : memref<!tpu.dma_semaphore, #tpu.memory_space<semaphore_mem>>)
    %dma_wait3A_1838 = arith.constant 544 : i32
    %dma_wait3A_1839 = tpu.memref_slice %arg8[%dma_wait3A_1838] : memref<1024xi32, #tpu.memory_space<vmem>> -> memref<32xi32, #tpu.memory_space<vmem>>
    %dma_wait3A_1840 = arith.constant 0 : i32
    %dma_wait3A_1841 = arith.constant 0 : i32
    %dma_wait3A_1842 = tpu.memref_slice %arg2[%dma_wait3A_1840, %dma_wait3A_1841] : memref<16384x768xf32, #tpu.memory_space<hbm>> -> memref<16384x768xf32, #tpu.memory_space<hbm>>
    tpu.wait_indirect_dma semaphore(%arg14 : memref<!tpu.dma_semaphore, #tpu.memory_space<semaphore_mem>>) src(%dma_wait3A_1842 : memref<16384x768xf32, #tpu.memory_space<hbm>>) dst(%arg10 : memref<32x768xf32, #tpu.memory_space<vmem>>)
    %add3A_1843 = arith.constant 544 : i32
    %add3A_1844 = arith.addi %mul3A_2, %add3A_1843 : i32
    %jit3A_1845 = arith.constant 128 : i32
    %div3A_1846 = arith.divsi %add3A_1844, %jit3A_1845 : i32
    %sign3A_1847 = arith.constant 0 : i32
    %sign3A_1848 = arith.cmpi sgt, %add3A_1844, %sign3A_1847 : i32
    %sign3A_1849 = arith.extui %sign3A_1848 : i1 to i32
    %sign3A_1850 = arith.constant 0 : i32
    %sign3A_1851 = arith.cmpi slt, %add3A_1844, %sign3A_1850 : i32
    %sign3A_1852 = arith.extui %sign3A_1851 : i1 to i32
    %sign3A_1853 = arith.subi %sign3A_1849, %sign3A_1852 : i32
    %sign3A_1854 = arith.constant 0 : i32
    %sign3A_1855 = arith.cmpi sgt, %jit3A_1845, %sign3A_1854 : i32
    %sign3A_1856 = arith.extui %sign3A_1855 : i1 to i32
    %sign3A_1857 = arith.constant 0 : i32
    %sign3A_1858 = arith.cmpi slt, %jit3A_1845, %sign3A_1857 : i32
    %sign3A_1859 = arith.extui %sign3A_1858 : i1 to i32
    %sign3A_1860 = arith.subi %sign3A_1856, %sign3A_1859 : i32
    %ne3A_1861 = arith.cmpi ne, %sign3A_1853, %sign3A_1860 : i32
    %rem3A_1862 = arith.remsi %add3A_1844, %jit3A_1845 : i32
    %ne3A_1863 = arith.constant 0 : i32
    %ne3A_1864 = arith.cmpi ne, %rem3A_1862, %ne3A_1863 : i32
    %and3A_1865 = arith.andi %ne3A_1861, %ne3A_1864 : i1
    %sub3A_1866 = arith.constant 1 : i32
    %sub3A_1867 = arith.subi %div3A_1846, %sub3A_1866 : i32
    %select_n3A_1868 = arith.select %and3A_1865, %sub3A_1867, %div3A_1846 : i32
    %jit3A_1869 = arith.constant 4 : i32
    %eq3A_1870 = arith.constant 0 : i32
    %eq3A_1871 = arith.cmpi eq, %jit3A_1869, %eq3A_1870 : i32
    %jit3A_1872 = arith.constant 1 : i32
    %select_n3A_1873 = arith.select %eq3A_1871, %jit3A_1872, %jit3A_1869 : i32
    %rem3A_1874 = arith.remsi %select_n3A_1868, %select_n3A_1873 : i32
    %ne3A_1875 = arith.constant 0 : i32
    %ne3A_1876 = arith.cmpi ne, %rem3A_1874, %ne3A_1875 : i32
    %lt3A_1877 = arith.constant 0 : i32
    %lt3A_1878 = arith.cmpi slt, %rem3A_1874, %lt3A_1877 : i32
    %lt3A_1879 = arith.constant 0 : i32
    %lt3A_1880 = arith.cmpi slt, %select_n3A_1873, %lt3A_1879 : i32
    %ne3A_1881 = arith.xori %lt3A_1878, %lt3A_1880 : i1
    %and3A_1882 = arith.andi %ne3A_1881, %ne3A_1876 : i1
    %add3A_1883 = arith.addi %rem3A_1874, %select_n3A_1873 : i32
    %select_n3A_1884 = arith.select %and3A_1882, %add3A_1883, %rem3A_1874 : i32
    %jit3A_1885 = arith.constant 512 : i32
    %div3A_1886 = arith.divsi %add3A_1844, %jit3A_1885 : i32
    %sign3A_1887 = arith.constant 0 : i32
    %sign3A_1888 = arith.cmpi sgt, %add3A_1844, %sign3A_1887 : i32
    %sign3A_1889 = arith.extui %sign3A_1888 : i1 to i32
    %sign3A_1890 = arith.constant 0 : i32
    %sign3A_1891 = arith.cmpi slt, %add3A_1844, %sign3A_1890 : i32
    %sign3A_1892 = arith.extui %sign3A_1891 : i1 to i32
    %sign3A_1893 = arith.subi %sign3A_1889, %sign3A_1892 : i32
    %sign3A_1894 = arith.constant 0 : i32
    %sign3A_1895 = arith.cmpi sgt, %jit3A_1885, %sign3A_1894 : i32
    %sign3A_1896 = arith.extui %sign3A_1895 : i1 to i32
    %sign3A_1897 = arith.constant 0 : i32
    %sign3A_1898 = arith.cmpi slt, %jit3A_1885, %sign3A_1897 : i32
    %sign3A_1899 = arith.extui %sign3A_1898 : i1 to i32
    %sign3A_1900 = arith.subi %sign3A_1896, %sign3A_1899 : i32
    %ne3A_1901 = arith.cmpi ne, %sign3A_1893, %sign3A_1900 : i32
    %rem3A_1902 = arith.remsi %add3A_1844, %jit3A_1885 : i32
    %ne3A_1903 = arith.constant 0 : i32
    %ne3A_1904 = arith.cmpi ne, %rem3A_1902, %ne3A_1903 : i32
    %and3A_1905 = arith.andi %ne3A_1901, %ne3A_1904 : i1
    %sub3A_1906 = arith.constant 1 : i32
    %sub3A_1907 = arith.subi %div3A_1886, %sub3A_1906 : i32
    %select_n3A_1908 = arith.select %and3A_1905, %sub3A_1907, %div3A_1886 : i32
    %mul3A_1909 = arith.constant 128 : i32
    %mul3A_1910 = arith.muli %select_n3A_1908, %mul3A_1909 : i32
    %jit3A_1911 = arith.constant 128 : i32
    %eq3A_1912 = arith.constant 0 : i32
    %eq3A_1913 = arith.cmpi eq, %jit3A_1911, %eq3A_1912 : i32
    %jit3A_1914 = arith.constant 1 : i32
    %select_n3A_1915 = arith.select %eq3A_1913, %jit3A_1914, %jit3A_1911 : i32
    %rem3A_1916 = arith.remsi %add3A_1844, %select_n3A_1915 : i32
    %ne3A_1917 = arith.constant 0 : i32
    %ne3A_1918 = arith.cmpi ne, %rem3A_1916, %ne3A_1917 : i32
    %lt3A_1919 = arith.constant 0 : i32
    %lt3A_1920 = arith.cmpi slt, %rem3A_1916, %lt3A_1919 : i32
    %lt3A_1921 = arith.constant 0 : i32
    %lt3A_1922 = arith.cmpi slt, %select_n3A_1915, %lt3A_1921 : i32
    %ne3A_1923 = arith.xori %lt3A_1920, %lt3A_1922 : i1
    %and3A_1924 = arith.andi %ne3A_1923, %ne3A_1918 : i1
    %add3A_1925 = arith.addi %rem3A_1916, %select_n3A_1915 : i32
    %select_n3A_1926 = arith.select %and3A_1924, %add3A_1925, %rem3A_1916 : i32
    %add3A_1927 = arith.addi %mul3A_1910, %select_n3A_1926 : i32
    %dma_start3A_1928 = arith.constant 0 : i32
    %dma_start3A_1929 = tpu.memref_slice %arg5[%select_n3A_1884, %add3A_1927, %dma_start3A_1928] : memref<4x8192x768xf32, #tpu.memory_space<hbm>> -> memref<1x32x768xf32, #tpu.memory_space<hbm>>
    %dma_start3A_1930 = tpu.memref_squeeze %dma_start3A_1929 : memref<1x32x768xf32, #tpu.memory_space<hbm>> -> memref<32x768xf32, #tpu.memory_space<hbm>>
    %dma_start3A_1931 = arith.constant 0 : i32
    %dma_start3A_1932 = tpu.memref_slice %arg5[%select_n3A_1884, %add3A_1927, %dma_start3A_1931] : memref<4x8192x768xf32, #tpu.memory_space<hbm>> -> memref<1x32x768xf32, #tpu.memory_space<hbm>>
    %dma_start3A_1933 = tpu.memref_squeeze %dma_start3A_1932 : memref<1x32x768xf32, #tpu.memory_space<hbm>> -> memref<32x768xf32, #tpu.memory_space<hbm>>
    tpu.enqueue_dma source(%arg10 : memref<32x768xf32, #tpu.memory_space<vmem>>) target(%dma_start3A_1933 : memref<32x768xf32, #tpu.memory_space<hbm>>) target_semaphore(%arg18 : memref<!tpu.dma_semaphore, #tpu.memory_space<semaphore_mem>>)
    %dma_wait3A_1934 = arith.constant 0 : i32
    %dma_wait3A_1935 = tpu.memref_slice %arg5[%select_n3A_1777, %add3A_1820, %dma_wait3A_1934] : memref<4x8192x768xf32, #tpu.memory_space<hbm>> -> memref<1x32x768xf32, #tpu.memory_space<hbm>>
    %dma_wait3A_1936 = tpu.memref_squeeze %dma_wait3A_1935 : memref<1x32x768xf32, #tpu.memory_space<hbm>> -> memref<32x768xf32, #tpu.memory_space<hbm>>
    %dma_wait3A_1937 = arith.constant 0 : i32
    %dma_wait3A_1938 = tpu.memref_slice %arg5[%select_n3A_1777, %add3A_1820, %dma_wait3A_1937] : memref<4x8192x768xf32, #tpu.memory_space<hbm>> -> memref<1x32x768xf32, #tpu.memory_space<hbm>>
    %dma_wait3A_1939 = tpu.memref_squeeze %dma_wait3A_1938 : memref<1x32x768xf32, #tpu.memory_space<hbm>> -> memref<32x768xf32, #tpu.memory_space<hbm>>
    tpu.wait_dma2 semaphore(%arg17 : memref<!tpu.dma_semaphore, #tpu.memory_space<semaphore_mem>>) src(%arg9 : memref<32x768xf32, #tpu.memory_space<vmem>>) dst(%dma_wait3A_1939 : memref<32x768xf32, #tpu.memory_space<hbm>>)
    %dma_start3A_1940 = arith.constant 640 : i32
    %dma_start3A_1941 = tpu.memref_slice %arg8[%dma_start3A_1940] : memref<1024xi32, #tpu.memory_space<vmem>> -> memref<32xi32, #tpu.memory_space<vmem>>
    %dma_start3A_1942 = arith.constant 0 : i32
    %dma_start3A_1943 = arith.constant 0 : i32
    %dma_start3A_1944 = tpu.memref_slice %arg2[%dma_start3A_1942, %dma_start3A_1943] : memref<16384x768xf32, #tpu.memory_space<hbm>> -> memref<16384x768xf32, #tpu.memory_space<hbm>>
    tpu.enqueue_indirect_dma source(%dma_start3A_1944 : memref<16384x768xf32, #tpu.memory_space<hbm>>) target(%arg9 : memref<32x768xf32, #tpu.memory_space<vmem>>) offsets(%dma_start3A_1941 : memref<32xi32, #tpu.memory_space<vmem>>) semaphore(%arg13 : memref<!tpu.dma_semaphore, #tpu.memory_space<semaphore_mem>>)
    %dma_wait3A_1945 = arith.constant 576 : i32
    %dma_wait3A_1946 = tpu.memref_slice %arg8[%dma_wait3A_1945] : memref<1024xi32, #tpu.memory_space<vmem>> -> memref<32xi32, #tpu.memory_space<vmem>>
    %dma_wait3A_1947 = arith.constant 0 : i32
    %dma_wait3A_1948 = arith.constant 0 : i32
    %dma_wait3A_1949 = tpu.memref_slice %arg2[%dma_wait3A_1947, %dma_wait3A_1948] : memref<16384x768xf32, #tpu.memory_space<hbm>> -> memref<16384x768xf32, #tpu.memory_space<hbm>>
    tpu.wait_indirect_dma semaphore(%arg15 : memref<!tpu.dma_semaphore, #tpu.memory_space<semaphore_mem>>) src(%dma_wait3A_1949 : memref<16384x768xf32, #tpu.memory_space<hbm>>) dst(%arg11 : memref<32x768xf32, #tpu.memory_space<vmem>>)
    %add3A_1950 = arith.constant 576 : i32
    %add3A_1951 = arith.addi %mul3A_2, %add3A_1950 : i32
    %jit3A_1952 = arith.constant 128 : i32
    %div3A_1953 = arith.divsi %add3A_1951, %jit3A_1952 : i32
    %sign3A_1954 = arith.constant 0 : i32
    %sign3A_1955 = arith.cmpi sgt, %add3A_1951, %sign3A_1954 : i32
    %sign3A_1956 = arith.extui %sign3A_1955 : i1 to i32
    %sign3A_1957 = arith.constant 0 : i32
    %sign3A_1958 = arith.cmpi slt, %add3A_1951, %sign3A_1957 : i32
    %sign3A_1959 = arith.extui %sign3A_1958 : i1 to i32
    %sign3A_1960 = arith.subi %sign3A_1956, %sign3A_1959 : i32
    %sign3A_1961 = arith.constant 0 : i32
    %sign3A_1962 = arith.cmpi sgt, %jit3A_1952, %sign3A_1961 : i32
    %sign3A_1963 = arith.extui %sign3A_1962 : i1 to i32
    %sign3A_1964 = arith.constant 0 : i32
    %sign3A_1965 = arith.cmpi slt, %jit3A_1952, %sign3A_1964 : i32
    %sign3A_1966 = arith.extui %sign3A_1965 : i1 to i32
    %sign3A_1967 = arith.subi %sign3A_1963, %sign3A_1966 : i32
    %ne3A_1968 = arith.cmpi ne, %sign3A_1960, %sign3A_1967 : i32
    %rem3A_1969 = arith.remsi %add3A_1951, %jit3A_1952 : i32
    %ne3A_1970 = arith.constant 0 : i32
    %ne3A_1971 = arith.cmpi ne, %rem3A_1969, %ne3A_1970 : i32
    %and3A_1972 = arith.andi %ne3A_1968, %ne3A_1971 : i1
    %sub3A_1973 = arith.constant 1 : i32
    %sub3A_1974 = arith.subi %div3A_1953, %sub3A_1973 : i32
    %select_n3A_1975 = arith.select %and3A_1972, %sub3A_1974, %div3A_1953 : i32
    %jit3A_1976 = arith.constant 4 : i32
    %eq3A_1977 = arith.constant 0 : i32
    %eq3A_1978 = arith.cmpi eq, %jit3A_1976, %eq3A_1977 : i32
    %jit3A_1979 = arith.constant 1 : i32
    %select_n3A_1980 = arith.select %eq3A_1978, %jit3A_1979, %jit3A_1976 : i32
    %rem3A_1981 = arith.remsi %select_n3A_1975, %select_n3A_1980 : i32
    %ne3A_1982 = arith.constant 0 : i32
    %ne3A_1983 = arith.cmpi ne, %rem3A_1981, %ne3A_1982 : i32
    %lt3A_1984 = arith.constant 0 : i32
    %lt3A_1985 = arith.cmpi slt, %rem3A_1981, %lt3A_1984 : i32
    %lt3A_1986 = arith.constant 0 : i32
    %lt3A_1987 = arith.cmpi slt, %select_n3A_1980, %lt3A_1986 : i32
    %ne3A_1988 = arith.xori %lt3A_1985, %lt3A_1987 : i1
    %and3A_1989 = arith.andi %ne3A_1988, %ne3A_1983 : i1
    %add3A_1990 = arith.addi %rem3A_1981, %select_n3A_1980 : i32
    %select_n3A_1991 = arith.select %and3A_1989, %add3A_1990, %rem3A_1981 : i32
    %jit3A_1992 = arith.constant 512 : i32
    %div3A_1993 = arith.divsi %add3A_1951, %jit3A_1992 : i32
    %sign3A_1994 = arith.constant 0 : i32
    %sign3A_1995 = arith.cmpi sgt, %add3A_1951, %sign3A_1994 : i32
    %sign3A_1996 = arith.extui %sign3A_1995 : i1 to i32
    %sign3A_1997 = arith.constant 0 : i32
    %sign3A_1998 = arith.cmpi slt, %add3A_1951, %sign3A_1997 : i32
    %sign3A_1999 = arith.extui %sign3A_1998 : i1 to i32
    %sign3A_2000 = arith.subi %sign3A_1996, %sign3A_1999 : i32
    %sign3A_2001 = arith.constant 0 : i32
    %sign3A_2002 = arith.cmpi sgt, %jit3A_1992, %sign3A_2001 : i32
    %sign3A_2003 = arith.extui %sign3A_2002 : i1 to i32
    %sign3A_2004 = arith.constant 0 : i32
    %sign3A_2005 = arith.cmpi slt, %jit3A_1992, %sign3A_2004 : i32
    %sign3A_2006 = arith.extui %sign3A_2005 : i1 to i32
    %sign3A_2007 = arith.subi %sign3A_2003, %sign3A_2006 : i32
    %ne3A_2008 = arith.cmpi ne, %sign3A_2000, %sign3A_2007 : i32
    %rem3A_2009 = arith.remsi %add3A_1951, %jit3A_1992 : i32
    %ne3A_2010 = arith.constant 0 : i32
    %ne3A_2011 = arith.cmpi ne, %rem3A_2009, %ne3A_2010 : i32
    %and3A_2012 = arith.andi %ne3A_2008, %ne3A_2011 : i1
    %sub3A_2013 = arith.constant 1 : i32
    %sub3A_2014 = arith.subi %div3A_1993, %sub3A_2013 : i32
    %select_n3A_2015 = arith.select %and3A_2012, %sub3A_2014, %div3A_1993 : i32
    %mul3A_2016 = arith.constant 128 : i32
    %mul3A_2017 = arith.muli %select_n3A_2015, %mul3A_2016 : i32
    %jit3A_2018 = arith.constant 128 : i32
    %eq3A_2019 = arith.constant 0 : i32
    %eq3A_2020 = arith.cmpi eq, %jit3A_2018, %eq3A_2019 : i32
    %jit3A_2021 = arith.constant 1 : i32
    %select_n3A_2022 = arith.select %eq3A_2020, %jit3A_2021, %jit3A_2018 : i32
    %rem3A_2023 = arith.remsi %add3A_1951, %select_n3A_2022 : i32
    %ne3A_2024 = arith.constant 0 : i32
    %ne3A_2025 = arith.cmpi ne, %rem3A_2023, %ne3A_2024 : i32
    %lt3A_2026 = arith.constant 0 : i32
    %lt3A_2027 = arith.cmpi slt, %rem3A_2023, %lt3A_2026 : i32
    %lt3A_2028 = arith.constant 0 : i32
    %lt3A_2029 = arith.cmpi slt, %select_n3A_2022, %lt3A_2028 : i32
    %ne3A_2030 = arith.xori %lt3A_2027, %lt3A_2029 : i1
    %and3A_2031 = arith.andi %ne3A_2030, %ne3A_2025 : i1
    %add3A_2032 = arith.addi %rem3A_2023, %select_n3A_2022 : i32
    %select_n3A_2033 = arith.select %and3A_2031, %add3A_2032, %rem3A_2023 : i32
    %add3A_2034 = arith.addi %mul3A_2017, %select_n3A_2033 : i32
    %dma_start3A_2035 = arith.constant 0 : i32
    %dma_start3A_2036 = tpu.memref_slice %arg5[%select_n3A_1991, %add3A_2034, %dma_start3A_2035] : memref<4x8192x768xf32, #tpu.memory_space<hbm>> -> memref<1x32x768xf32, #tpu.memory_space<hbm>>
    %dma_start3A_2037 = tpu.memref_squeeze %dma_start3A_2036 : memref<1x32x768xf32, #tpu.memory_space<hbm>> -> memref<32x768xf32, #tpu.memory_space<hbm>>
    %dma_start3A_2038 = arith.constant 0 : i32
    %dma_start3A_2039 = tpu.memref_slice %arg5[%select_n3A_1991, %add3A_2034, %dma_start3A_2038] : memref<4x8192x768xf32, #tpu.memory_space<hbm>> -> memref<1x32x768xf32, #tpu.memory_space<hbm>>
    %dma_start3A_2040 = tpu.memref_squeeze %dma_start3A_2039 : memref<1x32x768xf32, #tpu.memory_space<hbm>> -> memref<32x768xf32, #tpu.memory_space<hbm>>
    tpu.enqueue_dma source(%arg11 : memref<32x768xf32, #tpu.memory_space<vmem>>) target(%dma_start3A_2040 : memref<32x768xf32, #tpu.memory_space<hbm>>) target_semaphore(%arg19 : memref<!tpu.dma_semaphore, #tpu.memory_space<semaphore_mem>>)
    %dma_wait3A_2041 = arith.constant 0 : i32
    %dma_wait3A_2042 = tpu.memref_slice %arg5[%select_n3A_1884, %add3A_1927, %dma_wait3A_2041] : memref<4x8192x768xf32, #tpu.memory_space<hbm>> -> memref<1x32x768xf32, #tpu.memory_space<hbm>>
    %dma_wait3A_2043 = tpu.memref_squeeze %dma_wait3A_2042 : memref<1x32x768xf32, #tpu.memory_space<hbm>> -> memref<32x768xf32, #tpu.memory_space<hbm>>
    %dma_wait3A_2044 = arith.constant 0 : i32
    %dma_wait3A_2045 = tpu.memref_slice %arg5[%select_n3A_1884, %add3A_1927, %dma_wait3A_2044] : memref<4x8192x768xf32, #tpu.memory_space<hbm>> -> memref<1x32x768xf32, #tpu.memory_space<hbm>>
    %dma_wait3A_2046 = tpu.memref_squeeze %dma_wait3A_2045 : memref<1x32x768xf32, #tpu.memory_space<hbm>> -> memref<32x768xf32, #tpu.memory_space<hbm>>
    tpu.wait_dma2 semaphore(%arg18 : memref<!tpu.dma_semaphore, #tpu.memory_space<semaphore_mem>>) src(%arg10 : memref<32x768xf32, #tpu.memory_space<vmem>>) dst(%dma_wait3A_2046 : memref<32x768xf32, #tpu.memory_space<hbm>>)
    %dma_start3A_2047 = arith.constant 672 : i32
    %dma_start3A_2048 = tpu.memref_slice %arg8[%dma_start3A_2047] : memref<1024xi32, #tpu.memory_space<vmem>> -> memref<32xi32, #tpu.memory_space<vmem>>
    %dma_start3A_2049 = arith.constant 0 : i32
    %dma_start3A_2050 = arith.constant 0 : i32
    %dma_start3A_2051 = tpu.memref_slice %arg2[%dma_start3A_2049, %dma_start3A_2050] : memref<16384x768xf32, #tpu.memory_space<hbm>> -> memref<16384x768xf32, #tpu.memory_space<hbm>>
    tpu.enqueue_indirect_dma source(%dma_start3A_2051 : memref<16384x768xf32, #tpu.memory_space<hbm>>) target(%arg10 : memref<32x768xf32, #tpu.memory_space<vmem>>) offsets(%dma_start3A_2048 : memref<32xi32, #tpu.memory_space<vmem>>) semaphore(%arg14 : memref<!tpu.dma_semaphore, #tpu.memory_space<semaphore_mem>>)
    %dma_wait3A_2052 = arith.constant 608 : i32
    %dma_wait3A_2053 = tpu.memref_slice %arg8[%dma_wait3A_2052] : memref<1024xi32, #tpu.memory_space<vmem>> -> memref<32xi32, #tpu.memory_space<vmem>>
    %dma_wait3A_2054 = arith.constant 0 : i32
    %dma_wait3A_2055 = arith.constant 0 : i32
    %dma_wait3A_2056 = tpu.memref_slice %arg2[%dma_wait3A_2054, %dma_wait3A_2055] : memref<16384x768xf32, #tpu.memory_space<hbm>> -> memref<16384x768xf32, #tpu.memory_space<hbm>>
    tpu.wait_indirect_dma semaphore(%arg16 : memref<!tpu.dma_semaphore, #tpu.memory_space<semaphore_mem>>) src(%dma_wait3A_2056 : memref<16384x768xf32, #tpu.memory_space<hbm>>) dst(%arg12 : memref<32x768xf32, #tpu.memory_space<vmem>>)
    %add3A_2057 = arith.constant 608 : i32
    %add3A_2058 = arith.addi %mul3A_2, %add3A_2057 : i32
    %jit3A_2059 = arith.constant 128 : i32
    %div3A_2060 = arith.divsi %add3A_2058, %jit3A_2059 : i32
    %sign3A_2061 = arith.constant 0 : i32
    %sign3A_2062 = arith.cmpi sgt, %add3A_2058, %sign3A_2061 : i32
    %sign3A_2063 = arith.extui %sign3A_2062 : i1 to i32
    %sign3A_2064 = arith.constant 0 : i32
    %sign3A_2065 = arith.cmpi slt, %add3A_2058, %sign3A_2064 : i32
    %sign3A_2066 = arith.extui %sign3A_2065 : i1 to i32
    %sign3A_2067 = arith.subi %sign3A_2063, %sign3A_2066 : i32
    %sign3A_2068 = arith.constant 0 : i32
    %sign3A_2069 = arith.cmpi sgt, %jit3A_2059, %sign3A_2068 : i32
    %sign3A_2070 = arith.extui %sign3A_2069 : i1 to i32
    %sign3A_2071 = arith.constant 0 : i32
    %sign3A_2072 = arith.cmpi slt, %jit3A_2059, %sign3A_2071 : i32
    %sign3A_2073 = arith.extui %sign3A_2072 : i1 to i32
    %sign3A_2074 = arith.subi %sign3A_2070, %sign3A_2073 : i32
    %ne3A_2075 = arith.cmpi ne, %sign3A_2067, %sign3A_2074 : i32
    %rem3A_2076 = arith.remsi %add3A_2058, %jit3A_2059 : i32
    %ne3A_2077 = arith.constant 0 : i32
    %ne3A_2078 = arith.cmpi ne, %rem3A_2076, %ne3A_2077 : i32
    %and3A_2079 = arith.andi %ne3A_2075, %ne3A_2078 : i1
    %sub3A_2080 = arith.constant 1 : i32
    %sub3A_2081 = arith.subi %div3A_2060, %sub3A_2080 : i32
    %select_n3A_2082 = arith.select %and3A_2079, %sub3A_2081, %div3A_2060 : i32
    %jit3A_2083 = arith.constant 4 : i32
    %eq3A_2084 = arith.constant 0 : i32
    %eq3A_2085 = arith.cmpi eq, %jit3A_2083, %eq3A_2084 : i32
    %jit3A_2086 = arith.constant 1 : i32
    %select_n3A_2087 = arith.select %eq3A_2085, %jit3A_2086, %jit3A_2083 : i32
    %rem3A_2088 = arith.remsi %select_n3A_2082, %select_n3A_2087 : i32
    %ne3A_2089 = arith.constant 0 : i32
    %ne3A_2090 = arith.cmpi ne, %rem3A_2088, %ne3A_2089 : i32
    %lt3A_2091 = arith.constant 0 : i32
    %lt3A_2092 = arith.cmpi slt, %rem3A_2088, %lt3A_2091 : i32
    %lt3A_2093 = arith.constant 0 : i32
    %lt3A_2094 = arith.cmpi slt, %select_n3A_2087, %lt3A_2093 : i32
    %ne3A_2095 = arith.xori %lt3A_2092, %lt3A_2094 : i1
    %and3A_2096 = arith.andi %ne3A_2095, %ne3A_2090 : i1
    %add3A_2097 = arith.addi %rem3A_2088, %select_n3A_2087 : i32
    %select_n3A_2098 = arith.select %and3A_2096, %add3A_2097, %rem3A_2088 : i32
    %jit3A_2099 = arith.constant 512 : i32
    %div3A_2100 = arith.divsi %add3A_2058, %jit3A_2099 : i32
    %sign3A_2101 = arith.constant 0 : i32
    %sign3A_2102 = arith.cmpi sgt, %add3A_2058, %sign3A_2101 : i32
    %sign3A_2103 = arith.extui %sign3A_2102 : i1 to i32
    %sign3A_2104 = arith.constant 0 : i32
    %sign3A_2105 = arith.cmpi slt, %add3A_2058, %sign3A_2104 : i32
    %sign3A_2106 = arith.extui %sign3A_2105 : i1 to i32
    %sign3A_2107 = arith.subi %sign3A_2103, %sign3A_2106 : i32
    %sign3A_2108 = arith.constant 0 : i32
    %sign3A_2109 = arith.cmpi sgt, %jit3A_2099, %sign3A_2108 : i32
    %sign3A_2110 = arith.extui %sign3A_2109 : i1 to i32
    %sign3A_2111 = arith.constant 0 : i32
    %sign3A_2112 = arith.cmpi slt, %jit3A_2099, %sign3A_2111 : i32
    %sign3A_2113 = arith.extui %sign3A_2112 : i1 to i32
    %sign3A_2114 = arith.subi %sign3A_2110, %sign3A_2113 : i32
    %ne3A_2115 = arith.cmpi ne, %sign3A_2107, %sign3A_2114 : i32
    %rem3A_2116 = arith.remsi %add3A_2058, %jit3A_2099 : i32
    %ne3A_2117 = arith.constant 0 : i32
    %ne3A_2118 = arith.cmpi ne, %rem3A_2116, %ne3A_2117 : i32
    %and3A_2119 = arith.andi %ne3A_2115, %ne3A_2118 : i1
    %sub3A_2120 = arith.constant 1 : i32
    %sub3A_2121 = arith.subi %div3A_2100, %sub3A_2120 : i32
    %select_n3A_2122 = arith.select %and3A_2119, %sub3A_2121, %div3A_2100 : i32
    %mul3A_2123 = arith.constant 128 : i32
    %mul3A_2124 = arith.muli %select_n3A_2122, %mul3A_2123 : i32
    %jit3A_2125 = arith.constant 128 : i32
    %eq3A_2126 = arith.constant 0 : i32
    %eq3A_2127 = arith.cmpi eq, %jit3A_2125, %eq3A_2126 : i32
    %jit3A_2128 = arith.constant 1 : i32
    %select_n3A_2129 = arith.select %eq3A_2127, %jit3A_2128, %jit3A_2125 : i32
    %rem3A_2130 = arith.remsi %add3A_2058, %select_n3A_2129 : i32
    %ne3A_2131 = arith.constant 0 : i32
    %ne3A_2132 = arith.cmpi ne, %rem3A_2130, %ne3A_2131 : i32
    %lt3A_2133 = arith.constant 0 : i32
    %lt3A_2134 = arith.cmpi slt, %rem3A_2130, %lt3A_2133 : i32
    %lt3A_2135 = arith.constant 0 : i32
    %lt3A_2136 = arith.cmpi slt, %select_n3A_2129, %lt3A_2135 : i32
    %ne3A_2137 = arith.xori %lt3A_2134, %lt3A_2136 : i1
    %and3A_2138 = arith.andi %ne3A_2137, %ne3A_2132 : i1
    %add3A_2139 = arith.addi %rem3A_2130, %select_n3A_2129 : i32
    %select_n3A_2140 = arith.select %and3A_2138, %add3A_2139, %rem3A_2130 : i32
    %add3A_2141 = arith.addi %mul3A_2124, %select_n3A_2140 : i32
    %dma_start3A_2142 = arith.constant 0 : i32
    %dma_start3A_2143 = tpu.memref_slice %arg5[%select_n3A_2098, %add3A_2141, %dma_start3A_2142] : memref<4x8192x768xf32, #tpu.memory_space<hbm>> -> memref<1x32x768xf32, #tpu.memory_space<hbm>>
    %dma_start3A_2144 = tpu.memref_squeeze %dma_start3A_2143 : memref<1x32x768xf32, #tpu.memory_space<hbm>> -> memref<32x768xf32, #tpu.memory_space<hbm>>
    %dma_start3A_2145 = arith.constant 0 : i32
    %dma_start3A_2146 = tpu.memref_slice %arg5[%select_n3A_2098, %add3A_2141, %dma_start3A_2145] : memref<4x8192x768xf32, #tpu.memory_space<hbm>> -> memref<1x32x768xf32, #tpu.memory_space<hbm>>
    %dma_start3A_2147 = tpu.memref_squeeze %dma_start3A_2146 : memref<1x32x768xf32, #tpu.memory_space<hbm>> -> memref<32x768xf32, #tpu.memory_space<hbm>>
    tpu.enqueue_dma source(%arg12 : memref<32x768xf32, #tpu.memory_space<vmem>>) target(%dma_start3A_2147 : memref<32x768xf32, #tpu.memory_space<hbm>>) target_semaphore(%arg20 : memref<!tpu.dma_semaphore, #tpu.memory_space<semaphore_mem>>)
    %dma_wait3A_2148 = arith.constant 0 : i32
    %dma_wait3A_2149 = tpu.memref_slice %arg5[%select_n3A_1991, %add3A_2034, %dma_wait3A_2148] : memref<4x8192x768xf32, #tpu.memory_space<hbm>> -> memref<1x32x768xf32, #tpu.memory_space<hbm>>
    %dma_wait3A_2150 = tpu.memref_squeeze %dma_wait3A_2149 : memref<1x32x768xf32, #tpu.memory_space<hbm>> -> memref<32x768xf32, #tpu.memory_space<hbm>>
    %dma_wait3A_2151 = arith.constant 0 : i32
    %dma_wait3A_2152 = tpu.memref_slice %arg5[%select_n3A_1991, %add3A_2034, %dma_wait3A_2151] : memref<4x8192x768xf32, #tpu.memory_space<hbm>> -> memref<1x32x768xf32, #tpu.memory_space<hbm>>
    %dma_wait3A_2153 = tpu.memref_squeeze %dma_wait3A_2152 : memref<1x32x768xf32, #tpu.memory_space<hbm>> -> memref<32x768xf32, #tpu.memory_space<hbm>>
    tpu.wait_dma2 semaphore(%arg19 : memref<!tpu.dma_semaphore, #tpu.memory_space<semaphore_mem>>) src(%arg11 : memref<32x768xf32, #tpu.memory_space<vmem>>) dst(%dma_wait3A_2153 : memref<32x768xf32, #tpu.memory_space<hbm>>)
    %dma_start3A_2154 = arith.constant 704 : i32
    %dma_start3A_2155 = tpu.memref_slice %arg8[%dma_start3A_2154] : memref<1024xi32, #tpu.memory_space<vmem>> -> memref<32xi32, #tpu.memory_space<vmem>>
    %dma_start3A_2156 = arith.constant 0 : i32
    %dma_start3A_2157 = arith.constant 0 : i32
    %dma_start3A_2158 = tpu.memref_slice %arg2[%dma_start3A_2156, %dma_start3A_2157] : memref<16384x768xf32, #tpu.memory_space<hbm>> -> memref<16384x768xf32, #tpu.memory_space<hbm>>
    tpu.enqueue_indirect_dma source(%dma_start3A_2158 : memref<16384x768xf32, #tpu.memory_space<hbm>>) target(%arg11 : memref<32x768xf32, #tpu.memory_space<vmem>>) offsets(%dma_start3A_2155 : memref<32xi32, #tpu.memory_space<vmem>>) semaphore(%arg15 : memref<!tpu.dma_semaphore, #tpu.memory_space<semaphore_mem>>)
    %dma_wait3A_2159 = arith.constant 640 : i32
    %dma_wait3A_2160 = tpu.memref_slice %arg8[%dma_wait3A_2159] : memref<1024xi32, #tpu.memory_space<vmem>> -> memref<32xi32, #tpu.memory_space<vmem>>
    %dma_wait3A_2161 = arith.constant 0 : i32
    %dma_wait3A_2162 = arith.constant 0 : i32
    %dma_wait3A_2163 = tpu.memref_slice %arg2[%dma_wait3A_2161, %dma_wait3A_2162] : memref<16384x768xf32, #tpu.memory_space<hbm>> -> memref<16384x768xf32, #tpu.memory_space<hbm>>
    tpu.wait_indirect_dma semaphore(%arg13 : memref<!tpu.dma_semaphore, #tpu.memory_space<semaphore_mem>>) src(%dma_wait3A_2163 : memref<16384x768xf32, #tpu.memory_space<hbm>>) dst(%arg9 : memref<32x768xf32, #tpu.memory_space<vmem>>)
    %add3A_2164 = arith.constant 640 : i32
    %add3A_2165 = arith.addi %mul3A_2, %add3A_2164 : i32
    %jit3A_2166 = arith.constant 128 : i32
    %div3A_2167 = arith.divsi %add3A_2165, %jit3A_2166 : i32
    %sign3A_2168 = arith.constant 0 : i32
    %sign3A_2169 = arith.cmpi sgt, %add3A_2165, %sign3A_2168 : i32
    %sign3A_2170 = arith.extui %sign3A_2169 : i1 to i32
    %sign3A_2171 = arith.constant 0 : i32
    %sign3A_2172 = arith.cmpi slt, %add3A_2165, %sign3A_2171 : i32
    %sign3A_2173 = arith.extui %sign3A_2172 : i1 to i32
    %sign3A_2174 = arith.subi %sign3A_2170, %sign3A_2173 : i32
    %sign3A_2175 = arith.constant 0 : i32
    %sign3A_2176 = arith.cmpi sgt, %jit3A_2166, %sign3A_2175 : i32
    %sign3A_2177 = arith.extui %sign3A_2176 : i1 to i32
    %sign3A_2178 = arith.constant 0 : i32
    %sign3A_2179 = arith.cmpi slt, %jit3A_2166, %sign3A_2178 : i32
    %sign3A_2180 = arith.extui %sign3A_2179 : i1 to i32
    %sign3A_2181 = arith.subi %sign3A_2177, %sign3A_2180 : i32
    %ne3A_2182 = arith.cmpi ne, %sign3A_2174, %sign3A_2181 : i32
    %rem3A_2183 = arith.remsi %add3A_2165, %jit3A_2166 : i32
    %ne3A_2184 = arith.constant 0 : i32
    %ne3A_2185 = arith.cmpi ne, %rem3A_2183, %ne3A_2184 : i32
    %and3A_2186 = arith.andi %ne3A_2182, %ne3A_2185 : i1
    %sub3A_2187 = arith.constant 1 : i32
    %sub3A_2188 = arith.subi %div3A_2167, %sub3A_2187 : i32
    %select_n3A_2189 = arith.select %and3A_2186, %sub3A_2188, %div3A_2167 : i32
    %jit3A_2190 = arith.constant 4 : i32
    %eq3A_2191 = arith.constant 0 : i32
    %eq3A_2192 = arith.cmpi eq, %jit3A_2190, %eq3A_2191 : i32
    %jit3A_2193 = arith.constant 1 : i32
    %select_n3A_2194 = arith.select %eq3A_2192, %jit3A_2193, %jit3A_2190 : i32
    %rem3A_2195 = arith.remsi %select_n3A_2189, %select_n3A_2194 : i32
    %ne3A_2196 = arith.constant 0 : i32
    %ne3A_2197 = arith.cmpi ne, %rem3A_2195, %ne3A_2196 : i32
    %lt3A_2198 = arith.constant 0 : i32
    %lt3A_2199 = arith.cmpi slt, %rem3A_2195, %lt3A_2198 : i32
    %lt3A_2200 = arith.constant 0 : i32
    %lt3A_2201 = arith.cmpi slt, %select_n3A_2194, %lt3A_2200 : i32
    %ne3A_2202 = arith.xori %lt3A_2199, %lt3A_2201 : i1
    %and3A_2203 = arith.andi %ne3A_2202, %ne3A_2197 : i1
    %add3A_2204 = arith.addi %rem3A_2195, %select_n3A_2194 : i32
    %select_n3A_2205 = arith.select %and3A_2203, %add3A_2204, %rem3A_2195 : i32
    %jit3A_2206 = arith.constant 512 : i32
    %div3A_2207 = arith.divsi %add3A_2165, %jit3A_2206 : i32
    %sign3A_2208 = arith.constant 0 : i32
    %sign3A_2209 = arith.cmpi sgt, %add3A_2165, %sign3A_2208 : i32
    %sign3A_2210 = arith.extui %sign3A_2209 : i1 to i32
    %sign3A_2211 = arith.constant 0 : i32
    %sign3A_2212 = arith.cmpi slt, %add3A_2165, %sign3A_2211 : i32
    %sign3A_2213 = arith.extui %sign3A_2212 : i1 to i32
    %sign3A_2214 = arith.subi %sign3A_2210, %sign3A_2213 : i32
    %sign3A_2215 = arith.constant 0 : i32
    %sign3A_2216 = arith.cmpi sgt, %jit3A_2206, %sign3A_2215 : i32
    %sign3A_2217 = arith.extui %sign3A_2216 : i1 to i32
    %sign3A_2218 = arith.constant 0 : i32
    %sign3A_2219 = arith.cmpi slt, %jit3A_2206, %sign3A_2218 : i32
    %sign3A_2220 = arith.extui %sign3A_2219 : i1 to i32
    %sign3A_2221 = arith.subi %sign3A_2217, %sign3A_2220 : i32
    %ne3A_2222 = arith.cmpi ne, %sign3A_2214, %sign3A_2221 : i32
    %rem3A_2223 = arith.remsi %add3A_2165, %jit3A_2206 : i32
    %ne3A_2224 = arith.constant 0 : i32
    %ne3A_2225 = arith.cmpi ne, %rem3A_2223, %ne3A_2224 : i32
    %and3A_2226 = arith.andi %ne3A_2222, %ne3A_2225 : i1
    %sub3A_2227 = arith.constant 1 : i32
    %sub3A_2228 = arith.subi %div3A_2207, %sub3A_2227 : i32
    %select_n3A_2229 = arith.select %and3A_2226, %sub3A_2228, %div3A_2207 : i32
    %mul3A_2230 = arith.constant 128 : i32
    %mul3A_2231 = arith.muli %select_n3A_2229, %mul3A_2230 : i32
    %jit3A_2232 = arith.constant 128 : i32
    %eq3A_2233 = arith.constant 0 : i32
    %eq3A_2234 = arith.cmpi eq, %jit3A_2232, %eq3A_2233 : i32
    %jit3A_2235 = arith.constant 1 : i32
    %select_n3A_2236 = arith.select %eq3A_2234, %jit3A_2235, %jit3A_2232 : i32
    %rem3A_2237 = arith.remsi %add3A_2165, %select_n3A_2236 : i32
    %ne3A_2238 = arith.constant 0 : i32
    %ne3A_2239 = arith.cmpi ne, %rem3A_2237, %ne3A_2238 : i32
    %lt3A_2240 = arith.constant 0 : i32
    %lt3A_2241 = arith.cmpi slt, %rem3A_2237, %lt3A_2240 : i32
    %lt3A_2242 = arith.constant 0 : i32
    %lt3A_2243 = arith.cmpi slt, %select_n3A_2236, %lt3A_2242 : i32
    %ne3A_2244 = arith.xori %lt3A_2241, %lt3A_2243 : i1
    %and3A_2245 = arith.andi %ne3A_2244, %ne3A_2239 : i1
    %add3A_2246 = arith.addi %rem3A_2237, %select_n3A_2236 : i32
    %select_n3A_2247 = arith.select %and3A_2245, %add3A_2246, %rem3A_2237 : i32
    %add3A_2248 = arith.addi %mul3A_2231, %select_n3A_2247 : i32
    %dma_start3A_2249 = arith.constant 0 : i32
    %dma_start3A_2250 = tpu.memref_slice %arg5[%select_n3A_2205, %add3A_2248, %dma_start3A_2249] : memref<4x8192x768xf32, #tpu.memory_space<hbm>> -> memref<1x32x768xf32, #tpu.memory_space<hbm>>
    %dma_start3A_2251 = tpu.memref_squeeze %dma_start3A_2250 : memref<1x32x768xf32, #tpu.memory_space<hbm>> -> memref<32x768xf32, #tpu.memory_space<hbm>>
    %dma_start3A_2252 = arith.constant 0 : i32
    %dma_start3A_2253 = tpu.memref_slice %arg5[%select_n3A_2205, %add3A_2248, %dma_start3A_2252] : memref<4x8192x768xf32, #tpu.memory_space<hbm>> -> memref<1x32x768xf32, #tpu.memory_space<hbm>>
    %dma_start3A_2254 = tpu.memref_squeeze %dma_start3A_2253 : memref<1x32x768xf32, #tpu.memory_space<hbm>> -> memref<32x768xf32, #tpu.memory_space<hbm>>
    tpu.enqueue_dma source(%arg9 : memref<32x768xf32, #tpu.memory_space<vmem>>) target(%dma_start3A_2254 : memref<32x768xf32, #tpu.memory_space<hbm>>) target_semaphore(%arg17 : memref<!tpu.dma_semaphore, #tpu.memory_space<semaphore_mem>>)
    %dma_wait3A_2255 = arith.constant 0 : i32
    %dma_wait3A_2256 = tpu.memref_slice %arg5[%select_n3A_2098, %add3A_2141, %dma_wait3A_2255] : memref<4x8192x768xf32, #tpu.memory_space<hbm>> -> memref<1x32x768xf32, #tpu.memory_space<hbm>>
    %dma_wait3A_2257 = tpu.memref_squeeze %dma_wait3A_2256 : memref<1x32x768xf32, #tpu.memory_space<hbm>> -> memref<32x768xf32, #tpu.memory_space<hbm>>
    %dma_wait3A_2258 = arith.constant 0 : i32
    %dma_wait3A_2259 = tpu.memref_slice %arg5[%select_n3A_2098, %add3A_2141, %dma_wait3A_2258] : memref<4x8192x768xf32, #tpu.memory_space<hbm>> -> memref<1x32x768xf32, #tpu.memory_space<hbm>>
    %dma_wait3A_2260 = tpu.memref_squeeze %dma_wait3A_2259 : memref<1x32x768xf32, #tpu.memory_space<hbm>> -> memref<32x768xf32, #tpu.memory_space<hbm>>
    tpu.wait_dma2 semaphore(%arg20 : memref<!tpu.dma_semaphore, #tpu.memory_space<semaphore_mem>>) src(%arg12 : memref<32x768xf32, #tpu.memory_space<vmem>>) dst(%dma_wait3A_2260 : memref<32x768xf32, #tpu.memory_space<hbm>>)
    %dma_start3A_2261 = arith.constant 736 : i32
    %dma_start3A_2262 = tpu.memref_slice %arg8[%dma_start3A_2261] : memref<1024xi32, #tpu.memory_space<vmem>> -> memref<32xi32, #tpu.memory_space<vmem>>
    %dma_start3A_2263 = arith.constant 0 : i32
    %dma_start3A_2264 = arith.constant 0 : i32
    %dma_start3A_2265 = tpu.memref_slice %arg2[%dma_start3A_2263, %dma_start3A_2264] : memref<16384x768xf32, #tpu.memory_space<hbm>> -> memref<16384x768xf32, #tpu.memory_space<hbm>>
    tpu.enqueue_indirect_dma source(%dma_start3A_2265 : memref<16384x768xf32, #tpu.memory_space<hbm>>) target(%arg12 : memref<32x768xf32, #tpu.memory_space<vmem>>) offsets(%dma_start3A_2262 : memref<32xi32, #tpu.memory_space<vmem>>) semaphore(%arg16 : memref<!tpu.dma_semaphore, #tpu.memory_space<semaphore_mem>>)
    %dma_wait3A_2266 = arith.constant 672 : i32
    %dma_wait3A_2267 = tpu.memref_slice %arg8[%dma_wait3A_2266] : memref<1024xi32, #tpu.memory_space<vmem>> -> memref<32xi32, #tpu.memory_space<vmem>>
    %dma_wait3A_2268 = arith.constant 0 : i32
    %dma_wait3A_2269 = arith.constant 0 : i32
    %dma_wait3A_2270 = tpu.memref_slice %arg2[%dma_wait3A_2268, %dma_wait3A_2269] : memref<16384x768xf32, #tpu.memory_space<hbm>> -> memref<16384x768xf32, #tpu.memory_space<hbm>>
    tpu.wait_indirect_dma semaphore(%arg14 : memref<!tpu.dma_semaphore, #tpu.memory_space<semaphore_mem>>) src(%dma_wait3A_2270 : memref<16384x768xf32, #tpu.memory_space<hbm>>) dst(%arg10 : memref<32x768xf32, #tpu.memory_space<vmem>>)
    %add3A_2271 = arith.constant 672 : i32
    %add3A_2272 = arith.addi %mul3A_2, %add3A_2271 : i32
    %jit3A_2273 = arith.constant 128 : i32
    %div3A_2274 = arith.divsi %add3A_2272, %jit3A_2273 : i32
    %sign3A_2275 = arith.constant 0 : i32
    %sign3A_2276 = arith.cmpi sgt, %add3A_2272, %sign3A_2275 : i32
    %sign3A_2277 = arith.extui %sign3A_2276 : i1 to i32
    %sign3A_2278 = arith.constant 0 : i32
    %sign3A_2279 = arith.cmpi slt, %add3A_2272, %sign3A_2278 : i32
    %sign3A_2280 = arith.extui %sign3A_2279 : i1 to i32
    %sign3A_2281 = arith.subi %sign3A_2277, %sign3A_2280 : i32
    %sign3A_2282 = arith.constant 0 : i32
    %sign3A_2283 = arith.cmpi sgt, %jit3A_2273, %sign3A_2282 : i32
    %sign3A_2284 = arith.extui %sign3A_2283 : i1 to i32
    %sign3A_2285 = arith.constant 0 : i32
    %sign3A_2286 = arith.cmpi slt, %jit3A_2273, %sign3A_2285 : i32
    %sign3A_2287 = arith.extui %sign3A_2286 : i1 to i32
    %sign3A_2288 = arith.subi %sign3A_2284, %sign3A_2287 : i32
    %ne3A_2289 = arith.cmpi ne, %sign3A_2281, %sign3A_2288 : i32
    %rem3A_2290 = arith.remsi %add3A_2272, %jit3A_2273 : i32
    %ne3A_2291 = arith.constant 0 : i32
    %ne3A_2292 = arith.cmpi ne, %rem3A_2290, %ne3A_2291 : i32
    %and3A_2293 = arith.andi %ne3A_2289, %ne3A_2292 : i1
    %sub3A_2294 = arith.constant 1 : i32
    %sub3A_2295 = arith.subi %div3A_2274, %sub3A_2294 : i32
    %select_n3A_2296 = arith.select %and3A_2293, %sub3A_2295, %div3A_2274 : i32
    %jit3A_2297 = arith.constant 4 : i32
    %eq3A_2298 = arith.constant 0 : i32
    %eq3A_2299 = arith.cmpi eq, %jit3A_2297, %eq3A_2298 : i32
    %jit3A_2300 = arith.constant 1 : i32
    %select_n3A_2301 = arith.select %eq3A_2299, %jit3A_2300, %jit3A_2297 : i32
    %rem3A_2302 = arith.remsi %select_n3A_2296, %select_n3A_2301 : i32
    %ne3A_2303 = arith.constant 0 : i32
    %ne3A_2304 = arith.cmpi ne, %rem3A_2302, %ne3A_2303 : i32
    %lt3A_2305 = arith.constant 0 : i32
    %lt3A_2306 = arith.cmpi slt, %rem3A_2302, %lt3A_2305 : i32
    %lt3A_2307 = arith.constant 0 : i32
    %lt3A_2308 = arith.cmpi slt, %select_n3A_2301, %lt3A_2307 : i32
    %ne3A_2309 = arith.xori %lt3A_2306, %lt3A_2308 : i1
    %and3A_2310 = arith.andi %ne3A_2309, %ne3A_2304 : i1
    %add3A_2311 = arith.addi %rem3A_2302, %select_n3A_2301 : i32
    %select_n3A_2312 = arith.select %and3A_2310, %add3A_2311, %rem3A_2302 : i32
    %jit3A_2313 = arith.constant 512 : i32
    %div3A_2314 = arith.divsi %add3A_2272, %jit3A_2313 : i32
    %sign3A_2315 = arith.constant 0 : i32
    %sign3A_2316 = arith.cmpi sgt, %add3A_2272, %sign3A_2315 : i32
    %sign3A_2317 = arith.extui %sign3A_2316 : i1 to i32
    %sign3A_2318 = arith.constant 0 : i32
    %sign3A_2319 = arith.cmpi slt, %add3A_2272, %sign3A_2318 : i32
    %sign3A_2320 = arith.extui %sign3A_2319 : i1 to i32
    %sign3A_2321 = arith.subi %sign3A_2317, %sign3A_2320 : i32
    %sign3A_2322 = arith.constant 0 : i32
    %sign3A_2323 = arith.cmpi sgt, %jit3A_2313, %sign3A_2322 : i32
    %sign3A_2324 = arith.extui %sign3A_2323 : i1 to i32
    %sign3A_2325 = arith.constant 0 : i32
    %sign3A_2326 = arith.cmpi slt, %jit3A_2313, %sign3A_2325 : i32
    %sign3A_2327 = arith.extui %sign3A_2326 : i1 to i32
    %sign3A_2328 = arith.subi %sign3A_2324, %sign3A_2327 : i32
    %ne3A_2329 = arith.cmpi ne, %sign3A_2321, %sign3A_2328 : i32
    %rem3A_2330 = arith.remsi %add3A_2272, %jit3A_2313 : i32
    %ne3A_2331 = arith.constant 0 : i32
    %ne3A_2332 = arith.cmpi ne, %rem3A_2330, %ne3A_2331 : i32
    %and3A_2333 = arith.andi %ne3A_2329, %ne3A_2332 : i1
    %sub3A_2334 = arith.constant 1 : i32
    %sub3A_2335 = arith.subi %div3A_2314, %sub3A_2334 : i32
    %select_n3A_2336 = arith.select %and3A_2333, %sub3A_2335, %div3A_2314 : i32
    %mul3A_2337 = arith.constant 128 : i32
    %mul3A_2338 = arith.muli %select_n3A_2336, %mul3A_2337 : i32
    %jit3A_2339 = arith.constant 128 : i32
    %eq3A_2340 = arith.constant 0 : i32
    %eq3A_2341 = arith.cmpi eq, %jit3A_2339, %eq3A_2340 : i32
    %jit3A_2342 = arith.constant 1 : i32
    %select_n3A_2343 = arith.select %eq3A_2341, %jit3A_2342, %jit3A_2339 : i32
    %rem3A_2344 = arith.remsi %add3A_2272, %select_n3A_2343 : i32
    %ne3A_2345 = arith.constant 0 : i32
    %ne3A_2346 = arith.cmpi ne, %rem3A_2344, %ne3A_2345 : i32
    %lt3A_2347 = arith.constant 0 : i32
    %lt3A_2348 = arith.cmpi slt, %rem3A_2344, %lt3A_2347 : i32
    %lt3A_2349 = arith.constant 0 : i32
    %lt3A_2350 = arith.cmpi slt, %select_n3A_2343, %lt3A_2349 : i32
    %ne3A_2351 = arith.xori %lt3A_2348, %lt3A_2350 : i1
    %and3A_2352 = arith.andi %ne3A_2351, %ne3A_2346 : i1
    %add3A_2353 = arith.addi %rem3A_2344, %select_n3A_2343 : i32
    %select_n3A_2354 = arith.select %and3A_2352, %add3A_2353, %rem3A_2344 : i32
    %add3A_2355 = arith.addi %mul3A_2338, %select_n3A_2354 : i32
    %dma_start3A_2356 = arith.constant 0 : i32
    %dma_start3A_2357 = tpu.memref_slice %arg5[%select_n3A_2312, %add3A_2355, %dma_start3A_2356] : memref<4x8192x768xf32, #tpu.memory_space<hbm>> -> memref<1x32x768xf32, #tpu.memory_space<hbm>>
    %dma_start3A_2358 = tpu.memref_squeeze %dma_start3A_2357 : memref<1x32x768xf32, #tpu.memory_space<hbm>> -> memref<32x768xf32, #tpu.memory_space<hbm>>
    %dma_start3A_2359 = arith.constant 0 : i32
    %dma_start3A_2360 = tpu.memref_slice %arg5[%select_n3A_2312, %add3A_2355, %dma_start3A_2359] : memref<4x8192x768xf32, #tpu.memory_space<hbm>> -> memref<1x32x768xf32, #tpu.memory_space<hbm>>
    %dma_start3A_2361 = tpu.memref_squeeze %dma_start3A_2360 : memref<1x32x768xf32, #tpu.memory_space<hbm>> -> memref<32x768xf32, #tpu.memory_space<hbm>>
    tpu.enqueue_dma source(%arg10 : memref<32x768xf32, #tpu.memory_space<vmem>>) target(%dma_start3A_2361 : memref<32x768xf32, #tpu.memory_space<hbm>>) target_semaphore(%arg18 : memref<!tpu.dma_semaphore, #tpu.memory_space<semaphore_mem>>)
    %dma_wait3A_2362 = arith.constant 0 : i32
    %dma_wait3A_2363 = tpu.memref_slice %arg5[%select_n3A_2205, %add3A_2248, %dma_wait3A_2362] : memref<4x8192x768xf32, #tpu.memory_space<hbm>> -> memref<1x32x768xf32, #tpu.memory_space<hbm>>
    %dma_wait3A_2364 = tpu.memref_squeeze %dma_wait3A_2363 : memref<1x32x768xf32, #tpu.memory_space<hbm>> -> memref<32x768xf32, #tpu.memory_space<hbm>>
    %dma_wait3A_2365 = arith.constant 0 : i32
    %dma_wait3A_2366 = tpu.memref_slice %arg5[%select_n3A_2205, %add3A_2248, %dma_wait3A_2365] : memref<4x8192x768xf32, #tpu.memory_space<hbm>> -> memref<1x32x768xf32, #tpu.memory_space<hbm>>
    %dma_wait3A_2367 = tpu.memref_squeeze %dma_wait3A_2366 : memref<1x32x768xf32, #tpu.memory_space<hbm>> -> memref<32x768xf32, #tpu.memory_space<hbm>>
    tpu.wait_dma2 semaphore(%arg17 : memref<!tpu.dma_semaphore, #tpu.memory_space<semaphore_mem>>) src(%arg9 : memref<32x768xf32, #tpu.memory_space<vmem>>) dst(%dma_wait3A_2367 : memref<32x768xf32, #tpu.memory_space<hbm>>)
    %dma_start3A_2368 = arith.constant 768 : i32
    %dma_start3A_2369 = tpu.memref_slice %arg8[%dma_start3A_2368] : memref<1024xi32, #tpu.memory_space<vmem>> -> memref<32xi32, #tpu.memory_space<vmem>>
    %dma_start3A_2370 = arith.constant 0 : i32
    %dma_start3A_2371 = arith.constant 0 : i32
    %dma_start3A_2372 = tpu.memref_slice %arg2[%dma_start3A_2370, %dma_start3A_2371] : memref<16384x768xf32, #tpu.memory_space<hbm>> -> memref<16384x768xf32, #tpu.memory_space<hbm>>
    tpu.enqueue_indirect_dma source(%dma_start3A_2372 : memref<16384x768xf32, #tpu.memory_space<hbm>>) target(%arg9 : memref<32x768xf32, #tpu.memory_space<vmem>>) offsets(%dma_start3A_2369 : memref<32xi32, #tpu.memory_space<vmem>>) semaphore(%arg13 : memref<!tpu.dma_semaphore, #tpu.memory_space<semaphore_mem>>)
    %dma_wait3A_2373 = arith.constant 704 : i32
    %dma_wait3A_2374 = tpu.memref_slice %arg8[%dma_wait3A_2373] : memref<1024xi32, #tpu.memory_space<vmem>> -> memref<32xi32, #tpu.memory_space<vmem>>
    %dma_wait3A_2375 = arith.constant 0 : i32
    %dma_wait3A_2376 = arith.constant 0 : i32
    %dma_wait3A_2377 = tpu.memref_slice %arg2[%dma_wait3A_2375, %dma_wait3A_2376] : memref<16384x768xf32, #tpu.memory_space<hbm>> -> memref<16384x768xf32, #tpu.memory_space<hbm>>
    tpu.wait_indirect_dma semaphore(%arg15 : memref<!tpu.dma_semaphore, #tpu.memory_space<semaphore_mem>>) src(%dma_wait3A_2377 : memref<16384x768xf32, #tpu.memory_space<hbm>>) dst(%arg11 : memref<32x768xf32, #tpu.memory_space<vmem>>)
    %add3A_2378 = arith.constant 704 : i32
    %add3A_2379 = arith.addi %mul3A_2, %add3A_2378 : i32
    %jit3A_2380 = arith.constant 128 : i32
    %div3A_2381 = arith.divsi %add3A_2379, %jit3A_2380 : i32
    %sign3A_2382 = arith.constant 0 : i32
    %sign3A_2383 = arith.cmpi sgt, %add3A_2379, %sign3A_2382 : i32
    %sign3A_2384 = arith.extui %sign3A_2383 : i1 to i32
    %sign3A_2385 = arith.constant 0 : i32
    %sign3A_2386 = arith.cmpi slt, %add3A_2379, %sign3A_2385 : i32
    %sign3A_2387 = arith.extui %sign3A_2386 : i1 to i32
    %sign3A_2388 = arith.subi %sign3A_2384, %sign3A_2387 : i32
    %sign3A_2389 = arith.constant 0 : i32
    %sign3A_2390 = arith.cmpi sgt, %jit3A_2380, %sign3A_2389 : i32
    %sign3A_2391 = arith.extui %sign3A_2390 : i1 to i32
    %sign3A_2392 = arith.constant 0 : i32
    %sign3A_2393 = arith.cmpi slt, %jit3A_2380, %sign3A_2392 : i32
    %sign3A_2394 = arith.extui %sign3A_2393 : i1 to i32
    %sign3A_2395 = arith.subi %sign3A_2391, %sign3A_2394 : i32
    %ne3A_2396 = arith.cmpi ne, %sign3A_2388, %sign3A_2395 : i32
    %rem3A_2397 = arith.remsi %add3A_2379, %jit3A_2380 : i32
    %ne3A_2398 = arith.constant 0 : i32
    %ne3A_2399 = arith.cmpi ne, %rem3A_2397, %ne3A_2398 : i32
    %and3A_2400 = arith.andi %ne3A_2396, %ne3A_2399 : i1
    %sub3A_2401 = arith.constant 1 : i32
    %sub3A_2402 = arith.subi %div3A_2381, %sub3A_2401 : i32
    %select_n3A_2403 = arith.select %and3A_2400, %sub3A_2402, %div3A_2381 : i32
    %jit3A_2404 = arith.constant 4 : i32
    %eq3A_2405 = arith.constant 0 : i32
    %eq3A_2406 = arith.cmpi eq, %jit3A_2404, %eq3A_2405 : i32
    %jit3A_2407 = arith.constant 1 : i32
    %select_n3A_2408 = arith.select %eq3A_2406, %jit3A_2407, %jit3A_2404 : i32
    %rem3A_2409 = arith.remsi %select_n3A_2403, %select_n3A_2408 : i32
    %ne3A_2410 = arith.constant 0 : i32
    %ne3A_2411 = arith.cmpi ne, %rem3A_2409, %ne3A_2410 : i32
    %lt3A_2412 = arith.constant 0 : i32
    %lt3A_2413 = arith.cmpi slt, %rem3A_2409, %lt3A_2412 : i32
    %lt3A_2414 = arith.constant 0 : i32
    %lt3A_2415 = arith.cmpi slt, %select_n3A_2408, %lt3A_2414 : i32
    %ne3A_2416 = arith.xori %lt3A_2413, %lt3A_2415 : i1
    %and3A_2417 = arith.andi %ne3A_2416, %ne3A_2411 : i1
    %add3A_2418 = arith.addi %rem3A_2409, %select_n3A_2408 : i32
    %select_n3A_2419 = arith.select %and3A_2417, %add3A_2418, %rem3A_2409 : i32
    %jit3A_2420 = arith.constant 512 : i32
    %div3A_2421 = arith.divsi %add3A_2379, %jit3A_2420 : i32
    %sign3A_2422 = arith.constant 0 : i32
    %sign3A_2423 = arith.cmpi sgt, %add3A_2379, %sign3A_2422 : i32
    %sign3A_2424 = arith.extui %sign3A_2423 : i1 to i32
    %sign3A_2425 = arith.constant 0 : i32
    %sign3A_2426 = arith.cmpi slt, %add3A_2379, %sign3A_2425 : i32
    %sign3A_2427 = arith.extui %sign3A_2426 : i1 to i32
    %sign3A_2428 = arith.subi %sign3A_2424, %sign3A_2427 : i32
    %sign3A_2429 = arith.constant 0 : i32
    %sign3A_2430 = arith.cmpi sgt, %jit3A_2420, %sign3A_2429 : i32
    %sign3A_2431 = arith.extui %sign3A_2430 : i1 to i32
    %sign3A_2432 = arith.constant 0 : i32
    %sign3A_2433 = arith.cmpi slt, %jit3A_2420, %sign3A_2432 : i32
    %sign3A_2434 = arith.extui %sign3A_2433 : i1 to i32
    %sign3A_2435 = arith.subi %sign3A_2431, %sign3A_2434 : i32
    %ne3A_2436 = arith.cmpi ne, %sign3A_2428, %sign3A_2435 : i32
    %rem3A_2437 = arith.remsi %add3A_2379, %jit3A_2420 : i32
    %ne3A_2438 = arith.constant 0 : i32
    %ne3A_2439 = arith.cmpi ne, %rem3A_2437, %ne3A_2438 : i32
    %and3A_2440 = arith.andi %ne3A_2436, %ne3A_2439 : i1
    %sub3A_2441 = arith.constant 1 : i32
    %sub3A_2442 = arith.subi %div3A_2421, %sub3A_2441 : i32
    %select_n3A_2443 = arith.select %and3A_2440, %sub3A_2442, %div3A_2421 : i32
    %mul3A_2444 = arith.constant 128 : i32
    %mul3A_2445 = arith.muli %select_n3A_2443, %mul3A_2444 : i32
    %jit3A_2446 = arith.constant 128 : i32
    %eq3A_2447 = arith.constant 0 : i32
    %eq3A_2448 = arith.cmpi eq, %jit3A_2446, %eq3A_2447 : i32
    %jit3A_2449 = arith.constant 1 : i32
    %select_n3A_2450 = arith.select %eq3A_2448, %jit3A_2449, %jit3A_2446 : i32
    %rem3A_2451 = arith.remsi %add3A_2379, %select_n3A_2450 : i32
    %ne3A_2452 = arith.constant 0 : i32
    %ne3A_2453 = arith.cmpi ne, %rem3A_2451, %ne3A_2452 : i32
    %lt3A_2454 = arith.constant 0 : i32
    %lt3A_2455 = arith.cmpi slt, %rem3A_2451, %lt3A_2454 : i32
    %lt3A_2456 = arith.constant 0 : i32
    %lt3A_2457 = arith.cmpi slt, %select_n3A_2450, %lt3A_2456 : i32
    %ne3A_2458 = arith.xori %lt3A_2455, %lt3A_2457 : i1
    %and3A_2459 = arith.andi %ne3A_2458, %ne3A_2453 : i1
    %add3A_2460 = arith.addi %rem3A_2451, %select_n3A_2450 : i32
    %select_n3A_2461 = arith.select %and3A_2459, %add3A_2460, %rem3A_2451 : i32
    %add3A_2462 = arith.addi %mul3A_2445, %select_n3A_2461 : i32
    %dma_start3A_2463 = arith.constant 0 : i32
    %dma_start3A_2464 = tpu.memref_slice %arg5[%select_n3A_2419, %add3A_2462, %dma_start3A_2463] : memref<4x8192x768xf32, #tpu.memory_space<hbm>> -> memref<1x32x768xf32, #tpu.memory_space<hbm>>
    %dma_start3A_2465 = tpu.memref_squeeze %dma_start3A_2464 : memref<1x32x768xf32, #tpu.memory_space<hbm>> -> memref<32x768xf32, #tpu.memory_space<hbm>>
    %dma_start3A_2466 = arith.constant 0 : i32
    %dma_start3A_2467 = tpu.memref_slice %arg5[%select_n3A_2419, %add3A_2462, %dma_start3A_2466] : memref<4x8192x768xf32, #tpu.memory_space<hbm>> -> memref<1x32x768xf32, #tpu.memory_space<hbm>>
    %dma_start3A_2468 = tpu.memref_squeeze %dma_start3A_2467 : memref<1x32x768xf32, #tpu.memory_space<hbm>> -> memref<32x768xf32, #tpu.memory_space<hbm>>
    tpu.enqueue_dma source(%arg11 : memref<32x768xf32, #tpu.memory_space<vmem>>) target(%dma_start3A_2468 : memref<32x768xf32, #tpu.memory_space<hbm>>) target_semaphore(%arg19 : memref<!tpu.dma_semaphore, #tpu.memory_space<semaphore_mem>>)
    %dma_wait3A_2469 = arith.constant 0 : i32
    %dma_wait3A_2470 = tpu.memref_slice %arg5[%select_n3A_2312, %add3A_2355, %dma_wait3A_2469] : memref<4x8192x768xf32, #tpu.memory_space<hbm>> -> memref<1x32x768xf32, #tpu.memory_space<hbm>>
    %dma_wait3A_2471 = tpu.memref_squeeze %dma_wait3A_2470 : memref<1x32x768xf32, #tpu.memory_space<hbm>> -> memref<32x768xf32, #tpu.memory_space<hbm>>
    %dma_wait3A_2472 = arith.constant 0 : i32
    %dma_wait3A_2473 = tpu.memref_slice %arg5[%select_n3A_2312, %add3A_2355, %dma_wait3A_2472] : memref<4x8192x768xf32, #tpu.memory_space<hbm>> -> memref<1x32x768xf32, #tpu.memory_space<hbm>>
    %dma_wait3A_2474 = tpu.memref_squeeze %dma_wait3A_2473 : memref<1x32x768xf32, #tpu.memory_space<hbm>> -> memref<32x768xf32, #tpu.memory_space<hbm>>
    tpu.wait_dma2 semaphore(%arg18 : memref<!tpu.dma_semaphore, #tpu.memory_space<semaphore_mem>>) src(%arg10 : memref<32x768xf32, #tpu.memory_space<vmem>>) dst(%dma_wait3A_2474 : memref<32x768xf32, #tpu.memory_space<hbm>>)
    %dma_start3A_2475 = arith.constant 800 : i32
    %dma_start3A_2476 = tpu.memref_slice %arg8[%dma_start3A_2475] : memref<1024xi32, #tpu.memory_space<vmem>> -> memref<32xi32, #tpu.memory_space<vmem>>
    %dma_start3A_2477 = arith.constant 0 : i32
    %dma_start3A_2478 = arith.constant 0 : i32
    %dma_start3A_2479 = tpu.memref_slice %arg2[%dma_start3A_2477, %dma_start3A_2478] : memref<16384x768xf32, #tpu.memory_space<hbm>> -> memref<16384x768xf32, #tpu.memory_space<hbm>>
    tpu.enqueue_indirect_dma source(%dma_start3A_2479 : memref<16384x768xf32, #tpu.memory_space<hbm>>) target(%arg10 : memref<32x768xf32, #tpu.memory_space<vmem>>) offsets(%dma_start3A_2476 : memref<32xi32, #tpu.memory_space<vmem>>) semaphore(%arg14 : memref<!tpu.dma_semaphore, #tpu.memory_space<semaphore_mem>>)
    %dma_wait3A_2480 = arith.constant 736 : i32
    %dma_wait3A_2481 = tpu.memref_slice %arg8[%dma_wait3A_2480] : memref<1024xi32, #tpu.memory_space<vmem>> -> memref<32xi32, #tpu.memory_space<vmem>>
    %dma_wait3A_2482 = arith.constant 0 : i32
    %dma_wait3A_2483 = arith.constant 0 : i32
    %dma_wait3A_2484 = tpu.memref_slice %arg2[%dma_wait3A_2482, %dma_wait3A_2483] : memref<16384x768xf32, #tpu.memory_space<hbm>> -> memref<16384x768xf32, #tpu.memory_space<hbm>>
    tpu.wait_indirect_dma semaphore(%arg16 : memref<!tpu.dma_semaphore, #tpu.memory_space<semaphore_mem>>) src(%dma_wait3A_2484 : memref<16384x768xf32, #tpu.memory_space<hbm>>) dst(%arg12 : memref<32x768xf32, #tpu.memory_space<vmem>>)
    %add3A_2485 = arith.constant 736 : i32
    %add3A_2486 = arith.addi %mul3A_2, %add3A_2485 : i32
    %jit3A_2487 = arith.constant 128 : i32
    %div3A_2488 = arith.divsi %add3A_2486, %jit3A_2487 : i32
    %sign3A_2489 = arith.constant 0 : i32
    %sign3A_2490 = arith.cmpi sgt, %add3A_2486, %sign3A_2489 : i32
    %sign3A_2491 = arith.extui %sign3A_2490 : i1 to i32
    %sign3A_2492 = arith.constant 0 : i32
    %sign3A_2493 = arith.cmpi slt, %add3A_2486, %sign3A_2492 : i32
    %sign3A_2494 = arith.extui %sign3A_2493 : i1 to i32
    %sign3A_2495 = arith.subi %sign3A_2491, %sign3A_2494 : i32
    %sign3A_2496 = arith.constant 0 : i32
    %sign3A_2497 = arith.cmpi sgt, %jit3A_2487, %sign3A_2496 : i32
    %sign3A_2498 = arith.extui %sign3A_2497 : i1 to i32
    %sign3A_2499 = arith.constant 0 : i32
    %sign3A_2500 = arith.cmpi slt, %jit3A_2487, %sign3A_2499 : i32
    %sign3A_2501 = arith.extui %sign3A_2500 : i1 to i32
    %sign3A_2502 = arith.subi %sign3A_2498, %sign3A_2501 : i32
    %ne3A_2503 = arith.cmpi ne, %sign3A_2495, %sign3A_2502 : i32
    %rem3A_2504 = arith.remsi %add3A_2486, %jit3A_2487 : i32
    %ne3A_2505 = arith.constant 0 : i32
    %ne3A_2506 = arith.cmpi ne, %rem3A_2504, %ne3A_2505 : i32
    %and3A_2507 = arith.andi %ne3A_2503, %ne3A_2506 : i1
    %sub3A_2508 = arith.constant 1 : i32
    %sub3A_2509 = arith.subi %div3A_2488, %sub3A_2508 : i32
    %select_n3A_2510 = arith.select %and3A_2507, %sub3A_2509, %div3A_2488 : i32
    %jit3A_2511 = arith.constant 4 : i32
    %eq3A_2512 = arith.constant 0 : i32
    %eq3A_2513 = arith.cmpi eq, %jit3A_2511, %eq3A_2512 : i32
    %jit3A_2514 = arith.constant 1 : i32
    %select_n3A_2515 = arith.select %eq3A_2513, %jit3A_2514, %jit3A_2511 : i32
    %rem3A_2516 = arith.remsi %select_n3A_2510, %select_n3A_2515 : i32
    %ne3A_2517 = arith.constant 0 : i32
    %ne3A_2518 = arith.cmpi ne, %rem3A_2516, %ne3A_2517 : i32
    %lt3A_2519 = arith.constant 0 : i32
    %lt3A_2520 = arith.cmpi slt, %rem3A_2516, %lt3A_2519 : i32
    %lt3A_2521 = arith.constant 0 : i32
    %lt3A_2522 = arith.cmpi slt, %select_n3A_2515, %lt3A_2521 : i32
    %ne3A_2523 = arith.xori %lt3A_2520, %lt3A_2522 : i1
    %and3A_2524 = arith.andi %ne3A_2523, %ne3A_2518 : i1
    %add3A_2525 = arith.addi %rem3A_2516, %select_n3A_2515 : i32
    %select_n3A_2526 = arith.select %and3A_2524, %add3A_2525, %rem3A_2516 : i32
    %jit3A_2527 = arith.constant 512 : i32
    %div3A_2528 = arith.divsi %add3A_2486, %jit3A_2527 : i32
    %sign3A_2529 = arith.constant 0 : i32
    %sign3A_2530 = arith.cmpi sgt, %add3A_2486, %sign3A_2529 : i32
    %sign3A_2531 = arith.extui %sign3A_2530 : i1 to i32
    %sign3A_2532 = arith.constant 0 : i32
    %sign3A_2533 = arith.cmpi slt, %add3A_2486, %sign3A_2532 : i32
    %sign3A_2534 = arith.extui %sign3A_2533 : i1 to i32
    %sign3A_2535 = arith.subi %sign3A_2531, %sign3A_2534 : i32
    %sign3A_2536 = arith.constant 0 : i32
    %sign3A_2537 = arith.cmpi sgt, %jit3A_2527, %sign3A_2536 : i32
    %sign3A_2538 = arith.extui %sign3A_2537 : i1 to i32
    %sign3A_2539 = arith.constant 0 : i32
    %sign3A_2540 = arith.cmpi slt, %jit3A_2527, %sign3A_2539 : i32
    %sign3A_2541 = arith.extui %sign3A_2540 : i1 to i32
    %sign3A_2542 = arith.subi %sign3A_2538, %sign3A_2541 : i32
    %ne3A_2543 = arith.cmpi ne, %sign3A_2535, %sign3A_2542 : i32
    %rem3A_2544 = arith.remsi %add3A_2486, %jit3A_2527 : i32
    %ne3A_2545 = arith.constant 0 : i32
    %ne3A_2546 = arith.cmpi ne, %rem3A_2544, %ne3A_2545 : i32
    %and3A_2547 = arith.andi %ne3A_2543, %ne3A_2546 : i1
    %sub3A_2548 = arith.constant 1 : i32
    %sub3A_2549 = arith.subi %div3A_2528, %sub3A_2548 : i32
    %select_n3A_2550 = arith.select %and3A_2547, %sub3A_2549, %div3A_2528 : i32
    %mul3A_2551 = arith.constant 128 : i32
    %mul3A_2552 = arith.muli %select_n3A_2550, %mul3A_2551 : i32
    %jit3A_2553 = arith.constant 128 : i32
    %eq3A_2554 = arith.constant 0 : i32
    %eq3A_2555 = arith.cmpi eq, %jit3A_2553, %eq3A_2554 : i32
    %jit3A_2556 = arith.constant 1 : i32
    %select_n3A_2557 = arith.select %eq3A_2555, %jit3A_2556, %jit3A_2553 : i32
    %rem3A_2558 = arith.remsi %add3A_2486, %select_n3A_2557 : i32
    %ne3A_2559 = arith.constant 0 : i32
    %ne3A_2560 = arith.cmpi ne, %rem3A_2558, %ne3A_2559 : i32
    %lt3A_2561 = arith.constant 0 : i32
    %lt3A_2562 = arith.cmpi slt, %rem3A_2558, %lt3A_2561 : i32
    %lt3A_2563 = arith.constant 0 : i32
    %lt3A_2564 = arith.cmpi slt, %select_n3A_2557, %lt3A_2563 : i32
    %ne3A_2565 = arith.xori %lt3A_2562, %lt3A_2564 : i1
    %and3A_2566 = arith.andi %ne3A_2565, %ne3A_2560 : i1
    %add3A_2567 = arith.addi %rem3A_2558, %select_n3A_2557 : i32
    %select_n3A_2568 = arith.select %and3A_2566, %add3A_2567, %rem3A_2558 : i32
    %add3A_2569 = arith.addi %mul3A_2552, %select_n3A_2568 : i32
    %dma_start3A_2570 = arith.constant 0 : i32
    %dma_start3A_2571 = tpu.memref_slice %arg5[%select_n3A_2526, %add3A_2569, %dma_start3A_2570] : memref<4x8192x768xf32, #tpu.memory_space<hbm>> -> memref<1x32x768xf32, #tpu.memory_space<hbm>>
    %dma_start3A_2572 = tpu.memref_squeeze %dma_start3A_2571 : memref<1x32x768xf32, #tpu.memory_space<hbm>> -> memref<32x768xf32, #tpu.memory_space<hbm>>
    %dma_start3A_2573 = arith.constant 0 : i32
    %dma_start3A_2574 = tpu.memref_slice %arg5[%select_n3A_2526, %add3A_2569, %dma_start3A_2573] : memref<4x8192x768xf32, #tpu.memory_space<hbm>> -> memref<1x32x768xf32, #tpu.memory_space<hbm>>
    %dma_start3A_2575 = tpu.memref_squeeze %dma_start3A_2574 : memref<1x32x768xf32, #tpu.memory_space<hbm>> -> memref<32x768xf32, #tpu.memory_space<hbm>>
    tpu.enqueue_dma source(%arg12 : memref<32x768xf32, #tpu.memory_space<vmem>>) target(%dma_start3A_2575 : memref<32x768xf32, #tpu.memory_space<hbm>>) target_semaphore(%arg20 : memref<!tpu.dma_semaphore, #tpu.memory_space<semaphore_mem>>)
    %dma_wait3A_2576 = arith.constant 0 : i32
    %dma_wait3A_2577 = tpu.memref_slice %arg5[%select_n3A_2419, %add3A_2462, %dma_wait3A_2576] : memref<4x8192x768xf32, #tpu.memory_space<hbm>> -> memref<1x32x768xf32, #tpu.memory_space<hbm>>
    %dma_wait3A_2578 = tpu.memref_squeeze %dma_wait3A_2577 : memref<1x32x768xf32, #tpu.memory_space<hbm>> -> memref<32x768xf32, #tpu.memory_space<hbm>>
    %dma_wait3A_2579 = arith.constant 0 : i32
    %dma_wait3A_2580 = tpu.memref_slice %arg5[%select_n3A_2419, %add3A_2462, %dma_wait3A_2579] : memref<4x8192x768xf32, #tpu.memory_space<hbm>> -> memref<1x32x768xf32, #tpu.memory_space<hbm>>
    %dma_wait3A_2581 = tpu.memref_squeeze %dma_wait3A_2580 : memref<1x32x768xf32, #tpu.memory_space<hbm>> -> memref<32x768xf32, #tpu.memory_space<hbm>>
    tpu.wait_dma2 semaphore(%arg19 : memref<!tpu.dma_semaphore, #tpu.memory_space<semaphore_mem>>) src(%arg11 : memref<32x768xf32, #tpu.memory_space<vmem>>) dst(%dma_wait3A_2581 : memref<32x768xf32, #tpu.memory_space<hbm>>)
    %dma_start3A_2582 = arith.constant 832 : i32
    %dma_start3A_2583 = tpu.memref_slice %arg8[%dma_start3A_2582] : memref<1024xi32, #tpu.memory_space<vmem>> -> memref<32xi32, #tpu.memory_space<vmem>>
    %dma_start3A_2584 = arith.constant 0 : i32
    %dma_start3A_2585 = arith.constant 0 : i32
    %dma_start3A_2586 = tpu.memref_slice %arg2[%dma_start3A_2584, %dma_start3A_2585] : memref<16384x768xf32, #tpu.memory_space<hbm>> -> memref<16384x768xf32, #tpu.memory_space<hbm>>
    tpu.enqueue_indirect_dma source(%dma_start3A_2586 : memref<16384x768xf32, #tpu.memory_space<hbm>>) target(%arg11 : memref<32x768xf32, #tpu.memory_space<vmem>>) offsets(%dma_start3A_2583 : memref<32xi32, #tpu.memory_space<vmem>>) semaphore(%arg15 : memref<!tpu.dma_semaphore, #tpu.memory_space<semaphore_mem>>)
    %dma_wait3A_2587 = arith.constant 768 : i32
    %dma_wait3A_2588 = tpu.memref_slice %arg8[%dma_wait3A_2587] : memref<1024xi32, #tpu.memory_space<vmem>> -> memref<32xi32, #tpu.memory_space<vmem>>
    %dma_wait3A_2589 = arith.constant 0 : i32
    %dma_wait3A_2590 = arith.constant 0 : i32
    %dma_wait3A_2591 = tpu.memref_slice %arg2[%dma_wait3A_2589, %dma_wait3A_2590] : memref<16384x768xf32, #tpu.memory_space<hbm>> -> memref<16384x768xf32, #tpu.memory_space<hbm>>
    tpu.wait_indirect_dma semaphore(%arg13 : memref<!tpu.dma_semaphore, #tpu.memory_space<semaphore_mem>>) src(%dma_wait3A_2591 : memref<16384x768xf32, #tpu.memory_space<hbm>>) dst(%arg9 : memref<32x768xf32, #tpu.memory_space<vmem>>)
    %add3A_2592 = arith.constant 768 : i32
    %add3A_2593 = arith.addi %mul3A_2, %add3A_2592 : i32
    %jit3A_2594 = arith.constant 128 : i32
    %div3A_2595 = arith.divsi %add3A_2593, %jit3A_2594 : i32
    %sign3A_2596 = arith.constant 0 : i32
    %sign3A_2597 = arith.cmpi sgt, %add3A_2593, %sign3A_2596 : i32
    %sign3A_2598 = arith.extui %sign3A_2597 : i1 to i32
    %sign3A_2599 = arith.constant 0 : i32
    %sign3A_2600 = arith.cmpi slt, %add3A_2593, %sign3A_2599 : i32
    %sign3A_2601 = arith.extui %sign3A_2600 : i1 to i32
    %sign3A_2602 = arith.subi %sign3A_2598, %sign3A_2601 : i32
    %sign3A_2603 = arith.constant 0 : i32
    %sign3A_2604 = arith.cmpi sgt, %jit3A_2594, %sign3A_2603 : i32
    %sign3A_2605 = arith.extui %sign3A_2604 : i1 to i32
    %sign3A_2606 = arith.constant 0 : i32
    %sign3A_2607 = arith.cmpi slt, %jit3A_2594, %sign3A_2606 : i32
    %sign3A_2608 = arith.extui %sign3A_2607 : i1 to i32
    %sign3A_2609 = arith.subi %sign3A_2605, %sign3A_2608 : i32
    %ne3A_2610 = arith.cmpi ne, %sign3A_2602, %sign3A_2609 : i32
    %rem3A_2611 = arith.remsi %add3A_2593, %jit3A_2594 : i32
    %ne3A_2612 = arith.constant 0 : i32
    %ne3A_2613 = arith.cmpi ne, %rem3A_2611, %ne3A_2612 : i32
    %and3A_2614 = arith.andi %ne3A_2610, %ne3A_2613 : i1
    %sub3A_2615 = arith.constant 1 : i32
    %sub3A_2616 = arith.subi %div3A_2595, %sub3A_2615 : i32
    %select_n3A_2617 = arith.select %and3A_2614, %sub3A_2616, %div3A_2595 : i32
    %jit3A_2618 = arith.constant 4 : i32
    %eq3A_2619 = arith.constant 0 : i32
    %eq3A_2620 = arith.cmpi eq, %jit3A_2618, %eq3A_2619 : i32
    %jit3A_2621 = arith.constant 1 : i32
    %select_n3A_2622 = arith.select %eq3A_2620, %jit3A_2621, %jit3A_2618 : i32
    %rem3A_2623 = arith.remsi %select_n3A_2617, %select_n3A_2622 : i32
    %ne3A_2624 = arith.constant 0 : i32
    %ne3A_2625 = arith.cmpi ne, %rem3A_2623, %ne3A_2624 : i32
    %lt3A_2626 = arith.constant 0 : i32
    %lt3A_2627 = arith.cmpi slt, %rem3A_2623, %lt3A_2626 : i32
    %lt3A_2628 = arith.constant 0 : i32
    %lt3A_2629 = arith.cmpi slt, %select_n3A_2622, %lt3A_2628 : i32
    %ne3A_2630 = arith.xori %lt3A_2627, %lt3A_2629 : i1
    %and3A_2631 = arith.andi %ne3A_2630, %ne3A_2625 : i1
    %add3A_2632 = arith.addi %rem3A_2623, %select_n3A_2622 : i32
    %select_n3A_2633 = arith.select %and3A_2631, %add3A_2632, %rem3A_2623 : i32
    %jit3A_2634 = arith.constant 512 : i32
    %div3A_2635 = arith.divsi %add3A_2593, %jit3A_2634 : i32
    %sign3A_2636 = arith.constant 0 : i32
    %sign3A_2637 = arith.cmpi sgt, %add3A_2593, %sign3A_2636 : i32
    %sign3A_2638 = arith.extui %sign3A_2637 : i1 to i32
    %sign3A_2639 = arith.constant 0 : i32
    %sign3A_2640 = arith.cmpi slt, %add3A_2593, %sign3A_2639 : i32
    %sign3A_2641 = arith.extui %sign3A_2640 : i1 to i32
    %sign3A_2642 = arith.subi %sign3A_2638, %sign3A_2641 : i32
    %sign3A_2643 = arith.constant 0 : i32
    %sign3A_2644 = arith.cmpi sgt, %jit3A_2634, %sign3A_2643 : i32
    %sign3A_2645 = arith.extui %sign3A_2644 : i1 to i32
    %sign3A_2646 = arith.constant 0 : i32
    %sign3A_2647 = arith.cmpi slt, %jit3A_2634, %sign3A_2646 : i32
    %sign3A_2648 = arith.extui %sign3A_2647 : i1 to i32
    %sign3A_2649 = arith.subi %sign3A_2645, %sign3A_2648 : i32
    %ne3A_2650 = arith.cmpi ne, %sign3A_2642, %sign3A_2649 : i32
    %rem3A_2651 = arith.remsi %add3A_2593, %jit3A_2634 : i32
    %ne3A_2652 = arith.constant 0 : i32
    %ne3A_2653 = arith.cmpi ne, %rem3A_2651, %ne3A_2652 : i32
    %and3A_2654 = arith.andi %ne3A_2650, %ne3A_2653 : i1
    %sub3A_2655 = arith.constant 1 : i32
    %sub3A_2656 = arith.subi %div3A_2635, %sub3A_2655 : i32
    %select_n3A_2657 = arith.select %and3A_2654, %sub3A_2656, %div3A_2635 : i32
    %mul3A_2658 = arith.constant 128 : i32
    %mul3A_2659 = arith.muli %select_n3A_2657, %mul3A_2658 : i32
    %jit3A_2660 = arith.constant 128 : i32
    %eq3A_2661 = arith.constant 0 : i32
    %eq3A_2662 = arith.cmpi eq, %jit3A_2660, %eq3A_2661 : i32
    %jit3A_2663 = arith.constant 1 : i32
    %select_n3A_2664 = arith.select %eq3A_2662, %jit3A_2663, %jit3A_2660 : i32
    %rem3A_2665 = arith.remsi %add3A_2593, %select_n3A_2664 : i32
    %ne3A_2666 = arith.constant 0 : i32
    %ne3A_2667 = arith.cmpi ne, %rem3A_2665, %ne3A_2666 : i32
    %lt3A_2668 = arith.constant 0 : i32
    %lt3A_2669 = arith.cmpi slt, %rem3A_2665, %lt3A_2668 : i32
    %lt3A_2670 = arith.constant 0 : i32
    %lt3A_2671 = arith.cmpi slt, %select_n3A_2664, %lt3A_2670 : i32
    %ne3A_2672 = arith.xori %lt3A_2669, %lt3A_2671 : i1
    %and3A_2673 = arith.andi %ne3A_2672, %ne3A_2667 : i1
    %add3A_2674 = arith.addi %rem3A_2665, %select_n3A_2664 : i32
    %select_n3A_2675 = arith.select %and3A_2673, %add3A_2674, %rem3A_2665 : i32
    %add3A_2676 = arith.addi %mul3A_2659, %select_n3A_2675 : i32
    %dma_start3A_2677 = arith.constant 0 : i32
    %dma_start3A_2678 = tpu.memref_slice %arg5[%select_n3A_2633, %add3A_2676, %dma_start3A_2677] : memref<4x8192x768xf32, #tpu.memory_space<hbm>> -> memref<1x32x768xf32, #tpu.memory_space<hbm>>
    %dma_start3A_2679 = tpu.memref_squeeze %dma_start3A_2678 : memref<1x32x768xf32, #tpu.memory_space<hbm>> -> memref<32x768xf32, #tpu.memory_space<hbm>>
    %dma_start3A_2680 = arith.constant 0 : i32
    %dma_start3A_2681 = tpu.memref_slice %arg5[%select_n3A_2633, %add3A_2676, %dma_start3A_2680] : memref<4x8192x768xf32, #tpu.memory_space<hbm>> -> memref<1x32x768xf32, #tpu.memory_space<hbm>>
    %dma_start3A_2682 = tpu.memref_squeeze %dma_start3A_2681 : memref<1x32x768xf32, #tpu.memory_space<hbm>> -> memref<32x768xf32, #tpu.memory_space<hbm>>
    tpu.enqueue_dma source(%arg9 : memref<32x768xf32, #tpu.memory_space<vmem>>) target(%dma_start3A_2682 : memref<32x768xf32, #tpu.memory_space<hbm>>) target_semaphore(%arg17 : memref<!tpu.dma_semaphore, #tpu.memory_space<semaphore_mem>>)
    %dma_wait3A_2683 = arith.constant 0 : i32
    %dma_wait3A_2684 = tpu.memref_slice %arg5[%select_n3A_2526, %add3A_2569, %dma_wait3A_2683] : memref<4x8192x768xf32, #tpu.memory_space<hbm>> -> memref<1x32x768xf32, #tpu.memory_space<hbm>>
    %dma_wait3A_2685 = tpu.memref_squeeze %dma_wait3A_2684 : memref<1x32x768xf32, #tpu.memory_space<hbm>> -> memref<32x768xf32, #tpu.memory_space<hbm>>
    %dma_wait3A_2686 = arith.constant 0 : i32
    %dma_wait3A_2687 = tpu.memref_slice %arg5[%select_n3A_2526, %add3A_2569, %dma_wait3A_2686] : memref<4x8192x768xf32, #tpu.memory_space<hbm>> -> memref<1x32x768xf32, #tpu.memory_space<hbm>>
    %dma_wait3A_2688 = tpu.memref_squeeze %dma_wait3A_2687 : memref<1x32x768xf32, #tpu.memory_space<hbm>> -> memref<32x768xf32, #tpu.memory_space<hbm>>
    tpu.wait_dma2 semaphore(%arg20 : memref<!tpu.dma_semaphore, #tpu.memory_space<semaphore_mem>>) src(%arg12 : memref<32x768xf32, #tpu.memory_space<vmem>>) dst(%dma_wait3A_2688 : memref<32x768xf32, #tpu.memory_space<hbm>>)
    %dma_start3A_2689 = arith.constant 864 : i32
    %dma_start3A_2690 = tpu.memref_slice %arg8[%dma_start3A_2689] : memref<1024xi32, #tpu.memory_space<vmem>> -> memref<32xi32, #tpu.memory_space<vmem>>
    %dma_start3A_2691 = arith.constant 0 : i32
    %dma_start3A_2692 = arith.constant 0 : i32
    %dma_start3A_2693 = tpu.memref_slice %arg2[%dma_start3A_2691, %dma_start3A_2692] : memref<16384x768xf32, #tpu.memory_space<hbm>> -> memref<16384x768xf32, #tpu.memory_space<hbm>>
    tpu.enqueue_indirect_dma source(%dma_start3A_2693 : memref<16384x768xf32, #tpu.memory_space<hbm>>) target(%arg12 : memref<32x768xf32, #tpu.memory_space<vmem>>) offsets(%dma_start3A_2690 : memref<32xi32, #tpu.memory_space<vmem>>) semaphore(%arg16 : memref<!tpu.dma_semaphore, #tpu.memory_space<semaphore_mem>>)
    %dma_wait3A_2694 = arith.constant 800 : i32
    %dma_wait3A_2695 = tpu.memref_slice %arg8[%dma_wait3A_2694] : memref<1024xi32, #tpu.memory_space<vmem>> -> memref<32xi32, #tpu.memory_space<vmem>>
    %dma_wait3A_2696 = arith.constant 0 : i32
    %dma_wait3A_2697 = arith.constant 0 : i32
    %dma_wait3A_2698 = tpu.memref_slice %arg2[%dma_wait3A_2696, %dma_wait3A_2697] : memref<16384x768xf32, #tpu.memory_space<hbm>> -> memref<16384x768xf32, #tpu.memory_space<hbm>>
    tpu.wait_indirect_dma semaphore(%arg14 : memref<!tpu.dma_semaphore, #tpu.memory_space<semaphore_mem>>) src(%dma_wait3A_2698 : memref<16384x768xf32, #tpu.memory_space<hbm>>) dst(%arg10 : memref<32x768xf32, #tpu.memory_space<vmem>>)
    %add3A_2699 = arith.constant 800 : i32
    %add3A_2700 = arith.addi %mul3A_2, %add3A_2699 : i32
    %jit3A_2701 = arith.constant 128 : i32
    %div3A_2702 = arith.divsi %add3A_2700, %jit3A_2701 : i32
    %sign3A_2703 = arith.constant 0 : i32
    %sign3A_2704 = arith.cmpi sgt, %add3A_2700, %sign3A_2703 : i32
    %sign3A_2705 = arith.extui %sign3A_2704 : i1 to i32
    %sign3A_2706 = arith.constant 0 : i32
    %sign3A_2707 = arith.cmpi slt, %add3A_2700, %sign3A_2706 : i32
    %sign3A_2708 = arith.extui %sign3A_2707 : i1 to i32
    %sign3A_2709 = arith.subi %sign3A_2705, %sign3A_2708 : i32
    %sign3A_2710 = arith.constant 0 : i32
    %sign3A_2711 = arith.cmpi sgt, %jit3A_2701, %sign3A_2710 : i32
    %sign3A_2712 = arith.extui %sign3A_2711 : i1 to i32
    %sign3A_2713 = arith.constant 0 : i32
    %sign3A_2714 = arith.cmpi slt, %jit3A_2701, %sign3A_2713 : i32
    %sign3A_2715 = arith.extui %sign3A_2714 : i1 to i32
    %sign3A_2716 = arith.subi %sign3A_2712, %sign3A_2715 : i32
    %ne3A_2717 = arith.cmpi ne, %sign3A_2709, %sign3A_2716 : i32
    %rem3A_2718 = arith.remsi %add3A_2700, %jit3A_2701 : i32
    %ne3A_2719 = arith.constant 0 : i32
    %ne3A_2720 = arith.cmpi ne, %rem3A_2718, %ne3A_2719 : i32
    %and3A_2721 = arith.andi %ne3A_2717, %ne3A_2720 : i1
    %sub3A_2722 = arith.constant 1 : i32
    %sub3A_2723 = arith.subi %div3A_2702, %sub3A_2722 : i32
    %select_n3A_2724 = arith.select %and3A_2721, %sub3A_2723, %div3A_2702 : i32
    %jit3A_2725 = arith.constant 4 : i32
    %eq3A_2726 = arith.constant 0 : i32
    %eq3A_2727 = arith.cmpi eq, %jit3A_2725, %eq3A_2726 : i32
    %jit3A_2728 = arith.constant 1 : i32
    %select_n3A_2729 = arith.select %eq3A_2727, %jit3A_2728, %jit3A_2725 : i32
    %rem3A_2730 = arith.remsi %select_n3A_2724, %select_n3A_2729 : i32
    %ne3A_2731 = arith.constant 0 : i32
    %ne3A_2732 = arith.cmpi ne, %rem3A_2730, %ne3A_2731 : i32
    %lt3A_2733 = arith.constant 0 : i32
    %lt3A_2734 = arith.cmpi slt, %rem3A_2730, %lt3A_2733 : i32
    %lt3A_2735 = arith.constant 0 : i32
    %lt3A_2736 = arith.cmpi slt, %select_n3A_2729, %lt3A_2735 : i32
    %ne3A_2737 = arith.xori %lt3A_2734, %lt3A_2736 : i1
    %and3A_2738 = arith.andi %ne3A_2737, %ne3A_2732 : i1
    %add3A_2739 = arith.addi %rem3A_2730, %select_n3A_2729 : i32
    %select_n3A_2740 = arith.select %and3A_2738, %add3A_2739, %rem3A_2730 : i32
    %jit3A_2741 = arith.constant 512 : i32
    %div3A_2742 = arith.divsi %add3A_2700, %jit3A_2741 : i32
    %sign3A_2743 = arith.constant 0 : i32
    %sign3A_2744 = arith.cmpi sgt, %add3A_2700, %sign3A_2743 : i32
    %sign3A_2745 = arith.extui %sign3A_2744 : i1 to i32
    %sign3A_2746 = arith.constant 0 : i32
    %sign3A_2747 = arith.cmpi slt, %add3A_2700, %sign3A_2746 : i32
    %sign3A_2748 = arith.extui %sign3A_2747 : i1 to i32
    %sign3A_2749 = arith.subi %sign3A_2745, %sign3A_2748 : i32
    %sign3A_2750 = arith.constant 0 : i32
    %sign3A_2751 = arith.cmpi sgt, %jit3A_2741, %sign3A_2750 : i32
    %sign3A_2752 = arith.extui %sign3A_2751 : i1 to i32
    %sign3A_2753 = arith.constant 0 : i32
    %sign3A_2754 = arith.cmpi slt, %jit3A_2741, %sign3A_2753 : i32
    %sign3A_2755 = arith.extui %sign3A_2754 : i1 to i32
    %sign3A_2756 = arith.subi %sign3A_2752, %sign3A_2755 : i32
    %ne3A_2757 = arith.cmpi ne, %sign3A_2749, %sign3A_2756 : i32
    %rem3A_2758 = arith.remsi %add3A_2700, %jit3A_2741 : i32
    %ne3A_2759 = arith.constant 0 : i32
    %ne3A_2760 = arith.cmpi ne, %rem3A_2758, %ne3A_2759 : i32
    %and3A_2761 = arith.andi %ne3A_2757, %ne3A_2760 : i1
    %sub3A_2762 = arith.constant 1 : i32
    %sub3A_2763 = arith.subi %div3A_2742, %sub3A_2762 : i32
    %select_n3A_2764 = arith.select %and3A_2761, %sub3A_2763, %div3A_2742 : i32
    %mul3A_2765 = arith.constant 128 : i32
    %mul3A_2766 = arith.muli %select_n3A_2764, %mul3A_2765 : i32
    %jit3A_2767 = arith.constant 128 : i32
    %eq3A_2768 = arith.constant 0 : i32
    %eq3A_2769 = arith.cmpi eq, %jit3A_2767, %eq3A_2768 : i32
    %jit3A_2770 = arith.constant 1 : i32
    %select_n3A_2771 = arith.select %eq3A_2769, %jit3A_2770, %jit3A_2767 : i32
    %rem3A_2772 = arith.remsi %add3A_2700, %select_n3A_2771 : i32
    %ne3A_2773 = arith.constant 0 : i32
    %ne3A_2774 = arith.cmpi ne, %rem3A_2772, %ne3A_2773 : i32
    %lt3A_2775 = arith.constant 0 : i32
    %lt3A_2776 = arith.cmpi slt, %rem3A_2772, %lt3A_2775 : i32
    %lt3A_2777 = arith.constant 0 : i32
    %lt3A_2778 = arith.cmpi slt, %select_n3A_2771, %lt3A_2777 : i32
    %ne3A_2779 = arith.xori %lt3A_2776, %lt3A_2778 : i1
    %and3A_2780 = arith.andi %ne3A_2779, %ne3A_2774 : i1
    %add3A_2781 = arith.addi %rem3A_2772, %select_n3A_2771 : i32
    %select_n3A_2782 = arith.select %and3A_2780, %add3A_2781, %rem3A_2772 : i32
    %add3A_2783 = arith.addi %mul3A_2766, %select_n3A_2782 : i32
    %dma_start3A_2784 = arith.constant 0 : i32
    %dma_start3A_2785 = tpu.memref_slice %arg5[%select_n3A_2740, %add3A_2783, %dma_start3A_2784] : memref<4x8192x768xf32, #tpu.memory_space<hbm>> -> memref<1x32x768xf32, #tpu.memory_space<hbm>>
    %dma_start3A_2786 = tpu.memref_squeeze %dma_start3A_2785 : memref<1x32x768xf32, #tpu.memory_space<hbm>> -> memref<32x768xf32, #tpu.memory_space<hbm>>
    %dma_start3A_2787 = arith.constant 0 : i32
    %dma_start3A_2788 = tpu.memref_slice %arg5[%select_n3A_2740, %add3A_2783, %dma_start3A_2787] : memref<4x8192x768xf32, #tpu.memory_space<hbm>> -> memref<1x32x768xf32, #tpu.memory_space<hbm>>
    %dma_start3A_2789 = tpu.memref_squeeze %dma_start3A_2788 : memref<1x32x768xf32, #tpu.memory_space<hbm>> -> memref<32x768xf32, #tpu.memory_space<hbm>>
    tpu.enqueue_dma source(%arg10 : memref<32x768xf32, #tpu.memory_space<vmem>>) target(%dma_start3A_2789 : memref<32x768xf32, #tpu.memory_space<hbm>>) target_semaphore(%arg18 : memref<!tpu.dma_semaphore, #tpu.memory_space<semaphore_mem>>)
    %dma_wait3A_2790 = arith.constant 0 : i32
    %dma_wait3A_2791 = tpu.memref_slice %arg5[%select_n3A_2633, %add3A_2676, %dma_wait3A_2790] : memref<4x8192x768xf32, #tpu.memory_space<hbm>> -> memref<1x32x768xf32, #tpu.memory_space<hbm>>
    %dma_wait3A_2792 = tpu.memref_squeeze %dma_wait3A_2791 : memref<1x32x768xf32, #tpu.memory_space<hbm>> -> memref<32x768xf32, #tpu.memory_space<hbm>>
    %dma_wait3A_2793 = arith.constant 0 : i32
    %dma_wait3A_2794 = tpu.memref_slice %arg5[%select_n3A_2633, %add3A_2676, %dma_wait3A_2793] : memref<4x8192x768xf32, #tpu.memory_space<hbm>> -> memref<1x32x768xf32, #tpu.memory_space<hbm>>
    %dma_wait3A_2795 = tpu.memref_squeeze %dma_wait3A_2794 : memref<1x32x768xf32, #tpu.memory_space<hbm>> -> memref<32x768xf32, #tpu.memory_space<hbm>>
    tpu.wait_dma2 semaphore(%arg17 : memref<!tpu.dma_semaphore, #tpu.memory_space<semaphore_mem>>) src(%arg9 : memref<32x768xf32, #tpu.memory_space<vmem>>) dst(%dma_wait3A_2795 : memref<32x768xf32, #tpu.memory_space<hbm>>)
    %dma_start3A_2796 = arith.constant 896 : i32
    %dma_start3A_2797 = tpu.memref_slice %arg8[%dma_start3A_2796] : memref<1024xi32, #tpu.memory_space<vmem>> -> memref<32xi32, #tpu.memory_space<vmem>>
    %dma_start3A_2798 = arith.constant 0 : i32
    %dma_start3A_2799 = arith.constant 0 : i32
    %dma_start3A_2800 = tpu.memref_slice %arg2[%dma_start3A_2798, %dma_start3A_2799] : memref<16384x768xf32, #tpu.memory_space<hbm>> -> memref<16384x768xf32, #tpu.memory_space<hbm>>
    tpu.enqueue_indirect_dma source(%dma_start3A_2800 : memref<16384x768xf32, #tpu.memory_space<hbm>>) target(%arg9 : memref<32x768xf32, #tpu.memory_space<vmem>>) offsets(%dma_start3A_2797 : memref<32xi32, #tpu.memory_space<vmem>>) semaphore(%arg13 : memref<!tpu.dma_semaphore, #tpu.memory_space<semaphore_mem>>)
    %dma_wait3A_2801 = arith.constant 832 : i32
    %dma_wait3A_2802 = tpu.memref_slice %arg8[%dma_wait3A_2801] : memref<1024xi32, #tpu.memory_space<vmem>> -> memref<32xi32, #tpu.memory_space<vmem>>
    %dma_wait3A_2803 = arith.constant 0 : i32
    %dma_wait3A_2804 = arith.constant 0 : i32
    %dma_wait3A_2805 = tpu.memref_slice %arg2[%dma_wait3A_2803, %dma_wait3A_2804] : memref<16384x768xf32, #tpu.memory_space<hbm>> -> memref<16384x768xf32, #tpu.memory_space<hbm>>
    tpu.wait_indirect_dma semaphore(%arg15 : memref<!tpu.dma_semaphore, #tpu.memory_space<semaphore_mem>>) src(%dma_wait3A_2805 : memref<16384x768xf32, #tpu.memory_space<hbm>>) dst(%arg11 : memref<32x768xf32, #tpu.memory_space<vmem>>)
    %add3A_2806 = arith.constant 832 : i32
    %add3A_2807 = arith.addi %mul3A_2, %add3A_2806 : i32
    %jit3A_2808 = arith.constant 128 : i32
    %div3A_2809 = arith.divsi %add3A_2807, %jit3A_2808 : i32
    %sign3A_2810 = arith.constant 0 : i32
    %sign3A_2811 = arith.cmpi sgt, %add3A_2807, %sign3A_2810 : i32
    %sign3A_2812 = arith.extui %sign3A_2811 : i1 to i32
    %sign3A_2813 = arith.constant 0 : i32
    %sign3A_2814 = arith.cmpi slt, %add3A_2807, %sign3A_2813 : i32
    %sign3A_2815 = arith.extui %sign3A_2814 : i1 to i32
    %sign3A_2816 = arith.subi %sign3A_2812, %sign3A_2815 : i32
    %sign3A_2817 = arith.constant 0 : i32
    %sign3A_2818 = arith.cmpi sgt, %jit3A_2808, %sign3A_2817 : i32
    %sign3A_2819 = arith.extui %sign3A_2818 : i1 to i32
    %sign3A_2820 = arith.constant 0 : i32
    %sign3A_2821 = arith.cmpi slt, %jit3A_2808, %sign3A_2820 : i32
    %sign3A_2822 = arith.extui %sign3A_2821 : i1 to i32
    %sign3A_2823 = arith.subi %sign3A_2819, %sign3A_2822 : i32
    %ne3A_2824 = arith.cmpi ne, %sign3A_2816, %sign3A_2823 : i32
    %rem3A_2825 = arith.remsi %add3A_2807, %jit3A_2808 : i32
    %ne3A_2826 = arith.constant 0 : i32
    %ne3A_2827 = arith.cmpi ne, %rem3A_2825, %ne3A_2826 : i32
    %and3A_2828 = arith.andi %ne3A_2824, %ne3A_2827 : i1
    %sub3A_2829 = arith.constant 1 : i32
    %sub3A_2830 = arith.subi %div3A_2809, %sub3A_2829 : i32
    %select_n3A_2831 = arith.select %and3A_2828, %sub3A_2830, %div3A_2809 : i32
    %jit3A_2832 = arith.constant 4 : i32
    %eq3A_2833 = arith.constant 0 : i32
    %eq3A_2834 = arith.cmpi eq, %jit3A_2832, %eq3A_2833 : i32
    %jit3A_2835 = arith.constant 1 : i32
    %select_n3A_2836 = arith.select %eq3A_2834, %jit3A_2835, %jit3A_2832 : i32
    %rem3A_2837 = arith.remsi %select_n3A_2831, %select_n3A_2836 : i32
    %ne3A_2838 = arith.constant 0 : i32
    %ne3A_2839 = arith.cmpi ne, %rem3A_2837, %ne3A_2838 : i32
    %lt3A_2840 = arith.constant 0 : i32
    %lt3A_2841 = arith.cmpi slt, %rem3A_2837, %lt3A_2840 : i32
    %lt3A_2842 = arith.constant 0 : i32
    %lt3A_2843 = arith.cmpi slt, %select_n3A_2836, %lt3A_2842 : i32
    %ne3A_2844 = arith.xori %lt3A_2841, %lt3A_2843 : i1
    %and3A_2845 = arith.andi %ne3A_2844, %ne3A_2839 : i1
    %add3A_2846 = arith.addi %rem3A_2837, %select_n3A_2836 : i32
    %select_n3A_2847 = arith.select %and3A_2845, %add3A_2846, %rem3A_2837 : i32
    %jit3A_2848 = arith.constant 512 : i32
    %div3A_2849 = arith.divsi %add3A_2807, %jit3A_2848 : i32
    %sign3A_2850 = arith.constant 0 : i32
    %sign3A_2851 = arith.cmpi sgt, %add3A_2807, %sign3A_2850 : i32
    %sign3A_2852 = arith.extui %sign3A_2851 : i1 to i32
    %sign3A_2853 = arith.constant 0 : i32
    %sign3A_2854 = arith.cmpi slt, %add3A_2807, %sign3A_2853 : i32
    %sign3A_2855 = arith.extui %sign3A_2854 : i1 to i32
    %sign3A_2856 = arith.subi %sign3A_2852, %sign3A_2855 : i32
    %sign3A_2857 = arith.constant 0 : i32
    %sign3A_2858 = arith.cmpi sgt, %jit3A_2848, %sign3A_2857 : i32
    %sign3A_2859 = arith.extui %sign3A_2858 : i1 to i32
    %sign3A_2860 = arith.constant 0 : i32
    %sign3A_2861 = arith.cmpi slt, %jit3A_2848, %sign3A_2860 : i32
    %sign3A_2862 = arith.extui %sign3A_2861 : i1 to i32
    %sign3A_2863 = arith.subi %sign3A_2859, %sign3A_2862 : i32
    %ne3A_2864 = arith.cmpi ne, %sign3A_2856, %sign3A_2863 : i32
    %rem3A_2865 = arith.remsi %add3A_2807, %jit3A_2848 : i32
    %ne3A_2866 = arith.constant 0 : i32
    %ne3A_2867 = arith.cmpi ne, %rem3A_2865, %ne3A_2866 : i32
    %and3A_2868 = arith.andi %ne3A_2864, %ne3A_2867 : i1
    %sub3A_2869 = arith.constant 1 : i32
    %sub3A_2870 = arith.subi %div3A_2849, %sub3A_2869 : i32
    %select_n3A_2871 = arith.select %and3A_2868, %sub3A_2870, %div3A_2849 : i32
    %mul3A_2872 = arith.constant 128 : i32
    %mul3A_2873 = arith.muli %select_n3A_2871, %mul3A_2872 : i32
    %jit3A_2874 = arith.constant 128 : i32
    %eq3A_2875 = arith.constant 0 : i32
    %eq3A_2876 = arith.cmpi eq, %jit3A_2874, %eq3A_2875 : i32
    %jit3A_2877 = arith.constant 1 : i32
    %select_n3A_2878 = arith.select %eq3A_2876, %jit3A_2877, %jit3A_2874 : i32
    %rem3A_2879 = arith.remsi %add3A_2807, %select_n3A_2878 : i32
    %ne3A_2880 = arith.constant 0 : i32
    %ne3A_2881 = arith.cmpi ne, %rem3A_2879, %ne3A_2880 : i32
    %lt3A_2882 = arith.constant 0 : i32
    %lt3A_2883 = arith.cmpi slt, %rem3A_2879, %lt3A_2882 : i32
    %lt3A_2884 = arith.constant 0 : i32
    %lt3A_2885 = arith.cmpi slt, %select_n3A_2878, %lt3A_2884 : i32
    %ne3A_2886 = arith.xori %lt3A_2883, %lt3A_2885 : i1
    %and3A_2887 = arith.andi %ne3A_2886, %ne3A_2881 : i1
    %add3A_2888 = arith.addi %rem3A_2879, %select_n3A_2878 : i32
    %select_n3A_2889 = arith.select %and3A_2887, %add3A_2888, %rem3A_2879 : i32
    %add3A_2890 = arith.addi %mul3A_2873, %select_n3A_2889 : i32
    %dma_start3A_2891 = arith.constant 0 : i32
    %dma_start3A_2892 = tpu.memref_slice %arg5[%select_n3A_2847, %add3A_2890, %dma_start3A_2891] : memref<4x8192x768xf32, #tpu.memory_space<hbm>> -> memref<1x32x768xf32, #tpu.memory_space<hbm>>
    %dma_start3A_2893 = tpu.memref_squeeze %dma_start3A_2892 : memref<1x32x768xf32, #tpu.memory_space<hbm>> -> memref<32x768xf32, #tpu.memory_space<hbm>>
    %dma_start3A_2894 = arith.constant 0 : i32
    %dma_start3A_2895 = tpu.memref_slice %arg5[%select_n3A_2847, %add3A_2890, %dma_start3A_2894] : memref<4x8192x768xf32, #tpu.memory_space<hbm>> -> memref<1x32x768xf32, #tpu.memory_space<hbm>>
    %dma_start3A_2896 = tpu.memref_squeeze %dma_start3A_2895 : memref<1x32x768xf32, #tpu.memory_space<hbm>> -> memref<32x768xf32, #tpu.memory_space<hbm>>
    tpu.enqueue_dma source(%arg11 : memref<32x768xf32, #tpu.memory_space<vmem>>) target(%dma_start3A_2896 : memref<32x768xf32, #tpu.memory_space<hbm>>) target_semaphore(%arg19 : memref<!tpu.dma_semaphore, #tpu.memory_space<semaphore_mem>>)
    %dma_wait3A_2897 = arith.constant 0 : i32
    %dma_wait3A_2898 = tpu.memref_slice %arg5[%select_n3A_2740, %add3A_2783, %dma_wait3A_2897] : memref<4x8192x768xf32, #tpu.memory_space<hbm>> -> memref<1x32x768xf32, #tpu.memory_space<hbm>>
    %dma_wait3A_2899 = tpu.memref_squeeze %dma_wait3A_2898 : memref<1x32x768xf32, #tpu.memory_space<hbm>> -> memref<32x768xf32, #tpu.memory_space<hbm>>
    %dma_wait3A_2900 = arith.constant 0 : i32
    %dma_wait3A_2901 = tpu.memref_slice %arg5[%select_n3A_2740, %add3A_2783, %dma_wait3A_2900] : memref<4x8192x768xf32, #tpu.memory_space<hbm>> -> memref<1x32x768xf32, #tpu.memory_space<hbm>>
    %dma_wait3A_2902 = tpu.memref_squeeze %dma_wait3A_2901 : memref<1x32x768xf32, #tpu.memory_space<hbm>> -> memref<32x768xf32, #tpu.memory_space<hbm>>
    tpu.wait_dma2 semaphore(%arg18 : memref<!tpu.dma_semaphore, #tpu.memory_space<semaphore_mem>>) src(%arg10 : memref<32x768xf32, #tpu.memory_space<vmem>>) dst(%dma_wait3A_2902 : memref<32x768xf32, #tpu.memory_space<hbm>>)
    %dma_start3A_2903 = arith.constant 928 : i32
    %dma_start3A_2904 = tpu.memref_slice %arg8[%dma_start3A_2903] : memref<1024xi32, #tpu.memory_space<vmem>> -> memref<32xi32, #tpu.memory_space<vmem>>
    %dma_start3A_2905 = arith.constant 0 : i32
    %dma_start3A_2906 = arith.constant 0 : i32
    %dma_start3A_2907 = tpu.memref_slice %arg2[%dma_start3A_2905, %dma_start3A_2906] : memref<16384x768xf32, #tpu.memory_space<hbm>> -> memref<16384x768xf32, #tpu.memory_space<hbm>>
    tpu.enqueue_indirect_dma source(%dma_start3A_2907 : memref<16384x768xf32, #tpu.memory_space<hbm>>) target(%arg10 : memref<32x768xf32, #tpu.memory_space<vmem>>) offsets(%dma_start3A_2904 : memref<32xi32, #tpu.memory_space<vmem>>) semaphore(%arg14 : memref<!tpu.dma_semaphore, #tpu.memory_space<semaphore_mem>>)
    %dma_wait3A_2908 = arith.constant 864 : i32
    %dma_wait3A_2909 = tpu.memref_slice %arg8[%dma_wait3A_2908] : memref<1024xi32, #tpu.memory_space<vmem>> -> memref<32xi32, #tpu.memory_space<vmem>>
    %dma_wait3A_2910 = arith.constant 0 : i32
    %dma_wait3A_2911 = arith.constant 0 : i32
    %dma_wait3A_2912 = tpu.memref_slice %arg2[%dma_wait3A_2910, %dma_wait3A_2911] : memref<16384x768xf32, #tpu.memory_space<hbm>> -> memref<16384x768xf32, #tpu.memory_space<hbm>>
    tpu.wait_indirect_dma semaphore(%arg16 : memref<!tpu.dma_semaphore, #tpu.memory_space<semaphore_mem>>) src(%dma_wait3A_2912 : memref<16384x768xf32, #tpu.memory_space<hbm>>) dst(%arg12 : memref<32x768xf32, #tpu.memory_space<vmem>>)
    %add3A_2913 = arith.constant 864 : i32
    %add3A_2914 = arith.addi %mul3A_2, %add3A_2913 : i32
    %jit3A_2915 = arith.constant 128 : i32
    %div3A_2916 = arith.divsi %add3A_2914, %jit3A_2915 : i32
    %sign3A_2917 = arith.constant 0 : i32
    %sign3A_2918 = arith.cmpi sgt, %add3A_2914, %sign3A_2917 : i32
    %sign3A_2919 = arith.extui %sign3A_2918 : i1 to i32
    %sign3A_2920 = arith.constant 0 : i32
    %sign3A_2921 = arith.cmpi slt, %add3A_2914, %sign3A_2920 : i32
    %sign3A_2922 = arith.extui %sign3A_2921 : i1 to i32
    %sign3A_2923 = arith.subi %sign3A_2919, %sign3A_2922 : i32
    %sign3A_2924 = arith.constant 0 : i32
    %sign3A_2925 = arith.cmpi sgt, %jit3A_2915, %sign3A_2924 : i32
    %sign3A_2926 = arith.extui %sign3A_2925 : i1 to i32
    %sign3A_2927 = arith.constant 0 : i32
    %sign3A_2928 = arith.cmpi slt, %jit3A_2915, %sign3A_2927 : i32
    %sign3A_2929 = arith.extui %sign3A_2928 : i1 to i32
    %sign3A_2930 = arith.subi %sign3A_2926, %sign3A_2929 : i32
    %ne3A_2931 = arith.cmpi ne, %sign3A_2923, %sign3A_2930 : i32
    %rem3A_2932 = arith.remsi %add3A_2914, %jit3A_2915 : i32
    %ne3A_2933 = arith.constant 0 : i32
    %ne3A_2934 = arith.cmpi ne, %rem3A_2932, %ne3A_2933 : i32
    %and3A_2935 = arith.andi %ne3A_2931, %ne3A_2934 : i1
    %sub3A_2936 = arith.constant 1 : i32
    %sub3A_2937 = arith.subi %div3A_2916, %sub3A_2936 : i32
    %select_n3A_2938 = arith.select %and3A_2935, %sub3A_2937, %div3A_2916 : i32
    %jit3A_2939 = arith.constant 4 : i32
    %eq3A_2940 = arith.constant 0 : i32
    %eq3A_2941 = arith.cmpi eq, %jit3A_2939, %eq3A_2940 : i32
    %jit3A_2942 = arith.constant 1 : i32
    %select_n3A_2943 = arith.select %eq3A_2941, %jit3A_2942, %jit3A_2939 : i32
    %rem3A_2944 = arith.remsi %select_n3A_2938, %select_n3A_2943 : i32
    %ne3A_2945 = arith.constant 0 : i32
    %ne3A_2946 = arith.cmpi ne, %rem3A_2944, %ne3A_2945 : i32
    %lt3A_2947 = arith.constant 0 : i32
    %lt3A_2948 = arith.cmpi slt, %rem3A_2944, %lt3A_2947 : i32
    %lt3A_2949 = arith.constant 0 : i32
    %lt3A_2950 = arith.cmpi slt, %select_n3A_2943, %lt3A_2949 : i32
    %ne3A_2951 = arith.xori %lt3A_2948, %lt3A_2950 : i1
    %and3A_2952 = arith.andi %ne3A_2951, %ne3A_2946 : i1
    %add3A_2953 = arith.addi %rem3A_2944, %select_n3A_2943 : i32
    %select_n3A_2954 = arith.select %and3A_2952, %add3A_2953, %rem3A_2944 : i32
    %jit3A_2955 = arith.constant 512 : i32
    %div3A_2956 = arith.divsi %add3A_2914, %jit3A_2955 : i32
    %sign3A_2957 = arith.constant 0 : i32
    %sign3A_2958 = arith.cmpi sgt, %add3A_2914, %sign3A_2957 : i32
    %sign3A_2959 = arith.extui %sign3A_2958 : i1 to i32
    %sign3A_2960 = arith.constant 0 : i32
    %sign3A_2961 = arith.cmpi slt, %add3A_2914, %sign3A_2960 : i32
    %sign3A_2962 = arith.extui %sign3A_2961 : i1 to i32
    %sign3A_2963 = arith.subi %sign3A_2959, %sign3A_2962 : i32
    %sign3A_2964 = arith.constant 0 : i32
    %sign3A_2965 = arith.cmpi sgt, %jit3A_2955, %sign3A_2964 : i32
    %sign3A_2966 = arith.extui %sign3A_2965 : i1 to i32
    %sign3A_2967 = arith.constant 0 : i32
    %sign3A_2968 = arith.cmpi slt, %jit3A_2955, %sign3A_2967 : i32
    %sign3A_2969 = arith.extui %sign3A_2968 : i1 to i32
    %sign3A_2970 = arith.subi %sign3A_2966, %sign3A_2969 : i32
    %ne3A_2971 = arith.cmpi ne, %sign3A_2963, %sign3A_2970 : i32
    %rem3A_2972 = arith.remsi %add3A_2914, %jit3A_2955 : i32
    %ne3A_2973 = arith.constant 0 : i32
    %ne3A_2974 = arith.cmpi ne, %rem3A_2972, %ne3A_2973 : i32
    %and3A_2975 = arith.andi %ne3A_2971, %ne3A_2974 : i1
    %sub3A_2976 = arith.constant 1 : i32
    %sub3A_2977 = arith.subi %div3A_2956, %sub3A_2976 : i32
    %select_n3A_2978 = arith.select %and3A_2975, %sub3A_2977, %div3A_2956 : i32
    %mul3A_2979 = arith.constant 128 : i32
    %mul3A_2980 = arith.muli %select_n3A_2978, %mul3A_2979 : i32
    %jit3A_2981 = arith.constant 128 : i32
    %eq3A_2982 = arith.constant 0 : i32
    %eq3A_2983 = arith.cmpi eq, %jit3A_2981, %eq3A_2982 : i32
    %jit3A_2984 = arith.constant 1 : i32
    %select_n3A_2985 = arith.select %eq3A_2983, %jit3A_2984, %jit3A_2981 : i32
    %rem3A_2986 = arith.remsi %add3A_2914, %select_n3A_2985 : i32
    %ne3A_2987 = arith.constant 0 : i32
    %ne3A_2988 = arith.cmpi ne, %rem3A_2986, %ne3A_2987 : i32
    %lt3A_2989 = arith.constant 0 : i32
    %lt3A_2990 = arith.cmpi slt, %rem3A_2986, %lt3A_2989 : i32
    %lt3A_2991 = arith.constant 0 : i32
    %lt3A_2992 = arith.cmpi slt, %select_n3A_2985, %lt3A_2991 : i32
    %ne3A_2993 = arith.xori %lt3A_2990, %lt3A_2992 : i1
    %and3A_2994 = arith.andi %ne3A_2993, %ne3A_2988 : i1
    %add3A_2995 = arith.addi %rem3A_2986, %select_n3A_2985 : i32
    %select_n3A_2996 = arith.select %and3A_2994, %add3A_2995, %rem3A_2986 : i32
    %add3A_2997 = arith.addi %mul3A_2980, %select_n3A_2996 : i32
    %dma_start3A_2998 = arith.constant 0 : i32
    %dma_start3A_2999 = tpu.memref_slice %arg5[%select_n3A_2954, %add3A_2997, %dma_start3A_2998] : memref<4x8192x768xf32, #tpu.memory_space<hbm>> -> memref<1x32x768xf32, #tpu.memory_space<hbm>>
    %dma_start3A_3000 = tpu.memref_squeeze %dma_start3A_2999 : memref<1x32x768xf32, #tpu.memory_space<hbm>> -> memref<32x768xf32, #tpu.memory_space<hbm>>
    %dma_start3A_3001 = arith.constant 0 : i32
    %dma_start3A_3002 = tpu.memref_slice %arg5[%select_n3A_2954, %add3A_2997, %dma_start3A_3001] : memref<4x8192x768xf32, #tpu.memory_space<hbm>> -> memref<1x32x768xf32, #tpu.memory_space<hbm>>
    %dma_start3A_3003 = tpu.memref_squeeze %dma_start3A_3002 : memref<1x32x768xf32, #tpu.memory_space<hbm>> -> memref<32x768xf32, #tpu.memory_space<hbm>>
    tpu.enqueue_dma source(%arg12 : memref<32x768xf32, #tpu.memory_space<vmem>>) target(%dma_start3A_3003 : memref<32x768xf32, #tpu.memory_space<hbm>>) target_semaphore(%arg20 : memref<!tpu.dma_semaphore, #tpu.memory_space<semaphore_mem>>)
    %dma_wait3A_3004 = arith.constant 0 : i32
    %dma_wait3A_3005 = tpu.memref_slice %arg5[%select_n3A_2847, %add3A_2890, %dma_wait3A_3004] : memref<4x8192x768xf32, #tpu.memory_space<hbm>> -> memref<1x32x768xf32, #tpu.memory_space<hbm>>
    %dma_wait3A_3006 = tpu.memref_squeeze %dma_wait3A_3005 : memref<1x32x768xf32, #tpu.memory_space<hbm>> -> memref<32x768xf32, #tpu.memory_space<hbm>>
    %dma_wait3A_3007 = arith.constant 0 : i32
    %dma_wait3A_3008 = tpu.memref_slice %arg5[%select_n3A_2847, %add3A_2890, %dma_wait3A_3007] : memref<4x8192x768xf32, #tpu.memory_space<hbm>> -> memref<1x32x768xf32, #tpu.memory_space<hbm>>
    %dma_wait3A_3009 = tpu.memref_squeeze %dma_wait3A_3008 : memref<1x32x768xf32, #tpu.memory_space<hbm>> -> memref<32x768xf32, #tpu.memory_space<hbm>>
    tpu.wait_dma2 semaphore(%arg19 : memref<!tpu.dma_semaphore, #tpu.memory_space<semaphore_mem>>) src(%arg11 : memref<32x768xf32, #tpu.memory_space<vmem>>) dst(%dma_wait3A_3009 : memref<32x768xf32, #tpu.memory_space<hbm>>)
    %dma_start3A_3010 = arith.constant 960 : i32
    %dma_start3A_3011 = tpu.memref_slice %arg8[%dma_start3A_3010] : memref<1024xi32, #tpu.memory_space<vmem>> -> memref<32xi32, #tpu.memory_space<vmem>>
    %dma_start3A_3012 = arith.constant 0 : i32
    %dma_start3A_3013 = arith.constant 0 : i32
    %dma_start3A_3014 = tpu.memref_slice %arg2[%dma_start3A_3012, %dma_start3A_3013] : memref<16384x768xf32, #tpu.memory_space<hbm>> -> memref<16384x768xf32, #tpu.memory_space<hbm>>
    tpu.enqueue_indirect_dma source(%dma_start3A_3014 : memref<16384x768xf32, #tpu.memory_space<hbm>>) target(%arg11 : memref<32x768xf32, #tpu.memory_space<vmem>>) offsets(%dma_start3A_3011 : memref<32xi32, #tpu.memory_space<vmem>>) semaphore(%arg15 : memref<!tpu.dma_semaphore, #tpu.memory_space<semaphore_mem>>)
    %dma_wait3A_3015 = arith.constant 896 : i32
    %dma_wait3A_3016 = tpu.memref_slice %arg8[%dma_wait3A_3015] : memref<1024xi32, #tpu.memory_space<vmem>> -> memref<32xi32, #tpu.memory_space<vmem>>
    %dma_wait3A_3017 = arith.constant 0 : i32
    %dma_wait3A_3018 = arith.constant 0 : i32
    %dma_wait3A_3019 = tpu.memref_slice %arg2[%dma_wait3A_3017, %dma_wait3A_3018] : memref<16384x768xf32, #tpu.memory_space<hbm>> -> memref<16384x768xf32, #tpu.memory_space<hbm>>
    tpu.wait_indirect_dma semaphore(%arg13 : memref<!tpu.dma_semaphore, #tpu.memory_space<semaphore_mem>>) src(%dma_wait3A_3019 : memref<16384x768xf32, #tpu.memory_space<hbm>>) dst(%arg9 : memref<32x768xf32, #tpu.memory_space<vmem>>)
    %add3A_3020 = arith.constant 896 : i32
    %add3A_3021 = arith.addi %mul3A_2, %add3A_3020 : i32
    %jit3A_3022 = arith.constant 128 : i32
    %div3A_3023 = arith.divsi %add3A_3021, %jit3A_3022 : i32
    %sign3A_3024 = arith.constant 0 : i32
    %sign3A_3025 = arith.cmpi sgt, %add3A_3021, %sign3A_3024 : i32
    %sign3A_3026 = arith.extui %sign3A_3025 : i1 to i32
    %sign3A_3027 = arith.constant 0 : i32
    %sign3A_3028 = arith.cmpi slt, %add3A_3021, %sign3A_3027 : i32
    %sign3A_3029 = arith.extui %sign3A_3028 : i1 to i32
    %sign3A_3030 = arith.subi %sign3A_3026, %sign3A_3029 : i32
    %sign3A_3031 = arith.constant 0 : i32
    %sign3A_3032 = arith.cmpi sgt, %jit3A_3022, %sign3A_3031 : i32
    %sign3A_3033 = arith.extui %sign3A_3032 : i1 to i32
    %sign3A_3034 = arith.constant 0 : i32
    %sign3A_3035 = arith.cmpi slt, %jit3A_3022, %sign3A_3034 : i32
    %sign3A_3036 = arith.extui %sign3A_3035 : i1 to i32
    %sign3A_3037 = arith.subi %sign3A_3033, %sign3A_3036 : i32
    %ne3A_3038 = arith.cmpi ne, %sign3A_3030, %sign3A_3037 : i32
    %rem3A_3039 = arith.remsi %add3A_3021, %jit3A_3022 : i32
    %ne3A_3040 = arith.constant 0 : i32
    %ne3A_3041 = arith.cmpi ne, %rem3A_3039, %ne3A_3040 : i32
    %and3A_3042 = arith.andi %ne3A_3038, %ne3A_3041 : i1
    %sub3A_3043 = arith.constant 1 : i32
    %sub3A_3044 = arith.subi %div3A_3023, %sub3A_3043 : i32
    %select_n3A_3045 = arith.select %and3A_3042, %sub3A_3044, %div3A_3023 : i32
    %jit3A_3046 = arith.constant 4 : i32
    %eq3A_3047 = arith.constant 0 : i32
    %eq3A_3048 = arith.cmpi eq, %jit3A_3046, %eq3A_3047 : i32
    %jit3A_3049 = arith.constant 1 : i32
    %select_n3A_3050 = arith.select %eq3A_3048, %jit3A_3049, %jit3A_3046 : i32
    %rem3A_3051 = arith.remsi %select_n3A_3045, %select_n3A_3050 : i32
    %ne3A_3052 = arith.constant 0 : i32
    %ne3A_3053 = arith.cmpi ne, %rem3A_3051, %ne3A_3052 : i32
    %lt3A_3054 = arith.constant 0 : i32
    %lt3A_3055 = arith.cmpi slt, %rem3A_3051, %lt3A_3054 : i32
    %lt3A_3056 = arith.constant 0 : i32
    %lt3A_3057 = arith.cmpi slt, %select_n3A_3050, %lt3A_3056 : i32
    %ne3A_3058 = arith.xori %lt3A_3055, %lt3A_3057 : i1
    %and3A_3059 = arith.andi %ne3A_3058, %ne3A_3053 : i1
    %add3A_3060 = arith.addi %rem3A_3051, %select_n3A_3050 : i32
    %select_n3A_3061 = arith.select %and3A_3059, %add3A_3060, %rem3A_3051 : i32
    %jit3A_3062 = arith.constant 512 : i32
    %div3A_3063 = arith.divsi %add3A_3021, %jit3A_3062 : i32
    %sign3A_3064 = arith.constant 0 : i32
    %sign3A_3065 = arith.cmpi sgt, %add3A_3021, %sign3A_3064 : i32
    %sign3A_3066 = arith.extui %sign3A_3065 : i1 to i32
    %sign3A_3067 = arith.constant 0 : i32
    %sign3A_3068 = arith.cmpi slt, %add3A_3021, %sign3A_3067 : i32
    %sign3A_3069 = arith.extui %sign3A_3068 : i1 to i32
    %sign3A_3070 = arith.subi %sign3A_3066, %sign3A_3069 : i32
    %sign3A_3071 = arith.constant 0 : i32
    %sign3A_3072 = arith.cmpi sgt, %jit3A_3062, %sign3A_3071 : i32
    %sign3A_3073 = arith.extui %sign3A_3072 : i1 to i32
    %sign3A_3074 = arith.constant 0 : i32
    %sign3A_3075 = arith.cmpi slt, %jit3A_3062, %sign3A_3074 : i32
    %sign3A_3076 = arith.extui %sign3A_3075 : i1 to i32
    %sign3A_3077 = arith.subi %sign3A_3073, %sign3A_3076 : i32
    %ne3A_3078 = arith.cmpi ne, %sign3A_3070, %sign3A_3077 : i32
    %rem3A_3079 = arith.remsi %add3A_3021, %jit3A_3062 : i32
    %ne3A_3080 = arith.constant 0 : i32
    %ne3A_3081 = arith.cmpi ne, %rem3A_3079, %ne3A_3080 : i32
    %and3A_3082 = arith.andi %ne3A_3078, %ne3A_3081 : i1
    %sub3A_3083 = arith.constant 1 : i32
    %sub3A_3084 = arith.subi %div3A_3063, %sub3A_3083 : i32
    %select_n3A_3085 = arith.select %and3A_3082, %sub3A_3084, %div3A_3063 : i32
    %mul3A_3086 = arith.constant 128 : i32
    %mul3A_3087 = arith.muli %select_n3A_3085, %mul3A_3086 : i32
    %jit3A_3088 = arith.constant 128 : i32
    %eq3A_3089 = arith.constant 0 : i32
    %eq3A_3090 = arith.cmpi eq, %jit3A_3088, %eq3A_3089 : i32
    %jit3A_3091 = arith.constant 1 : i32
    %select_n3A_3092 = arith.select %eq3A_3090, %jit3A_3091, %jit3A_3088 : i32
    %rem3A_3093 = arith.remsi %add3A_3021, %select_n3A_3092 : i32
    %ne3A_3094 = arith.constant 0 : i32
    %ne3A_3095 = arith.cmpi ne, %rem3A_3093, %ne3A_3094 : i32
    %lt3A_3096 = arith.constant 0 : i32
    %lt3A_3097 = arith.cmpi slt, %rem3A_3093, %lt3A_3096 : i32
    %lt3A_3098 = arith.constant 0 : i32
    %lt3A_3099 = arith.cmpi slt, %select_n3A_3092, %lt3A_3098 : i32
    %ne3A_3100 = arith.xori %lt3A_3097, %lt3A_3099 : i1
    %and3A_3101 = arith.andi %ne3A_3100, %ne3A_3095 : i1
    %add3A_3102 = arith.addi %rem3A_3093, %select_n3A_3092 : i32
    %select_n3A_3103 = arith.select %and3A_3101, %add3A_3102, %rem3A_3093 : i32
    %add3A_3104 = arith.addi %mul3A_3087, %select_n3A_3103 : i32
    %dma_start3A_3105 = arith.constant 0 : i32
    %dma_start3A_3106 = tpu.memref_slice %arg5[%select_n3A_3061, %add3A_3104, %dma_start3A_3105] : memref<4x8192x768xf32, #tpu.memory_space<hbm>> -> memref<1x32x768xf32, #tpu.memory_space<hbm>>
    %dma_start3A_3107 = tpu.memref_squeeze %dma_start3A_3106 : memref<1x32x768xf32, #tpu.memory_space<hbm>> -> memref<32x768xf32, #tpu.memory_space<hbm>>
    %dma_start3A_3108 = arith.constant 0 : i32
    %dma_start3A_3109 = tpu.memref_slice %arg5[%select_n3A_3061, %add3A_3104, %dma_start3A_3108] : memref<4x8192x768xf32, #tpu.memory_space<hbm>> -> memref<1x32x768xf32, #tpu.memory_space<hbm>>
    %dma_start3A_3110 = tpu.memref_squeeze %dma_start3A_3109 : memref<1x32x768xf32, #tpu.memory_space<hbm>> -> memref<32x768xf32, #tpu.memory_space<hbm>>
    tpu.enqueue_dma source(%arg9 : memref<32x768xf32, #tpu.memory_space<vmem>>) target(%dma_start3A_3110 : memref<32x768xf32, #tpu.memory_space<hbm>>) target_semaphore(%arg17 : memref<!tpu.dma_semaphore, #tpu.memory_space<semaphore_mem>>)
    %dma_wait3A_3111 = arith.constant 0 : i32
    %dma_wait3A_3112 = tpu.memref_slice %arg5[%select_n3A_2954, %add3A_2997, %dma_wait3A_3111] : memref<4x8192x768xf32, #tpu.memory_space<hbm>> -> memref<1x32x768xf32, #tpu.memory_space<hbm>>
    %dma_wait3A_3113 = tpu.memref_squeeze %dma_wait3A_3112 : memref<1x32x768xf32, #tpu.memory_space<hbm>> -> memref<32x768xf32, #tpu.memory_space<hbm>>
    %dma_wait3A_3114 = arith.constant 0 : i32
    %dma_wait3A_3115 = tpu.memref_slice %arg5[%select_n3A_2954, %add3A_2997, %dma_wait3A_3114] : memref<4x8192x768xf32, #tpu.memory_space<hbm>> -> memref<1x32x768xf32, #tpu.memory_space<hbm>>
    %dma_wait3A_3116 = tpu.memref_squeeze %dma_wait3A_3115 : memref<1x32x768xf32, #tpu.memory_space<hbm>> -> memref<32x768xf32, #tpu.memory_space<hbm>>
    tpu.wait_dma2 semaphore(%arg20 : memref<!tpu.dma_semaphore, #tpu.memory_space<semaphore_mem>>) src(%arg12 : memref<32x768xf32, #tpu.memory_space<vmem>>) dst(%dma_wait3A_3116 : memref<32x768xf32, #tpu.memory_space<hbm>>)
    %dma_start3A_3117 = arith.constant 992 : i32
    %dma_start3A_3118 = tpu.memref_slice %arg8[%dma_start3A_3117] : memref<1024xi32, #tpu.memory_space<vmem>> -> memref<32xi32, #tpu.memory_space<vmem>>
    %dma_start3A_3119 = arith.constant 0 : i32
    %dma_start3A_3120 = arith.constant 0 : i32
    %dma_start3A_3121 = tpu.memref_slice %arg2[%dma_start3A_3119, %dma_start3A_3120] : memref<16384x768xf32, #tpu.memory_space<hbm>> -> memref<16384x768xf32, #tpu.memory_space<hbm>>
    tpu.enqueue_indirect_dma source(%dma_start3A_3121 : memref<16384x768xf32, #tpu.memory_space<hbm>>) target(%arg12 : memref<32x768xf32, #tpu.memory_space<vmem>>) offsets(%dma_start3A_3118 : memref<32xi32, #tpu.memory_space<vmem>>) semaphore(%arg16 : memref<!tpu.dma_semaphore, #tpu.memory_space<semaphore_mem>>)
    %dma_wait3A_3122 = arith.constant 928 : i32
    %dma_wait3A_3123 = tpu.memref_slice %arg8[%dma_wait3A_3122] : memref<1024xi32, #tpu.memory_space<vmem>> -> memref<32xi32, #tpu.memory_space<vmem>>
    %dma_wait3A_3124 = arith.constant 0 : i32
    %dma_wait3A_3125 = arith.constant 0 : i32
    %dma_wait3A_3126 = tpu.memref_slice %arg2[%dma_wait3A_3124, %dma_wait3A_3125] : memref<16384x768xf32, #tpu.memory_space<hbm>> -> memref<16384x768xf32, #tpu.memory_space<hbm>>
    tpu.wait_indirect_dma semaphore(%arg14 : memref<!tpu.dma_semaphore, #tpu.memory_space<semaphore_mem>>) src(%dma_wait3A_3126 : memref<16384x768xf32, #tpu.memory_space<hbm>>) dst(%arg10 : memref<32x768xf32, #tpu.memory_space<vmem>>)
    %add3A_3127 = arith.constant 928 : i32
    %add3A_3128 = arith.addi %mul3A_2, %add3A_3127 : i32
    %jit3A_3129 = arith.constant 128 : i32
    %div3A_3130 = arith.divsi %add3A_3128, %jit3A_3129 : i32
    %sign3A_3131 = arith.constant 0 : i32
    %sign3A_3132 = arith.cmpi sgt, %add3A_3128, %sign3A_3131 : i32
    %sign3A_3133 = arith.extui %sign3A_3132 : i1 to i32
    %sign3A_3134 = arith.constant 0 : i32
    %sign3A_3135 = arith.cmpi slt, %add3A_3128, %sign3A_3134 : i32
    %sign3A_3136 = arith.extui %sign3A_3135 : i1 to i32
    %sign3A_3137 = arith.subi %sign3A_3133, %sign3A_3136 : i32
    %sign3A_3138 = arith.constant 0 : i32
    %sign3A_3139 = arith.cmpi sgt, %jit3A_3129, %sign3A_3138 : i32
    %sign3A_3140 = arith.extui %sign3A_3139 : i1 to i32
    %sign3A_3141 = arith.constant 0 : i32
    %sign3A_3142 = arith.cmpi slt, %jit3A_3129, %sign3A_3141 : i32
    %sign3A_3143 = arith.extui %sign3A_3142 : i1 to i32
    %sign3A_3144 = arith.subi %sign3A_3140, %sign3A_3143 : i32
    %ne3A_3145 = arith.cmpi ne, %sign3A_3137, %sign3A_3144 : i32
    %rem3A_3146 = arith.remsi %add3A_3128, %jit3A_3129 : i32
    %ne3A_3147 = arith.constant 0 : i32
    %ne3A_3148 = arith.cmpi ne, %rem3A_3146, %ne3A_3147 : i32
    %and3A_3149 = arith.andi %ne3A_3145, %ne3A_3148 : i1
    %sub3A_3150 = arith.constant 1 : i32
    %sub3A_3151 = arith.subi %div3A_3130, %sub3A_3150 : i32
    %select_n3A_3152 = arith.select %and3A_3149, %sub3A_3151, %div3A_3130 : i32
    %jit3A_3153 = arith.constant 4 : i32
    %eq3A_3154 = arith.constant 0 : i32
    %eq3A_3155 = arith.cmpi eq, %jit3A_3153, %eq3A_3154 : i32
    %jit3A_3156 = arith.constant 1 : i32
    %select_n3A_3157 = arith.select %eq3A_3155, %jit3A_3156, %jit3A_3153 : i32
    %rem3A_3158 = arith.remsi %select_n3A_3152, %select_n3A_3157 : i32
    %ne3A_3159 = arith.constant 0 : i32
    %ne3A_3160 = arith.cmpi ne, %rem3A_3158, %ne3A_3159 : i32
    %lt3A_3161 = arith.constant 0 : i32
    %lt3A_3162 = arith.cmpi slt, %rem3A_3158, %lt3A_3161 : i32
    %lt3A_3163 = arith.constant 0 : i32
    %lt3A_3164 = arith.cmpi slt, %select_n3A_3157, %lt3A_3163 : i32
    %ne3A_3165 = arith.xori %lt3A_3162, %lt3A_3164 : i1
    %and3A_3166 = arith.andi %ne3A_3165, %ne3A_3160 : i1
    %add3A_3167 = arith.addi %rem3A_3158, %select_n3A_3157 : i32
    %select_n3A_3168 = arith.select %and3A_3166, %add3A_3167, %rem3A_3158 : i32
    %jit3A_3169 = arith.constant 512 : i32
    %div3A_3170 = arith.divsi %add3A_3128, %jit3A_3169 : i32
    %sign3A_3171 = arith.constant 0 : i32
    %sign3A_3172 = arith.cmpi sgt, %add3A_3128, %sign3A_3171 : i32
    %sign3A_3173 = arith.extui %sign3A_3172 : i1 to i32
    %sign3A_3174 = arith.constant 0 : i32
    %sign3A_3175 = arith.cmpi slt, %add3A_3128, %sign3A_3174 : i32
    %sign3A_3176 = arith.extui %sign3A_3175 : i1 to i32
    %sign3A_3177 = arith.subi %sign3A_3173, %sign3A_3176 : i32
    %sign3A_3178 = arith.constant 0 : i32
    %sign3A_3179 = arith.cmpi sgt, %jit3A_3169, %sign3A_3178 : i32
    %sign3A_3180 = arith.extui %sign3A_3179 : i1 to i32
    %sign3A_3181 = arith.constant 0 : i32
    %sign3A_3182 = arith.cmpi slt, %jit3A_3169, %sign3A_3181 : i32
    %sign3A_3183 = arith.extui %sign3A_3182 : i1 to i32
    %sign3A_3184 = arith.subi %sign3A_3180, %sign3A_3183 : i32
    %ne3A_3185 = arith.cmpi ne, %sign3A_3177, %sign3A_3184 : i32
    %rem3A_3186 = arith.remsi %add3A_3128, %jit3A_3169 : i32
    %ne3A_3187 = arith.constant 0 : i32
    %ne3A_3188 = arith.cmpi ne, %rem3A_3186, %ne3A_3187 : i32
    %and3A_3189 = arith.andi %ne3A_3185, %ne3A_3188 : i1
    %sub3A_3190 = arith.constant 1 : i32
    %sub3A_3191 = arith.subi %div3A_3170, %sub3A_3190 : i32
    %select_n3A_3192 = arith.select %and3A_3189, %sub3A_3191, %div3A_3170 : i32
    %mul3A_3193 = arith.constant 128 : i32
    %mul3A_3194 = arith.muli %select_n3A_3192, %mul3A_3193 : i32
    %jit3A_3195 = arith.constant 128 : i32
    %eq3A_3196 = arith.constant 0 : i32
    %eq3A_3197 = arith.cmpi eq, %jit3A_3195, %eq3A_3196 : i32
    %jit3A_3198 = arith.constant 1 : i32
    %select_n3A_3199 = arith.select %eq3A_3197, %jit3A_3198, %jit3A_3195 : i32
    %rem3A_3200 = arith.remsi %add3A_3128, %select_n3A_3199 : i32
    %ne3A_3201 = arith.constant 0 : i32
    %ne3A_3202 = arith.cmpi ne, %rem3A_3200, %ne3A_3201 : i32
    %lt3A_3203 = arith.constant 0 : i32
    %lt3A_3204 = arith.cmpi slt, %rem3A_3200, %lt3A_3203 : i32
    %lt3A_3205 = arith.constant 0 : i32
    %lt3A_3206 = arith.cmpi slt, %select_n3A_3199, %lt3A_3205 : i32
    %ne3A_3207 = arith.xori %lt3A_3204, %lt3A_3206 : i1
    %and3A_3208 = arith.andi %ne3A_3207, %ne3A_3202 : i1
    %add3A_3209 = arith.addi %rem3A_3200, %select_n3A_3199 : i32
    %select_n3A_3210 = arith.select %and3A_3208, %add3A_3209, %rem3A_3200 : i32
    %add3A_3211 = arith.addi %mul3A_3194, %select_n3A_3210 : i32
    %dma_start3A_3212 = arith.constant 0 : i32
    %dma_start3A_3213 = tpu.memref_slice %arg5[%select_n3A_3168, %add3A_3211, %dma_start3A_3212] : memref<4x8192x768xf32, #tpu.memory_space<hbm>> -> memref<1x32x768xf32, #tpu.memory_space<hbm>>
    %dma_start3A_3214 = tpu.memref_squeeze %dma_start3A_3213 : memref<1x32x768xf32, #tpu.memory_space<hbm>> -> memref<32x768xf32, #tpu.memory_space<hbm>>
    %dma_start3A_3215 = arith.constant 0 : i32
    %dma_start3A_3216 = tpu.memref_slice %arg5[%select_n3A_3168, %add3A_3211, %dma_start3A_3215] : memref<4x8192x768xf32, #tpu.memory_space<hbm>> -> memref<1x32x768xf32, #tpu.memory_space<hbm>>
    %dma_start3A_3217 = tpu.memref_squeeze %dma_start3A_3216 : memref<1x32x768xf32, #tpu.memory_space<hbm>> -> memref<32x768xf32, #tpu.memory_space<hbm>>
    tpu.enqueue_dma source(%arg10 : memref<32x768xf32, #tpu.memory_space<vmem>>) target(%dma_start3A_3217 : memref<32x768xf32, #tpu.memory_space<hbm>>) target_semaphore(%arg18 : memref<!tpu.dma_semaphore, #tpu.memory_space<semaphore_mem>>)
    %dma_wait3A_3218 = arith.constant 960 : i32
    %dma_wait3A_3219 = tpu.memref_slice %arg8[%dma_wait3A_3218] : memref<1024xi32, #tpu.memory_space<vmem>> -> memref<32xi32, #tpu.memory_space<vmem>>
    %dma_wait3A_3220 = arith.constant 0 : i32
    %dma_wait3A_3221 = arith.constant 0 : i32
    %dma_wait3A_3222 = tpu.memref_slice %arg2[%dma_wait3A_3220, %dma_wait3A_3221] : memref<16384x768xf32, #tpu.memory_space<hbm>> -> memref<16384x768xf32, #tpu.memory_space<hbm>>
    tpu.wait_indirect_dma semaphore(%arg15 : memref<!tpu.dma_semaphore, #tpu.memory_space<semaphore_mem>>) src(%dma_wait3A_3222 : memref<16384x768xf32, #tpu.memory_space<hbm>>) dst(%arg11 : memref<32x768xf32, #tpu.memory_space<vmem>>)
    %add3A_3223 = arith.constant 960 : i32
    %add3A_3224 = arith.addi %mul3A_2, %add3A_3223 : i32
    %jit3A_3225 = arith.constant 128 : i32
    %div3A_3226 = arith.divsi %add3A_3224, %jit3A_3225 : i32
    %sign3A_3227 = arith.constant 0 : i32
    %sign3A_3228 = arith.cmpi sgt, %add3A_3224, %sign3A_3227 : i32
    %sign3A_3229 = arith.extui %sign3A_3228 : i1 to i32
    %sign3A_3230 = arith.constant 0 : i32
    %sign3A_3231 = arith.cmpi slt, %add3A_3224, %sign3A_3230 : i32
    %sign3A_3232 = arith.extui %sign3A_3231 : i1 to i32
    %sign3A_3233 = arith.subi %sign3A_3229, %sign3A_3232 : i32
    %sign3A_3234 = arith.constant 0 : i32
    %sign3A_3235 = arith.cmpi sgt, %jit3A_3225, %sign3A_3234 : i32
    %sign3A_3236 = arith.extui %sign3A_3235 : i1 to i32
    %sign3A_3237 = arith.constant 0 : i32
    %sign3A_3238 = arith.cmpi slt, %jit3A_3225, %sign3A_3237 : i32
    %sign3A_3239 = arith.extui %sign3A_3238 : i1 to i32
    %sign3A_3240 = arith.subi %sign3A_3236, %sign3A_3239 : i32
    %ne3A_3241 = arith.cmpi ne, %sign3A_3233, %sign3A_3240 : i32
    %rem3A_3242 = arith.remsi %add3A_3224, %jit3A_3225 : i32
    %ne3A_3243 = arith.constant 0 : i32
    %ne3A_3244 = arith.cmpi ne, %rem3A_3242, %ne3A_3243 : i32
    %and3A_3245 = arith.andi %ne3A_3241, %ne3A_3244 : i1
    %sub3A_3246 = arith.constant 1 : i32
    %sub3A_3247 = arith.subi %div3A_3226, %sub3A_3246 : i32
    %select_n3A_3248 = arith.select %and3A_3245, %sub3A_3247, %div3A_3226 : i32
    %jit3A_3249 = arith.constant 4 : i32
    %eq3A_3250 = arith.constant 0 : i32
    %eq3A_3251 = arith.cmpi eq, %jit3A_3249, %eq3A_3250 : i32
    %jit3A_3252 = arith.constant 1 : i32
    %select_n3A_3253 = arith.select %eq3A_3251, %jit3A_3252, %jit3A_3249 : i32
    %rem3A_3254 = arith.remsi %select_n3A_3248, %select_n3A_3253 : i32
    %ne3A_3255 = arith.constant 0 : i32
    %ne3A_3256 = arith.cmpi ne, %rem3A_3254, %ne3A_3255 : i32
    %lt3A_3257 = arith.constant 0 : i32
    %lt3A_3258 = arith.cmpi slt, %rem3A_3254, %lt3A_3257 : i32
    %lt3A_3259 = arith.constant 0 : i32
    %lt3A_3260 = arith.cmpi slt, %select_n3A_3253, %lt3A_3259 : i32
    %ne3A_3261 = arith.xori %lt3A_3258, %lt3A_3260 : i1
    %and3A_3262 = arith.andi %ne3A_3261, %ne3A_3256 : i1
    %add3A_3263 = arith.addi %rem3A_3254, %select_n3A_3253 : i32
    %select_n3A_3264 = arith.select %and3A_3262, %add3A_3263, %rem3A_3254 : i32
    %jit3A_3265 = arith.constant 512 : i32
    %div3A_3266 = arith.divsi %add3A_3224, %jit3A_3265 : i32
    %sign3A_3267 = arith.constant 0 : i32
    %sign3A_3268 = arith.cmpi sgt, %add3A_3224, %sign3A_3267 : i32
    %sign3A_3269 = arith.extui %sign3A_3268 : i1 to i32
    %sign3A_3270 = arith.constant 0 : i32
    %sign3A_3271 = arith.cmpi slt, %add3A_3224, %sign3A_3270 : i32
    %sign3A_3272 = arith.extui %sign3A_3271 : i1 to i32
    %sign3A_3273 = arith.subi %sign3A_3269, %sign3A_3272 : i32
    %sign3A_3274 = arith.constant 0 : i32
    %sign3A_3275 = arith.cmpi sgt, %jit3A_3265, %sign3A_3274 : i32
    %sign3A_3276 = arith.extui %sign3A_3275 : i1 to i32
    %sign3A_3277 = arith.constant 0 : i32
    %sign3A_3278 = arith.cmpi slt, %jit3A_3265, %sign3A_3277 : i32
    %sign3A_3279 = arith.extui %sign3A_3278 : i1 to i32
    %sign3A_3280 = arith.subi %sign3A_3276, %sign3A_3279 : i32
    %ne3A_3281 = arith.cmpi ne, %sign3A_3273, %sign3A_3280 : i32
    %rem3A_3282 = arith.remsi %add3A_3224, %jit3A_3265 : i32
    %ne3A_3283 = arith.constant 0 : i32
    %ne3A_3284 = arith.cmpi ne, %rem3A_3282, %ne3A_3283 : i32
    %and3A_3285 = arith.andi %ne3A_3281, %ne3A_3284 : i1
    %sub3A_3286 = arith.constant 1 : i32
    %sub3A_3287 = arith.subi %div3A_3266, %sub3A_3286 : i32
    %select_n3A_3288 = arith.select %and3A_3285, %sub3A_3287, %div3A_3266 : i32
    %mul3A_3289 = arith.constant 128 : i32
    %mul3A_3290 = arith.muli %select_n3A_3288, %mul3A_3289 : i32
    %jit3A_3291 = arith.constant 128 : i32
    %eq3A_3292 = arith.constant 0 : i32
    %eq3A_3293 = arith.cmpi eq, %jit3A_3291, %eq3A_3292 : i32
    %jit3A_3294 = arith.constant 1 : i32
    %select_n3A_3295 = arith.select %eq3A_3293, %jit3A_3294, %jit3A_3291 : i32
    %rem3A_3296 = arith.remsi %add3A_3224, %select_n3A_3295 : i32
    %ne3A_3297 = arith.constant 0 : i32
    %ne3A_3298 = arith.cmpi ne, %rem3A_3296, %ne3A_3297 : i32
    %lt3A_3299 = arith.constant 0 : i32
    %lt3A_3300 = arith.cmpi slt, %rem3A_3296, %lt3A_3299 : i32
    %lt3A_3301 = arith.constant 0 : i32
    %lt3A_3302 = arith.cmpi slt, %select_n3A_3295, %lt3A_3301 : i32
    %ne3A_3303 = arith.xori %lt3A_3300, %lt3A_3302 : i1
    %and3A_3304 = arith.andi %ne3A_3303, %ne3A_3298 : i1
    %add3A_3305 = arith.addi %rem3A_3296, %select_n3A_3295 : i32
    %select_n3A_3306 = arith.select %and3A_3304, %add3A_3305, %rem3A_3296 : i32
    %add3A_3307 = arith.addi %mul3A_3290, %select_n3A_3306 : i32
    %dma_start3A_3308 = arith.constant 0 : i32
    %dma_start3A_3309 = tpu.memref_slice %arg5[%select_n3A_3264, %add3A_3307, %dma_start3A_3308] : memref<4x8192x768xf32, #tpu.memory_space<hbm>> -> memref<1x32x768xf32, #tpu.memory_space<hbm>>
    %dma_start3A_3310 = tpu.memref_squeeze %dma_start3A_3309 : memref<1x32x768xf32, #tpu.memory_space<hbm>> -> memref<32x768xf32, #tpu.memory_space<hbm>>
    %dma_start3A_3311 = arith.constant 0 : i32
    %dma_start3A_3312 = tpu.memref_slice %arg5[%select_n3A_3264, %add3A_3307, %dma_start3A_3311] : memref<4x8192x768xf32, #tpu.memory_space<hbm>> -> memref<1x32x768xf32, #tpu.memory_space<hbm>>
    %dma_start3A_3313 = tpu.memref_squeeze %dma_start3A_3312 : memref<1x32x768xf32, #tpu.memory_space<hbm>> -> memref<32x768xf32, #tpu.memory_space<hbm>>
    tpu.enqueue_dma source(%arg11 : memref<32x768xf32, #tpu.memory_space<vmem>>) target(%dma_start3A_3313 : memref<32x768xf32, #tpu.memory_space<hbm>>) target_semaphore(%arg19 : memref<!tpu.dma_semaphore, #tpu.memory_space<semaphore_mem>>)
    %dma_wait3A_3314 = arith.constant 992 : i32
    %dma_wait3A_3315 = tpu.memref_slice %arg8[%dma_wait3A_3314] : memref<1024xi32, #tpu.memory_space<vmem>> -> memref<32xi32, #tpu.memory_space<vmem>>
    %dma_wait3A_3316 = arith.constant 0 : i32
    %dma_wait3A_3317 = arith.constant 0 : i32
    %dma_wait3A_3318 = tpu.memref_slice %arg2[%dma_wait3A_3316, %dma_wait3A_3317] : memref<16384x768xf32, #tpu.memory_space<hbm>> -> memref<16384x768xf32, #tpu.memory_space<hbm>>
    tpu.wait_indirect_dma semaphore(%arg16 : memref<!tpu.dma_semaphore, #tpu.memory_space<semaphore_mem>>) src(%dma_wait3A_3318 : memref<16384x768xf32, #tpu.memory_space<hbm>>) dst(%arg12 : memref<32x768xf32, #tpu.memory_space<vmem>>)
    %add3A_3319 = arith.constant 992 : i32
    %add3A_3320 = arith.addi %mul3A_2, %add3A_3319 : i32
    %jit3A_3321 = arith.constant 128 : i32
    %div3A_3322 = arith.divsi %add3A_3320, %jit3A_3321 : i32
    %sign3A_3323 = arith.constant 0 : i32
    %sign3A_3324 = arith.cmpi sgt, %add3A_3320, %sign3A_3323 : i32
    %sign3A_3325 = arith.extui %sign3A_3324 : i1 to i32
    %sign3A_3326 = arith.constant 0 : i32
    %sign3A_3327 = arith.cmpi slt, %add3A_3320, %sign3A_3326 : i32
    %sign3A_3328 = arith.extui %sign3A_3327 : i1 to i32
    %sign3A_3329 = arith.subi %sign3A_3325, %sign3A_3328 : i32
    %sign3A_3330 = arith.constant 0 : i32
    %sign3A_3331 = arith.cmpi sgt, %jit3A_3321, %sign3A_3330 : i32
    %sign3A_3332 = arith.extui %sign3A_3331 : i1 to i32
    %sign3A_3333 = arith.constant 0 : i32
    %sign3A_3334 = arith.cmpi slt, %jit3A_3321, %sign3A_3333 : i32
    %sign3A_3335 = arith.extui %sign3A_3334 : i1 to i32
    %sign3A_3336 = arith.subi %sign3A_3332, %sign3A_3335 : i32
    %ne3A_3337 = arith.cmpi ne, %sign3A_3329, %sign3A_3336 : i32
    %rem3A_3338 = arith.remsi %add3A_3320, %jit3A_3321 : i32
    %ne3A_3339 = arith.constant 0 : i32
    %ne3A_3340 = arith.cmpi ne, %rem3A_3338, %ne3A_3339 : i32
    %and3A_3341 = arith.andi %ne3A_3337, %ne3A_3340 : i1
    %sub3A_3342 = arith.constant 1 : i32
    %sub3A_3343 = arith.subi %div3A_3322, %sub3A_3342 : i32
    %select_n3A_3344 = arith.select %and3A_3341, %sub3A_3343, %div3A_3322 : i32
    %jit3A_3345 = arith.constant 4 : i32
    %eq3A_3346 = arith.constant 0 : i32
    %eq3A_3347 = arith.cmpi eq, %jit3A_3345, %eq3A_3346 : i32
    %jit3A_3348 = arith.constant 1 : i32
    %select_n3A_3349 = arith.select %eq3A_3347, %jit3A_3348, %jit3A_3345 : i32
    %rem3A_3350 = arith.remsi %select_n3A_3344, %select_n3A_3349 : i32
    %ne3A_3351 = arith.constant 0 : i32
    %ne3A_3352 = arith.cmpi ne, %rem3A_3350, %ne3A_3351 : i32
    %lt3A_3353 = arith.constant 0 : i32
    %lt3A_3354 = arith.cmpi slt, %rem3A_3350, %lt3A_3353 : i32
    %lt3A_3355 = arith.constant 0 : i32
    %lt3A_3356 = arith.cmpi slt, %select_n3A_3349, %lt3A_3355 : i32
    %ne3A_3357 = arith.xori %lt3A_3354, %lt3A_3356 : i1
    %and3A_3358 = arith.andi %ne3A_3357, %ne3A_3352 : i1
    %add3A_3359 = arith.addi %rem3A_3350, %select_n3A_3349 : i32
    %select_n3A_3360 = arith.select %and3A_3358, %add3A_3359, %rem3A_3350 : i32
    %jit3A_3361 = arith.constant 512 : i32
    %div3A_3362 = arith.divsi %add3A_3320, %jit3A_3361 : i32
    %sign3A_3363 = arith.constant 0 : i32
    %sign3A_3364 = arith.cmpi sgt, %add3A_3320, %sign3A_3363 : i32
    %sign3A_3365 = arith.extui %sign3A_3364 : i1 to i32
    %sign3A_3366 = arith.constant 0 : i32
    %sign3A_3367 = arith.cmpi slt, %add3A_3320, %sign3A_3366 : i32
    %sign3A_3368 = arith.extui %sign3A_3367 : i1 to i32
    %sign3A_3369 = arith.subi %sign3A_3365, %sign3A_3368 : i32
    %sign3A_3370 = arith.constant 0 : i32
    %sign3A_3371 = arith.cmpi sgt, %jit3A_3361, %sign3A_3370 : i32
    %sign3A_3372 = arith.extui %sign3A_3371 : i1 to i32
    %sign3A_3373 = arith.constant 0 : i32
    %sign3A_3374 = arith.cmpi slt, %jit3A_3361, %sign3A_3373 : i32
    %sign3A_3375 = arith.extui %sign3A_3374 : i1 to i32
    %sign3A_3376 = arith.subi %sign3A_3372, %sign3A_3375 : i32
    %ne3A_3377 = arith.cmpi ne, %sign3A_3369, %sign3A_3376 : i32
    %rem3A_3378 = arith.remsi %add3A_3320, %jit3A_3361 : i32
    %ne3A_3379 = arith.constant 0 : i32
    %ne3A_3380 = arith.cmpi ne, %rem3A_3378, %ne3A_3379 : i32
    %and3A_3381 = arith.andi %ne3A_3377, %ne3A_3380 : i1
    %sub3A_3382 = arith.constant 1 : i32
    %sub3A_3383 = arith.subi %div3A_3362, %sub3A_3382 : i32
    %select_n3A_3384 = arith.select %and3A_3381, %sub3A_3383, %div3A_3362 : i32
    %mul3A_3385 = arith.constant 128 : i32
    %mul3A_3386 = arith.muli %select_n3A_3384, %mul3A_3385 : i32
    %jit3A_3387 = arith.constant 128 : i32
    %eq3A_3388 = arith.constant 0 : i32
    %eq3A_3389 = arith.cmpi eq, %jit3A_3387, %eq3A_3388 : i32
    %jit3A_3390 = arith.constant 1 : i32
    %select_n3A_3391 = arith.select %eq3A_3389, %jit3A_3390, %jit3A_3387 : i32
    %rem3A_3392 = arith.remsi %add3A_3320, %select_n3A_3391 : i32
    %ne3A_3393 = arith.constant 0 : i32
    %ne3A_3394 = arith.cmpi ne, %rem3A_3392, %ne3A_3393 : i32
    %lt3A_3395 = arith.constant 0 : i32
    %lt3A_3396 = arith.cmpi slt, %rem3A_3392, %lt3A_3395 : i32
    %lt3A_3397 = arith.constant 0 : i32
    %lt3A_3398 = arith.cmpi slt, %select_n3A_3391, %lt3A_3397 : i32
    %ne3A_3399 = arith.xori %lt3A_3396, %lt3A_3398 : i1
    %and3A_3400 = arith.andi %ne3A_3399, %ne3A_3394 : i1
    %add3A_3401 = arith.addi %rem3A_3392, %select_n3A_3391 : i32
    %select_n3A_3402 = arith.select %and3A_3400, %add3A_3401, %rem3A_3392 : i32
    %add3A_3403 = arith.addi %mul3A_3386, %select_n3A_3402 : i32
    %dma_start3A_3404 = arith.constant 0 : i32
    %dma_start3A_3405 = tpu.memref_slice %arg5[%select_n3A_3360, %add3A_3403, %dma_start3A_3404] : memref<4x8192x768xf32, #tpu.memory_space<hbm>> -> memref<1x32x768xf32, #tpu.memory_space<hbm>>
    %dma_start3A_3406 = tpu.memref_squeeze %dma_start3A_3405 : memref<1x32x768xf32, #tpu.memory_space<hbm>> -> memref<32x768xf32, #tpu.memory_space<hbm>>
    %dma_start3A_3407 = arith.constant 0 : i32
    %dma_start3A_3408 = tpu.memref_slice %arg5[%select_n3A_3360, %add3A_3403, %dma_start3A_3407] : memref<4x8192x768xf32, #tpu.memory_space<hbm>> -> memref<1x32x768xf32, #tpu.memory_space<hbm>>
    %dma_start3A_3409 = tpu.memref_squeeze %dma_start3A_3408 : memref<1x32x768xf32, #tpu.memory_space<hbm>> -> memref<32x768xf32, #tpu.memory_space<hbm>>
    tpu.enqueue_dma source(%arg12 : memref<32x768xf32, #tpu.memory_space<vmem>>) target(%dma_start3A_3409 : memref<32x768xf32, #tpu.memory_space<hbm>>) target_semaphore(%arg20 : memref<!tpu.dma_semaphore, #tpu.memory_space<semaphore_mem>>)
    %dma_wait3A_3410 = arith.constant 0 : i32
    %dma_wait3A_3411 = tpu.memref_slice %arg5[%select_n3A_3061, %add3A_3104, %dma_wait3A_3410] : memref<4x8192x768xf32, #tpu.memory_space<hbm>> -> memref<1x32x768xf32, #tpu.memory_space<hbm>>
    %dma_wait3A_3412 = tpu.memref_squeeze %dma_wait3A_3411 : memref<1x32x768xf32, #tpu.memory_space<hbm>> -> memref<32x768xf32, #tpu.memory_space<hbm>>
    %dma_wait3A_3413 = arith.constant 0 : i32
    %dma_wait3A_3414 = tpu.memref_slice %arg5[%select_n3A_3061, %add3A_3104, %dma_wait3A_3413] : memref<4x8192x768xf32, #tpu.memory_space<hbm>> -> memref<1x32x768xf32, #tpu.memory_space<hbm>>
    %dma_wait3A_3415 = tpu.memref_squeeze %dma_wait3A_3414 : memref<1x32x768xf32, #tpu.memory_space<hbm>> -> memref<32x768xf32, #tpu.memory_space<hbm>>
    tpu.wait_dma2 semaphore(%arg17 : memref<!tpu.dma_semaphore, #tpu.memory_space<semaphore_mem>>) src(%arg9 : memref<32x768xf32, #tpu.memory_space<vmem>>) dst(%dma_wait3A_3415 : memref<32x768xf32, #tpu.memory_space<hbm>>)
    %dma_wait3A_3416 = arith.constant 0 : i32
    %dma_wait3A_3417 = tpu.memref_slice %arg5[%select_n3A_3168, %add3A_3211, %dma_wait3A_3416] : memref<4x8192x768xf32, #tpu.memory_space<hbm>> -> memref<1x32x768xf32, #tpu.memory_space<hbm>>
    %dma_wait3A_3418 = tpu.memref_squeeze %dma_wait3A_3417 : memref<1x32x768xf32, #tpu.memory_space<hbm>> -> memref<32x768xf32, #tpu.memory_space<hbm>>
    %dma_wait3A_3419 = arith.constant 0 : i32
    %dma_wait3A_3420 = tpu.memref_slice %arg5[%select_n3A_3168, %add3A_3211, %dma_wait3A_3419] : memref<4x8192x768xf32, #tpu.memory_space<hbm>> -> memref<1x32x768xf32, #tpu.memory_space<hbm>>
    %dma_wait3A_3421 = tpu.memref_squeeze %dma_wait3A_3420 : memref<1x32x768xf32, #tpu.memory_space<hbm>> -> memref<32x768xf32, #tpu.memory_space<hbm>>
    tpu.wait_dma2 semaphore(%arg18 : memref<!tpu.dma_semaphore, #tpu.memory_space<semaphore_mem>>) src(%arg10 : memref<32x768xf32, #tpu.memory_space<vmem>>) dst(%dma_wait3A_3421 : memref<32x768xf32, #tpu.memory_space<hbm>>)
    %dma_wait3A_3422 = arith.constant 0 : i32
    %dma_wait3A_3423 = tpu.memref_slice %arg5[%select_n3A_3264, %add3A_3307, %dma_wait3A_3422] : memref<4x8192x768xf32, #tpu.memory_space<hbm>> -> memref<1x32x768xf32, #tpu.memory_space<hbm>>
    %dma_wait3A_3424 = tpu.memref_squeeze %dma_wait3A_3423 : memref<1x32x768xf32, #tpu.memory_space<hbm>> -> memref<32x768xf32, #tpu.memory_space<hbm>>
    %dma_wait3A_3425 = arith.constant 0 : i32
    %dma_wait3A_3426 = tpu.memref_slice %arg5[%select_n3A_3264, %add3A_3307, %dma_wait3A_3425] : memref<4x8192x768xf32, #tpu.memory_space<hbm>> -> memref<1x32x768xf32, #tpu.memory_space<hbm>>
    %dma_wait3A_3427 = tpu.memref_squeeze %dma_wait3A_3426 : memref<1x32x768xf32, #tpu.memory_space<hbm>> -> memref<32x768xf32, #tpu.memory_space<hbm>>
    tpu.wait_dma2 semaphore(%arg19 : memref<!tpu.dma_semaphore, #tpu.memory_space<semaphore_mem>>) src(%arg11 : memref<32x768xf32, #tpu.memory_space<vmem>>) dst(%dma_wait3A_3427 : memref<32x768xf32, #tpu.memory_space<hbm>>)
    %dma_wait3A_3428 = arith.constant 0 : i32
    %dma_wait3A_3429 = tpu.memref_slice %arg5[%select_n3A_3360, %add3A_3403, %dma_wait3A_3428] : memref<4x8192x768xf32, #tpu.memory_space<hbm>> -> memref<1x32x768xf32, #tpu.memory_space<hbm>>
    %dma_wait3A_3430 = tpu.memref_squeeze %dma_wait3A_3429 : memref<1x32x768xf32, #tpu.memory_space<hbm>> -> memref<32x768xf32, #tpu.memory_space<hbm>>
    %dma_wait3A_3431 = arith.constant 0 : i32
    %dma_wait3A_3432 = tpu.memref_slice %arg5[%select_n3A_3360, %add3A_3403, %dma_wait3A_3431] : memref<4x8192x768xf32, #tpu.memory_space<hbm>> -> memref<1x32x768xf32, #tpu.memory_space<hbm>>
    %dma_wait3A_3433 = tpu.memref_squeeze %dma_wait3A_3432 : memref<1x32x768xf32, #tpu.memory_space<hbm>> -> memref<32x768xf32, #tpu.memory_space<hbm>>
    tpu.wait_dma2 semaphore(%arg20 : memref<!tpu.dma_semaphore, #tpu.memory_space<semaphore_mem>>) src(%arg12 : memref<32x768xf32, #tpu.memory_space<vmem>>) dst(%dma_wait3A_3433 : memref<32x768xf32, #tpu.memory_space<hbm>>)
    return
  }
}

module attributes {stable_mosaic.version = 14 : i64} {
  func.func @_ln_table_body(%arg0: i32, %arg1: memref<512x768xf32, #tpu.memory_space<vmem>>, %arg2: memref<512x768xf32, #tpu.memory_space<vmem>>, %arg3: memref<2x768xf32, #tpu.memory_space<vmem>>, %arg4: memref<768xf32, #tpu.memory_space<vmem>>, %arg5: memref<768xf32, #tpu.memory_space<vmem>>, %arg6: memref<2x512x768xf32, #tpu.memory_space<vmem>>) attributes {dimension_semantics = [#tpu.dimension_semantics<arbitrary>], iteration_bounds = array<i64: 16>, scalar_prefetch = 0 : i64, scratch_operands = 0 : i64, tpu.core_type = #tpu.core_type<tc>, window_params = [{transform_indices = @transform_0, window_bounds = array<i64: 512, 768>}, {transform_indices = @transform_1, window_bounds = array<i64: 512, 768>}, {pipeline_mode = #tpu.pipeline_mode<synchronous>, transform_indices = @transform_2, window_bounds = array<i64: 2, 768>}, {pipeline_mode = #tpu.pipeline_mode<synchronous>, transform_indices = @transform_3, window_bounds = array<i64: 768>}, {pipeline_mode = #tpu.pipeline_mode<synchronous>, transform_indices = @transform_4, window_bounds = array<i64: 768>}, {transform_indices = @transform_5, window_bounds = array<i64: 2, 512, 768>}]} {
    %get3A = arith.constant 0 : index
    %get3A_0 = arith.constant 0 : index
    %get3A_1 = vector.load %arg1[%get3A, %get3A_0] : memref<512x768xf32, #tpu.memory_space<vmem>>, vector<512x768xf32>
    %get3A_2 = arith.constant 0 : index
    %get3A_3 = arith.constant 0 : index
    %get3A_4 = vector.load %arg2[%get3A_2, %get3A_3] : memref<512x768xf32, #tpu.memory_space<vmem>>, vector<512x768xf32>
    %add3A = arith.addf %get3A_1, %get3A_4 : vector<512x768xf32>
    %get3A_5 = arith.constant 0 : index
    %get3A_6 = vector.load %arg4[%get3A_5] : memref<768xf32, #tpu.memory_space<vmem>>, vector<768xf32>
    %reshape3A = vector.shape_cast %get3A_6 : vector<768xf32> to vector<1x768xf32>
    %get3A_7 = arith.constant 0 : index
    %get3A_8 = vector.load %arg5[%get3A_7] : memref<768xf32, #tpu.memory_space<vmem>>, vector<768xf32>
    %reshape3A_9 = vector.shape_cast %get3A_8 : vector<768xf32> to vector<1x768xf32>
    %get3A_10 = arith.constant 0 : index
    %get3A_11 = arith.constant 0 : index
    %get3A_12 = vector.load %arg3[%get3A_10, %get3A_11] : memref<2x768xf32, #tpu.memory_space<vmem>>, vector<1x768xf32>
    %add3A_13 = vector.broadcast %get3A_12 : vector<1x768xf32> to vector<512x768xf32>
    %add3A_14 = arith.addf %add3A, %add3A_13 : vector<512x768xf32>
    %reduce_sum3A = arith.constant dense<0.000000e+00> : vector<512xf32>
    %reduce_sum3A_15 = vector.multi_reduction <add>, %add3A_14, %reduce_sum3A [1] : vector<512x768xf32> to vector<512xf32>
    %broadcast_in_dim3A = vector.shape_cast %reduce_sum3A_15 : vector<512xf32> to vector<512x1xf32>
    %div3A = arith.constant 7.680000e+02 : f32
    %div3A_16 = vector.broadcast %div3A : f32 to vector<512x1xf32>
    %div3A_17 = arith.divf %broadcast_in_dim3A, %div3A_16 : vector<512x1xf32>
    %sub3A = vector.broadcast %div3A_17 : vector<512x1xf32> to vector<512x768xf32>
    %sub3A_18 = arith.subf %add3A_14, %sub3A : vector<512x768xf32>
    %mul3A = arith.mulf %sub3A_18, %sub3A_18 : vector<512x768xf32>
    %reduce_sum3A_19 = arith.constant dense<0.000000e+00> : vector<512xf32>
    %reduce_sum3A_20 = vector.multi_reduction <add>, %mul3A, %reduce_sum3A_19 [1] : vector<512x768xf32> to vector<512xf32>
    %broadcast_in_dim3A_21 = vector.shape_cast %reduce_sum3A_20 : vector<512xf32> to vector<512x1xf32>
    %div3A_22 = arith.constant 7.680000e+02 : f32
    %div3A_23 = vector.broadcast %div3A_22 : f32 to vector<512x1xf32>
    %div3A_24 = arith.divf %broadcast_in_dim3A_21, %div3A_23 : vector<512x1xf32>
    %add3A_25 = arith.constant 9.99999974E-6 : f32
    %add3A_26 = vector.broadcast %add3A_25 : f32 to vector<512x1xf32>
    %add3A_27 = arith.addf %div3A_24, %add3A_26 : vector<512x1xf32>
    %rsqrt3A = math.rsqrt %add3A_27 : vector<512x1xf32>
    %mul3A_28 = vector.broadcast %rsqrt3A : vector<512x1xf32> to vector<512x768xf32>
    %mul3A_29 = arith.mulf %sub3A_18, %mul3A_28 : vector<512x768xf32>
    %mul3A_30 = vector.broadcast %reshape3A : vector<1x768xf32> to vector<512x768xf32>
    %mul3A_31 = arith.mulf %mul3A_29, %mul3A_30 : vector<512x768xf32>
    %add3A_32 = vector.broadcast %reshape3A_9 : vector<1x768xf32> to vector<512x768xf32>
    %add3A_33 = arith.addf %mul3A_31, %add3A_32 : vector<512x768xf32>
    %swap3A = arith.constant 0 : index
    %swap3A_34 = arith.constant 0 : index
    %swap3A_35 = arith.constant 0 : index
    %swap3A_36 = vector.load %arg6[%swap3A, %swap3A_34, %swap3A_35] : memref<2x512x768xf32, #tpu.memory_space<vmem>>, vector<1x512x768xf32>
    %swap3A_37 = vector.shape_cast %swap3A_36 : vector<1x512x768xf32> to vector<512x768xf32>
    %swap3A_38 = vector.shape_cast %add3A_33 : vector<512x768xf32> to vector<1x512x768xf32>
    tpu.vector_store %arg6[%swap3A, %swap3A_34, %swap3A_35], %swap3A_38 {strides = array<i32>} : memref<2x512x768xf32, #tpu.memory_space<vmem>>, vector<1x512x768xf32>,
    %get3A_39 = arith.constant 1 : index
    %get3A_40 = arith.constant 0 : index
    %get3A_41 = vector.load %arg3[%get3A_39, %get3A_40] : memref<2x768xf32, #tpu.memory_space<vmem>>, vector<1x768xf32>
    %add3A_42 = vector.broadcast %get3A_41 : vector<1x768xf32> to vector<512x768xf32>
    %add3A_43 = arith.addf %add3A, %add3A_42 : vector<512x768xf32>
    %reduce_sum3A_44 = arith.constant dense<0.000000e+00> : vector<512xf32>
    %reduce_sum3A_45 = vector.multi_reduction <add>, %add3A_43, %reduce_sum3A_44 [1] : vector<512x768xf32> to vector<512xf32>
    %broadcast_in_dim3A_46 = vector.shape_cast %reduce_sum3A_45 : vector<512xf32> to vector<512x1xf32>
    %div3A_47 = arith.constant 7.680000e+02 : f32
    %div3A_48 = vector.broadcast %div3A_47 : f32 to vector<512x1xf32>
    %div3A_49 = arith.divf %broadcast_in_dim3A_46, %div3A_48 : vector<512x1xf32>
    %sub3A_50 = vector.broadcast %div3A_49 : vector<512x1xf32> to vector<512x768xf32>
    %sub3A_51 = arith.subf %add3A_43, %sub3A_50 : vector<512x768xf32>
    %mul3A_52 = arith.mulf %sub3A_51, %sub3A_51 : vector<512x768xf32>
    %reduce_sum3A_53 = arith.constant dense<0.000000e+00> : vector<512xf32>
    %reduce_sum3A_54 = vector.multi_reduction <add>, %mul3A_52, %reduce_sum3A_53 [1] : vector<512x768xf32> to vector<512xf32>
    %broadcast_in_dim3A_55 = vector.shape_cast %reduce_sum3A_54 : vector<512xf32> to vector<512x1xf32>
    %div3A_56 = arith.constant 7.680000e+02 : f32
    %div3A_57 = vector.broadcast %div3A_56 : f32 to vector<512x1xf32>
    %div3A_58 = arith.divf %broadcast_in_dim3A_55, %div3A_57 : vector<512x1xf32>
    %add3A_59 = arith.constant 9.99999974E-6 : f32
    %add3A_60 = vector.broadcast %add3A_59 : f32 to vector<512x1xf32>
    %add3A_61 = arith.addf %div3A_58, %add3A_60 : vector<512x1xf32>
    %rsqrt3A_62 = math.rsqrt %add3A_61 : vector<512x1xf32>
    %mul3A_63 = vector.broadcast %rsqrt3A_62 : vector<512x1xf32> to vector<512x768xf32>
    %mul3A_64 = arith.mulf %sub3A_51, %mul3A_63 : vector<512x768xf32>
    %mul3A_65 = vector.broadcast %reshape3A : vector<1x768xf32> to vector<512x768xf32>
    %mul3A_66 = arith.mulf %mul3A_64, %mul3A_65 : vector<512x768xf32>
    %add3A_67 = vector.broadcast %reshape3A_9 : vector<1x768xf32> to vector<512x768xf32>
    %add3A_68 = arith.addf %mul3A_66, %add3A_67 : vector<512x768xf32>
    %swap3A_69 = arith.constant 1 : index
    %swap3A_70 = arith.constant 0 : index
    %swap3A_71 = arith.constant 0 : index
    %swap3A_72 = vector.load %arg6[%swap3A_69, %swap3A_70, %swap3A_71] : memref<2x512x768xf32, #tpu.memory_space<vmem>>, vector<1x512x768xf32>
    %swap3A_73 = vector.shape_cast %swap3A_72 : vector<1x512x768xf32> to vector<512x768xf32>
    %swap3A_74 = vector.shape_cast %add3A_68 : vector<512x768xf32> to vector<1x512x768xf32>
    tpu.vector_store %arg6[%swap3A_69, %swap3A_70, %swap3A_71], %swap3A_74 {strides = array<i32>} : memref<2x512x768xf32, #tpu.memory_space<vmem>>, vector<1x512x768xf32>,
    return
  }
  func.func @transform_0(%arg0: i32) -> (i32, i32) {
    %c0_i32 = arith.constant 0 : i32
    %c0_i32_0 = arith.constant 0 : i32
    return %arg0, %c0_i32 : i32, i32
  }
  func.func @transform_1(%arg0: i32) -> (i32, i32) {
    %c0_i32 = arith.constant 0 : i32
    %c0_i32_0 = arith.constant 0 : i32
    return %arg0, %c0_i32 : i32, i32
  }
  func.func @transform_2(%arg0: i32) -> (i32, i32) {
    %c0_i32 = arith.constant 0 : i32
    %c0_i32_0 = arith.constant 0 : i32
    %c0_i32_1 = arith.constant 0 : i32
    return %c0_i32, %c0_i32_0 : i32, i32
  }
  func.func @transform_3(%arg0: i32) -> i32 {
    %c0_i32 = arith.constant 0 : i32
    %c0_i32_0 = arith.constant 0 : i32
    return %c0_i32 : i32
  }
  func.func @transform_4(%arg0: i32) -> i32 {
    %c0_i32 = arith.constant 0 : i32
    %c0_i32_0 = arith.constant 0 : i32
    return %c0_i32 : i32
  }
  func.func @transform_5(%arg0: i32) -> (i32, i32, i32) {
    %c0_i32 = arith.constant 0 : i32
    %c0_i32_0 = arith.constant 0 : i32
    %c0_i32_1 = arith.constant 0 : i32
    return %c0_i32, %arg0, %c0_i32_0 : i32, i32, i32
  }
}

</mosaic_0001>

<sc_bundles>
// kernel: kernel.4.cloned.1.call-start
scs
__scs_entry_jumppad:
0x0: {  	(pc) =	sbr.rel $0x88, $3  }
0x1: {  	(tag) =	ssettag $0x0;
	lr =	simm.s32 $0x1  }
0x2: {  	[smem:$0x3F9A] =	sst lr;
	_ =	strace $0xD0000000  }
0x3: {  	_ = 	snop  }
0x4: {  	_ = 	snop  }
0x5: {  	_ = 	snop  }
0x6: {  	_ = 	snop  }
0x7: {  	_ = 	snop  }
__scs_overlays_trampoline_lowered:
0x8: {  	[smem:$0x3FA9] =	sst s0  }
0x9: {  	[smem:$0x3FAA] =	sst s1  }
0xa: {  	[smem:$0x3FAB] =	sst s2  }
0xb: {  	[smem:$0x3FAC] =	sst s3  }
0xc: {  	[smem:$0x3FAD] =	sst s4  }
0xd: {  	[smem:$0x3FAE] =	sst s5  }
0xe: {  	[smem:$0x3FAF] =	sst s6  }
0xf: {  	[smem:$0x3FB0] =	sst s7  }
0x10: {  	[smem:$0x3FB1] =	sst s8  }
0x11: {  	[smem:$0x3FB2] =	sst s9;
	s0 =	simm.s32 @!p0 $0x0  }
0x12: {  	s1 =	sld [smem:$0x3F98];
	s0 =	simm.s32 @p0 $0x1  }
0x13: {  	[smem:$0x3FB3] =	sst s0;
	s0 =	simm.s32 @!p1 $0x0  }
0x14: {  	s2 =	sld [smem:$0x3F97];
	s0 =	simm.s32 @p1 $0x1  }
0x15: {  	[smem:$0x3FB4] =	sst s0;
	s0 =	simm.s32 @!p2 $0x0  }
0x16: {  	s3 =	sld [smem:$0x3FDB];
	s0 =	simm.s32 @p2 $0x1  }
0x17: {  	s4 =	simm.s32 $0x1BF5;
	[smem:$0x3FB6] =	sst s0  }
0x18: {  	s0 =	sld [smem:$0x3F99];
	_ =	swait.ge [sflag:s4], $0x0  }
0x19: {  	s7 =	sld [smem:$0x3F9A]  }
0x1a: {  	s8 =	sadd.s32 $0xFFFFE003, lr  }
0x1b: {  	s9 =	sadd.s32 $0xFFFFFEF7, lr;
	s5 =	simm.s32 $0xFFFFFFFF;
	p2 =	slt.u32 s8, $0xFFFFF086  }
0x1c: {  	p1 =	slt.u32 s9, $0xF7A;
	s5 =	simm.s32 @!p2 $0x0  }
0x1d: {  	s5 =	simm.s32 @p1 $0x1;
	p0 =	seq.s32 s7, s2  }
0x1e: {  	s7 =	smul.u32 @!p0 $0xF7A, s2;
	p2 =	seq.s32 @!p0 s5, $0x0  }
0x1f: {  	s9 =	smul.u32 $0xF7A, s1;
	s8 =	simm.s32 @!p0 $0x1BF5;
	p2 =	por !p2, p0  }
0x20: {  	[sflag:s8] =	ssyncset.s32 @!p0 $0xFFFFF086;
	s6 =	sadd.s32 @!p0 s3, s7;
	s7 =	simm.s32 @!p0 $0x108  }
0x21: {  	s3 =	sadd.s32 s3, s9;
	s6 =	sadd.s32 @!p0 $0x88, s6;
	s7 =	simm.s32 @p2 $0x1082  }
0x22: {  	[simem:s7], [sflag:s8] =	dma.local @!p0 [hbm:s6], $0xF7A  }
0x23: {  	s9 =	sor.u32 $0xD0000000, s2;
	s6 =	simm.s32 $0x108;
	_ =	swait.ge @!p0 [sflag:s8], $0x0  }
0x24: {  	s3 =	sadd.s32 $0x88, s3;
	s6 =	simm.s32 @!p1 $0x1082;
	[sflag:s4] =	ssyncset.s32 $0xFFFFF086  }
0x25: {  	[simem:s6], [sflag:s4] =	dma.local [hbm:s3], $0xF7A  }
0x26: {  	[smem:$0x3F9A] =	sst s1;
	(tag) =	ssettag s2;
	_ =	strace s9  }
0x27: {  	s1 =	sld [smem:$0x3FAA]  }
0x28: {  	s2 =	sld [smem:$0x3FAB]  }
0x29: {  	s4 =	sld [smem:$0x3FAD]  }
0x2a: {  	p0 =	seq.s32 s5, $0x0;
	s5 =	sld [smem:$0x3FAE]  }
0x2b: {  	s6 =	sld [smem:$0x3FAF]  }
0x2c: {  	s7 =	sld [smem:$0x3FB0]  }
0x2d: {  	s3 =	simm.s32 $0x108;
	s8 =	sld [smem:$0x3FB1]  }
0x2e: {  	s3 =	simm.s32 @!p0 $0x1082;
	s9 =	sld [smem:$0x3FB2]  }
0x2f: {  	lr =	sadd.s32 s0, s3;
	s0 =	sld [smem:$0x3FA9]  }
0x30: {  	s3 =	sld [smem:$0x3FAC]  }
0x31: {  	[smem:$0x3FB5] =	sst s10  }
0x32: {  	s10 =	sld [smem:$0x3FB3];
	_ =	sdelay $0x3  }
0x33: {  	p0 =	seq.s32 s10, $0x1;
	s10 =	sld [smem:$0x3FB5];
	_ =	sdelay $0x3  }
0x34: {  	[smem:$0x3FB5] =	sst s10  }
0x35: {  	s10 =	sld [smem:$0x3FB4];
	_ =	sdelay $0x3  }
0x36: {  	p1 =	seq.s32 s10, $0x1;
	s10 =	sld [smem:$0x3FB5];
	_ =	sdelay $0x3  }
0x37: {  	[smem:$0x3FB5] =	sst s10  }
0x38: {  	s10 =	sld [smem:$0x3FB6]  }
0x39: {  	_ = 	snop;
	(pc) =	sbr.ind lr, $3  }
0x3a: {  	_ = 	snop  }
0x3b: {  	_ = 	snop  }
0x3c: {  	p2 =	seq.s32 s10, $0x1;
	s10 =	sld [smem:$0x3FB5]  }
0x3d: {  	_ =	shalt  }
0x3e: {  	_ =	shalt  }
0x3f: {  	_ =	shalt  }
0x40: {  	_ =	shalt  }
0x41: {  	_ =	shalt  }
0x42: {  	_ =	shalt  }
0x43: {  	_ =	shalt  }
0x44: {  	_ =	shalt  }
0x45: {  	_ =	shalt  }
0x46: {  	_ =	shalt  }
0x47: {  	_ =	shalt  }
0x48: {  	_ =	shalt  }
0x49: {  	_ =	shalt  }
0x4a: {  	_ =	shalt  }
0x4b: {  	_ =	shalt  }
0x4c: {  	_ =	shalt  }
0x4d: {  	_ =	shalt  }
0x4e: {  	_ =	shalt  }
0x4f: {  	_ =	shalt  }
0x50: {  	_ =	shalt  }
0x51: {  	_ =	shalt  }
0x52: {  	_ =	shalt  }
0x53: {  	_ =	shalt  }
0x54: {  	_ =	shalt  }
0x55: {  	_ =	shalt  }
0x56: {  	_ =	shalt  }
0x57: {  	_ =	shalt  }
0x58: {  	_ =	shalt  }
0x59: {  	_ =	shalt  }
0x5a: {  	_ =	shalt  }
0x5b: {  	_ =	shalt  }
0x5c: {  	_ =	shalt  }
0x5d: {  	_ =	shalt  }
0x5e: {  	_ =	shalt  }
0x5f: {  	_ =	shalt  }
0x60: {  	_ =	shalt  }
0x61: {  	_ =	shalt  }
0x62: {  	_ =	shalt  }
0x63: {  	_ =	shalt  }
0x64: {  	_ =	shalt  }
0x65: {  	_ =	shalt  }
0x66: {  	_ =	shalt  }
0x67: {  	_ =	shalt  }
0x68: {  	_ =	shalt  }
0x69: {  	_ =	shalt  }
0x6a: {  	_ =	shalt  }
0x6b: {  	_ =	shalt  }
0x6c: {  	_ =	shalt  }
0x6d: {  	_ =	shalt  }
0x6e: {  	_ =	shalt  }
0x6f: {  	_ =	shalt  }
0x70: {  	_ =	shalt  }
0x71: {  	_ =	shalt  }
0x72: {  	_ =	shalt  }
0x73: {  	_ =	shalt  }
0x74: {  	_ =	shalt  }
0x75: {  	_ =	shalt  }
0x76: {  	_ =	shalt  }
0x77: {  	_ =	shalt  }
0x78: {  	_ =	shalt  }
0x79: {  	_ =	shalt  }
0x7a: {  	_ =	shalt  }
0x7b: {  	_ =	shalt  }
0x7c: {  	_ =	shalt  }
0x7d: {  	_ =	shalt  }
0x7e: {  	_ =	shalt  }
0x7f: {  	_ =	shalt  }
0x80: {  	_ =	shalt  }
0x81: {  	_ =	shalt  }
0x82: {  	_ =	shalt  }
0x83: {  	_ =	shalt  }
0x84: {  	_ =	shalt  }
0x85: {  	_ =	shalt  }
0x86: {  	_ =	shalt  }
0x87: {  	_ =	shalt  }
.Lfunc_end0:
.L_simem_size_0:
called_computation_lowered:
.L_overlay_start_0:
0x88: {  	s2 =	sld [smem:$0x3FD9]  }
0x89: {  	s3 =	sld [smem:$0x3FFE];
	_ =	sdelay $0x1  }
0x8a: {  	s1 =	srdreg.scid  }
0x8b: {  	s0 =	sand.u32 $0x1, s1  }
0x8c: {  	s17 =	sshll.u32 s0, $0xA;
	s2 =	sadd.s32 s3, s2  }
0x8d: {  	s2 =	sadd.s32 s2, s17  }
0x8e: {  	[smem:$0x3FC1] =	sst s2  }
0x8f: {  	_ = 	snop  }
0x90: {  	s2 =	sld [smem:$0x3FC9]  }
0x91: {  	s18 =	sld [smem:$0x3FC8]  }
0x92: {  	s4 =	sld [smem:$0x3FD0];
	(tm) =	ssettm $0x1  }
0x93: {  	s5 =	sld [smem:$0x3FFB];
	_ =	sdelay $0x3  }
0x94: {  	_ =	strace s5  }
0x95: {  	s5 =	sld [smem:$0x3FFC];
	_ =	sdelay $0x3  }
0x96: {  	_ =	strace s5  }
0x97: {  	s5 =	sld [smem:$0x3FFD];
	_ =	sdelay $0x3  }
0x98: {  	_ =	strace s5  }
0x99: {  	_ =	strace $0x8FFFFFFF  }
0x9a: {  	s19 =	sld [smem:$0x3FDB];
	_ =	sdelay $0x1  }
0x9b: {  	s6 =	simm.s32 $_scs_section_size  }
0x9c: {  	s7 =	simm.s32 $_size__tile_overlayer_lowered;
	s8 =	simm.s32 $_tile_overlayer_lowered  }
0x9d: {  	s22 =	simm.s32 $0x1BFF;
	s21 =	sshll.u32 s8, $0x1;
	s5 =	sadd.s32 s6, s19  }
0x9e: {  	s9 =	simm.s32 $0x0;
	s20 =	sshll.u32 s7, $0x1;
	s7 =	sadd.s32 s21, s5  }
0x9f: {  	[timem:s9], [sflag:s22] =	dma.local [hbm:s7], s20  }
0xa0: {  	_ =	swait.ge [sflag:s22], s20  }
0xa1: {  	s6 =	ssub.s32 $0x0, s20;
	[sflag:s22] =	ssyncset.done $0x0  }
0xa2: {  	[sflag:s22] =	ssyncadd.s32 s6;
	_ =	sdelay $0x1  }
0xa3: {  	s23 =	simm.s32 $0x1B8B  }
0xa4: {  	_ =	swait.ge [sflag:s23], $0x1  }
0xa5: {  	[sflag:s23] =	ssyncset.done $0x0  }
0xa6: {  	s25 =	simm.s32 $0x1B8E;
	s24 =	sld [smem:$0x3FFE];
	[sflag:s23] =	ssyncadd.s32 $0xFFFFFFFF  }
0xa7: {  	s26 =	simm.s32 $execute0_lowered;
	[smem:$0x3FD2] =	sst s25  }
0xa8: {  	s7 =	sshll.u32 s26, $0x1;
	_ =	strace $0x80000046;
	[dreg:$0x1] =	wrdreg $0xFFFFFFFF  }
0xa9: {  	s28 =	simm.s32 $_size_execute0_lowered;
	s5 =	sadd.s32 s5, s7;
	[dreg:$0x0] =	wrdreg $0x0  }
0xaa: {  	s7 =	sshll.u32 s28, $0x1;
	[dreg:$0x2] =	wrdreg s5  }
0xab: {  	[dreg:$0x3] =	wrdreg s7  }
0xac: {  	[dreg:$0x4] =	wrdreg $0xC0  }
0xad: {  	_ =	task [dreg:s9], $0x5FFFF  }
0xae: {  	[dreg:$0x1] =	wrdreg $0xFFFFFFFF  }
0xaf: {  	[dreg:$0x0] =	wrdreg $0x60  }
0xb0: {  	[dreg:$0x2] =	wrdreg s24  }
0xb1: {  	[dreg:$0x3] =	wrdreg s2  }
0xb2: {  	[dreg:$0x4] =	wrdreg s18  }
0xb3: {  	[dreg:$0x5] =	wrdreg s4  }
0xb4: {  	[dreg:$0x6] =	wrdreg $0x9  }
0xb5: {  	_ =	task.clear_ibuf [dreg:s9], $0x7FFFF;
	_ =	strace $0x90000046  }
0xb6: {  	s29 =	simm.s32 $0x9;
	_ =	strace $0x80000048  }
0xb7: {  	_ =	swait.ge [sflag:s29], $0x1  }
0xb8: {  	[sflag:s29] =	ssyncadd.s32 $0xFFFFFFFF  }
0xb9: {  	_ =	strace $0x90000048  }
0xba: {  	_ =	sfence  }
0xbb: {  	s30 =	sld [smem:$0x0];
	_ =	sdelay $0x2  }
0xbc: {  	s31 =	sshll.u32 s1, $0xD;
	s1 =	sshrl.u32 s1, $0x2  }
0xbd: {  	s3 =	sand.u32 $0x4000, s31;
	s1 =	sadd.s32 s1, s30  }
0xbe: {  	s0 =	sor.u32 s3, s0;
	s1 =	sshll.u32 s1, $0x11  }
0xbf: {  	s0 =	sor.u32 s1, s0  }
0xc0: {  	s0 =	sadd.s32 $0x8F2B, s0  }
0xc1: {  	[sflag:s0] =	ssyncadd.remote.s32 $0x1  }
0xc2: {  	_ =	sfence.sel $0xFFFF  }
0xc3: {  	[dreg:$0x0] =	wrdreg $0xFFFFFFFF;
	(pc) =	sbr.abs _section_cstart, $3  }
0xc4: {  	[dreg:$0x1] =	wrdreg $0xFFFFFFFF  }
0xc5: {  	_ =	task.clear_ibuf [dreg:s9], $0x2FFFF;
	_ =	strace $0x9FFFFFFF  }
0xc6: {  	(tm) =	ssettm $0x7FFFFFFF  }
0xc7: {  	_ =	shalt  }
tec
execute0_lowered:
.L_overlay_start_1:
0x0: {  	(tag) =	ssettag $0x1  }
0x1: {  	s0 =	rddreg [dreg:$0x0]  }
0x2: {  	s1 =	rddreg [dreg:$0x1];
	s2 =	srdreg.scid  }
0x3: {  	s4 =	rddreg [dreg:$0x2];
	s6 =	stileid.u32;
	s3 =	sand.u32 $0x1, s2  }
0x4: {  	s5 =	rddreg [dreg:$0x3];
	s6 =	sshll.u32 s6, $0xB;
	s7 =	sshll.u32 s3, $0xA  }
0x5: {  	s2 =	simm.s32 $0x0;
	s12 =	sadd.s32 $0xC00, s0;
	s6 =	sor.u32 s7, s6  }
0x6: {  	[smem:$0x7FF] =	sst s2;
	s8 =	ssub.s32 $0x2, s3;
	s7 =	sshrl.u32 s6, $0x5  }
0x7: {  	s3 =	sadd.s32 $0xA00, s0;
	s6 =	sshrl.u32 s6, $0x3;
	s9 =	smul.u32 $0x1800, s7  }
0x8: {  	_ =	strace $0x80000047;
	s1 =	sadd.s32 s1, s6;
	s19 =	smul.u32 $0x300, s7  }
0x9: {  	s4 =	sadd.s32 s4, s6;
	s6 =	sadd.s32 $0xB00, s0;
	[dreg:$0x5] =	wrdreg s1  }
0xa: {  	[dreg:$0x6] =	wrdreg s4;
	s18 =	sshrl.u32 s9, $0x3;
	s7 =	sadd.s32 s5, s19  }
0xb: {  	s1 =	sadd.s32 s5, s18;
	[dreg:$0x11] =	wrdreg s7;
	s0 =	sadd.s32 $0x1800, s7  }
0xc: {  	s20 =	sadd.s32 $0x2400, s1;
	[smem:$0x7FD] =	sst s0  }
0xd: {  	s21 =	sadd.s32 $0xC0000, s1;
	[dreg:$0x7] =	wrdreg s20  }
0xe: {  	s22 =	sadd.s32 $0xC0C00, s1;
	[dreg:$0x8] =	wrdreg s21  }
0xf: {  	s23 =	sadd.s32 $0xC1800, s1;
	[dreg:$0x9] =	wrdreg s22  }
0x10: {  	s24 =	sadd.s32 $0xC2400, s1;
	[dreg:$0xa] =	wrdreg s23  }
0x11: {  	s25 =	sadd.s32 $0x180C00, s1;
	[dreg:$0xb] =	wrdreg s24  }
0x12: {  	s26 =	sadd.s32 $0x181800, s1;
	[dreg:$0xc] =	wrdreg s25  }
0x13: {  	s28 =	sadd.s32 $0x180000, s1;
	[dreg:$0xd] =	wrdreg s26  }
0x14: {  	s30 =	sadd.s32 $0x182400, s1;
	[dreg:$0xe] =	wrdreg s28  }
0x15: {  	s31 =	sadd.s32 $0x240000, s1;
	[dreg:$0xf] =	wrdreg s30  }
0x16: {  	s10 =	sshrl.u32 s8, $0x1;
	s9 =	sadd.s32 $0x240C00, s1;
	[dreg:$0x10] =	wrdreg s31  }
0x17: {  	s8 =	ssub.s32 s8, s10;
	s10 =	sadd.s32 $0x241800, s1;
	[dreg:$0x12] =	wrdreg s9  }
0x18: {  	s11 =	sadd.s32 $0x242400, s1;
	[dreg:$0x13] =	wrdreg s10  }
0x19: {  	s13 =	sadd.s32 $0x3000, s1;
	[dreg:$0x14] =	wrdreg s11  }
0x1a: {  	s14 =	sadd.s32 $0x3C00, s1;
	[dreg:$0x15] =	wrdreg s13  }
0x1b: {  	s15 =	sadd.s32 $0x4800, s1;
	[dreg:$0x16] =	wrdreg s14  }
0x1c: {  	s16 =	sadd.s32 $0xC3000, s1;
	[dreg:$0x17] =	wrdreg s15  }
0x1d: {  	s17 =	sadd.s32 $0xC3C00, s1;
	[dreg:$0x18] =	wrdreg s16  }
0x1e: {  	s18 =	sadd.s32 $0xC4800, s1;
	[dreg:$0x19] =	wrdreg s17  }
0x1f: {  	s19 =	sadd.s32 $0xC5400, s1;
	[dreg:$0x1a] =	wrdreg s18  }
0x20: {  	[dreg:$0x1b] =	wrdreg s19;
	s20 =	sadd.s32 $0x183C00, s1  }
0x21: {  	s21 =	sadd.s32 $0x5400, s1;
	[dreg:$0x1c] =	wrdreg s20  }
0x22: {  	s22 =	sadd.s32 $0x184800, s1;
	[dreg:$0x1d] =	wrdreg s21  }
0x23: {  	s23 =	sadd.s32 $0x185400, s1;
	[dreg:$0x1e] =	wrdreg s22  }
0x24: {  	s24 =	sadd.s32 $0x183000, s1;
	[dreg:$0x1f] =	wrdreg s23  }
0x25: {  	s25 =	sadd.s32 $0x243000, s1;
	[smem:$0x7F6] =	sst s24  }
0x26: {  	s26 =	sadd.s32 $0x243C00, s1;
	[smem:$0x7F7] =	sst s25  }
0x27: {  	s29 =	simm.s32 $0x1400;
	s28 =	sadd.s32 $0x244800, s1;
	[smem:$0x7F8] =	sst s26  }
0x28: {  	s0 =	simm.s32 $0x0;
	s1 =	sadd.s32 $0x245400, s1;
	[smem:$0x7F9] =	sst s28  }
0x29: {  	s30 =	smax.u32 s8, $0x1;
	s31 =	sadd.s32 $0xC00, s7;
	[smem:$0x7FA] =	sst s1  }
0x2a: {  	v2 =	vlaneseq.u32;
	s14 =	simm.s32 $0x1;
	s15 =	simm.s32 $0x2;
	[smem:$0x7FB] =	sst s30  }
0x2b: {  	vm0 =	vmmov $0xffff;
	v1 =	vshrl.u32 v2, $0x3;
	[smem:$0x7FC] =	sst s31;
	s20 =	simm.s32 $0x3;
	s21 =	simm.s32 $0x6  }
0x2c: {  	v0 =	vand.u32 $0x7, v2;
	v2 =	vor.u32 $0x8, v2;
	v1 =	vmul.u32 $0x8, v1;
	s22 =	simm.s32 $0x4;
	s23 =	simm.s32 $0x7;
	s24 =	simm.s32 $0x8  }
.LBB2_1:
0x2d: {  	[smem:$0x7F5] =	sst s0  }
0x2e: {  	s26 =	rddreg [dreg:$0x5]  }
0x2f: {  	[tilespmem:s2], [sflag:$0x1] =	stream.linear.gather [hbm4b:s26+s2], $0x400, $0x38;
	[tilespmem:$0x18C00] =	vst v63  }
0x30: {  	s28 =	simm.s32 $0x400;
	s26 =	rddreg [dreg:$0x6]  }
0x31: {  	[tilespmem:s28], [sflag:$0x2] =	stream.linear.gather [hbm4b:s26+s2], $0x400, $0x38;
	[tilespmem:$0x18C00] =	vst v63  }
0x32: {  	_ =	swait.ge [sflag:s14], $0x400  }
0x33: {  	[sflag:s14] =	ssyncset.done $0x0  }
0x34: {  	[sflag:s14] =	ssyncadd.s32 $0xFFFFFC00  }
0x35: {  	_ =	swait.ge [sflag:s15], $0x400  }
0x36: {  	[sflag:s15] =	ssyncset.done $0x0  }
0x37: {  	[sflag:s15] =	ssyncadd.s32 $0xFFFFFC00  }
0x38: {  	v3 =	vld [tilespmem:$0x400]  }
0x39: {  	v4 =	vld [tilespmem:$0x0];
	_ =	sdelay $0x3  }
0x3a: {  	v3 =	vshll.u32 v3, $0xD  }
0x3b: {  	v5 =	vld [tilespmem:$0x10];
	v3 =	vadd.s32 v4, v3  }
0x3c: {  	v6 =	vld [tilespmem:$0x410];
	v7 =	vshrl.u32 v3, $0x3  }
0x3d: {  	v8 =	vld [tilespmem:$0x20];
	v7 =	vmul.u32 $0x30, v7  }
0x3e: {  	v9 =	vld [tilespmem:$0x420];
	v4 =	vand.u32 $0x7, v4  }
0x3f: {  	v10 =	vld [tilespmem:$0x430];
	v4 =	vor.u32 v4, v7  }
0x40: {  	v7 =	vld [tilespmem:$0x30];
	v11 =	vperm.xlane v4, v0;
	_ =	sdelay $0x1  }
0x41: {  	v6 =	vshll.u32 v6, $0xD;
	v11 =	vadd.s32 v1, v11  }
0x42: {  	[tilespmem:$0x800] =	vst v3;
	v3 =	vadd.s32 v5, v6;
	v5 =	vshll.u32 v9, $0xD  }
0x43: {  	[tilespmem:$0x810] =	vst v3;
	v3 =	vadd.s32 v8, v5;
	v5 =	vshll.u32 v10, $0xD  }
0x44: {  	[tilespmem:$0x820] =	vst v3;
	v3 =	vadd.s32 v7, v5  }
0x45: {  	s30 =	simm.s32 $0xC00;
	[tilespmem:$0x830] =	vst v3;
	v3 =	vperm.xlane v4, v2  }
0x46: {  	[tilespmem:s30], [sflag:$0x1] =	stream.indirect_vreg.gather [hbm4b:s3+s2], $0x80, v11, vm0, $0xb8;
	[tilespmem:$0x18C00] =	vst v63  }
0x47: {  	v3 =	vadd.s32 v1, v3  }
0x48: {  	[tilespmem:s29], [sflag:$0x1] =	stream.indirect_vreg.gather [hbm4b:s6+s2], $0x80, v11, vm0, $0xb8;
	[tilespmem:$0x18C00] =	vst v63  }
0x49: {  	s1 =	simm.s32 $0x1C00  }
0x4a: {  	[tilespmem:s1], [sflag:$0x1] =	stream.indirect_vreg.gather [hbm4b:s12+s2], $0x80, v11, vm0, $0xb8;
	[tilespmem:$0x18C00] =	vst v63  }
0x4b: {  	s26 =	simm.s32 $0x2400  }
0x4c: {  	[tilespmem:s26], [sflag:$0x1] =	stream.indirect_vreg.gather [hbm4b:s3+s2], $0x80, v3, vm0, $0xb8;
	[tilespmem:$0x18C00] =	vst v63  }
0x4d: {  	s0 =	simm.s32 $0x2C00  }
0x4e: {  	[tilespmem:s0], [sflag:$0x1] =	stream.indirect_vreg.gather [hbm4b:s6+s2], $0x80, v3, vm0, $0xb8;
	[tilespmem:$0x18C00] =	vst v63  }
0x4f: {  	s4 =	simm.s32 $0x3400  }
0x50: {  	[tilespmem:s4], [sflag:$0x1] =	stream.indirect_vreg.gather [hbm4b:s12+s2], $0x80, v3, vm0, $0xb8;
	[tilespmem:$0x18C00] =	vst v63  }
0x51: {  	v3 =	vld [tilespmem:$0x810];
	_ =	sdelay $0x4  }
0x52: {  	v4 =	vshrl.u32 v3, $0x3  }
0x53: {  	v4 =	vmul.u32 $0x30, v4  }
0x54: {  	v3 =	vand.u32 $0x7, v3  }
0x55: {  	v3 =	vor.u32 v3, v4  }
0x56: {  	v4 =	vperm.xlane v3, v0;
	_ =	sdelay $0x1  }
0x57: {  	v4 =	vadd.s32 v1, v4;
	_ =	sdelay $0x3  }
0x58: {  	s5 =	simm.s32 $0x3C00;
	v3 =	vperm.xlane v3, v2  }
0x59: {  	[tilespmem:s5], [sflag:$0x1] =	stream.indirect_vreg.gather [hbm4b:s3+s2], $0x80, v4, vm0, $0xb8;
	[tilespmem:$0x18C00] =	vst v63  }
0x5a: {  	s7 =	simm.s32 $0x4400;
	v3 =	vadd.s32 v1, v3  }
0x5b: {  	[tilespmem:s7], [sflag:$0x1] =	stream.indirect_vreg.gather [hbm4b:s6+s2], $0x80, v4, vm0, $0xb8;
	[tilespmem:$0x18C00] =	vst v63  }
0x5c: {  	s8 =	simm.s32 $0x4C00  }
0x5d: {  	[tilespmem:s8], [sflag:$0x1] =	stream.indirect_vreg.gather [hbm4b:s12+s2], $0x80, v4, vm0, $0xb8;
	[tilespmem:$0x18C00] =	vst v63  }
0x5e: {  	s9 =	simm.s32 $0x5400  }
0x5f: {  	[tilespmem:s9], [sflag:$0x1] =	stream.indirect_vreg.gather [hbm4b:s3+s2], $0x80, v3, vm0, $0xb8;
	[tilespmem:$0x18C00] =	vst v63  }
0x60: {  	s10 =	simm.s32 $0x5C00  }
0x61: {  	[tilespmem:s10], [sflag:$0x1] =	stream.indirect_vreg.gather [hbm4b:s6+s2], $0x80, v3, vm0, $0xb8;
	[tilespmem:$0x18C00] =	vst v63  }
0x62: {  	s11 =	simm.s32 $0x6400  }
0x63: {  	[tilespmem:s11], [sflag:$0x1] =	stream.indirect_vreg.gather [hbm4b:s12+s2], $0x80, v3, vm0, $0xb8;
	[tilespmem:$0x18C00] =	vst v63  }
0x64: {  	v3 =	vld [tilespmem:$0x820];
	_ =	sdelay $0x4  }
0x65: {  	v4 =	vshrl.u32 v3, $0x3  }
0x66: {  	v4 =	vmul.u32 $0x30, v4  }
0x67: {  	v3 =	vand.u32 $0x7, v3  }
0x68: {  	v3 =	vor.u32 v3, v4  }
0x69: {  	v4 =	vperm.xlane v3, v0;
	_ =	sdelay $0x1  }
0x6a: {  	v4 =	vadd.s32 v1, v4;
	_ =	sdelay $0x3  }
0x6b: {  	s30 =	simm.s32 $0x6C00;
	v3 =	vperm.xlane v3, v2  }
0x6c: {  	[tilespmem:s30], [sflag:$0x2] =	stream.indirect_vreg.gather [hbm4b:s3+s2], $0x80, v4, vm0, $0xb8;
	[tilespmem:$0x18C00] =	vst v63  }
0x6d: {  	s13 =	simm.s32 $0x7400;
	v3 =	vadd.s32 v1, v3  }
0x6e: {  	[tilespmem:s13], [sflag:$0x2] =	stream.indirect_vreg.gather [hbm4b:s6+s2], $0x80, v4, vm0, $0xb8;
	[tilespmem:$0x18C00] =	vst v63  }
0x6f: {  	s17 =	simm.s32 $0x7C00  }
0x70: {  	[tilespmem:s17], [sflag:$0x2] =	stream.indirect_vreg.gather [hbm4b:s12+s2], $0x80, v4, vm0, $0xb8;
	[tilespmem:$0x18C00] =	vst v63  }
0x71: {  	s25 =	simm.s32 $0x8400  }
0x72: {  	[tilespmem:s25], [sflag:$0x2] =	stream.indirect_vreg.gather [hbm4b:s3+s2], $0x80, v3, vm0, $0xb8;
	[tilespmem:$0x18C00] =	vst v63  }
0x73: {  	s25 =	simm.s32 $0x8C00  }
0x74: {  	[tilespmem:s25], [sflag:$0x2] =	stream.indirect_vreg.gather [hbm4b:s6+s2], $0x80, v3, vm0, $0xb8;
	[tilespmem:$0x18C00] =	vst v63  }
0x75: {  	s16 =	simm.s32 $0x9400  }
0x76: {  	[tilespmem:s16], [sflag:$0x2] =	stream.indirect_vreg.gather [hbm4b:s12+s2], $0x80, v3, vm0, $0xb8;
	[tilespmem:$0x18C00] =	vst v63  }
0x77: {  	v3 =	vld [tilespmem:$0x830];
	_ =	sdelay $0x4  }
0x78: {  	v4 =	vshrl.u32 v3, $0x3  }
0x79: {  	v4 =	vmul.u32 $0x30, v4  }
0x7a: {  	v3 =	vand.u32 $0x7, v3  }
0x7b: {  	v3 =	vor.u32 v3, v4  }
0x7c: {  	v4 =	vperm.xlane v3, v0;
	_ =	sdelay $0x1  }
0x7d: {  	v4 =	vadd.s32 v1, v4;
	_ =	sdelay $0x3  }
0x7e: {  	s18 =	simm.s32 $0x9C00;
	v3 =	vperm.xlane v3, v2  }
0x7f: {  	[tilespmem:s18], [sflag:$0x2] =	stream.indirect_vreg.gather [hbm4b:s3+s2], $0x80, v4, vm0, $0xb8;
	[tilespmem:$0x18C00] =	vst v63  }
0x80: {  	v3 =	vadd.s32 v1, v3;
	s18 =	simm.s32 $0xA400  }
0x81: {  	[tilespmem:s18], [sflag:$0x2] =	stream.indirect_vreg.gather [hbm4b:s6+s2], $0x80, v4, vm0, $0xb8;
	[tilespmem:$0x18C00] =	vst v63  }
0x82: {  	s31 =	simm.s32 $0xAC00  }
0x83: {  	[tilespmem:s31], [sflag:$0x2] =	stream.indirect_vreg.gather [hbm4b:s12+s2], $0x80, v4, vm0, $0xb8;
	[tilespmem:$0x18C00] =	vst v63  }
0x84: {  	s31 =	simm.s32 $0xB400  }
0x85: {  	[tilespmem:s31], [sflag:$0x2] =	stream.indirect_vreg.gather [hbm4b:s3+s2], $0x80, v3, vm0, $0xb8;
	[tilespmem:$0x18C00] =	vst v63  }
0x86: {  	s19 =	simm.s32 $0xBC00  }
0x87: {  	[tilespmem:s19], [sflag:$0x2] =	stream.indirect_vreg.gather [hbm4b:s6+s2], $0x80, v3, vm0, $0xb8;
	[tilespmem:$0x18C00] =	vst v63  }
0x88: {  	s29 =	simm.s32 $0xC400;
	s26 =	simm.s32 $0x40  }
0x89: {  	[tilespmem:s29], [sflag:$0x2] =	stream.indirect_vreg.gather [hbm4b:s12+s2], $0x80, v3, vm0, $0xb8;
	[tilespmem:$0x18C00] =	vst v63  }
0x8a: {  	v3 =	vld [tilespmem:s26+$0x400]  }
0x8b: {  	s28 =	simm.s32 $0x140;
	v4 =	vld [tilespmem:s26+$0x0]  }
.LBB2_2:
0x8c: {  	p0 =	sne.s32 s28, $0xFC0  }
.Ltmp0:
0x8d: {  	_ = 	snop;
	(pc) =	sbr.rel @p0 .LBB2_2-.Ltmp0, $4  }
0x8e: {  	_ = 	snop  }
0x8f: {  	s29 =	sshra.s32 s28, $0x2;
	s28 =	sadd.s32 $0x40, s28;
	v5 =	vshll.u32 v3, $0xD  }
0x90: {  	v3 =	vld [tilespmem:s29+$0x400];
	v5 =	vadd.s32 v4, v5  }
0x91: {  	v4 =	vld [tilespmem:s29+$0x0];
	[tilespmem:s26+$0x800] =	vst v5;
	s26 =	smov.u32 s29  }
0x92: {  	_ =	sdelay $0x2  }
0x93: {  	v3 =	vshll.u32 v3, $0xD  }
0x94: {  	v3 =	vadd.s32 v4, v3  }
0x95: {  	[tilespmem:s26+$0x800] =	vst v3  }
0x96: {  	v3 =	vld [tilespmem:$0x840];
	_ =	sdelay $0x4  }
0x97: {  	v60 =	vshrl.u32 v3, $0x3  }
0x98: {  	v4 =	vmul.u32 $0x30, v60  }
0x99: {  	v3 =	vand.u32 $0x7, v3  }
0x9a: {  	v3 =	vor.u32 v3, v4  }
0x9b: {  	v4 =	vperm.xlane v3, v0;
	_ =	sdelay $0x1  }
0x9c: {  	v4 =	vadd.s32 v1, v4;
	_ =	sdelay $0x3  }
0x9d: {  	s0 =	simm.s32 $0xCC00;
	v3 =	vperm.xlane v3, v2  }
0x9e: {  	[tilespmem:s0], [sflag:$0x3] =	stream.indirect_vreg.gather [hbm4b:s3+s2], $0x80, v4, vm0, $0xb8;
	[tilespmem:$0x18C00] =	vst v63  }
0x9f: {  	s9 =	simm.s32 $0xD400;
	v3 =	vadd.s32 v1, v3  }
0xa0: {  	[tilespmem:s9], [sflag:$0x3] =	stream.indirect_vreg.gather [hbm4b:s6+s2], $0x80, v4, vm0, $0xb8;
	[tilespmem:$0x18C00] =	vst v63  }
0xa1: {  	s10 =	simm.s32 $0xDC00  }
0xa2: {  	[tilespmem:s10], [sflag:$0x3] =	stream.indirect_vreg.gather [hbm4b:s12+s2], $0x80, v4, vm0, $0xb8;
	[tilespmem:$0x18C00] =	vst v63  }
0xa3: {  	s11 =	simm.s32 $0xE400  }
0xa4: {  	[tilespmem:s11], [sflag:$0x3] =	stream.indirect_vreg.gather [hbm4b:s3+s2], $0x80, v3, vm0, $0xb8;
	[tilespmem:$0x18C00] =	vst v63  }
0xa5: {  	s13 =	simm.s32 $0xEC00  }
0xa6: {  	[tilespmem:s13], [sflag:$0x3] =	stream.indirect_vreg.gather [hbm4b:s6+s2], $0x80, v3, vm0, $0xb8;
	[tilespmem:$0x18C00] =	vst v63  }
0xa7: {  	s16 =	simm.s32 $0xF400  }
0xa8: {  	[tilespmem:s16], [sflag:$0x3] =	stream.indirect_vreg.gather [hbm4b:s12+s2], $0x80, v3, vm0, $0xb8;
	[tilespmem:$0x18C00] =	vst v63  }
0xa9: {  	v3 =	vld [tilespmem:$0x850];
	_ =	sdelay $0x4  }
0xaa: {  	v61 =	vshrl.u32 v3, $0x3  }
0xab: {  	v4 =	vmul.u32 $0x30, v61  }
0xac: {  	v3 =	vand.u32 $0x7, v3  }
0xad: {  	v3 =	vor.u32 v3, v4  }
0xae: {  	v4 =	vperm.xlane v3, v0;
	_ =	sdelay $0x1  }
0xaf: {  	v4 =	vadd.s32 v1, v4;
	_ =	sdelay $0x3  }
0xb0: {  	s17 =	simm.s32 $0xFC00;
	v3 =	vperm.xlane v3, v2  }
0xb1: {  	[tilespmem:s17], [sflag:$0x3] =	stream.indirect_vreg.gather [hbm4b:s3+s2], $0x80, v4, vm0, $0xb8;
	[tilespmem:$0x18C00] =	vst v63  }
0xb2: {  	s19 =	simm.s32 $0x10400;
	v3 =	vadd.s32 v1, v3  }
0xb3: {  	[tilespmem:s19], [sflag:$0x3] =	stream.indirect_vreg.gather [hbm4b:s6+s2], $0x80, v4, vm0, $0xb8;
	[tilespmem:$0x18C00] =	vst v63  }
0xb4: {  	s26 =	simm.s32 $0x10C00  }
0xb5: {  	[tilespmem:s26], [sflag:$0x3] =	stream.indirect_vreg.gather [hbm4b:s12+s2], $0x80, v4, vm0, $0xb8;
	[tilespmem:$0x18C00] =	vst v63  }
0xb6: {  	s28 =	simm.s32 $0x11400  }
0xb7: {  	[tilespmem:s28], [sflag:$0x3] =	stream.indirect_vreg.gather [hbm4b:s3+s2], $0x80, v3, vm0, $0xb8;
	[tilespmem:$0x18C00] =	vst v63  }
0xb8: {  	s7 =	simm.s32 $0x11C00  }
0xb9: {  	[tilespmem:s7], [sflag:$0x3] =	stream.indirect_vreg.gather [hbm4b:s6+s2], $0x80, v3, vm0, $0xb8;
	[tilespmem:$0x18C00] =	vst v63  }
0xba: {  	s8 =	simm.s32 $0x12400  }
0xbb: {  	[tilespmem:s8], [sflag:$0x3] =	stream.indirect_vreg.gather [hbm4b:s12+s2], $0x80, v3, vm0, $0xb8;
	[tilespmem:$0x18C00] =	vst v63  }
0xbc: {  	_ =	swait.ge [sflag:s14], $0x6000  }
0xbd: {  	[sflag:s14] =	ssyncset.done $0x0  }
0xbe: {  	s17 =	simm.s32 $0xC00;
	s16 =	rddreg [dreg:$0x11];
	[sflag:s14] =	ssyncadd.s32 $0xFFFFA000  }
0xbf: {  	[hbm4b:s16+s2] =	stream.linear.scatter [tilespmem:s17], [sflag:$0x5], $0x6000, $0x38;
	[tilespmem:$0x18C00] =	vst v63  }
0xc0: {  	v3 =	vld [tilespmem:$0x860];
	_ =	sdelay $0x4  }
0xc1: {  	v62 =	vshrl.u32 v3, $0x3  }
0xc2: {  	v4 =	vmul.u32 $0x30, v62  }
0xc3: {  	v3 =	vand.u32 $0x7, v3  }
0xc4: {  	v3 =	vor.u32 v3, v4  }
0xc5: {  	v4 =	vperm.xlane v3, v0;
	_ =	sdelay $0x1  }
0xc6: {  	v4 =	vadd.s32 v1, v4;
	_ =	sdelay $0x3  }
0xc7: {  	s19 =	simm.s32 $0x12C00;
	v3 =	vperm.xlane v3, v2  }
0xc8: {  	[tilespmem:s19], [sflag:$0x4] =	stream.indirect_vreg.gather [hbm4b:s3+s2], $0x80, v4, vm0, $0xb8;
	[tilespmem:$0x18C00] =	vst v63  }
0xc9: {  	s26 =	simm.s32 $0x13400;
	v3 =	vadd.s32 v1, v3  }
0xca: {  	[tilespmem:s26], [sflag:$0x4] =	stream.indirect_vreg.gather [hbm4b:s6+s2], $0x80, v4, vm0, $0xb8;
	[tilespmem:$0x18C00] =	vst v63  }
0xcb: {  	s28 =	simm.s32 $0x13C00  }
0xcc: {  	[tilespmem:s28], [sflag:$0x4] =	stream.indirect_vreg.gather [hbm4b:s12+s2], $0x80, v4, vm0, $0xb8;
	[tilespmem:$0x18C00] =	vst v63  }
0xcd: {  	s7 =	simm.s32 $0x14400  }
0xce: {  	[tilespmem:s7], [sflag:$0x4] =	stream.indirect_vreg.gather [hbm4b:s3+s2], $0x80, v3, vm0, $0xb8;
	[tilespmem:$0x18C00] =	vst v63  }
0xcf: {  	s8 =	simm.s32 $0x14C00  }
0xd0: {  	[tilespmem:s8], [sflag:$0x4] =	stream.indirect_vreg.gather [hbm4b:s6+s2], $0x80, v3, vm0, $0xb8;
	[tilespmem:$0x18C00] =	vst v63  }
0xd1: {  	s17 =	simm.s32 $0x15400  }
0xd2: {  	[tilespmem:s17], [sflag:$0x4] =	stream.indirect_vreg.gather [hbm4b:s12+s2], $0x80, v3, vm0, $0xb8;
	[tilespmem:$0x18C00] =	vst v63  }
0xd3: {  	v3 =	vld [tilespmem:$0x870];
	_ =	sdelay $0x4  }
0xd4: {  	v63 =	vshrl.u32 v3, $0x3  }
0xd5: {  	v4 =	vmul.u32 $0x30, v63  }
0xd6: {  	v3 =	vand.u32 $0x7, v3  }
0xd7: {  	v3 =	vor.u32 v3, v4  }
0xd8: {  	v4 =	vperm.xlane v3, v0;
	_ =	sdelay $0x1  }
0xd9: {  	v4 =	vadd.s32 v1, v4;
	_ =	sdelay $0x3  }
0xda: {  	s19 =	simm.s32 $0x15C00;
	v3 =	vperm.xlane v3, v2  }
0xdb: {  	[tilespmem:s19], [sflag:$0x4] =	stream.indirect_vreg.gather [hbm4b:s3+s2], $0x80, v4, vm0, $0xb8;
	[tilespmem:$0x18C00] =	vst v63  }
0xdc: {  	s26 =	simm.s32 $0x16400;
	v3 =	vadd.s32 v1, v3  }
0xdd: {  	[tilespmem:s26], [sflag:$0x4] =	stream.indirect_vreg.gather [hbm4b:s6+s2], $0x80, v4, vm0, $0xb8;
	[tilespmem:$0x18C00] =	vst v63  }
0xde: {  	s7 =	simm.s32 $0x16C00  }
0xdf: {  	[tilespmem:s7], [sflag:$0x4] =	stream.indirect_vreg.gather [hbm4b:s12+s2], $0x80, v4, vm0, $0xb8;
	[tilespmem:$0x18C00] =	vst v63  }
0xe0: {  	s17 =	simm.s32 $0x17400  }
0xe1: {  	[tilespmem:s17], [sflag:$0x4] =	stream.indirect_vreg.gather [hbm4b:s3+s2], $0x80, v3, vm0, $0xb8;
	[tilespmem:$0x18C00] =	vst v63  }
0xe2: {  	s19 =	simm.s32 $0x17C00  }
0xe3: {  	[tilespmem:s19], [sflag:$0x4] =	stream.indirect_vreg.gather [hbm4b:s6+s2], $0x80, v3, vm0, $0xb8;
	[tilespmem:$0x18C00] =	vst v63  }
0xe4: {  	s26 =	simm.s32 $0x18400  }
0xe5: {  	[tilespmem:s26], [sflag:$0x4] =	stream.indirect_vreg.gather [hbm4b:s12+s2], $0x80, v3, vm0, $0xb8;
	[tilespmem:$0x18C00] =	vst v63  }
0xe6: {  	_ =	swait.ge [sflag:s15], $0x6000  }
0xe7: {  	s0 =	sld [smem:$0x7FC]  }
0xe8: {  	[sflag:s15] =	ssyncset.done $0x0  }
0xe9: {  	[sflag:s15] =	ssyncadd.s32 $0xFFFFA000  }
0xea: {  	[hbm4b:s0+s2] =	stream.linear.scatter [tilespmem:s30], [sflag:$0x6], $0x6000, $0x38;
	[tilespmem:$0x18C00] =	vst v63  }
0xeb: {  	s30 =	simm.s32 $0x5  }
0xec: {  	_ =	swait.ge [sflag:s30], $0x6000  }
0xed: {  	[sflag:s30] =	ssyncset.done $0x0  }
0xee: {  	[sflag:s30] =	ssyncadd.s32 $0xFFFFA000  }
0xef: {  	v3 =	vld [tilespmem:$0x880];
	_ =	sdelay $0x4  }
0xf0: {  	v8 =	vshrl.u32 v3, $0x3  }
0xf1: {  	v4 =	vmul.u32 $0x30, v8  }
0xf2: {  	v3 =	vand.u32 $0x7, v3  }
0xf3: {  	v3 =	vor.u32 v3, v4  }
0xf4: {  	v4 =	vperm.xlane v3, v0;
	_ =	sdelay $0x1  }
0xf5: {  	v4 =	vadd.s32 v1, v4;
	_ =	sdelay $0x3  }
0xf6: {  	s16 =	simm.s32 $0xC00;
	v3 =	vperm.xlane v3, v2  }
0xf7: {  	[tilespmem:s16], [sflag:$0x1] =	stream.indirect_vreg.gather [hbm4b:s3+s2], $0x80, v4, vm0, $0xb8;
	[tilespmem:$0x18C00] =	vst v63  }
0xf8: {  	s29 =	simm.s32 $0x1400;
	v3 =	vadd.s32 v1, v3  }
0xf9: {  	[tilespmem:s29], [sflag:$0x1] =	stream.indirect_vreg.gather [hbm4b:s6+s2], $0x80, v4, vm0, $0xb8;
	[tilespmem:$0x18C00] =	vst v63  }
0xfa: {  	s7 =	simm.s32 $0x1C00  }
0xfb: {  	[tilespmem:s7], [sflag:$0x1] =	stream.indirect_vreg.gather [hbm4b:s12+s2], $0x80, v4, vm0, $0xb8;
	[tilespmem:$0x18C00] =	vst v63  }
0xfc: {  	s17 =	simm.s32 $0x2400  }
0xfd: {  	[tilespmem:s17], [sflag:$0x1] =	stream.indirect_vreg.gather [hbm4b:s3+s2], $0x80, v3, vm0, $0xb8;
	[tilespmem:$0x18C00] =	vst v63  }
0xfe: {  	s19 =	simm.s32 $0x2C00  }
0xff: {  	[tilespmem:s19], [sflag:$0x1] =	stream.indirect_vreg.gather [hbm4b:s6+s2], $0x80, v3, vm0, $0xb8;
	[tilespmem:$0x18C00] =	vst v63  }
0x100: {  	s26 =	simm.s32 $0x3400  }
0x101: {  	[tilespmem:s26], [sflag:$0x1] =	stream.indirect_vreg.gather [hbm4b:s12+s2], $0x80, v3, vm0, $0xb8;
	[tilespmem:$0x18C00] =	vst v63  }
0x102: {  	v3 =	vld [tilespmem:$0x890];
	_ =	sdelay $0x4  }
0x103: {  	v9 =	vshrl.u32 v3, $0x3  }
0x104: {  	v4 =	vmul.u32 $0x30, v9  }
0x105: {  	v3 =	vand.u32 $0x7, v3  }
0x106: {  	v3 =	vor.u32 v3, v4  }
0x107: {  	v4 =	vperm.xlane v3, v0;
	_ =	sdelay $0x1  }
0x108: {  	v4 =	vadd.s32 v1, v4;
	_ =	sdelay $0x3  }
0x109: {  	s7 =	simm.s32 $0x3C00;
	v3 =	vperm.xlane v3, v2  }
0x10a: {  	[tilespmem:s7], [sflag:$0x1] =	stream.indirect_vreg.gather [hbm4b:s3+s2], $0x80, v4, vm0, $0xb8;
	[tilespmem:$0x18C00] =	vst v63  }
0x10b: {  	s17 =	simm.s32 $0x4400;
	v3 =	vadd.s32 v1, v3  }
0x10c: {  	[tilespmem:s17], [sflag:$0x1] =	stream.indirect_vreg.gather [hbm4b:s6+s2], $0x80, v4, vm0, $0xb8;
	[tilespmem:$0x18C00] =	vst v63  }
0x10d: {  	s19 =	simm.s32 $0x4C00  }
0x10e: {  	[tilespmem:s19], [sflag:$0x1] =	stream.indirect_vreg.gather [hbm4b:s12+s2], $0x80, v4, vm0, $0xb8;
	[tilespmem:$0x18C00] =	vst v63  }
0x10f: {  	s26 =	simm.s32 $0x5400  }
0x110: {  	[tilespmem:s26], [sflag:$0x1] =	stream.indirect_vreg.gather [hbm4b:s3+s2], $0x80, v3, vm0, $0xb8;
	[tilespmem:$0x18C00] =	vst v63  }
0x111: {  	s7 =	simm.s32 $0x5C00  }
0x112: {  	[tilespmem:s7], [sflag:$0x1] =	stream.indirect_vreg.gather [hbm4b:s6+s2], $0x80, v3, vm0, $0xb8;
	[tilespmem:$0x18C00] =	vst v63  }
0x113: {  	s17 =	simm.s32 $0x6400  }
0x114: {  	[tilespmem:s17], [sflag:$0x1] =	stream.indirect_vreg.gather [hbm4b:s12+s2], $0x80, v3, vm0, $0xb8;
	[tilespmem:$0x18C00] =	vst v63  }
0x115: {  	_ =	swait.ge [sflag:s20], $0x6000  }
0x116: {  	s19 =	sld [smem:$0x7FD]  }
0x117: {  	[sflag:s20] =	ssyncset.done $0x0  }
0x118: {  	s16 =	simm.s32 $0xCC00;
	[sflag:s20] =	ssyncadd.s32 $0xFFFFA000  }
0x119: {  	[hbm4b:s19+s2] =	stream.linear.scatter [tilespmem:s16], [sflag:$0x7], $0x6000, $0x38;
	[tilespmem:$0x18C00] =	vst v63  }
0x11a: {  	_ =	swait.ge [sflag:s21], $0x6000  }
0x11b: {  	[sflag:s21] =	ssyncset.done $0x0  }
0x11c: {  	[sflag:s21] =	ssyncadd.s32 $0xFFFFA000  }
0x11d: {  	v3 =	vld [tilespmem:$0x8A0];
	_ =	sdelay $0x4  }
0x11e: {  	v10 =	vshrl.u32 v3, $0x3  }
0x11f: {  	v4 =	vmul.u32 $0x30, v10  }
0x120: {  	v3 =	vand.u32 $0x7, v3  }
0x121: {  	v3 =	vor.u32 v3, v4  }
0x122: {  	v4 =	vperm.xlane v3, v0;
	_ =	sdelay $0x1  }
0x123: {  	v4 =	vadd.s32 v1, v4;
	_ =	sdelay $0x3  }
0x124: {  	s0 =	simm.s32 $0x6C00;
	v3 =	vperm.xlane v3, v2  }
0x125: {  	[tilespmem:s0], [sflag:$0x2] =	stream.indirect_vreg.gather [hbm4b:s3+s2], $0x80, v4, vm0, $0xb8;
	[tilespmem:$0x18C00] =	vst v63  }
0x126: {  	s7 =	simm.s32 $0x7400;
	v3 =	vadd.s32 v1, v3  }
0x127: {  	[tilespmem:s7], [sflag:$0x2] =	stream.indirect_vreg.gather [hbm4b:s6+s2], $0x80, v4, vm0, $0xb8;
	[tilespmem:$0x18C00] =	vst v63  }
0x128: {  	s17 =	simm.s32 $0x7C00  }
0x129: {  	[tilespmem:s17], [sflag:$0x2] =	stream.indirect_vreg.gather [hbm4b:s12+s2], $0x80, v4, vm0, $0xb8;
	[tilespmem:$0x18C00] =	vst v63  }
0x12a: {  	s19 =	simm.s32 $0x8400  }
0x12b: {  	[tilespmem:s19], [sflag:$0x2] =	stream.indirect_vreg.gather [hbm4b:s3+s2], $0x80, v3, vm0, $0xb8;
	[tilespmem:$0x18C00] =	vst v63  }
0x12c: {  	_ = 	snop  }
0x12d: {  	[tilespmem:s25], [sflag:$0x2] =	stream.indirect_vreg.gather [hbm4b:s6+s2], $0x80, v3, vm0, $0xb8;
	[tilespmem:$0x18C00] =	vst v63  }
0x12e: {  	s26 =	simm.s32 $0x9400  }
0x12f: {  	[tilespmem:s26], [sflag:$0x2] =	stream.indirect_vreg.gather [hbm4b:s12+s2], $0x80, v3, vm0, $0xb8;
	[tilespmem:$0x18C00] =	vst v63  }
0x130: {  	v3 =	vld [tilespmem:$0x8B0];
	_ =	sdelay $0x4  }
0x131: {  	v11 =	vshrl.u32 v3, $0x3  }
0x132: {  	v4 =	vmul.u32 $0x30, v11  }
0x133: {  	v3 =	vand.u32 $0x7, v3  }
0x134: {  	v3 =	vor.u32 v3, v4  }
0x135: {  	v4 =	vperm.xlane v3, v0;
	_ =	sdelay $0x1  }
0x136: {  	v4 =	vadd.s32 v1, v4;
	_ =	sdelay $0x3  }
0x137: {  	s7 =	simm.s32 $0x9C00;
	v3 =	vperm.xlane v3, v2  }
0x138: {  	[tilespmem:s7], [sflag:$0x2] =	stream.indirect_vreg.gather [hbm4b:s3+s2], $0x80, v4, vm0, $0xb8;
	[tilespmem:$0x18C00] =	vst v63  }
0x139: {  	v3 =	vadd.s32 v1, v3  }
0x13a: {  	[tilespmem:s18], [sflag:$0x2] =	stream.indirect_vreg.gather [hbm4b:s6+s2], $0x80, v4, vm0, $0xb8;
	[tilespmem:$0x18C00] =	vst v63  }
0x13b: {  	s17 =	simm.s32 $0xAC00  }
0x13c: {  	[tilespmem:s17], [sflag:$0x2] =	stream.indirect_vreg.gather [hbm4b:s12+s2], $0x80, v4, vm0, $0xb8;
	[tilespmem:$0x18C00] =	vst v63  }
0x13d: {  	_ = 	snop  }
0x13e: {  	[tilespmem:s31], [sflag:$0x2] =	stream.indirect_vreg.gather [hbm4b:s3+s2], $0x80, v3, vm0, $0xb8;
	[tilespmem:$0x18C00] =	vst v63  }
0x13f: {  	s18 =	simm.s32 $0xBC00  }
0x140: {  	[tilespmem:s18], [sflag:$0x2] =	stream.indirect_vreg.gather [hbm4b:s6+s2], $0x80, v3, vm0, $0xb8;
	[tilespmem:$0x18C00] =	vst v63  }
0x141: {  	s19 =	simm.s32 $0xC400  }
0x142: {  	[tilespmem:s19], [sflag:$0x2] =	stream.indirect_vreg.gather [hbm4b:s12+s2], $0x80, v3, vm0, $0xb8;
	[tilespmem:$0x18C00] =	vst v63  }
0x143: {  	_ =	swait.ge [sflag:s22], $0x6000  }
0x144: {  	[sflag:s22] =	ssyncset.done $0x0  }
0x145: {  	s31 =	simm.s32 $0x12C00;
	s25 =	rddreg [dreg:$0x7];
	[sflag:s22] =	ssyncadd.s32 $0xFFFFA000  }
0x146: {  	[hbm4b:s25+s2] =	stream.linear.scatter [tilespmem:s31], [sflag:$0x8], $0x6000, $0x38;
	[tilespmem:$0x18C00] =	vst v63  }
0x147: {  	_ =	swait.ge [sflag:s23], $0x6000  }
0x148: {  	[sflag:s23] =	ssyncset.done $0x0  }
0x149: {  	[sflag:s23] =	ssyncadd.s32 $0xFFFFA000  }
0x14a: {  	v3 =	vld [tilespmem:$0x8C0];
	_ =	sdelay $0x4  }
0x14b: {  	v12 =	vshrl.u32 v3, $0x3  }
0x14c: {  	v4 =	vmul.u32 $0x30, v12  }
0x14d: {  	v3 =	vand.u32 $0x7, v3  }
0x14e: {  	v3 =	vor.u32 v3, v4  }
0x14f: {  	v4 =	vperm.xlane v3, v0;
	_ =	sdelay $0x1  }
0x150: {  	v4 =	vadd.s32 v1, v4;
	_ =	sdelay $0x3  }
0x151: {  	v3 =	vperm.xlane v3, v2  }
0x152: {  	[tilespmem:s16], [sflag:$0x3] =	stream.indirect_vreg.gather [hbm4b:s3+s2], $0x80, v4, vm0, $0xb8;
	[tilespmem:$0x18C00] =	vst v63  }
0x153: {  	s1 =	simm.s32 $0xD400;
	v3 =	vadd.s32 v1, v3  }
0x154: {  	[tilespmem:s1], [sflag:$0x3] =	stream.indirect_vreg.gather [hbm4b:s6+s2], $0x80, v4, vm0, $0xb8;
	[tilespmem:$0x18C00] =	vst v63  }
0x155: {  	s4 =	simm.s32 $0xDC00  }
0x156: {  	[tilespmem:s4], [sflag:$0x3] =	stream.indirect_vreg.gather [hbm4b:s12+s2], $0x80, v4, vm0, $0xb8;
	[tilespmem:$0x18C00] =	vst v63  }
0x157: {  	s5 =	simm.s32 $0xE400  }
0x158: {  	[tilespmem:s5], [sflag:$0x3] =	stream.indirect_vreg.gather [hbm4b:s3+s2], $0x80, v3, vm0, $0xb8;
	[tilespmem:$0x18C00] =	vst v63  }
0x159: {  	s9 =	simm.s32 $0xEC00  }
0x15a: {  	[tilespmem:s9], [sflag:$0x3] =	stream.indirect_vreg.gather [hbm4b:s6+s2], $0x80, v3, vm0, $0xb8;
	[tilespmem:$0x18C00] =	vst v63  }
0x15b: {  	s13 =	simm.s32 $0xF400  }
0x15c: {  	[tilespmem:s13], [sflag:$0x3] =	stream.indirect_vreg.gather [hbm4b:s12+s2], $0x80, v3, vm0, $0xb8;
	[tilespmem:$0x18C00] =	vst v63  }
0x15d: {  	v3 =	vld [tilespmem:$0x8D0];
	_ =	sdelay $0x4  }
0x15e: {  	v13 =	vshrl.u32 v3, $0x3  }
0x15f: {  	v4 =	vmul.u32 $0x30, v13  }
0x160: {  	v3 =	vand.u32 $0x7, v3  }
0x161: {  	v3 =	vor.u32 v3, v4  }
0x162: {  	v4 =	vperm.xlane v3, v0;
	_ =	sdelay $0x1  }
0x163: {  	v4 =	vadd.s32 v1, v4;
	_ =	sdelay $0x3  }
0x164: {  	s16 =	simm.s32 $0xFC00;
	v3 =	vperm.xlane v3, v2  }
0x165: {  	[tilespmem:s16], [sflag:$0x3] =	stream.indirect_vreg.gather [hbm4b:s3+s2], $0x80, v4, vm0, $0xb8;
	[tilespmem:$0x18C00] =	vst v63  }
0x166: {  	s10 =	simm.s32 $0x10400;
	v3 =	vadd.s32 v1, v3  }
0x167: {  	[tilespmem:s10], [sflag:$0x3] =	stream.indirect_vreg.gather [hbm4b:s6+s2], $0x80, v4, vm0, $0xb8;
	[tilespmem:$0x18C00] =	vst v63  }
0x168: {  	s4 =	simm.s32 $0x10C00  }
0x169: {  	[tilespmem:s4], [sflag:$0x3] =	stream.indirect_vreg.gather [hbm4b:s12+s2], $0x80, v4, vm0, $0xb8;
	[tilespmem:$0x18C00] =	vst v63  }
0x16a: {  	s11 =	simm.s32 $0x11400  }
0x16b: {  	[tilespmem:s11], [sflag:$0x3] =	stream.indirect_vreg.gather [hbm4b:s3+s2], $0x80, v3, vm0, $0xb8;
	[tilespmem:$0x18C00] =	vst v63  }
0x16c: {  	s7 =	simm.s32 $0x11C00  }
0x16d: {  	[tilespmem:s7], [sflag:$0x3] =	stream.indirect_vreg.gather [hbm4b:s6+s2], $0x80, v3, vm0, $0xb8;
	[tilespmem:$0x18C00] =	vst v63  }
0x16e: {  	s17 =	simm.s32 $0x12400  }
0x16f: {  	[tilespmem:s17], [sflag:$0x3] =	stream.indirect_vreg.gather [hbm4b:s12+s2], $0x80, v3, vm0, $0xb8;
	[tilespmem:$0x18C00] =	vst v63  }
0x170: {  	_ =	swait.ge [sflag:s14], $0x6000  }
0x171: {  	[sflag:s14] =	ssyncset.done $0x0  }
0x172: {  	s19 =	simm.s32 $0xC00;
	s18 =	rddreg [dreg:$0x8];
	[sflag:s14] =	ssyncadd.s32 $0xFFFFA000  }
0x173: {  	[hbm4b:s18+s2] =	stream.linear.scatter [tilespmem:s19], [sflag:$0x5], $0x6000, $0x38;
	[tilespmem:$0x18C00] =	vst v63  }
0x174: {  	_ =	swait.ge [sflag:s24], $0x6000  }
0x175: {  	[sflag:s24] =	ssyncset.done $0x0  }
0x176: {  	[sflag:s24] =	ssyncadd.s32 $0xFFFFA000  }
0x177: {  	v3 =	vld [tilespmem:$0x8E0];
	_ =	sdelay $0x4  }
0x178: {  	v14 =	vshrl.u32 v3, $0x3  }
0x179: {  	v4 =	vmul.u32 $0x30, v14  }
0x17a: {  	v3 =	vand.u32 $0x7, v3  }
0x17b: {  	v3 =	vor.u32 v3, v4  }
0x17c: {  	v4 =	vperm.xlane v3, v0;
	_ =	sdelay $0x1  }
0x17d: {  	v4 =	vadd.s32 v1, v4;
	_ =	sdelay $0x3  }
0x17e: {  	v3 =	vperm.xlane v3, v2  }
0x17f: {  	[tilespmem:s31], [sflag:$0x4] =	stream.indirect_vreg.gather [hbm4b:s3+s2], $0x80, v4, vm0, $0xb8;
	[tilespmem:$0x18C00] =	vst v63  }
0x180: {  	s11 =	simm.s32 $0x13400;
	v3 =	vadd.s32 v1, v3  }
0x181: {  	[tilespmem:s11], [sflag:$0x4] =	stream.indirect_vreg.gather [hbm4b:s6+s2], $0x80, v4, vm0, $0xb8;
	[tilespmem:$0x18C00] =	vst v63  }
0x182: {  	s13 =	simm.s32 $0x13C00  }
0x183: {  	[tilespmem:s13], [sflag:$0x4] =	stream.indirect_vreg.gather [hbm4b:s12+s2], $0x80, v4, vm0, $0xb8;
	[tilespmem:$0x18C00] =	vst v63  }
0x184: {  	s18 =	simm.s32 $0x14400  }
0x185: {  	[tilespmem:s18], [sflag:$0x4] =	stream.indirect_vreg.gather [hbm4b:s3+s2], $0x80, v3, vm0, $0xb8;
	[tilespmem:$0x18C00] =	vst v63  }
0x186: {  	s31 =	simm.s32 $0x14C00  }
0x187: {  	[tilespmem:s31], [sflag:$0x4] =	stream.indirect_vreg.gather [hbm4b:s6+s2], $0x80, v3, vm0, $0xb8;
	[tilespmem:$0x18C00] =	vst v63  }
0x188: {  	s28 =	simm.s32 $0x15400  }
0x189: {  	[tilespmem:s28], [sflag:$0x4] =	stream.indirect_vreg.gather [hbm4b:s12+s2], $0x80, v3, vm0, $0xb8;
	[tilespmem:$0x18C00] =	vst v63  }
0x18a: {  	v3 =	vld [tilespmem:$0x8F0];
	_ =	sdelay $0x4  }
0x18b: {  	v15 =	vshrl.u32 v3, $0x3  }
0x18c: {  	v4 =	vmul.u32 $0x30, v15  }
0x18d: {  	v3 =	vand.u32 $0x7, v3  }
0x18e: {  	v3 =	vor.u32 v3, v4  }
0x18f: {  	v4 =	vperm.xlane v3, v0;
	_ =	sdelay $0x1  }
0x190: {  	v4 =	vadd.s32 v1, v4;
	_ =	sdelay $0x3  }
0x191: {  	s8 =	simm.s32 $0x15C00;
	v3 =	vperm.xlane v3, v2  }
0x192: {  	[tilespmem:s8], [sflag:$0x4] =	stream.indirect_vreg.gather [hbm4b:s3+s2], $0x80, v4, vm0, $0xb8;
	[tilespmem:$0x18C00] =	vst v63  }
0x193: {  	s28 =	simm.s32 $0x16400;
	v3 =	vadd.s32 v1, v3  }
0x194: {  	[tilespmem:s28], [sflag:$0x4] =	stream.indirect_vreg.gather [hbm4b:s6+s2], $0x80, v4, vm0, $0xb8;
	[tilespmem:$0x18C00] =	vst v63  }
0x195: {  	s8 =	simm.s32 $0x16C00  }
0x196: {  	[tilespmem:s8], [sflag:$0x4] =	stream.indirect_vreg.gather [hbm4b:s12+s2], $0x80, v4, vm0, $0xb8;
	[tilespmem:$0x18C00] =	vst v63  }
0x197: {  	s9 =	simm.s32 $0x17400  }
0x198: {  	[tilespmem:s9], [sflag:$0x4] =	stream.indirect_vreg.gather [hbm4b:s3+s2], $0x80, v3, vm0, $0xb8;
	[tilespmem:$0x18C00] =	vst v63  }
0x199: {  	s10 =	simm.s32 $0x17C00  }
0x19a: {  	[tilespmem:s10], [sflag:$0x4] =	stream.indirect_vreg.gather [hbm4b:s6+s2], $0x80, v3, vm0, $0xb8;
	[tilespmem:$0x18C00] =	vst v63  }
0x19b: {  	s1 =	simm.s32 $0x18400  }
0x19c: {  	[tilespmem:s1], [sflag:$0x4] =	stream.indirect_vreg.gather [hbm4b:s12+s2], $0x80, v3, vm0, $0xb8;
	[tilespmem:$0x18C00] =	vst v63  }
0x19d: {  	_ =	swait.ge [sflag:s15], $0x6000  }
0x19e: {  	[sflag:s15] =	ssyncset.done $0x0  }
0x19f: {  	[sflag:s15] =	ssyncadd.s32 $0xFFFFA000  }
0x1a0: {  	s0 =	simm.s32 $0x6C00;
	s5 =	rddreg [dreg:$0x9]  }
0x1a1: {  	[hbm4b:s5+s2] =	stream.linear.scatter [tilespmem:s0], [sflag:$0x6], $0x6000, $0x38;
	[tilespmem:$0x18C00] =	vst v63  }
0x1a2: {  	_ =	swait.ge [sflag:s30], $0x6000  }
0x1a3: {  	[sflag:s30] =	ssyncset.done $0x0  }
0x1a4: {  	[sflag:s30] =	ssyncadd.s32 $0xFFFFA000  }
0x1a5: {  	v3 =	vld [tilespmem:$0x900];
	_ =	sdelay $0x4  }
0x1a6: {  	v16 =	vshrl.u32 v3, $0x3  }
0x1a7: {  	v4 =	vmul.u32 $0x30, v16  }
0x1a8: {  	v3 =	vand.u32 $0x7, v3  }
0x1a9: {  	v3 =	vor.u32 v3, v4  }
0x1aa: {  	v4 =	vperm.xlane v3, v0;
	_ =	sdelay $0x1  }
0x1ab: {  	v4 =	vadd.s32 v1, v4;
	_ =	sdelay $0x3  }
0x1ac: {  	v3 =	vperm.xlane v3, v2  }
0x1ad: {  	[tilespmem:s19], [sflag:$0x1] =	stream.indirect_vreg.gather [hbm4b:s3+s2], $0x80, v4, vm0, $0xb8;
	[tilespmem:$0x18C00] =	vst v63  }
0x1ae: {  	v3 =	vadd.s32 v1, v3  }
0x1af: {  	[tilespmem:s29], [sflag:$0x1] =	stream.indirect_vreg.gather [hbm4b:s6+s2], $0x80, v4, vm0, $0xb8;
	[tilespmem:$0x18C00] =	vst v63  }
0x1b0: {  	s19 =	simm.s32 $0x1C00  }
0x1b1: {  	[tilespmem:s19], [sflag:$0x1] =	stream.indirect_vreg.gather [hbm4b:s12+s2], $0x80, v4, vm0, $0xb8;
	[tilespmem:$0x18C00] =	vst v63  }
0x1b2: {  	s5 =	simm.s32 $0x2400  }
0x1b3: {  	[tilespmem:s5], [sflag:$0x1] =	stream.indirect_vreg.gather [hbm4b:s3+s2], $0x80, v3, vm0, $0xb8;
	[tilespmem:$0x18C00] =	vst v63  }
0x1b4: {  	s26 =	simm.s32 $0x2C00  }
0x1b5: {  	[tilespmem:s26], [sflag:$0x1] =	stream.indirect_vreg.gather [hbm4b:s6+s2], $0x80, v3, vm0, $0xb8;
	[tilespmem:$0x18C00] =	vst v63  }
0x1b6: {  	s28 =	simm.s32 $0x3400  }
0x1b7: {  	[tilespmem:s28], [sflag:$0x1] =	stream.indirect_vreg.gather [hbm4b:s12+s2], $0x80, v3, vm0, $0xb8;
	[tilespmem:$0x18C00] =	vst v63  }
0x1b8: {  	v3 =	vld [tilespmem:$0x910];
	_ =	sdelay $0x4  }
0x1b9: {  	v17 =	vshrl.u32 v3, $0x3  }
0x1ba: {  	v4 =	vmul.u32 $0x30, v17  }
0x1bb: {  	v3 =	vand.u32 $0x7, v3  }
0x1bc: {  	v3 =	vor.u32 v3, v4  }
0x1bd: {  	v4 =	vperm.xlane v3, v0;
	_ =	sdelay $0x1  }
0x1be: {  	v4 =	vadd.s32 v1, v4;
	_ =	sdelay $0x3  }
0x1bf: {  	s19 =	simm.s32 $0x3C00;
	v3 =	vperm.xlane v3, v2  }
0x1c0: {  	[tilespmem:s19], [sflag:$0x1] =	stream.indirect_vreg.gather [hbm4b:s3+s2], $0x80, v4, vm0, $0xb8;
	[tilespmem:$0x18C00] =	vst v63  }
0x1c1: {  	s26 =	simm.s32 $0x4400;
	v3 =	vadd.s32 v1, v3  }
0x1c2: {  	[tilespmem:s26], [sflag:$0x1] =	stream.indirect_vreg.gather [hbm4b:s6+s2], $0x80, v4, vm0, $0xb8;
	[tilespmem:$0x18C00] =	vst v63  }
0x1c3: {  	s28 =	simm.s32 $0x4C00  }
0x1c4: {  	[tilespmem:s28], [sflag:$0x1] =	stream.indirect_vreg.gather [hbm4b:s12+s2], $0x80, v4, vm0, $0xb8;
	[tilespmem:$0x18C00] =	vst v63  }
0x1c5: {  	s19 =	simm.s32 $0x5400  }
0x1c6: {  	[tilespmem:s19], [sflag:$0x1] =	stream.indirect_vreg.gather [hbm4b:s3+s2], $0x80, v3, vm0, $0xb8;
	[tilespmem:$0x18C00] =	vst v63  }
0x1c7: {  	s26 =	simm.s32 $0x5C00  }
0x1c8: {  	[tilespmem:s26], [sflag:$0x1] =	stream.indirect_vreg.gather [hbm4b:s6+s2], $0x80, v3, vm0, $0xb8;
	[tilespmem:$0x18C00] =	vst v63  }
0x1c9: {  	s28 =	simm.s32 $0x6400  }
0x1ca: {  	[tilespmem:s28], [sflag:$0x1] =	stream.indirect_vreg.gather [hbm4b:s12+s2], $0x80, v3, vm0, $0xb8;
	[tilespmem:$0x18C00] =	vst v63  }
0x1cb: {  	_ =	swait.ge [sflag:s20], $0x6000  }
0x1cc: {  	[sflag:s20] =	ssyncset.done $0x0  }
0x1cd: {  	s25 =	simm.s32 $0xCC00;
	s19 =	rddreg [dreg:$0xa];
	[sflag:s20] =	ssyncadd.s32 $0xFFFFA000  }
0x1ce: {  	[hbm4b:s19+s2] =	stream.linear.scatter [tilespmem:s25], [sflag:$0x7], $0x6000, $0x38;
	[tilespmem:$0x18C00] =	vst v63  }
0x1cf: {  	_ =	swait.ge [sflag:s21], $0x6000  }
0x1d0: {  	[sflag:s21] =	ssyncset.done $0x0  }
0x1d1: {  	[sflag:s21] =	ssyncadd.s32 $0xFFFFA000  }
0x1d2: {  	v3 =	vld [tilespmem:$0x920];
	_ =	sdelay $0x4  }
0x1d3: {  	v18 =	vshrl.u32 v3, $0x3  }
0x1d4: {  	v4 =	vmul.u32 $0x30, v18  }
0x1d5: {  	v3 =	vand.u32 $0x7, v3  }
0x1d6: {  	v3 =	vor.u32 v3, v4  }
0x1d7: {  	v4 =	vperm.xlane v3, v0;
	_ =	sdelay $0x1  }
0x1d8: {  	v4 =	vadd.s32 v1, v4;
	_ =	sdelay $0x3  }
0x1d9: {  	v3 =	vperm.xlane v3, v2  }
0x1da: {  	[tilespmem:s0], [sflag:$0x2] =	stream.indirect_vreg.gather [hbm4b:s3+s2], $0x80, v4, vm0, $0xb8;
	[tilespmem:$0x18C00] =	vst v63  }
0x1db: {  	s25 =	simm.s32 $0x7400;
	v3 =	vadd.s32 v1, v3  }
0x1dc: {  	[tilespmem:s25], [sflag:$0x2] =	stream.indirect_vreg.gather [hbm4b:s6+s2], $0x80, v4, vm0, $0xb8;
	[tilespmem:$0x18C00] =	vst v63  }
0x1dd: {  	s26 =	simm.s32 $0x7C00  }
0x1de: {  	[tilespmem:s26], [sflag:$0x2] =	stream.indirect_vreg.gather [hbm4b:s12+s2], $0x80, v4, vm0, $0xb8;
	[tilespmem:$0x18C00] =	vst v63  }
0x1df: {  	s28 =	simm.s32 $0x8400  }
0x1e0: {  	[tilespmem:s28], [sflag:$0x2] =	stream.indirect_vreg.gather [hbm4b:s3+s2], $0x80, v3, vm0, $0xb8;
	[tilespmem:$0x18C00] =	vst v63  }
0x1e1: {  	s25 =	simm.s32 $0x8C00  }
0x1e2: {  	[tilespmem:s25], [sflag:$0x2] =	stream.indirect_vreg.gather [hbm4b:s6+s2], $0x80, v3, vm0, $0xb8;
	[tilespmem:$0x18C00] =	vst v63  }
0x1e3: {  	s19 =	simm.s32 $0x9400  }
0x1e4: {  	[tilespmem:s19], [sflag:$0x2] =	stream.indirect_vreg.gather [hbm4b:s12+s2], $0x80, v3, vm0, $0xb8;
	[tilespmem:$0x18C00] =	vst v63  }
0x1e5: {  	v3 =	vld [tilespmem:$0x930];
	_ =	sdelay $0x4  }
0x1e6: {  	v19 =	vshrl.u32 v3, $0x3  }
0x1e7: {  	v4 =	vmul.u32 $0x30, v19  }
0x1e8: {  	v3 =	vand.u32 $0x7, v3  }
0x1e9: {  	v3 =	vor.u32 v3, v4  }
0x1ea: {  	v4 =	vperm.xlane v3, v0;
	_ =	sdelay $0x1  }
0x1eb: {  	v4 =	vadd.s32 v1, v4;
	_ =	sdelay $0x3  }
0x1ec: {  	s26 =	simm.s32 $0x9C00;
	v3 =	vperm.xlane v3, v2  }
0x1ed: {  	[tilespmem:s26], [sflag:$0x2] =	stream.indirect_vreg.gather [hbm4b:s3+s2], $0x80, v4, vm0, $0xb8;
	[tilespmem:$0x18C00] =	vst v63  }
0x1ee: {  	s19 =	simm.s32 $0xA400;
	v3 =	vadd.s32 v1, v3  }
0x1ef: {  	[tilespmem:s19], [sflag:$0x2] =	stream.indirect_vreg.gather [hbm4b:s6+s2], $0x80, v4, vm0, $0xb8;
	[tilespmem:$0x18C00] =	vst v63  }
0x1f0: {  	s28 =	simm.s32 $0xAC00  }
0x1f1: {  	[tilespmem:s28], [sflag:$0x2] =	stream.indirect_vreg.gather [hbm4b:s12+s2], $0x80, v4, vm0, $0xb8;
	[tilespmem:$0x18C00] =	vst v63  }
0x1f2: {  	s28 =	simm.s32 $0xB400  }
0x1f3: {  	[tilespmem:s28], [sflag:$0x2] =	stream.indirect_vreg.gather [hbm4b:s3+s2], $0x80, v3, vm0, $0xb8;
	[tilespmem:$0x18C00] =	vst v63  }
0x1f4: {  	s26 =	simm.s32 $0xBC00  }
0x1f5: {  	[tilespmem:s26], [sflag:$0x2] =	stream.indirect_vreg.gather [hbm4b:s6+s2], $0x80, v3, vm0, $0xb8;
	[tilespmem:$0x18C00] =	vst v63  }
0x1f6: {  	s26 =	simm.s32 $0xC400  }
0x1f7: {  	[tilespmem:s26], [sflag:$0x2] =	stream.indirect_vreg.gather [hbm4b:s12+s2], $0x80, v3, vm0, $0xb8;
	[tilespmem:$0x18C00] =	vst v63  }
0x1f8: {  	_ =	swait.ge [sflag:s22], $0x6000  }
0x1f9: {  	[sflag:s22] =	ssyncset.done $0x0  }
0x1fa: {  	s1 =	simm.s32 $0x12C00;
	s26 =	rddreg [dreg:$0xb];
	[sflag:s22] =	ssyncadd.s32 $0xFFFFA000  }
0x1fb: {  	[hbm4b:s26+s2] =	stream.linear.scatter [tilespmem:s1], [sflag:$0x8], $0x6000, $0x38;
	[tilespmem:$0x18C00] =	vst v63  }
0x1fc: {  	_ =	swait.ge [sflag:s23], $0x6000  }
0x1fd: {  	[sflag:s23] =	ssyncset.done $0x0  }
0x1fe: {  	[sflag:s23] =	ssyncadd.s32 $0xFFFFA000  }
0x1ff: {  	v3 =	vld [tilespmem:$0x940];
	_ =	sdelay $0x4  }
0x200: {  	v20 =	vshrl.u32 v3, $0x3  }
0x201: {  	v4 =	vmul.u32 $0x30, v20  }
0x202: {  	v3 =	vand.u32 $0x7, v3  }
0x203: {  	v3 =	vor.u32 v3, v4  }
0x204: {  	v4 =	vperm.xlane v3, v0;
	_ =	sdelay $0x1  }
0x205: {  	v4 =	vadd.s32 v1, v4;
	_ =	sdelay $0x3  }
0x206: {  	s29 =	simm.s32 $0xCC00;
	v3 =	vperm.xlane v3, v2  }
0x207: {  	[tilespmem:s29], [sflag:$0x3] =	stream.indirect_vreg.gather [hbm4b:s3+s2], $0x80, v4, vm0, $0xb8;
	[tilespmem:$0x18C00] =	vst v63  }
0x208: {  	s26 =	simm.s32 $0xD400;
	v3 =	vadd.s32 v1, v3  }
0x209: {  	[tilespmem:s26], [sflag:$0x3] =	stream.indirect_vreg.gather [hbm4b:s6+s2], $0x80, v4, vm0, $0xb8;
	[tilespmem:$0x18C00] =	vst v63  }
0x20a: {  	s26 =	simm.s32 $0xDC00  }
0x20b: {  	[tilespmem:s26], [sflag:$0x3] =	stream.indirect_vreg.gather [hbm4b:s12+s2], $0x80, v4, vm0, $0xb8;
	[tilespmem:$0x18C00] =	vst v63  }
0x20c: {  	s26 =	simm.s32 $0xE400  }
0x20d: {  	[tilespmem:s26], [sflag:$0x3] =	stream.indirect_vreg.gather [hbm4b:s3+s2], $0x80, v3, vm0, $0xb8;
	[tilespmem:$0x18C00] =	vst v63  }
0x20e: {  	s26 =	simm.s32 $0xEC00  }
0x20f: {  	[tilespmem:s26], [sflag:$0x3] =	stream.indirect_vreg.gather [hbm4b:s6+s2], $0x80, v3, vm0, $0xb8;
	[tilespmem:$0x18C00] =	vst v63  }
0x210: {  	s26 =	simm.s32 $0xF400  }
0x211: {  	[tilespmem:s26], [sflag:$0x3] =	stream.indirect_vreg.gather [hbm4b:s12+s2], $0x80, v3, vm0, $0xb8;
	[tilespmem:$0x18C00] =	vst v63  }
0x212: {  	v3 =	vld [tilespmem:$0x950];
	_ =	sdelay $0x4  }
0x213: {  	v21 =	vshrl.u32 v3, $0x3  }
0x214: {  	v4 =	vmul.u32 $0x30, v21  }
0x215: {  	v3 =	vand.u32 $0x7, v3  }
0x216: {  	v3 =	vor.u32 v3, v4  }
0x217: {  	v4 =	vperm.xlane v3, v0;
	_ =	sdelay $0x1  }
0x218: {  	v4 =	vadd.s32 v1, v4;
	_ =	sdelay $0x3  }
0x219: {  	v3 =	vperm.xlane v3, v2  }
0x21a: {  	[tilespmem:s16], [sflag:$0x3] =	stream.indirect_vreg.gather [hbm4b:s3+s2], $0x80, v4, vm0, $0xb8;
	[tilespmem:$0x18C00] =	vst v63  }
0x21b: {  	v3 =	vadd.s32 v1, v3;
	s16 =	simm.s32 $0x10400  }
0x21c: {  	[tilespmem:s16], [sflag:$0x3] =	stream.indirect_vreg.gather [hbm4b:s6+s2], $0x80, v4, vm0, $0xb8;
	[tilespmem:$0x18C00] =	vst v63  }
0x21d: {  	_ = 	snop  }
0x21e: {  	[tilespmem:s4], [sflag:$0x3] =	stream.indirect_vreg.gather [hbm4b:s12+s2], $0x80, v4, vm0, $0xb8;
	[tilespmem:$0x18C00] =	vst v63  }
0x21f: {  	s4 =	simm.s32 $0x11400  }
0x220: {  	[tilespmem:s4], [sflag:$0x3] =	stream.indirect_vreg.gather [hbm4b:s3+s2], $0x80, v3, vm0, $0xb8;
	[tilespmem:$0x18C00] =	vst v63  }
0x221: {  	_ = 	snop  }
0x222: {  	[tilespmem:s7], [sflag:$0x3] =	stream.indirect_vreg.gather [hbm4b:s6+s2], $0x80, v3, vm0, $0xb8;
	[tilespmem:$0x18C00] =	vst v63  }
0x223: {  	_ = 	snop  }
0x224: {  	[tilespmem:s17], [sflag:$0x3] =	stream.indirect_vreg.gather [hbm4b:s12+s2], $0x80, v3, vm0, $0xb8;
	[tilespmem:$0x18C00] =	vst v63  }
0x225: {  	_ =	swait.ge [sflag:s14], $0x6000  }
0x226: {  	[sflag:s14] =	ssyncset.done $0x0  }
0x227: {  	s17 =	simm.s32 $0xC00;
	s7 =	rddreg [dreg:$0xe];
	[sflag:s14] =	ssyncadd.s32 $0xFFFFA000  }
0x228: {  	[hbm4b:s7+s2] =	stream.linear.scatter [tilespmem:s17], [sflag:$0x5], $0x6000, $0x38;
	[tilespmem:$0x18C00] =	vst v63  }
0x229: {  	_ =	swait.ge [sflag:s24], $0x6000  }
0x22a: {  	[sflag:s24] =	ssyncset.done $0x0  }
0x22b: {  	[sflag:s24] =	ssyncadd.s32 $0xFFFFA000  }
0x22c: {  	v3 =	vld [tilespmem:$0x960];
	_ =	sdelay $0x4  }
0x22d: {  	v22 =	vshrl.u32 v3, $0x3  }
0x22e: {  	v4 =	vmul.u32 $0x30, v22  }
0x22f: {  	v3 =	vand.u32 $0x7, v3  }
0x230: {  	v3 =	vor.u32 v3, v4  }
0x231: {  	v4 =	vperm.xlane v3, v0;
	_ =	sdelay $0x1  }
0x232: {  	v4 =	vadd.s32 v1, v4;
	_ =	sdelay $0x3  }
0x233: {  	v3 =	vperm.xlane v3, v2  }
0x234: {  	[tilespmem:s1], [sflag:$0x4] =	stream.indirect_vreg.gather [hbm4b:s3+s2], $0x80, v4, vm0, $0xb8;
	[tilespmem:$0x18C00] =	vst v63  }
0x235: {  	v3 =	vadd.s32 v1, v3  }
0x236: {  	[tilespmem:s11], [sflag:$0x4] =	stream.indirect_vreg.gather [hbm4b:s6+s2], $0x80, v4, vm0, $0xb8;
	[tilespmem:$0x18C00] =	vst v63  }
0x237: {  	_ = 	snop  }
0x238: {  	[tilespmem:s13], [sflag:$0x4] =	stream.indirect_vreg.gather [hbm4b:s12+s2], $0x80, v4, vm0, $0xb8;
	[tilespmem:$0x18C00] =	vst v63  }
0x239: {  	_ = 	snop  }
0x23a: {  	[tilespmem:s18], [sflag:$0x4] =	stream.indirect_vreg.gather [hbm4b:s3+s2], $0x80, v3, vm0, $0xb8;
	[tilespmem:$0x18C00] =	vst v63  }
0x23b: {  	_ = 	snop  }
0x23c: {  	[tilespmem:s31], [sflag:$0x4] =	stream.indirect_vreg.gather [hbm4b:s6+s2], $0x80, v3, vm0, $0xb8;
	[tilespmem:$0x18C00] =	vst v63  }
0x23d: {  	s31 =	simm.s32 $0x15400  }
0x23e: {  	[tilespmem:s31], [sflag:$0x4] =	stream.indirect_vreg.gather [hbm4b:s12+s2], $0x80, v3, vm0, $0xb8;
	[tilespmem:$0x18C00] =	vst v63  }
0x23f: {  	v3 =	vld [tilespmem:$0x970];
	_ =	sdelay $0x4  }
0x240: {  	v23 =	vshrl.u32 v3, $0x3  }
0x241: {  	v4 =	vmul.u32 $0x30, v23  }
0x242: {  	v3 =	vand.u32 $0x7, v3  }
0x243: {  	v3 =	vor.u32 v3, v4  }
0x244: {  	v4 =	vperm.xlane v3, v0;
	_ =	sdelay $0x1  }
0x245: {  	v4 =	vadd.s32 v1, v4;
	_ =	sdelay $0x3  }
0x246: {  	s13 =	simm.s32 $0x15C00;
	v3 =	vperm.xlane v3, v2  }
0x247: {  	[tilespmem:s13], [sflag:$0x4] =	stream.indirect_vreg.gather [hbm4b:s3+s2], $0x80, v4, vm0, $0xb8;
	[tilespmem:$0x18C00] =	vst v63  }
0x248: {  	s26 =	simm.s32 $0x16400;
	v3 =	vadd.s32 v1, v3  }
0x249: {  	[tilespmem:s26], [sflag:$0x4] =	stream.indirect_vreg.gather [hbm4b:s6+s2], $0x80, v4, vm0, $0xb8;
	[tilespmem:$0x18C00] =	vst v63  }
0x24a: {  	_ = 	snop  }
0x24b: {  	[tilespmem:s8], [sflag:$0x4] =	stream.indirect_vreg.gather [hbm4b:s12+s2], $0x80, v4, vm0, $0xb8;
	[tilespmem:$0x18C00] =	vst v63  }
0x24c: {  	_ = 	snop  }
0x24d: {  	[tilespmem:s9], [sflag:$0x4] =	stream.indirect_vreg.gather [hbm4b:s3+s2], $0x80, v3, vm0, $0xb8;
	[tilespmem:$0x18C00] =	vst v63  }
0x24e: {  	_ = 	snop  }
0x24f: {  	[tilespmem:s10], [sflag:$0x4] =	stream.indirect_vreg.gather [hbm4b:s6+s2], $0x80, v3, vm0, $0xb8;
	[tilespmem:$0x18C00] =	vst v63  }
0x250: {  	s11 =	simm.s32 $0x18400  }
0x251: {  	[tilespmem:s11], [sflag:$0x4] =	stream.indirect_vreg.gather [hbm4b:s12+s2], $0x80, v3, vm0, $0xb8;
	[tilespmem:$0x18C00] =	vst v63  }
0x252: {  	_ =	swait.ge [sflag:s15], $0x6000  }
0x253: {  	[sflag:s15] =	ssyncset.done $0x0  }
0x254: {  	s10 =	rddreg [dreg:$0xc];
	[sflag:s15] =	ssyncadd.s32 $0xFFFFA000  }
0x255: {  	[hbm4b:s10+s2] =	stream.linear.scatter [tilespmem:s0], [sflag:$0x6], $0x6000, $0x38;
	[tilespmem:$0x18C00] =	vst v63  }
0x256: {  	_ =	swait.ge [sflag:s30], $0x6000  }
0x257: {  	[sflag:s30] =	ssyncset.done $0x0  }
0x258: {  	[sflag:s30] =	ssyncadd.s32 $0xFFFFA000  }
0x259: {  	v3 =	vld [tilespmem:$0x980];
	_ =	sdelay $0x4  }
0x25a: {  	v24 =	vshrl.u32 v3, $0x3  }
0x25b: {  	v4 =	vmul.u32 $0x30, v24  }
0x25c: {  	v3 =	vand.u32 $0x7, v3  }
0x25d: {  	v3 =	vor.u32 v3, v4  }
0x25e: {  	v4 =	vperm.xlane v3, v0;
	_ =	sdelay $0x1  }
0x25f: {  	v4 =	vadd.s32 v1, v4;
	_ =	sdelay $0x3  }
0x260: {  	s17 =	simm.s32 $0xC00;
	v3 =	vperm.xlane v3, v2  }
0x261: {  	[tilespmem:s17], [sflag:$0x1] =	stream.indirect_vreg.gather [hbm4b:s3+s2], $0x80, v4, vm0, $0xb8;
	[tilespmem:$0x18C00] =	vst v63  }
0x262: {  	s29 =	simm.s32 $0x1400;
	v3 =	vadd.s32 v1, v3  }
0x263: {  	[tilespmem:s29], [sflag:$0x1] =	stream.indirect_vreg.gather [hbm4b:s6+s2], $0x80, v4, vm0, $0xb8;
	[tilespmem:$0x18C00] =	vst v63  }
0x264: {  	s0 =	simm.s32 $0x1C00  }
0x265: {  	[tilespmem:s0], [sflag:$0x1] =	stream.indirect_vreg.gather [hbm4b:s12+s2], $0x80, v4, vm0, $0xb8;
	[tilespmem:$0x18C00] =	vst v63  }
0x266: {  	_ = 	snop  }
0x267: {  	[tilespmem:s5], [sflag:$0x1] =	stream.indirect_vreg.gather [hbm4b:s3+s2], $0x80, v3, vm0, $0xb8;
	[tilespmem:$0x18C00] =	vst v63  }
0x268: {  	s7 =	simm.s32 $0x2C00  }
0x269: {  	[tilespmem:s7], [sflag:$0x1] =	stream.indirect_vreg.gather [hbm4b:s6+s2], $0x80, v3, vm0, $0xb8;
	[tilespmem:$0x18C00] =	vst v63  }
0x26a: {  	s8 =	simm.s32 $0x3400  }
0x26b: {  	[tilespmem:s8], [sflag:$0x1] =	stream.indirect_vreg.gather [hbm4b:s12+s2], $0x80, v3, vm0, $0xb8;
	[tilespmem:$0x18C00] =	vst v63  }
0x26c: {  	v3 =	vld [tilespmem:$0x990];
	_ =	sdelay $0x4  }
0x26d: {  	v25 =	vshrl.u32 v3, $0x3  }
0x26e: {  	v4 =	vmul.u32 $0x30, v25  }
0x26f: {  	v3 =	vand.u32 $0x7, v3  }
0x270: {  	v3 =	vor.u32 v3, v4  }
0x271: {  	v4 =	vperm.xlane v3, v0;
	_ =	sdelay $0x1  }
0x272: {  	v4 =	vadd.s32 v1, v4;
	_ =	sdelay $0x3  }
0x273: {  	s9 =	simm.s32 $0x3C00;
	v3 =	vperm.xlane v3, v2  }
0x274: {  	[tilespmem:s9], [sflag:$0x1] =	stream.indirect_vreg.gather [hbm4b:s3+s2], $0x80, v4, vm0, $0xb8;
	[tilespmem:$0x18C00] =	vst v63  }
0x275: {  	s26 =	simm.s32 $0x4400;
	v3 =	vadd.s32 v1, v3  }
0x276: {  	[tilespmem:s26], [sflag:$0x1] =	stream.indirect_vreg.gather [hbm4b:s6+s2], $0x80, v4, vm0, $0xb8;
	[tilespmem:$0x18C00] =	vst v63  }
0x277: {  	s7 =	simm.s32 $0x4C00  }
0x278: {  	[tilespmem:s7], [sflag:$0x1] =	stream.indirect_vreg.gather [hbm4b:s12+s2], $0x80, v4, vm0, $0xb8;
	[tilespmem:$0x18C00] =	vst v63  }
0x279: {  	s8 =	simm.s32 $0x5400  }
0x27a: {  	[tilespmem:s8], [sflag:$0x1] =	stream.indirect_vreg.gather [hbm4b:s3+s2], $0x80, v3, vm0, $0xb8;
	[tilespmem:$0x18C00] =	vst v63  }
0x27b: {  	s9 =	simm.s32 $0x5C00  }
0x27c: {  	[tilespmem:s9], [sflag:$0x1] =	stream.indirect_vreg.gather [hbm4b:s6+s2], $0x80, v3, vm0, $0xb8;
	[tilespmem:$0x18C00] =	vst v63  }
0x27d: {  	s26 =	simm.s32 $0x6400  }
0x27e: {  	[tilespmem:s26], [sflag:$0x1] =	stream.indirect_vreg.gather [hbm4b:s12+s2], $0x80, v3, vm0, $0xb8;
	[tilespmem:$0x18C00] =	vst v63  }
0x27f: {  	_ =	swait.ge [sflag:s20], $0x6000  }
0x280: {  	[sflag:s20] =	ssyncset.done $0x0  }
0x281: {  	s8 =	simm.s32 $0xCC00;
	s7 =	rddreg [dreg:$0xd];
	[sflag:s20] =	ssyncadd.s32 $0xFFFFA000  }
0x282: {  	[hbm4b:s7+s2] =	stream.linear.scatter [tilespmem:s8], [sflag:$0x7], $0x6000, $0x38;
	[tilespmem:$0x18C00] =	vst v63  }
0x283: {  	_ =	swait.ge [sflag:s21], $0x6000  }
0x284: {  	[sflag:s21] =	ssyncset.done $0x0  }
0x285: {  	[sflag:s21] =	ssyncadd.s32 $0xFFFFA000  }
0x286: {  	v3 =	vld [tilespmem:$0x9A0];
	_ =	sdelay $0x4  }
0x287: {  	v26 =	vshrl.u32 v3, $0x3  }
0x288: {  	v4 =	vmul.u32 $0x30, v26  }
0x289: {  	v3 =	vand.u32 $0x7, v3  }
0x28a: {  	v3 =	vor.u32 v3, v4  }
0x28b: {  	v4 =	vperm.xlane v3, v0;
	_ =	sdelay $0x1  }
0x28c: {  	v4 =	vadd.s32 v1, v4;
	_ =	sdelay $0x3  }
0x28d: {  	s10 =	simm.s32 $0x6C00;
	v3 =	vperm.xlane v3, v2  }
0x28e: {  	[tilespmem:s10], [sflag:$0x2] =	stream.indirect_vreg.gather [hbm4b:s3+s2], $0x80, v4, vm0, $0xb8;
	[tilespmem:$0x18C00] =	vst v63  }
0x28f: {  	s9 =	simm.s32 $0x7400;
	v3 =	vadd.s32 v1, v3  }
0x290: {  	[tilespmem:s9], [sflag:$0x2] =	stream.indirect_vreg.gather [hbm4b:s6+s2], $0x80, v4, vm0, $0xb8;
	[tilespmem:$0x18C00] =	vst v63  }
0x291: {  	s26 =	simm.s32 $0x7C00  }
0x292: {  	[tilespmem:s26], [sflag:$0x2] =	stream.indirect_vreg.gather [hbm4b:s12+s2], $0x80, v4, vm0, $0xb8;
	[tilespmem:$0x18C00] =	vst v63  }
0x293: {  	s8 =	simm.s32 $0x8400  }
0x294: {  	[tilespmem:s8], [sflag:$0x2] =	stream.indirect_vreg.gather [hbm4b:s3+s2], $0x80, v3, vm0, $0xb8;
	[tilespmem:$0x18C00] =	vst v63  }
0x295: {  	_ = 	snop  }
0x296: {  	[tilespmem:s25], [sflag:$0x2] =	stream.indirect_vreg.gather [hbm4b:s6+s2], $0x80, v3, vm0, $0xb8;
	[tilespmem:$0x18C00] =	vst v63  }
0x297: {  	s9 =	simm.s32 $0x9400  }
0x298: {  	[tilespmem:s9], [sflag:$0x2] =	stream.indirect_vreg.gather [hbm4b:s12+s2], $0x80, v3, vm0, $0xb8;
	[tilespmem:$0x18C00] =	vst v63  }
0x299: {  	v3 =	vld [tilespmem:$0x9B0];
	_ =	sdelay $0x4  }
0x29a: {  	v27 =	vshrl.u32 v3, $0x3  }
0x29b: {  	v4 =	vmul.u32 $0x30, v27  }
0x29c: {  	v3 =	vand.u32 $0x7, v3  }
0x29d: {  	v3 =	vor.u32 v3, v4  }
0x29e: {  	v4 =	vperm.xlane v3, v0;
	_ =	sdelay $0x1  }
0x29f: {  	v4 =	vadd.s32 v1, v4;
	_ =	sdelay $0x3  }
0x2a0: {  	s26 =	simm.s32 $0x9C00;
	v3 =	vperm.xlane v3, v2  }
0x2a1: {  	[tilespmem:s26], [sflag:$0x2] =	stream.indirect_vreg.gather [hbm4b:s3+s2], $0x80, v4, vm0, $0xb8;
	[tilespmem:$0x18C00] =	vst v63  }
0x2a2: {  	v3 =	vadd.s32 v1, v3  }
0x2a3: {  	[tilespmem:s19], [sflag:$0x2] =	stream.indirect_vreg.gather [hbm4b:s6+s2], $0x80, v4, vm0, $0xb8;
	[tilespmem:$0x18C00] =	vst v63  }
0x2a4: {  	s8 =	simm.s32 $0xAC00  }
0x2a5: {  	[tilespmem:s8], [sflag:$0x2] =	stream.indirect_vreg.gather [hbm4b:s12+s2], $0x80, v4, vm0, $0xb8;
	[tilespmem:$0x18C00] =	vst v63  }
0x2a6: {  	_ = 	snop  }
0x2a7: {  	[tilespmem:s28], [sflag:$0x2] =	stream.indirect_vreg.gather [hbm4b:s3+s2], $0x80, v3, vm0, $0xb8;
	[tilespmem:$0x18C00] =	vst v63  }
0x2a8: {  	s9 =	simm.s32 $0xBC00  }
0x2a9: {  	[tilespmem:s9], [sflag:$0x2] =	stream.indirect_vreg.gather [hbm4b:s6+s2], $0x80, v3, vm0, $0xb8;
	[tilespmem:$0x18C00] =	vst v63  }
0x2aa: {  	s26 =	simm.s32 $0xC400  }
0x2ab: {  	[tilespmem:s26], [sflag:$0x2] =	stream.indirect_vreg.gather [hbm4b:s12+s2], $0x80, v3, vm0, $0xb8;
	[tilespmem:$0x18C00] =	vst v63  }
0x2ac: {  	_ =	swait.ge [sflag:s22], $0x6000  }
0x2ad: {  	[sflag:s22] =	ssyncset.done $0x0  }
0x2ae: {  	s5 =	rddreg [dreg:$0xf];
	[sflag:s22] =	ssyncadd.s32 $0xFFFFA000  }
0x2af: {  	[hbm4b:s5+s2] =	stream.linear.scatter [tilespmem:s1], [sflag:$0x8], $0x6000, $0x38;
	[tilespmem:$0x18C00] =	vst v63  }
0x2b0: {  	_ =	swait.ge [sflag:s23], $0x6000  }
0x2b1: {  	[sflag:s23] =	ssyncset.done $0x0  }
0x2b2: {  	[sflag:s23] =	ssyncadd.s32 $0xFFFFA000  }
0x2b3: {  	v3 =	vld [tilespmem:$0x9C0];
	_ =	sdelay $0x4  }
0x2b4: {  	v28 =	vshrl.u32 v3, $0x3  }
0x2b5: {  	v4 =	vmul.u32 $0x30, v28  }
0x2b6: {  	v3 =	vand.u32 $0x7, v3  }
0x2b7: {  	v3 =	vor.u32 v3, v4  }
0x2b8: {  	v4 =	vperm.xlane v3, v0;
	_ =	sdelay $0x1  }
0x2b9: {  	v4 =	vadd.s32 v1, v4;
	_ =	sdelay $0x3  }
0x2ba: {  	s7 =	simm.s32 $0xCC00;
	v3 =	vperm.xlane v3, v2  }
0x2bb: {  	[tilespmem:s7], [sflag:$0x3] =	stream.indirect_vreg.gather [hbm4b:s3+s2], $0x80, v4, vm0, $0xb8;
	[tilespmem:$0x18C00] =	vst v63  }
0x2bc: {  	s8 =	simm.s32 $0xD400;
	v3 =	vadd.s32 v1, v3  }
0x2bd: {  	[tilespmem:s8], [sflag:$0x3] =	stream.indirect_vreg.gather [hbm4b:s6+s2], $0x80, v4, vm0, $0xb8;
	[tilespmem:$0x18C00] =	vst v63  }
0x2be: {  	s9 =	simm.s32 $0xDC00  }
0x2bf: {  	[tilespmem:s9], [sflag:$0x3] =	stream.indirect_vreg.gather [hbm4b:s12+s2], $0x80, v4, vm0, $0xb8;
	[tilespmem:$0x18C00] =	vst v63  }
0x2c0: {  	s26 =	simm.s32 $0xE400  }
0x2c1: {  	[tilespmem:s26], [sflag:$0x3] =	stream.indirect_vreg.gather [hbm4b:s3+s2], $0x80, v3, vm0, $0xb8;
	[tilespmem:$0x18C00] =	vst v63  }
0x2c2: {  	s8 =	simm.s32 $0xEC00  }
0x2c3: {  	[tilespmem:s8], [sflag:$0x3] =	stream.indirect_vreg.gather [hbm4b:s6+s2], $0x80, v3, vm0, $0xb8;
	[tilespmem:$0x18C00] =	vst v63  }
0x2c4: {  	s9 =	simm.s32 $0xF400  }
0x2c5: {  	[tilespmem:s9], [sflag:$0x3] =	stream.indirect_vreg.gather [hbm4b:s12+s2], $0x80, v3, vm0, $0xb8;
	[tilespmem:$0x18C00] =	vst v63  }
0x2c6: {  	v3 =	vld [tilespmem:$0x9D0];
	_ =	sdelay $0x4  }
0x2c7: {  	v29 =	vshrl.u32 v3, $0x3  }
0x2c8: {  	v4 =	vmul.u32 $0x30, v29  }
0x2c9: {  	v3 =	vand.u32 $0x7, v3  }
0x2ca: {  	v3 =	vor.u32 v3, v4  }
0x2cb: {  	v4 =	vperm.xlane v3, v0;
	_ =	sdelay $0x1  }
0x2cc: {  	v4 =	vadd.s32 v1, v4;
	_ =	sdelay $0x3  }
0x2cd: {  	s1 =	simm.s32 $0xFC00;
	v3 =	vperm.xlane v3, v2  }
0x2ce: {  	[tilespmem:s1], [sflag:$0x3] =	stream.indirect_vreg.gather [hbm4b:s3+s2], $0x80, v4, vm0, $0xb8;
	[tilespmem:$0x18C00] =	vst v63  }
0x2cf: {  	v3 =	vadd.s32 v1, v3  }
0x2d0: {  	[tilespmem:s16], [sflag:$0x3] =	stream.indirect_vreg.gather [hbm4b:s6+s2], $0x80, v4, vm0, $0xb8;
	[tilespmem:$0x18C00] =	vst v63  }
0x2d1: {  	s8 =	simm.s32 $0x10C00  }
0x2d2: {  	[tilespmem:s8], [sflag:$0x3] =	stream.indirect_vreg.gather [hbm4b:s12+s2], $0x80, v4, vm0, $0xb8;
	[tilespmem:$0x18C00] =	vst v63  }
0x2d3: {  	_ = 	snop  }
0x2d4: {  	[tilespmem:s4], [sflag:$0x3] =	stream.indirect_vreg.gather [hbm4b:s3+s2], $0x80, v3, vm0, $0xb8;
	[tilespmem:$0x18C00] =	vst v63  }
0x2d5: {  	s4 =	simm.s32 $0x11C00  }
0x2d6: {  	[tilespmem:s4], [sflag:$0x3] =	stream.indirect_vreg.gather [hbm4b:s6+s2], $0x80, v3, vm0, $0xb8;
	[tilespmem:$0x18C00] =	vst v63  }
0x2d7: {  	s26 =	simm.s32 $0x12400  }
0x2d8: {  	[tilespmem:s26], [sflag:$0x3] =	stream.indirect_vreg.gather [hbm4b:s12+s2], $0x80, v3, vm0, $0xb8;
	[tilespmem:$0x18C00] =	vst v63  }
0x2d9: {  	_ =	swait.ge [sflag:s14], $0x6000  }
0x2da: {  	[sflag:s14] =	ssyncset.done $0x0  }
0x2db: {  	s16 =	rddreg [dreg:$0x10];
	[sflag:s14] =	ssyncadd.s32 $0xFFFFA000  }
0x2dc: {  	[hbm4b:s16+s2] =	stream.linear.scatter [tilespmem:s17], [sflag:$0x5], $0x6000, $0x38;
	[tilespmem:$0x18C00] =	vst v63  }
0x2dd: {  	_ =	swait.ge [sflag:s24], $0x6000  }
0x2de: {  	[sflag:s24] =	ssyncset.done $0x0  }
0x2df: {  	[sflag:s24] =	ssyncadd.s32 $0xFFFFA000  }
0x2e0: {  	v3 =	vld [tilespmem:$0x9E0];
	_ =	sdelay $0x4  }
0x2e1: {  	v30 =	vshrl.u32 v3, $0x3  }
0x2e2: {  	v4 =	vmul.u32 $0x30, v30  }
0x2e3: {  	v3 =	vand.u32 $0x7, v3  }
0x2e4: {  	v3 =	vor.u32 v3, v4  }
0x2e5: {  	v4 =	vperm.xlane v3, v0;
	_ =	sdelay $0x1  }
0x2e6: {  	v4 =	vadd.s32 v1, v4;
	_ =	sdelay $0x3  }
0x2e7: {  	s5 =	simm.s32 $0x12C00;
	v3 =	vperm.xlane v3, v2  }
0x2e8: {  	[tilespmem:s5], [sflag:$0x4] =	stream.indirect_vreg.gather [hbm4b:s3+s2], $0x80, v4, vm0, $0xb8;
	[tilespmem:$0x18C00] =	vst v63  }
0x2e9: {  	s9 =	simm.s32 $0x13400;
	v3 =	vadd.s32 v1, v3  }
0x2ea: {  	[tilespmem:s9], [sflag:$0x4] =	stream.indirect_vreg.gather [hbm4b:s6+s2], $0x80, v4, vm0, $0xb8;
	[tilespmem:$0x18C00] =	vst v63  }
0x2eb: {  	s26 =	simm.s32 $0x13C00  }
0x2ec: {  	[tilespmem:s26], [sflag:$0x4] =	stream.indirect_vreg.gather [hbm4b:s12+s2], $0x80, v4, vm0, $0xb8;
	[tilespmem:$0x18C00] =	vst v63  }
0x2ed: {  	s18 =	simm.s32 $0x14400  }
0x2ee: {  	[tilespmem:s18], [sflag:$0x4] =	stream.indirect_vreg.gather [hbm4b:s3+s2], $0x80, v3, vm0, $0xb8;
	[tilespmem:$0x18C00] =	vst v63  }
0x2ef: {  	s26 =	simm.s32 $0x14C00  }
0x2f0: {  	[tilespmem:s26], [sflag:$0x4] =	stream.indirect_vreg.gather [hbm4b:s6+s2], $0x80, v3, vm0, $0xb8;
	[tilespmem:$0x18C00] =	vst v63  }
0x2f1: {  	_ = 	snop  }
0x2f2: {  	[tilespmem:s31], [sflag:$0x4] =	stream.indirect_vreg.gather [hbm4b:s12+s2], $0x80, v3, vm0, $0xb8;
	[tilespmem:$0x18C00] =	vst v63  }
0x2f3: {  	v3 =	vld [tilespmem:$0x9F0];
	_ =	sdelay $0x4  }
0x2f4: {  	v31 =	vshrl.u32 v3, $0x3  }
0x2f5: {  	v4 =	vmul.u32 $0x30, v31  }
0x2f6: {  	v3 =	vand.u32 $0x7, v3  }
0x2f7: {  	v3 =	vor.u32 v3, v4  }
0x2f8: {  	v4 =	vperm.xlane v3, v0;
	_ =	sdelay $0x1  }
0x2f9: {  	v4 =	vadd.s32 v1, v4;
	_ =	sdelay $0x3  }
0x2fa: {  	v3 =	vperm.xlane v3, v2  }
0x2fb: {  	[tilespmem:s13], [sflag:$0x4] =	stream.indirect_vreg.gather [hbm4b:s3+s2], $0x80, v4, vm0, $0xb8;
	[tilespmem:$0x18C00] =	vst v63  }
0x2fc: {  	s31 =	simm.s32 $0x16400;
	v3 =	vadd.s32 v1, v3  }
0x2fd: {  	[tilespmem:s31], [sflag:$0x4] =	stream.indirect_vreg.gather [hbm4b:s6+s2], $0x80, v4, vm0, $0xb8;
	[tilespmem:$0x18C00] =	vst v63  }
0x2fe: {  	s26 =	simm.s32 $0x16C00  }
0x2ff: {  	[tilespmem:s26], [sflag:$0x4] =	stream.indirect_vreg.gather [hbm4b:s12+s2], $0x80, v4, vm0, $0xb8;
	[tilespmem:$0x18C00] =	vst v63  }
0x300: {  	s26 =	simm.s32 $0x17400  }
0x301: {  	[tilespmem:s26], [sflag:$0x4] =	stream.indirect_vreg.gather [hbm4b:s3+s2], $0x80, v3, vm0, $0xb8;
	[tilespmem:$0x18C00] =	vst v63  }
0x302: {  	s26 =	simm.s32 $0x17C00  }
0x303: {  	[tilespmem:s26], [sflag:$0x4] =	stream.indirect_vreg.gather [hbm4b:s6+s2], $0x80, v3, vm0, $0xb8;
	[tilespmem:$0x18C00] =	vst v63  }
0x304: {  	_ = 	snop  }
0x305: {  	[tilespmem:s11], [sflag:$0x4] =	stream.indirect_vreg.gather [hbm4b:s12+s2], $0x80, v3, vm0, $0xb8;
	[tilespmem:$0x18C00] =	vst v63  }
0x306: {  	_ =	swait.ge [sflag:s15], $0x6000  }
0x307: {  	[sflag:s15] =	ssyncset.done $0x0  }
0x308: {  	s26 =	rddreg [dreg:$0x12];
	[sflag:s15] =	ssyncadd.s32 $0xFFFFA000  }
0x309: {  	[hbm4b:s26+s2] =	stream.linear.scatter [tilespmem:s10], [sflag:$0x6], $0x6000, $0x38;
	[tilespmem:$0x18C00] =	vst v63  }
0x30a: {  	_ =	swait.ge [sflag:s30], $0x6000  }
0x30b: {  	[sflag:s30] =	ssyncset.done $0x0  }
0x30c: {  	[sflag:s30] =	ssyncadd.s32 $0xFFFFA000  }
0x30d: {  	v3 =	vld [tilespmem:$0xA00];
	_ =	sdelay $0x4  }
0x30e: {  	v32 =	vshrl.u32 v3, $0x3  }
0x30f: {  	v4 =	vmul.u32 $0x30, v32  }
0x310: {  	v3 =	vand.u32 $0x7, v3  }
0x311: {  	v3 =	vor.u32 v3, v4  }
0x312: {  	v4 =	vperm.xlane v3, v0;
	_ =	sdelay $0x1  }
0x313: {  	v4 =	vadd.s32 v1, v4;
	_ =	sdelay $0x3  }
0x314: {  	v3 =	vperm.xlane v3, v2  }
0x315: {  	[tilespmem:s17], [sflag:$0x1] =	stream.indirect_vreg.gather [hbm4b:s3+s2], $0x80, v4, vm0, $0xb8;
	[tilespmem:$0x18C00] =	vst v63  }
0x316: {  	v3 =	vadd.s32 v1, v3  }
0x317: {  	[tilespmem:s29], [sflag:$0x1] =	stream.indirect_vreg.gather [hbm4b:s6+s2], $0x80, v4, vm0, $0xb8;
	[tilespmem:$0x18C00] =	vst v63  }
0x318: {  	_ = 	snop  }
0x319: {  	[tilespmem:s0], [sflag:$0x1] =	stream.indirect_vreg.gather [hbm4b:s12+s2], $0x80, v4, vm0, $0xb8;
	[tilespmem:$0x18C00] =	vst v63  }
0x31a: {  	s26 =	simm.s32 $0x2400  }
0x31b: {  	[tilespmem:s26], [sflag:$0x1] =	stream.indirect_vreg.gather [hbm4b:s3+s2], $0x80, v3, vm0, $0xb8;
	[tilespmem:$0x18C00] =	vst v63  }
0x31c: {  	s26 =	simm.s32 $0x2C00  }
0x31d: {  	[tilespmem:s26], [sflag:$0x1] =	stream.indirect_vreg.gather [hbm4b:s6+s2], $0x80, v3, vm0, $0xb8;
	[tilespmem:$0x18C00] =	vst v63  }
0x31e: {  	s26 =	simm.s32 $0x3400  }
0x31f: {  	[tilespmem:s26], [sflag:$0x1] =	stream.indirect_vreg.gather [hbm4b:s12+s2], $0x80, v3, vm0, $0xb8;
	[tilespmem:$0x18C00] =	vst v63  }
0x320: {  	v3 =	vld [tilespmem:$0xA10];
	_ =	sdelay $0x4  }
0x321: {  	v33 =	vshrl.u32 v3, $0x3  }
0x322: {  	v4 =	vmul.u32 $0x30, v33  }
0x323: {  	v3 =	vand.u32 $0x7, v3  }
0x324: {  	v3 =	vor.u32 v3, v4  }
0x325: {  	v4 =	vperm.xlane v3, v0;
	_ =	sdelay $0x1  }
0x326: {  	v4 =	vadd.s32 v1, v4;
	_ =	sdelay $0x3  }
0x327: {  	s26 =	simm.s32 $0x3C00;
	v3 =	vperm.xlane v3, v2  }
0x328: {  	[tilespmem:s26], [sflag:$0x1] =	stream.indirect_vreg.gather [hbm4b:s3+s2], $0x80, v4, vm0, $0xb8;
	[tilespmem:$0x18C00] =	vst v63  }
0x329: {  	v3 =	vadd.s32 v1, v3;
	s26 =	simm.s32 $0x4400  }
0x32a: {  	[tilespmem:s26], [sflag:$0x1] =	stream.indirect_vreg.gather [hbm4b:s6+s2], $0x80, v4, vm0, $0xb8;
	[tilespmem:$0x18C00] =	vst v63  }
0x32b: {  	s26 =	simm.s32 $0x4C00  }
0x32c: {  	[tilespmem:s26], [sflag:$0x1] =	stream.indirect_vreg.gather [hbm4b:s12+s2], $0x80, v4, vm0, $0xb8;
	[tilespmem:$0x18C00] =	vst v63  }
0x32d: {  	s26 =	simm.s32 $0x5400  }
0x32e: {  	[tilespmem:s26], [sflag:$0x1] =	stream.indirect_vreg.gather [hbm4b:s3+s2], $0x80, v3, vm0, $0xb8;
	[tilespmem:$0x18C00] =	vst v63  }
0x32f: {  	s26 =	simm.s32 $0x5C00  }
0x330: {  	[tilespmem:s26], [sflag:$0x1] =	stream.indirect_vreg.gather [hbm4b:s6+s2], $0x80, v3, vm0, $0xb8;
	[tilespmem:$0x18C00] =	vst v63  }
0x331: {  	s26 =	simm.s32 $0x6400  }
0x332: {  	[tilespmem:s26], [sflag:$0x1] =	stream.indirect_vreg.gather [hbm4b:s12+s2], $0x80, v3, vm0, $0xb8;
	[tilespmem:$0x18C00] =	vst v63  }
0x333: {  	_ =	swait.ge [sflag:s20], $0x6000  }
0x334: {  	[sflag:s20] =	ssyncset.done $0x0  }
0x335: {  	s26 =	rddreg [dreg:$0x13];
	[sflag:s20] =	ssyncadd.s32 $0xFFFFA000  }
0x336: {  	[hbm4b:s26+s2] =	stream.linear.scatter [tilespmem:s7], [sflag:$0x7], $0x6000, $0x38;
	[tilespmem:$0x18C00] =	vst v63  }
0x337: {  	_ =	swait.ge [sflag:s21], $0x6000  }
0x338: {  	[sflag:s21] =	ssyncset.done $0x0  }
0x339: {  	[sflag:s21] =	ssyncadd.s32 $0xFFFFA000  }
0x33a: {  	v3 =	vld [tilespmem:$0xA20];
	_ =	sdelay $0x4  }
0x33b: {  	v34 =	vshrl.u32 v3, $0x3  }
0x33c: {  	v4 =	vmul.u32 $0x30, v34  }
0x33d: {  	v3 =	vand.u32 $0x7, v3  }
0x33e: {  	v3 =	vor.u32 v3, v4  }
0x33f: {  	v4 =	vperm.xlane v3, v0;
	_ =	sdelay $0x1  }
0x340: {  	v4 =	vadd.s32 v1, v4;
	_ =	sdelay $0x3  }
0x341: {  	v3 =	vperm.xlane v3, v2  }
0x342: {  	[tilespmem:s10], [sflag:$0x2] =	stream.indirect_vreg.gather [hbm4b:s3+s2], $0x80, v4, vm0, $0xb8;
	[tilespmem:$0x18C00] =	vst v63  }
0x343: {  	s26 =	simm.s32 $0x7400;
	v3 =	vadd.s32 v1, v3  }
0x344: {  	[tilespmem:s26], [sflag:$0x2] =	stream.indirect_vreg.gather [hbm4b:s6+s2], $0x80, v4, vm0, $0xb8;
	[tilespmem:$0x18C00] =	vst v63  }
0x345: {  	s26 =	simm.s32 $0x7C00  }
0x346: {  	[tilespmem:s26], [sflag:$0x2] =	stream.indirect_vreg.gather [hbm4b:s12+s2], $0x80, v4, vm0, $0xb8;
	[tilespmem:$0x18C00] =	vst v63  }
0x347: {  	s26 =	simm.s32 $0x8400  }
0x348: {  	[tilespmem:s26], [sflag:$0x2] =	stream.indirect_vreg.gather [hbm4b:s3+s2], $0x80, v3, vm0, $0xb8;
	[tilespmem:$0x18C00] =	vst v63  }
0x349: {  	s25 =	simm.s32 $0x8C00  }
0x34a: {  	[tilespmem:s25], [sflag:$0x2] =	stream.indirect_vreg.gather [hbm4b:s6+s2], $0x80, v3, vm0, $0xb8;
	[tilespmem:$0x18C00] =	vst v63  }
0x34b: {  	s26 =	simm.s32 $0x9400  }
0x34c: {  	[tilespmem:s26], [sflag:$0x2] =	stream.indirect_vreg.gather [hbm4b:s12+s2], $0x80, v3, vm0, $0xb8;
	[tilespmem:$0x18C00] =	vst v63  }
0x34d: {  	v3 =	vld [tilespmem:$0xA30];
	_ =	sdelay $0x4  }
0x34e: {  	v35 =	vshrl.u32 v3, $0x3  }
0x34f: {  	v4 =	vmul.u32 $0x30, v35  }
0x350: {  	v3 =	vand.u32 $0x7, v3  }
0x351: {  	v3 =	vor.u32 v3, v4  }
0x352: {  	v4 =	vperm.xlane v3, v0;
	_ =	sdelay $0x1  }
0x353: {  	v4 =	vadd.s32 v1, v4;
	_ =	sdelay $0x3  }
0x354: {  	s26 =	simm.s32 $0x9C00;
	v3 =	vperm.xlane v3, v2  }
0x355: {  	[tilespmem:s26], [sflag:$0x2] =	stream.indirect_vreg.gather [hbm4b:s3+s2], $0x80, v4, vm0, $0xb8;
	[tilespmem:$0x18C00] =	vst v63  }
0x356: {  	s19 =	simm.s32 $0xA400;
	v3 =	vadd.s32 v1, v3  }
0x357: {  	[tilespmem:s19], [sflag:$0x2] =	stream.indirect_vreg.gather [hbm4b:s6+s2], $0x80, v4, vm0, $0xb8;
	[tilespmem:$0x18C00] =	vst v63  }
0x358: {  	s26 =	simm.s32 $0xAC00  }
0x359: {  	[tilespmem:s26], [sflag:$0x2] =	stream.indirect_vreg.gather [hbm4b:s12+s2], $0x80, v4, vm0, $0xb8;
	[tilespmem:$0x18C00] =	vst v63  }
0x35a: {  	s28 =	simm.s32 $0xB400  }
0x35b: {  	[tilespmem:s28], [sflag:$0x2] =	stream.indirect_vreg.gather [hbm4b:s3+s2], $0x80, v3, vm0, $0xb8;
	[tilespmem:$0x18C00] =	vst v63  }
0x35c: {  	s26 =	simm.s32 $0xBC00  }
0x35d: {  	[tilespmem:s26], [sflag:$0x2] =	stream.indirect_vreg.gather [hbm4b:s6+s2], $0x80, v3, vm0, $0xb8;
	[tilespmem:$0x18C00] =	vst v63  }
0x35e: {  	s26 =	simm.s32 $0xC400  }
0x35f: {  	[tilespmem:s26], [sflag:$0x2] =	stream.indirect_vreg.gather [hbm4b:s12+s2], $0x80, v3, vm0, $0xb8;
	[tilespmem:$0x18C00] =	vst v63  }
0x360: {  	_ =	swait.ge [sflag:s22], $0x6000  }
0x361: {  	[sflag:s22] =	ssyncset.done $0x0  }
0x362: {  	s26 =	rddreg [dreg:$0x14];
	[sflag:s22] =	ssyncadd.s32 $0xFFFFA000  }
0x363: {  	[hbm4b:s26+s2] =	stream.linear.scatter [tilespmem:s5], [sflag:$0x8], $0x6000, $0x38;
	[tilespmem:$0x18C00] =	vst v63  }
0x364: {  	_ =	swait.ge [sflag:s23], $0x6000  }
0x365: {  	[sflag:s23] =	ssyncset.done $0x0  }
0x366: {  	[sflag:s23] =	ssyncadd.s32 $0xFFFFA000  }
0x367: {  	v3 =	vld [tilespmem:$0xA40];
	_ =	sdelay $0x4  }
0x368: {  	v36 =	vshrl.u32 v3, $0x3  }
0x369: {  	v4 =	vmul.u32 $0x30, v36  }
0x36a: {  	v3 =	vand.u32 $0x7, v3  }
0x36b: {  	v3 =	vor.u32 v3, v4  }
0x36c: {  	v4 =	vperm.xlane v3, v0;
	_ =	sdelay $0x1  }
0x36d: {  	v4 =	vadd.s32 v1, v4;
	_ =	sdelay $0x3  }
0x36e: {  	v3 =	vperm.xlane v3, v2  }
0x36f: {  	[tilespmem:s7], [sflag:$0x3] =	stream.indirect_vreg.gather [hbm4b:s3+s2], $0x80, v4, vm0, $0xb8;
	[tilespmem:$0x18C00] =	vst v63  }
0x370: {  	s26 =	simm.s32 $0xD400;
	v3 =	vadd.s32 v1, v3  }
0x371: {  	[tilespmem:s26], [sflag:$0x3] =	stream.indirect_vreg.gather [hbm4b:s6+s2], $0x80, v4, vm0, $0xb8;
	[tilespmem:$0x18C00] =	vst v63  }
0x372: {  	s26 =	simm.s32 $0xDC00  }
0x373: {  	[tilespmem:s26], [sflag:$0x3] =	stream.indirect_vreg.gather [hbm4b:s12+s2], $0x80, v4, vm0, $0xb8;
	[tilespmem:$0x18C00] =	vst v63  }
0x374: {  	s26 =	simm.s32 $0xE400  }
0x375: {  	[tilespmem:s26], [sflag:$0x3] =	stream.indirect_vreg.gather [hbm4b:s3+s2], $0x80, v3, vm0, $0xb8;
	[tilespmem:$0x18C00] =	vst v63  }
0x376: {  	s26 =	simm.s32 $0xEC00  }
0x377: {  	[tilespmem:s26], [sflag:$0x3] =	stream.indirect_vreg.gather [hbm4b:s6+s2], $0x80, v3, vm0, $0xb8;
	[tilespmem:$0x18C00] =	vst v63  }
0x378: {  	s26 =	simm.s32 $0xF400  }
0x379: {  	[tilespmem:s26], [sflag:$0x3] =	stream.indirect_vreg.gather [hbm4b:s12+s2], $0x80, v3, vm0, $0xb8;
	[tilespmem:$0x18C00] =	vst v63  }
0x37a: {  	v3 =	vld [tilespmem:$0xA50];
	_ =	sdelay $0x4  }
0x37b: {  	v37 =	vshrl.u32 v3, $0x3  }
0x37c: {  	v4 =	vmul.u32 $0x30, v37  }
0x37d: {  	v3 =	vand.u32 $0x7, v3  }
0x37e: {  	v3 =	vor.u32 v3, v4  }
0x37f: {  	v4 =	vperm.xlane v3, v0;
	_ =	sdelay $0x1  }
0x380: {  	v4 =	vadd.s32 v1, v4;
	_ =	sdelay $0x3  }
0x381: {  	v3 =	vperm.xlane v3, v2  }
0x382: {  	[tilespmem:s1], [sflag:$0x3] =	stream.indirect_vreg.gather [hbm4b:s3+s2], $0x80, v4, vm0, $0xb8;
	[tilespmem:$0x18C00] =	vst v63  }
0x383: {  	s26 =	simm.s32 $0x10400;
	v3 =	vadd.s32 v1, v3  }
0x384: {  	[tilespmem:s26], [sflag:$0x3] =	stream.indirect_vreg.gather [hbm4b:s6+s2], $0x80, v4, vm0, $0xb8;
	[tilespmem:$0x18C00] =	vst v63  }
0x385: {  	_ = 	snop  }
0x386: {  	[tilespmem:s8], [sflag:$0x3] =	stream.indirect_vreg.gather [hbm4b:s12+s2], $0x80, v4, vm0, $0xb8;
	[tilespmem:$0x18C00] =	vst v63  }
0x387: {  	s26 =	simm.s32 $0x11400  }
0x388: {  	[tilespmem:s26], [sflag:$0x3] =	stream.indirect_vreg.gather [hbm4b:s3+s2], $0x80, v3, vm0, $0xb8;
	[tilespmem:$0x18C00] =	vst v63  }
0x389: {  	_ = 	snop  }
0x38a: {  	[tilespmem:s4], [sflag:$0x3] =	stream.indirect_vreg.gather [hbm4b:s6+s2], $0x80, v3, vm0, $0xb8;
	[tilespmem:$0x18C00] =	vst v63  }
0x38b: {  	s26 =	simm.s32 $0x12400  }
0x38c: {  	[tilespmem:s26], [sflag:$0x3] =	stream.indirect_vreg.gather [hbm4b:s12+s2], $0x80, v3, vm0, $0xb8;
	[tilespmem:$0x18C00] =	vst v63  }
0x38d: {  	_ =	swait.ge [sflag:s14], $0x6000  }
0x38e: {  	[sflag:s14] =	ssyncset.done $0x0  }
0x38f: {  	s26 =	rddreg [dreg:$0x15];
	[sflag:s14] =	ssyncadd.s32 $0xFFFFA000  }
0x390: {  	[hbm4b:s26+s2] =	stream.linear.scatter [tilespmem:s17], [sflag:$0x5], $0x6000, $0x38;
	[tilespmem:$0x18C00] =	vst v63  }
0x391: {  	_ =	swait.ge [sflag:s24], $0x6000  }
0x392: {  	[sflag:s24] =	ssyncset.done $0x0  }
0x393: {  	[sflag:s24] =	ssyncadd.s32 $0xFFFFA000  }
0x394: {  	v3 =	vld [tilespmem:$0xA60];
	_ =	sdelay $0x4  }
0x395: {  	v38 =	vshrl.u32 v3, $0x3  }
0x396: {  	v4 =	vmul.u32 $0x30, v38  }
0x397: {  	v3 =	vand.u32 $0x7, v3  }
0x398: {  	v3 =	vor.u32 v3, v4  }
0x399: {  	v4 =	vperm.xlane v3, v0;
	_ =	sdelay $0x1  }
0x39a: {  	v4 =	vadd.s32 v1, v4;
	_ =	sdelay $0x3  }
0x39b: {  	v3 =	vperm.xlane v3, v2  }
0x39c: {  	[tilespmem:s5], [sflag:$0x4] =	stream.indirect_vreg.gather [hbm4b:s3+s2], $0x80, v4, vm0, $0xb8;
	[tilespmem:$0x18C00] =	vst v63  }
0x39d: {  	v3 =	vadd.s32 v1, v3  }
0x39e: {  	[tilespmem:s9], [sflag:$0x4] =	stream.indirect_vreg.gather [hbm4b:s6+s2], $0x80, v4, vm0, $0xb8;
	[tilespmem:$0x18C00] =	vst v63  }
0x39f: {  	s26 =	simm.s32 $0x13C00  }
0x3a0: {  	[tilespmem:s26], [sflag:$0x4] =	stream.indirect_vreg.gather [hbm4b:s12+s2], $0x80, v4, vm0, $0xb8;
	[tilespmem:$0x18C00] =	vst v63  }
0x3a1: {  	s18 =	simm.s32 $0x14400  }
0x3a2: {  	[tilespmem:s18], [sflag:$0x4] =	stream.indirect_vreg.gather [hbm4b:s3+s2], $0x80, v3, vm0, $0xb8;
	[tilespmem:$0x18C00] =	vst v63  }
0x3a3: {  	s26 =	simm.s32 $0x14C00  }
0x3a4: {  	[tilespmem:s26], [sflag:$0x4] =	stream.indirect_vreg.gather [hbm4b:s6+s2], $0x80, v3, vm0, $0xb8;
	[tilespmem:$0x18C00] =	vst v63  }
0x3a5: {  	s16 =	simm.s32 $0x15400  }
0x3a6: {  	[tilespmem:s16], [sflag:$0x4] =	stream.indirect_vreg.gather [hbm4b:s12+s2], $0x80, v3, vm0, $0xb8;
	[tilespmem:$0x18C00] =	vst v63  }
0x3a7: {  	v3 =	vld [tilespmem:$0xA70];
	_ =	sdelay $0x4  }
0x3a8: {  	v39 =	vshrl.u32 v3, $0x3  }
0x3a9: {  	v4 =	vmul.u32 $0x30, v39  }
0x3aa: {  	v3 =	vand.u32 $0x7, v3  }
0x3ab: {  	v3 =	vor.u32 v3, v4  }
0x3ac: {  	v4 =	vperm.xlane v3, v0;
	_ =	sdelay $0x1  }
0x3ad: {  	v4 =	vadd.s32 v1, v4;
	_ =	sdelay $0x3  }
0x3ae: {  	s13 =	simm.s32 $0x15C00;
	v3 =	vperm.xlane v3, v2  }
0x3af: {  	[tilespmem:s13], [sflag:$0x4] =	stream.indirect_vreg.gather [hbm4b:s3+s2], $0x80, v4, vm0, $0xb8;
	[tilespmem:$0x18C00] =	vst v63  }
0x3b0: {  	s31 =	simm.s32 $0x16400;
	v3 =	vadd.s32 v1, v3  }
0x3b1: {  	[tilespmem:s31], [sflag:$0x4] =	stream.indirect_vreg.gather [hbm4b:s6+s2], $0x80, v4, vm0, $0xb8;
	[tilespmem:$0x18C00] =	vst v63  }
0x3b2: {  	s26 =	simm.s32 $0x16C00  }
0x3b3: {  	[tilespmem:s26], [sflag:$0x4] =	stream.indirect_vreg.gather [hbm4b:s12+s2], $0x80, v4, vm0, $0xb8;
	[tilespmem:$0x18C00] =	vst v63  }
0x3b4: {  	s26 =	simm.s32 $0x17400  }
0x3b5: {  	[tilespmem:s26], [sflag:$0x4] =	stream.indirect_vreg.gather [hbm4b:s3+s2], $0x80, v3, vm0, $0xb8;
	[tilespmem:$0x18C00] =	vst v63  }
0x3b6: {  	s26 =	simm.s32 $0x17C00  }
0x3b7: {  	[tilespmem:s26], [sflag:$0x4] =	stream.indirect_vreg.gather [hbm4b:s6+s2], $0x80, v3, vm0, $0xb8;
	[tilespmem:$0x18C00] =	vst v63  }
0x3b8: {  	s11 =	simm.s32 $0x18400  }
0x3b9: {  	[tilespmem:s11], [sflag:$0x4] =	stream.indirect_vreg.gather [hbm4b:s12+s2], $0x80, v3, vm0, $0xb8;
	[tilespmem:$0x18C00] =	vst v63  }
0x3ba: {  	_ =	swait.ge [sflag:s15], $0x6000  }
0x3bb: {  	[sflag:s15] =	ssyncset.done $0x0  }
0x3bc: {  	s26 =	rddreg [dreg:$0x16];
	[sflag:s15] =	ssyncadd.s32 $0xFFFFA000  }
0x3bd: {  	[hbm4b:s26+s2] =	stream.linear.scatter [tilespmem:s10], [sflag:$0x6], $0x6000, $0x38;
	[tilespmem:$0x18C00] =	vst v63  }
0x3be: {  	_ =	swait.ge [sflag:s30], $0x6000  }
0x3bf: {  	[sflag:s30] =	ssyncset.done $0x0  }
0x3c0: {  	[sflag:s30] =	ssyncadd.s32 $0xFFFFA000  }
0x3c1: {  	v3 =	vld [tilespmem:$0xA80];
	_ =	sdelay $0x4  }
0x3c2: {  	v40 =	vshrl.u32 v3, $0x3  }
0x3c3: {  	v4 =	vmul.u32 $0x30, v40  }
0x3c4: {  	v3 =	vand.u32 $0x7, v3  }
0x3c5: {  	v3 =	vor.u32 v3, v4  }
0x3c6: {  	v4 =	vperm.xlane v3, v0;
	_ =	sdelay $0x1  }
0x3c7: {  	v4 =	vadd.s32 v1, v4;
	_ =	sdelay $0x3  }
0x3c8: {  	v3 =	vperm.xlane v3, v2  }
0x3c9: {  	[tilespmem:s17], [sflag:$0x1] =	stream.indirect_vreg.gather [hbm4b:s3+s2], $0x80, v4, vm0, $0xb8;
	[tilespmem:$0x18C00] =	vst v63  }
0x3ca: {  	v3 =	vadd.s32 v1, v3  }
0x3cb: {  	[tilespmem:s29], [sflag:$0x1] =	stream.indirect_vreg.gather [hbm4b:s6+s2], $0x80, v4, vm0, $0xb8;
	[tilespmem:$0x18C00] =	vst v63  }
0x3cc: {  	s0 =	simm.s32 $0x1C00  }
0x3cd: {  	[tilespmem:s0], [sflag:$0x1] =	stream.indirect_vreg.gather [hbm4b:s12+s2], $0x80, v4, vm0, $0xb8;
	[tilespmem:$0x18C00] =	vst v63  }
0x3ce: {  	s26 =	simm.s32 $0x2400  }
0x3cf: {  	[tilespmem:s26], [sflag:$0x1] =	stream.indirect_vreg.gather [hbm4b:s3+s2], $0x80, v3, vm0, $0xb8;
	[tilespmem:$0x18C00] =	vst v63  }
0x3d0: {  	s26 =	simm.s32 $0x2C00  }
0x3d1: {  	[tilespmem:s26], [sflag:$0x1] =	stream.indirect_vreg.gather [hbm4b:s6+s2], $0x80, v3, vm0, $0xb8;
	[tilespmem:$0x18C00] =	vst v63  }
0x3d2: {  	s26 =	simm.s32 $0x3400  }
0x3d3: {  	[tilespmem:s26], [sflag:$0x1] =	stream.indirect_vreg.gather [hbm4b:s12+s2], $0x80, v3, vm0, $0xb8;
	[tilespmem:$0x18C00] =	vst v63  }
0x3d4: {  	v3 =	vld [tilespmem:$0xA90];
	_ =	sdelay $0x4  }
0x3d5: {  	v41 =	vshrl.u32 v3, $0x3  }
0x3d6: {  	v4 =	vmul.u32 $0x30, v41  }
0x3d7: {  	v3 =	vand.u32 $0x7, v3  }
0x3d8: {  	v3 =	vor.u32 v3, v4  }
0x3d9: {  	v4 =	vperm.xlane v3, v0;
	_ =	sdelay $0x1  }
0x3da: {  	v4 =	vadd.s32 v1, v4;
	_ =	sdelay $0x3  }
0x3db: {  	s26 =	simm.s32 $0x3C00;
	v3 =	vperm.xlane v3, v2  }
0x3dc: {  	[tilespmem:s26], [sflag:$0x1] =	stream.indirect_vreg.gather [hbm4b:s3+s2], $0x80, v4, vm0, $0xb8;
	[tilespmem:$0x18C00] =	vst v63  }
0x3dd: {  	v3 =	vadd.s32 v1, v3;
	s26 =	simm.s32 $0x4400  }
0x3de: {  	[tilespmem:s26], [sflag:$0x1] =	stream.indirect_vreg.gather [hbm4b:s6+s2], $0x80, v4, vm0, $0xb8;
	[tilespmem:$0x18C00] =	vst v63  }
0x3df: {  	s26 =	simm.s32 $0x4C00  }
0x3e0: {  	[tilespmem:s26], [sflag:$0x1] =	stream.indirect_vreg.gather [hbm4b:s12+s2], $0x80, v4, vm0, $0xb8;
	[tilespmem:$0x18C00] =	vst v63  }
0x3e1: {  	s26 =	simm.s32 $0x5400  }
0x3e2: {  	[tilespmem:s26], [sflag:$0x1] =	stream.indirect_vreg.gather [hbm4b:s3+s2], $0x80, v3, vm0, $0xb8;
	[tilespmem:$0x18C00] =	vst v63  }
0x3e3: {  	s26 =	simm.s32 $0x5C00  }
0x3e4: {  	[tilespmem:s26], [sflag:$0x1] =	stream.indirect_vreg.gather [hbm4b:s6+s2], $0x80, v3, vm0, $0xb8;
	[tilespmem:$0x18C00] =	vst v63  }
0x3e5: {  	s26 =	simm.s32 $0x6400  }
0x3e6: {  	[tilespmem:s26], [sflag:$0x1] =	stream.indirect_vreg.gather [hbm4b:s12+s2], $0x80, v3, vm0, $0xb8;
	[tilespmem:$0x18C00] =	vst v63  }
0x3e7: {  	_ =	swait.ge [sflag:s20], $0x6000  }
0x3e8: {  	[sflag:s20] =	ssyncset.done $0x0  }
0x3e9: {  	s26 =	rddreg [dreg:$0x17];
	[sflag:s20] =	ssyncadd.s32 $0xFFFFA000  }
0x3ea: {  	[hbm4b:s26+s2] =	stream.linear.scatter [tilespmem:s7], [sflag:$0x7], $0x6000, $0x38;
	[tilespmem:$0x18C00] =	vst v63  }
0x3eb: {  	_ =	swait.ge [sflag:s21], $0x6000  }
0x3ec: {  	[sflag:s21] =	ssyncset.done $0x0  }
0x3ed: {  	[sflag:s21] =	ssyncadd.s32 $0xFFFFA000  }
0x3ee: {  	v3 =	vld [tilespmem:$0xAA0];
	_ =	sdelay $0x4  }
0x3ef: {  	v42 =	vshrl.u32 v3, $0x3  }
0x3f0: {  	v4 =	vmul.u32 $0x30, v42  }
0x3f1: {  	v3 =	vand.u32 $0x7, v3  }
0x3f2: {  	v3 =	vor.u32 v3, v4  }
0x3f3: {  	v4 =	vperm.xlane v3, v0;
	_ =	sdelay $0x1  }
0x3f4: {  	v4 =	vadd.s32 v1, v4;
	_ =	sdelay $0x3  }
0x3f5: {  	v3 =	vperm.xlane v3, v2  }
0x3f6: {  	[tilespmem:s10], [sflag:$0x2] =	stream.indirect_vreg.gather [hbm4b:s3+s2], $0x80, v4, vm0, $0xb8;
	[tilespmem:$0x18C00] =	vst v63  }
0x3f7: {  	s26 =	simm.s32 $0x7400;
	v3 =	vadd.s32 v1, v3  }
0x3f8: {  	[tilespmem:s26], [sflag:$0x2] =	stream.indirect_vreg.gather [hbm4b:s6+s2], $0x80, v4, vm0, $0xb8;
	[tilespmem:$0x18C00] =	vst v63  }
0x3f9: {  	s26 =	simm.s32 $0x7C00  }
0x3fa: {  	[tilespmem:s26], [sflag:$0x2] =	stream.indirect_vreg.gather [hbm4b:s12+s2], $0x80, v4, vm0, $0xb8;
	[tilespmem:$0x18C00] =	vst v63  }
0x3fb: {  	s26 =	simm.s32 $0x8400  }
0x3fc: {  	[tilespmem:s26], [sflag:$0x2] =	stream.indirect_vreg.gather [hbm4b:s3+s2], $0x80, v3, vm0, $0xb8;
	[tilespmem:$0x18C00] =	vst v63  }
0x3fd: {  	s25 =	simm.s32 $0x8C00  }
0x3fe: {  	[tilespmem:s25], [sflag:$0x2] =	stream.indirect_vreg.gather [hbm4b:s6+s2], $0x80, v3, vm0, $0xb8;
	[tilespmem:$0x18C00] =	vst v63  }
0x3ff: {  	s26 =	simm.s32 $0x9400  }
0x400: {  	[tilespmem:s26], [sflag:$0x2] =	stream.indirect_vreg.gather [hbm4b:s12+s2], $0x80, v3, vm0, $0xb8;
	[tilespmem:$0x18C00] =	vst v63  }
0x401: {  	v3 =	vld [tilespmem:$0xAB0];
	_ =	sdelay $0x4  }
0x402: {  	v43 =	vshrl.u32 v3, $0x3  }
0x403: {  	v4 =	vmul.u32 $0x30, v43  }
0x404: {  	v3 =	vand.u32 $0x7, v3  }
0x405: {  	v3 =	vor.u32 v3, v4  }
0x406: {  	v4 =	vperm.xlane v3, v0;
	_ =	sdelay $0x1  }
0x407: {  	v4 =	vadd.s32 v1, v4;
	_ =	sdelay $0x3  }
0x408: {  	s26 =	simm.s32 $0x9C00;
	v3 =	vperm.xlane v3, v2  }
0x409: {  	[tilespmem:s26], [sflag:$0x2] =	stream.indirect_vreg.gather [hbm4b:s3+s2], $0x80, v4, vm0, $0xb8;
	[tilespmem:$0x18C00] =	vst v63  }
0x40a: {  	s19 =	simm.s32 $0xA400;
	v3 =	vadd.s32 v1, v3  }
0x40b: {  	[tilespmem:s19], [sflag:$0x2] =	stream.indirect_vreg.gather [hbm4b:s6+s2], $0x80, v4, vm0, $0xb8;
	[tilespmem:$0x18C00] =	vst v63  }
0x40c: {  	s26 =	simm.s32 $0xAC00  }
0x40d: {  	[tilespmem:s26], [sflag:$0x2] =	stream.indirect_vreg.gather [hbm4b:s12+s2], $0x80, v4, vm0, $0xb8;
	[tilespmem:$0x18C00] =	vst v63  }
0x40e: {  	s28 =	simm.s32 $0xB400  }
0x40f: {  	[tilespmem:s28], [sflag:$0x2] =	stream.indirect_vreg.gather [hbm4b:s3+s2], $0x80, v3, vm0, $0xb8;
	[tilespmem:$0x18C00] =	vst v63  }
0x410: {  	s26 =	simm.s32 $0xBC00  }
0x411: {  	[tilespmem:s26], [sflag:$0x2] =	stream.indirect_vreg.gather [hbm4b:s6+s2], $0x80, v3, vm0, $0xb8;
	[tilespmem:$0x18C00] =	vst v63  }
0x412: {  	s28 =	simm.s32 $0xC400  }
0x413: {  	[tilespmem:s28], [sflag:$0x2] =	stream.indirect_vreg.gather [hbm4b:s12+s2], $0x80, v3, vm0, $0xb8;
	[tilespmem:$0x18C00] =	vst v63  }
0x414: {  	_ =	swait.ge [sflag:s22], $0x6000  }
0x415: {  	[sflag:s22] =	ssyncset.done $0x0  }
0x416: {  	s28 =	rddreg [dreg:$0x1d];
	[sflag:s22] =	ssyncadd.s32 $0xFFFFA000  }
0x417: {  	[hbm4b:s28+s2] =	stream.linear.scatter [tilespmem:s5], [sflag:$0x8], $0x6000, $0x38;
	[tilespmem:$0x18C00] =	vst v63  }
0x418: {  	_ =	swait.ge [sflag:s23], $0x6000  }
0x419: {  	[sflag:s23] =	ssyncset.done $0x0  }
0x41a: {  	[sflag:s23] =	ssyncadd.s32 $0xFFFFA000  }
0x41b: {  	v3 =	vld [tilespmem:$0xAC0];
	_ =	sdelay $0x4  }
0x41c: {  	v44 =	vshrl.u32 v3, $0x3  }
0x41d: {  	v4 =	vmul.u32 $0x30, v44  }
0x41e: {  	v3 =	vand.u32 $0x7, v3  }
0x41f: {  	v3 =	vor.u32 v3, v4  }
0x420: {  	v4 =	vperm.xlane v3, v0;
	_ =	sdelay $0x1  }
0x421: {  	v4 =	vadd.s32 v1, v4;
	_ =	sdelay $0x3  }
0x422: {  	v3 =	vperm.xlane v3, v2  }
0x423: {  	[tilespmem:s7], [sflag:$0x3] =	stream.indirect_vreg.gather [hbm4b:s3+s2], $0x80, v4, vm0, $0xb8;
	[tilespmem:$0x18C00] =	vst v63  }
0x424: {  	s28 =	simm.s32 $0xD400;
	v3 =	vadd.s32 v1, v3  }
0x425: {  	[tilespmem:s28], [sflag:$0x3] =	stream.indirect_vreg.gather [hbm4b:s6+s2], $0x80, v4, vm0, $0xb8;
	[tilespmem:$0x18C00] =	vst v63  }
0x426: {  	s28 =	simm.s32 $0xDC00  }
0x427: {  	[tilespmem:s28], [sflag:$0x3] =	stream.indirect_vreg.gather [hbm4b:s12+s2], $0x80, v4, vm0, $0xb8;
	[tilespmem:$0x18C00] =	vst v63  }
0x428: {  	s28 =	simm.s32 $0xE400  }
0x429: {  	[tilespmem:s28], [sflag:$0x3] =	stream.indirect_vreg.gather [hbm4b:s3+s2], $0x80, v3, vm0, $0xb8;
	[tilespmem:$0x18C00] =	vst v63  }
0x42a: {  	s28 =	simm.s32 $0xEC00  }
0x42b: {  	[tilespmem:s28], [sflag:$0x3] =	stream.indirect_vreg.gather [hbm4b:s6+s2], $0x80, v3, vm0, $0xb8;
	[tilespmem:$0x18C00] =	vst v63  }
0x42c: {  	s28 =	simm.s32 $0xF400  }
0x42d: {  	[tilespmem:s28], [sflag:$0x3] =	stream.indirect_vreg.gather [hbm4b:s12+s2], $0x80, v3, vm0, $0xb8;
	[tilespmem:$0x18C00] =	vst v63  }
0x42e: {  	v3 =	vld [tilespmem:$0xAD0];
	_ =	sdelay $0x4  }
0x42f: {  	v45 =	vshrl.u32 v3, $0x3  }
0x430: {  	v4 =	vmul.u32 $0x30, v45  }
0x431: {  	v3 =	vand.u32 $0x7, v3  }
0x432: {  	v3 =	vor.u32 v3, v4  }
0x433: {  	v4 =	vperm.xlane v3, v0;
	_ =	sdelay $0x1  }
0x434: {  	v4 =	vadd.s32 v1, v4;
	_ =	sdelay $0x3  }
0x435: {  	v3 =	vperm.xlane v3, v2  }
0x436: {  	[tilespmem:s1], [sflag:$0x3] =	stream.indirect_vreg.gather [hbm4b:s3+s2], $0x80, v4, vm0, $0xb8;
	[tilespmem:$0x18C00] =	vst v63  }
0x437: {  	s28 =	simm.s32 $0x10400;
	v3 =	vadd.s32 v1, v3  }
0x438: {  	[tilespmem:s28], [sflag:$0x3] =	stream.indirect_vreg.gather [hbm4b:s6+s2], $0x80, v4, vm0, $0xb8;
	[tilespmem:$0x18C00] =	vst v63  }
0x439: {  	_ = 	snop  }
0x43a: {  	[tilespmem:s8], [sflag:$0x3] =	stream.indirect_vreg.gather [hbm4b:s12+s2], $0x80, v4, vm0, $0xb8;
	[tilespmem:$0x18C00] =	vst v63  }
0x43b: {  	s28 =	simm.s32 $0x11400  }
0x43c: {  	[tilespmem:s28], [sflag:$0x3] =	stream.indirect_vreg.gather [hbm4b:s3+s2], $0x80, v3, vm0, $0xb8;
	[tilespmem:$0x18C00] =	vst v63  }
0x43d: {  	_ = 	snop  }
0x43e: {  	[tilespmem:s4], [sflag:$0x3] =	stream.indirect_vreg.gather [hbm4b:s6+s2], $0x80, v3, vm0, $0xb8;
	[tilespmem:$0x18C00] =	vst v63  }
0x43f: {  	s26 =	simm.s32 $0x12400  }
0x440: {  	[tilespmem:s26], [sflag:$0x3] =	stream.indirect_vreg.gather [hbm4b:s12+s2], $0x80, v3, vm0, $0xb8;
	[tilespmem:$0x18C00] =	vst v63  }
0x441: {  	_ =	swait.ge [sflag:s14], $0x6000  }
0x442: {  	[sflag:s14] =	ssyncset.done $0x0  }
0x443: {  	s4 =	rddreg [dreg:$0x18];
	[sflag:s14] =	ssyncadd.s32 $0xFFFFA000  }
0x444: {  	[hbm4b:s4+s2] =	stream.linear.scatter [tilespmem:s17], [sflag:$0x5], $0x6000, $0x38;
	[tilespmem:$0x18C00] =	vst v63  }
0x445: {  	_ =	swait.ge [sflag:s24], $0x6000  }
0x446: {  	[sflag:s24] =	ssyncset.done $0x0  }
0x447: {  	[sflag:s24] =	ssyncadd.s32 $0xFFFFA000  }
0x448: {  	v3 =	vld [tilespmem:$0xAE0];
	_ =	sdelay $0x4  }
0x449: {  	v46 =	vshrl.u32 v3, $0x3  }
0x44a: {  	v4 =	vmul.u32 $0x30, v46  }
0x44b: {  	v3 =	vand.u32 $0x7, v3  }
0x44c: {  	v3 =	vor.u32 v3, v4  }
0x44d: {  	v4 =	vperm.xlane v3, v0;
	_ =	sdelay $0x1  }
0x44e: {  	v4 =	vadd.s32 v1, v4;
	_ =	sdelay $0x3  }
0x44f: {  	v3 =	vperm.xlane v3, v2  }
0x450: {  	[tilespmem:s5], [sflag:$0x4] =	stream.indirect_vreg.gather [hbm4b:s3+s2], $0x80, v4, vm0, $0xb8;
	[tilespmem:$0x18C00] =	vst v63  }
0x451: {  	v3 =	vadd.s32 v1, v3  }
0x452: {  	[tilespmem:s9], [sflag:$0x4] =	stream.indirect_vreg.gather [hbm4b:s6+s2], $0x80, v4, vm0, $0xb8;
	[tilespmem:$0x18C00] =	vst v63  }
0x453: {  	s26 =	simm.s32 $0x13C00  }
0x454: {  	[tilespmem:s26], [sflag:$0x4] =	stream.indirect_vreg.gather [hbm4b:s12+s2], $0x80, v4, vm0, $0xb8;
	[tilespmem:$0x18C00] =	vst v63  }
0x455: {  	s18 =	simm.s32 $0x14400  }
0x456: {  	[tilespmem:s18], [sflag:$0x4] =	stream.indirect_vreg.gather [hbm4b:s3+s2], $0x80, v3, vm0, $0xb8;
	[tilespmem:$0x18C00] =	vst v63  }
0x457: {  	s26 =	simm.s32 $0x14C00  }
0x458: {  	[tilespmem:s26], [sflag:$0x4] =	stream.indirect_vreg.gather [hbm4b:s6+s2], $0x80, v3, vm0, $0xb8;
	[tilespmem:$0x18C00] =	vst v63  }
0x459: {  	s16 =	simm.s32 $0x15400  }
0x45a: {  	[tilespmem:s16], [sflag:$0x4] =	stream.indirect_vreg.gather [hbm4b:s12+s2], $0x80, v3, vm0, $0xb8;
	[tilespmem:$0x18C00] =	vst v63  }
0x45b: {  	v3 =	vld [tilespmem:$0xAF0];
	_ =	sdelay $0x4  }
0x45c: {  	v47 =	vshrl.u32 v3, $0x3  }
0x45d: {  	v4 =	vmul.u32 $0x30, v47  }
0x45e: {  	v3 =	vand.u32 $0x7, v3  }
0x45f: {  	v3 =	vor.u32 v3, v4  }
0x460: {  	v4 =	vperm.xlane v3, v0;
	_ =	sdelay $0x1  }
0x461: {  	v4 =	vadd.s32 v1, v4;
	_ =	sdelay $0x3  }
0x462: {  	s13 =	simm.s32 $0x15C00;
	v3 =	vperm.xlane v3, v2  }
0x463: {  	[tilespmem:s13], [sflag:$0x4] =	stream.indirect_vreg.gather [hbm4b:s3+s2], $0x80, v4, vm0, $0xb8;
	[tilespmem:$0x18C00] =	vst v63  }
0x464: {  	s31 =	simm.s32 $0x16400;
	v3 =	vadd.s32 v1, v3  }
0x465: {  	[tilespmem:s31], [sflag:$0x4] =	stream.indirect_vreg.gather [hbm4b:s6+s2], $0x80, v4, vm0, $0xb8;
	[tilespmem:$0x18C00] =	vst v63  }
0x466: {  	s16 =	simm.s32 $0x16C00  }
0x467: {  	[tilespmem:s16], [sflag:$0x4] =	stream.indirect_vreg.gather [hbm4b:s12+s2], $0x80, v4, vm0, $0xb8;
	[tilespmem:$0x18C00] =	vst v63  }
0x468: {  	s26 =	simm.s32 $0x17400  }
0x469: {  	[tilespmem:s26], [sflag:$0x4] =	stream.indirect_vreg.gather [hbm4b:s3+s2], $0x80, v3, vm0, $0xb8;
	[tilespmem:$0x18C00] =	vst v63  }
0x46a: {  	s31 =	simm.s32 $0x17C00  }
0x46b: {  	[tilespmem:s31], [sflag:$0x4] =	stream.indirect_vreg.gather [hbm4b:s6+s2], $0x80, v3, vm0, $0xb8;
	[tilespmem:$0x18C00] =	vst v63  }
0x46c: {  	s11 =	simm.s32 $0x18400  }
0x46d: {  	[tilespmem:s11], [sflag:$0x4] =	stream.indirect_vreg.gather [hbm4b:s12+s2], $0x80, v3, vm0, $0xb8;
	[tilespmem:$0x18C00] =	vst v63  }
0x46e: {  	_ =	swait.ge [sflag:s15], $0x6000  }
0x46f: {  	[sflag:s15] =	ssyncset.done $0x0  }
0x470: {  	s11 =	rddreg [dreg:$0x19];
	[sflag:s15] =	ssyncadd.s32 $0xFFFFA000  }
0x471: {  	[hbm4b:s11+s2] =	stream.linear.scatter [tilespmem:s10], [sflag:$0x6], $0x6000, $0x38;
	[tilespmem:$0x18C00] =	vst v63  }
0x472: {  	_ =	swait.ge [sflag:s30], $0x6000  }
0x473: {  	[sflag:s30] =	ssyncset.done $0x0  }
0x474: {  	[sflag:s30] =	ssyncadd.s32 $0xFFFFA000  }
0x475: {  	v3 =	vld [tilespmem:$0xB00];
	_ =	sdelay $0x4  }
0x476: {  	v48 =	vshrl.u32 v3, $0x3  }
0x477: {  	v4 =	vmul.u32 $0x30, v48  }
0x478: {  	v3 =	vand.u32 $0x7, v3  }
0x479: {  	v3 =	vor.u32 v3, v4  }
0x47a: {  	v4 =	vperm.xlane v3, v0;
	_ =	sdelay $0x1  }
0x47b: {  	v4 =	vadd.s32 v1, v4;
	_ =	sdelay $0x3  }
0x47c: {  	v3 =	vperm.xlane v3, v2  }
0x47d: {  	[tilespmem:s17], [sflag:$0x1] =	stream.indirect_vreg.gather [hbm4b:s3+s2], $0x80, v4, vm0, $0xb8;
	[tilespmem:$0x18C00] =	vst v63  }
0x47e: {  	v3 =	vadd.s32 v1, v3  }
0x47f: {  	[tilespmem:s29], [sflag:$0x1] =	stream.indirect_vreg.gather [hbm4b:s6+s2], $0x80, v4, vm0, $0xb8;
	[tilespmem:$0x18C00] =	vst v63  }
0x480: {  	s13 =	simm.s32 $0x1C00  }
0x481: {  	[tilespmem:s13], [sflag:$0x1] =	stream.indirect_vreg.gather [hbm4b:s12+s2], $0x80, v4, vm0, $0xb8;
	[tilespmem:$0x18C00] =	vst v63  }
0x482: {  	s16 =	simm.s32 $0x2400  }
0x483: {  	[tilespmem:s16], [sflag:$0x1] =	stream.indirect_vreg.gather [hbm4b:s3+s2], $0x80, v3, vm0, $0xb8;
	[tilespmem:$0x18C00] =	vst v63  }
0x484: {  	s0 =	simm.s32 $0x2C00  }
0x485: {  	[tilespmem:s0], [sflag:$0x1] =	stream.indirect_vreg.gather [hbm4b:s6+s2], $0x80, v3, vm0, $0xb8;
	[tilespmem:$0x18C00] =	vst v63  }
0x486: {  	s26 =	simm.s32 $0x3400  }
0x487: {  	[tilespmem:s26], [sflag:$0x1] =	stream.indirect_vreg.gather [hbm4b:s12+s2], $0x80, v3, vm0, $0xb8;
	[tilespmem:$0x18C00] =	vst v63  }
0x488: {  	v3 =	vld [tilespmem:$0xB10];
	_ =	sdelay $0x4  }
0x489: {  	v49 =	vshrl.u32 v3, $0x3  }
0x48a: {  	v4 =	vmul.u32 $0x30, v49  }
0x48b: {  	v3 =	vand.u32 $0x7, v3  }
0x48c: {  	v3 =	vor.u32 v3, v4  }
0x48d: {  	v4 =	vperm.xlane v3, v0;
	_ =	sdelay $0x1  }
0x48e: {  	v4 =	vadd.s32 v1, v4;
	_ =	sdelay $0x3  }
0x48f: {  	s4 =	simm.s32 $0x3C00;
	v3 =	vperm.xlane v3, v2  }
0x490: {  	[tilespmem:s4], [sflag:$0x1] =	stream.indirect_vreg.gather [hbm4b:s3+s2], $0x80, v4, vm0, $0xb8;
	[tilespmem:$0x18C00] =	vst v63  }
0x491: {  	s13 =	simm.s32 $0x4400;
	v3 =	vadd.s32 v1, v3  }
0x492: {  	[tilespmem:s13], [sflag:$0x1] =	stream.indirect_vreg.gather [hbm4b:s6+s2], $0x80, v4, vm0, $0xb8;
	[tilespmem:$0x18C00] =	vst v63  }
0x493: {  	s26 =	simm.s32 $0x4C00  }
0x494: {  	[tilespmem:s26], [sflag:$0x1] =	stream.indirect_vreg.gather [hbm4b:s12+s2], $0x80, v4, vm0, $0xb8;
	[tilespmem:$0x18C00] =	vst v63  }
0x495: {  	s4 =	simm.s32 $0x5400  }
0x496: {  	[tilespmem:s4], [sflag:$0x1] =	stream.indirect_vreg.gather [hbm4b:s3+s2], $0x80, v3, vm0, $0xb8;
	[tilespmem:$0x18C00] =	vst v63  }
0x497: {  	s13 =	simm.s32 $0x5C00  }
0x498: {  	[tilespmem:s13], [sflag:$0x1] =	stream.indirect_vreg.gather [hbm4b:s6+s2], $0x80, v3, vm0, $0xb8;
	[tilespmem:$0x18C00] =	vst v63  }
0x499: {  	s26 =	simm.s32 $0x6400  }
0x49a: {  	[tilespmem:s26], [sflag:$0x1] =	stream.indirect_vreg.gather [hbm4b:s12+s2], $0x80, v3, vm0, $0xb8;
	[tilespmem:$0x18C00] =	vst v63  }
0x49b: {  	_ =	swait.ge [sflag:s20], $0x6000  }
0x49c: {  	[sflag:s20] =	ssyncset.done $0x0  }
0x49d: {  	s0 =	rddreg [dreg:$0x1a];
	[sflag:s20] =	ssyncadd.s32 $0xFFFFA000  }
0x49e: {  	[hbm4b:s0+s2] =	stream.linear.scatter [tilespmem:s7], [sflag:$0x7], $0x6000, $0x38;
	[tilespmem:$0x18C00] =	vst v63  }
0x49f: {  	_ =	swait.ge [sflag:s21], $0x6000  }
0x4a0: {  	[sflag:s21] =	ssyncset.done $0x0  }
0x4a1: {  	[sflag:s21] =	ssyncadd.s32 $0xFFFFA000  }
0x4a2: {  	v3 =	vld [tilespmem:$0xB20];
	_ =	sdelay $0x4  }
0x4a3: {  	v50 =	vshrl.u32 v3, $0x3  }
0x4a4: {  	v4 =	vmul.u32 $0x30, v50  }
0x4a5: {  	v3 =	vand.u32 $0x7, v3  }
0x4a6: {  	v3 =	vor.u32 v3, v4  }
0x4a7: {  	v4 =	vperm.xlane v3, v0;
	_ =	sdelay $0x1  }
0x4a8: {  	v4 =	vadd.s32 v1, v4;
	_ =	sdelay $0x3  }
0x4a9: {  	v3 =	vperm.xlane v3, v2  }
0x4aa: {  	[tilespmem:s10], [sflag:$0x2] =	stream.indirect_vreg.gather [hbm4b:s3+s2], $0x80, v4, vm0, $0xb8;
	[tilespmem:$0x18C00] =	vst v63  }
0x4ab: {  	s4 =	simm.s32 $0x7400;
	v3 =	vadd.s32 v1, v3  }
0x4ac: {  	[tilespmem:s4], [sflag:$0x2] =	stream.indirect_vreg.gather [hbm4b:s6+s2], $0x80, v4, vm0, $0xb8;
	[tilespmem:$0x18C00] =	vst v63  }
0x4ad: {  	s13 =	simm.s32 $0x7C00  }
0x4ae: {  	[tilespmem:s13], [sflag:$0x2] =	stream.indirect_vreg.gather [hbm4b:s12+s2], $0x80, v4, vm0, $0xb8;
	[tilespmem:$0x18C00] =	vst v63  }
0x4af: {  	s26 =	simm.s32 $0x8400  }
0x4b0: {  	[tilespmem:s26], [sflag:$0x2] =	stream.indirect_vreg.gather [hbm4b:s3+s2], $0x80, v3, vm0, $0xb8;
	[tilespmem:$0x18C00] =	vst v63  }
0x4b1: {  	s4 =	simm.s32 $0x8C00  }
0x4b2: {  	[tilespmem:s4], [sflag:$0x2] =	stream.indirect_vreg.gather [hbm4b:s6+s2], $0x80, v3, vm0, $0xb8;
	[tilespmem:$0x18C00] =	vst v63  }
0x4b3: {  	s25 =	simm.s32 $0x9400  }
0x4b4: {  	[tilespmem:s25], [sflag:$0x2] =	stream.indirect_vreg.gather [hbm4b:s12+s2], $0x80, v3, vm0, $0xb8;
	[tilespmem:$0x18C00] =	vst v63  }
0x4b5: {  	v3 =	vld [tilespmem:$0xB30];
	_ =	sdelay $0x4  }
0x4b6: {  	v51 =	vshrl.u32 v3, $0x3  }
0x4b7: {  	v4 =	vmul.u32 $0x30, v51  }
0x4b8: {  	v3 =	vand.u32 $0x7, v3  }
0x4b9: {  	v3 =	vor.u32 v3, v4  }
0x4ba: {  	v4 =	vperm.xlane v3, v0;
	_ =	sdelay $0x1  }
0x4bb: {  	v4 =	vadd.s32 v1, v4;
	_ =	sdelay $0x3  }
0x4bc: {  	s13 =	simm.s32 $0x9C00;
	v3 =	vperm.xlane v3, v2  }
0x4bd: {  	[tilespmem:s13], [sflag:$0x2] =	stream.indirect_vreg.gather [hbm4b:s3+s2], $0x80, v4, vm0, $0xb8;
	[tilespmem:$0x18C00] =	vst v63  }
0x4be: {  	s25 =	simm.s32 $0xA400;
	v3 =	vadd.s32 v1, v3  }
0x4bf: {  	[tilespmem:s25], [sflag:$0x2] =	stream.indirect_vreg.gather [hbm4b:s6+s2], $0x80, v4, vm0, $0xb8;
	[tilespmem:$0x18C00] =	vst v63  }
0x4c0: {  	s26 =	simm.s32 $0xAC00  }
0x4c1: {  	[tilespmem:s26], [sflag:$0x2] =	stream.indirect_vreg.gather [hbm4b:s12+s2], $0x80, v4, vm0, $0xb8;
	[tilespmem:$0x18C00] =	vst v63  }
0x4c2: {  	s13 =	simm.s32 $0xB400  }
0x4c3: {  	[tilespmem:s13], [sflag:$0x2] =	stream.indirect_vreg.gather [hbm4b:s3+s2], $0x80, v3, vm0, $0xb8;
	[tilespmem:$0x18C00] =	vst v63  }
0x4c4: {  	s19 =	simm.s32 $0xBC00  }
0x4c5: {  	[tilespmem:s19], [sflag:$0x2] =	stream.indirect_vreg.gather [hbm4b:s6+s2], $0x80, v3, vm0, $0xb8;
	[tilespmem:$0x18C00] =	vst v63  }
0x4c6: {  	s26 =	simm.s32 $0xC400  }
0x4c7: {  	[tilespmem:s26], [sflag:$0x2] =	stream.indirect_vreg.gather [hbm4b:s12+s2], $0x80, v3, vm0, $0xb8;
	[tilespmem:$0x18C00] =	vst v63  }
0x4c8: {  	_ =	swait.ge [sflag:s22], $0x6000  }
0x4c9: {  	[sflag:s22] =	ssyncset.done $0x0  }
0x4ca: {  	s19 =	rddreg [dreg:$0x1b];
	[sflag:s22] =	ssyncadd.s32 $0xFFFFA000  }
0x4cb: {  	[hbm4b:s19+s2] =	stream.linear.scatter [tilespmem:s5], [sflag:$0x8], $0x6000, $0x38;
	[tilespmem:$0x18C00] =	vst v63  }
0x4cc: {  	_ =	swait.ge [sflag:s23], $0x6000  }
0x4cd: {  	[sflag:s23] =	ssyncset.done $0x0  }
0x4ce: {  	[sflag:s23] =	ssyncadd.s32 $0xFFFFA000  }
0x4cf: {  	v3 =	vld [tilespmem:$0xB40];
	_ =	sdelay $0x4  }
0x4d0: {  	v52 =	vshrl.u32 v3, $0x3  }
0x4d1: {  	v4 =	vmul.u32 $0x30, v52  }
0x4d2: {  	v3 =	vand.u32 $0x7, v3  }
0x4d3: {  	v3 =	vor.u32 v3, v4  }
0x4d4: {  	v4 =	vperm.xlane v3, v0;
	_ =	sdelay $0x1  }
0x4d5: {  	v4 =	vadd.s32 v1, v4;
	_ =	sdelay $0x3  }
0x4d6: {  	v3 =	vperm.xlane v3, v2  }
0x4d7: {  	[tilespmem:s7], [sflag:$0x3] =	stream.indirect_vreg.gather [hbm4b:s3+s2], $0x80, v4, vm0, $0xb8;
	[tilespmem:$0x18C00] =	vst v63  }
0x4d8: {  	s26 =	simm.s32 $0xD400;
	v3 =	vadd.s32 v1, v3  }
0x4d9: {  	[tilespmem:s26], [sflag:$0x3] =	stream.indirect_vreg.gather [hbm4b:s6+s2], $0x80, v4, vm0, $0xb8;
	[tilespmem:$0x18C00] =	vst v63  }
0x4da: {  	s19 =	simm.s32 $0xDC00  }
0x4db: {  	[tilespmem:s19], [sflag:$0x3] =	stream.indirect_vreg.gather [hbm4b:s12+s2], $0x80, v4, vm0, $0xb8;
	[tilespmem:$0x18C00] =	vst v63  }
0x4dc: {  	s26 =	simm.s32 $0xE400  }
0x4dd: {  	[tilespmem:s26], [sflag:$0x3] =	stream.indirect_vreg.gather [hbm4b:s3+s2], $0x80, v3, vm0, $0xb8;
	[tilespmem:$0x18C00] =	vst v63  }
0x4de: {  	s19 =	simm.s32 $0xEC00  }
0x4df: {  	[tilespmem:s19], [sflag:$0x3] =	stream.indirect_vreg.gather [hbm4b:s6+s2], $0x80, v3, vm0, $0xb8;
	[tilespmem:$0x18C00] =	vst v63  }
0x4e0: {  	s26 =	simm.s32 $0xF400  }
0x4e1: {  	[tilespmem:s26], [sflag:$0x3] =	stream.indirect_vreg.gather [hbm4b:s12+s2], $0x80, v3, vm0, $0xb8;
	[tilespmem:$0x18C00] =	vst v63  }
0x4e2: {  	v3 =	vld [tilespmem:$0xB50];
	_ =	sdelay $0x4  }
0x4e3: {  	v53 =	vshrl.u32 v3, $0x3  }
0x4e4: {  	v4 =	vmul.u32 $0x30, v53  }
0x4e5: {  	v3 =	vand.u32 $0x7, v3  }
0x4e6: {  	v3 =	vor.u32 v3, v4  }
0x4e7: {  	v4 =	vperm.xlane v3, v0;
	_ =	sdelay $0x1  }
0x4e8: {  	v4 =	vadd.s32 v1, v4;
	_ =	sdelay $0x3  }
0x4e9: {  	s1 =	simm.s32 $0xFC00;
	v3 =	vperm.xlane v3, v2  }
0x4ea: {  	[tilespmem:s1], [sflag:$0x3] =	stream.indirect_vreg.gather [hbm4b:s3+s2], $0x80, v4, vm0, $0xb8;
	[tilespmem:$0x18C00] =	vst v63  }
0x4eb: {  	v3 =	vadd.s32 v1, v3;
	s1 =	simm.s32 $0x10400  }
0x4ec: {  	[tilespmem:s1], [sflag:$0x3] =	stream.indirect_vreg.gather [hbm4b:s6+s2], $0x80, v4, vm0, $0xb8;
	[tilespmem:$0x18C00] =	vst v63  }
0x4ed: {  	s8 =	simm.s32 $0x10C00  }
0x4ee: {  	[tilespmem:s8], [sflag:$0x3] =	stream.indirect_vreg.gather [hbm4b:s12+s2], $0x80, v4, vm0, $0xb8;
	[tilespmem:$0x18C00] =	vst v63  }
0x4ef: {  	s26 =	simm.s32 $0x11400  }
0x4f0: {  	[tilespmem:s26], [sflag:$0x3] =	stream.indirect_vreg.gather [hbm4b:s3+s2], $0x80, v3, vm0, $0xb8;
	[tilespmem:$0x18C00] =	vst v63  }
0x4f1: {  	s28 =	simm.s32 $0x11C00  }
0x4f2: {  	[tilespmem:s28], [sflag:$0x3] =	stream.indirect_vreg.gather [hbm4b:s6+s2], $0x80, v3, vm0, $0xb8;
	[tilespmem:$0x18C00] =	vst v63  }
0x4f3: {  	s28 =	simm.s32 $0x12400  }
0x4f4: {  	[tilespmem:s28], [sflag:$0x3] =	stream.indirect_vreg.gather [hbm4b:s12+s2], $0x80, v3, vm0, $0xb8;
	[tilespmem:$0x18C00] =	vst v63  }
0x4f5: {  	_ =	swait.ge [sflag:s14], $0x6000  }
0x4f6: {  	s0 =	sld [smem:$0x7F6]  }
0x4f7: {  	[sflag:s14] =	ssyncset.done $0x0  }
0x4f8: {  	[sflag:s14] =	ssyncadd.s32 $0xFFFFA000  }
0x4f9: {  	[hbm4b:s0+s2] =	stream.linear.scatter [tilespmem:s17], [sflag:$0x5], $0x6000, $0x38;
	[tilespmem:$0x18C00] =	vst v63  }
0x4fa: {  	_ =	swait.ge [sflag:s24], $0x6000  }
0x4fb: {  	[sflag:s24] =	ssyncset.done $0x0  }
0x4fc: {  	[sflag:s24] =	ssyncadd.s32 $0xFFFFA000  }
0x4fd: {  	v3 =	vld [tilespmem:$0xB60];
	_ =	sdelay $0x4  }
0x4fe: {  	v54 =	vshrl.u32 v3, $0x3  }
0x4ff: {  	v4 =	vmul.u32 $0x30, v54  }
0x500: {  	v3 =	vand.u32 $0x7, v3  }
0x501: {  	v3 =	vor.u32 v3, v4  }
0x502: {  	v4 =	vperm.xlane v3, v0;
	_ =	sdelay $0x1  }
0x503: {  	v4 =	vadd.s32 v1, v4;
	_ =	sdelay $0x3  }
0x504: {  	v3 =	vperm.xlane v3, v2  }
0x505: {  	[tilespmem:s5], [sflag:$0x4] =	stream.indirect_vreg.gather [hbm4b:s3+s2], $0x80, v4, vm0, $0xb8;
	[tilespmem:$0x18C00] =	vst v63  }
0x506: {  	s9 =	simm.s32 $0x13400;
	v3 =	vadd.s32 v1, v3  }
0x507: {  	[tilespmem:s9], [sflag:$0x4] =	stream.indirect_vreg.gather [hbm4b:s6+s2], $0x80, v4, vm0, $0xb8;
	[tilespmem:$0x18C00] =	vst v63  }
0x508: {  	s26 =	simm.s32 $0x13C00  }
0x509: {  	[tilespmem:s26], [sflag:$0x4] =	stream.indirect_vreg.gather [hbm4b:s12+s2], $0x80, v4, vm0, $0xb8;
	[tilespmem:$0x18C00] =	vst v63  }
0x50a: {  	s28 =	simm.s32 $0x14400  }
0x50b: {  	[tilespmem:s28], [sflag:$0x4] =	stream.indirect_vreg.gather [hbm4b:s3+s2], $0x80, v3, vm0, $0xb8;
	[tilespmem:$0x18C00] =	vst v63  }
0x50c: {  	s9 =	simm.s32 $0x14C00  }
0x50d: {  	[tilespmem:s9], [sflag:$0x4] =	stream.indirect_vreg.gather [hbm4b:s6+s2], $0x80, v3, vm0, $0xb8;
	[tilespmem:$0x18C00] =	vst v63  }
0x50e: {  	s18 =	simm.s32 $0x15400  }
0x50f: {  	[tilespmem:s18], [sflag:$0x4] =	stream.indirect_vreg.gather [hbm4b:s12+s2], $0x80, v3, vm0, $0xb8;
	[tilespmem:$0x18C00] =	vst v63  }
0x510: {  	v3 =	vld [tilespmem:$0xB70];
	_ =	sdelay $0x4  }
0x511: {  	v55 =	vshrl.u32 v3, $0x3  }
0x512: {  	v4 =	vmul.u32 $0x30, v55  }
0x513: {  	v3 =	vand.u32 $0x7, v3  }
0x514: {  	v3 =	vor.u32 v3, v4  }
0x515: {  	v4 =	vperm.xlane v3, v0;
	_ =	sdelay $0x1  }
0x516: {  	v4 =	vadd.s32 v1, v4;
	_ =	sdelay $0x3  }
0x517: {  	s18 =	simm.s32 $0x15C00;
	v3 =	vperm.xlane v3, v2  }
0x518: {  	[tilespmem:s18], [sflag:$0x4] =	stream.indirect_vreg.gather [hbm4b:s3+s2], $0x80, v4, vm0, $0xb8;
	[tilespmem:$0x18C00] =	vst v63  }
0x519: {  	s26 =	simm.s32 $0x16400;
	v3 =	vadd.s32 v1, v3  }
0x51a: {  	[tilespmem:s26], [sflag:$0x4] =	stream.indirect_vreg.gather [hbm4b:s6+s2], $0x80, v4, vm0, $0xb8;
	[tilespmem:$0x18C00] =	vst v63  }
0x51b: {  	s28 =	simm.s32 $0x16C00  }
0x51c: {  	[tilespmem:s28], [sflag:$0x4] =	stream.indirect_vreg.gather [hbm4b:s12+s2], $0x80, v4, vm0, $0xb8;
	[tilespmem:$0x18C00] =	vst v63  }
0x51d: {  	s26 =	simm.s32 $0x17400  }
0x51e: {  	[tilespmem:s26], [sflag:$0x4] =	stream.indirect_vreg.gather [hbm4b:s3+s2], $0x80, v3, vm0, $0xb8;
	[tilespmem:$0x18C00] =	vst v63  }
0x51f: {  	s28 =	simm.s32 $0x17C00  }
0x520: {  	[tilespmem:s28], [sflag:$0x4] =	stream.indirect_vreg.gather [hbm4b:s6+s2], $0x80, v3, vm0, $0xb8;
	[tilespmem:$0x18C00] =	vst v63  }
0x521: {  	s31 =	simm.s32 $0x18400  }
0x522: {  	[tilespmem:s31], [sflag:$0x4] =	stream.indirect_vreg.gather [hbm4b:s12+s2], $0x80, v3, vm0, $0xb8;
	[tilespmem:$0x18C00] =	vst v63  }
0x523: {  	_ =	swait.ge [sflag:s15], $0x6000  }
0x524: {  	[sflag:s15] =	ssyncset.done $0x0  }
0x525: {  	s0 =	rddreg [dreg:$0x1c];
	[sflag:s15] =	ssyncadd.s32 $0xFFFFA000  }
0x526: {  	[hbm4b:s0+s2] =	stream.linear.scatter [tilespmem:s10], [sflag:$0x6], $0x6000, $0x38;
	[tilespmem:$0x18C00] =	vst v63  }
0x527: {  	_ =	swait.ge [sflag:s30], $0x6000  }
0x528: {  	[sflag:s30] =	ssyncset.done $0x0  }
0x529: {  	[sflag:s30] =	ssyncadd.s32 $0xFFFFA000  }
0x52a: {  	v3 =	vld [tilespmem:$0xB80];
	_ =	sdelay $0x4  }
0x52b: {  	v56 =	vshrl.u32 v3, $0x3  }
0x52c: {  	v4 =	vmul.u32 $0x30, v56  }
0x52d: {  	v3 =	vand.u32 $0x7, v3  }
0x52e: {  	v3 =	vor.u32 v3, v4  }
0x52f: {  	v4 =	vperm.xlane v3, v0;
	_ =	sdelay $0x1  }
0x530: {  	v4 =	vadd.s32 v1, v4;
	_ =	sdelay $0x3  }
0x531: {  	v3 =	vperm.xlane v3, v2  }
0x532: {  	[tilespmem:s17], [sflag:$0x1] =	stream.indirect_vreg.gather [hbm4b:s3+s2], $0x80, v4, vm0, $0xb8;
	[tilespmem:$0x18C00] =	vst v63  }
0x533: {  	v3 =	vadd.s32 v1, v3  }
0x534: {  	[tilespmem:s29], [sflag:$0x1] =	stream.indirect_vreg.gather [hbm4b:s6+s2], $0x80, v4, vm0, $0xb8;
	[tilespmem:$0x18C00] =	vst v63  }
0x535: {  	s11 =	simm.s32 $0x1C00  }
0x536: {  	[tilespmem:s11], [sflag:$0x1] =	stream.indirect_vreg.gather [hbm4b:s12+s2], $0x80, v4, vm0, $0xb8;
	[tilespmem:$0x18C00] =	vst v63  }
0x537: {  	s16 =	simm.s32 $0x2400  }
0x538: {  	[tilespmem:s16], [sflag:$0x1] =	stream.indirect_vreg.gather [hbm4b:s3+s2], $0x80, v3, vm0, $0xb8;
	[tilespmem:$0x18C00] =	vst v63  }
0x539: {  	s16 =	simm.s32 $0x2C00  }
0x53a: {  	[tilespmem:s16], [sflag:$0x1] =	stream.indirect_vreg.gather [hbm4b:s6+s2], $0x80, v3, vm0, $0xb8;
	[tilespmem:$0x18C00] =	vst v63  }
0x53b: {  	s26 =	simm.s32 $0x3400  }
0x53c: {  	[tilespmem:s26], [sflag:$0x1] =	stream.indirect_vreg.gather [hbm4b:s12+s2], $0x80, v3, vm0, $0xb8;
	[tilespmem:$0x18C00] =	vst v63  }
0x53d: {  	v3 =	vld [tilespmem:$0xB90];
	_ =	sdelay $0x4  }
0x53e: {  	v57 =	vshrl.u32 v3, $0x3  }
0x53f: {  	v4 =	vmul.u32 $0x30, v57  }
0x540: {  	v3 =	vand.u32 $0x7, v3  }
0x541: {  	v3 =	vor.u32 v3, v4  }
0x542: {  	v4 =	vperm.xlane v3, v0;
	_ =	sdelay $0x1  }
0x543: {  	v4 =	vadd.s32 v1, v4;
	_ =	sdelay $0x3  }
0x544: {  	s31 =	simm.s32 $0x3C00;
	v3 =	vperm.xlane v3, v2  }
0x545: {  	[tilespmem:s31], [sflag:$0x1] =	stream.indirect_vreg.gather [hbm4b:s3+s2], $0x80, v4, vm0, $0xb8;
	[tilespmem:$0x18C00] =	vst v63  }
0x546: {  	s11 =	simm.s32 $0x4400;
	v3 =	vadd.s32 v1, v3  }
0x547: {  	[tilespmem:s11], [sflag:$0x1] =	stream.indirect_vreg.gather [hbm4b:s6+s2], $0x80, v4, vm0, $0xb8;
	[tilespmem:$0x18C00] =	vst v63  }
0x548: {  	s16 =	simm.s32 $0x4C00  }
0x549: {  	[tilespmem:s16], [sflag:$0x1] =	stream.indirect_vreg.gather [hbm4b:s12+s2], $0x80, v4, vm0, $0xb8;
	[tilespmem:$0x18C00] =	vst v63  }
0x54a: {  	s26 =	simm.s32 $0x5400  }
0x54b: {  	[tilespmem:s26], [sflag:$0x1] =	stream.indirect_vreg.gather [hbm4b:s3+s2], $0x80, v3, vm0, $0xb8;
	[tilespmem:$0x18C00] =	vst v63  }
0x54c: {  	s31 =	simm.s32 $0x5C00  }
0x54d: {  	[tilespmem:s31], [sflag:$0x1] =	stream.indirect_vreg.gather [hbm4b:s6+s2], $0x80, v3, vm0, $0xb8;
	[tilespmem:$0x18C00] =	vst v63  }
0x54e: {  	s11 =	simm.s32 $0x6400  }
0x54f: {  	[tilespmem:s11], [sflag:$0x1] =	stream.indirect_vreg.gather [hbm4b:s12+s2], $0x80, v3, vm0, $0xb8;
	[tilespmem:$0x18C00] =	vst v63  }
0x550: {  	_ =	swait.ge [sflag:s20], $0x6000  }
0x551: {  	[sflag:s20] =	ssyncset.done $0x0  }
0x552: {  	s31 =	rddreg [dreg:$0x1e];
	[sflag:s20] =	ssyncadd.s32 $0xFFFFA000  }
0x553: {  	[hbm4b:s31+s2] =	stream.linear.scatter [tilespmem:s7], [sflag:$0x7], $0x6000, $0x38;
	[tilespmem:$0x18C00] =	vst v63  }
0x554: {  	_ =	swait.ge [sflag:s21], $0x6000  }
0x555: {  	[sflag:s21] =	ssyncset.done $0x0  }
0x556: {  	[sflag:s21] =	ssyncadd.s32 $0xFFFFA000  }
0x557: {  	v3 =	vld [tilespmem:$0xBA0];
	_ =	sdelay $0x4  }
0x558: {  	v58 =	vshrl.u32 v3, $0x3  }
0x559: {  	v4 =	vmul.u32 $0x30, v58  }
0x55a: {  	v3 =	vand.u32 $0x7, v3  }
0x55b: {  	v3 =	vor.u32 v3, v4  }
0x55c: {  	v4 =	vperm.xlane v3, v0;
	_ =	sdelay $0x1  }
0x55d: {  	v4 =	vadd.s32 v1, v4;
	_ =	sdelay $0x3  }
0x55e: {  	v3 =	vperm.xlane v3, v2  }
0x55f: {  	[tilespmem:s10], [sflag:$0x2] =	stream.indirect_vreg.gather [hbm4b:s3+s2], $0x80, v4, vm0, $0xb8;
	[tilespmem:$0x18C00] =	vst v63  }
0x560: {  	s16 =	simm.s32 $0x7400;
	v3 =	vadd.s32 v1, v3  }
0x561: {  	[tilespmem:s16], [sflag:$0x2] =	stream.indirect_vreg.gather [hbm4b:s6+s2], $0x80, v4, vm0, $0xb8;
	[tilespmem:$0x18C00] =	vst v63  }
0x562: {  	s11 =	simm.s32 $0x7C00  }
0x563: {  	[tilespmem:s11], [sflag:$0x2] =	stream.indirect_vreg.gather [hbm4b:s12+s2], $0x80, v4, vm0, $0xb8;
	[tilespmem:$0x18C00] =	vst v63  }
0x564: {  	s16 =	simm.s32 $0x8400  }
0x565: {  	[tilespmem:s16], [sflag:$0x2] =	stream.indirect_vreg.gather [hbm4b:s3+s2], $0x80, v3, vm0, $0xb8;
	[tilespmem:$0x18C00] =	vst v63  }
0x566: {  	s4 =	simm.s32 $0x8C00  }
0x567: {  	[tilespmem:s4], [sflag:$0x2] =	stream.indirect_vreg.gather [hbm4b:s6+s2], $0x80, v3, vm0, $0xb8;
	[tilespmem:$0x18C00] =	vst v63  }
0x568: {  	s26 =	simm.s32 $0x9400  }
0x569: {  	[tilespmem:s26], [sflag:$0x2] =	stream.indirect_vreg.gather [hbm4b:s12+s2], $0x80, v3, vm0, $0xb8;
	[tilespmem:$0x18C00] =	vst v63  }
0x56a: {  	v3 =	vld [tilespmem:$0xBB0];
	_ =	sdelay $0x4  }
0x56b: {  	v59 =	vshrl.u32 v3, $0x3  }
0x56c: {  	v4 =	vmul.u32 $0x30, v59  }
0x56d: {  	v3 =	vand.u32 $0x7, v3  }
0x56e: {  	v3 =	vor.u32 v3, v4  }
0x56f: {  	v4 =	vperm.xlane v3, v0;
	_ =	sdelay $0x1  }
0x570: {  	v4 =	vadd.s32 v1, v4;
	_ =	sdelay $0x3  }
0x571: {  	s31 =	simm.s32 $0x9C00;
	v3 =	vperm.xlane v3, v2  }
0x572: {  	[tilespmem:s31], [sflag:$0x2] =	stream.indirect_vreg.gather [hbm4b:s3+s2], $0x80, v4, vm0, $0xb8;
	[tilespmem:$0x18C00] =	vst v63  }
0x573: {  	s25 =	simm.s32 $0xA400;
	v3 =	vadd.s32 v1, v3  }
0x574: {  	[tilespmem:s25], [sflag:$0x2] =	stream.indirect_vreg.gather [hbm4b:s6+s2], $0x80, v4, vm0, $0xb8;
	[tilespmem:$0x18C00] =	vst v63  }
0x575: {  	s4 =	simm.s32 $0xAC00  }
0x576: {  	[tilespmem:s4], [sflag:$0x2] =	stream.indirect_vreg.gather [hbm4b:s12+s2], $0x80, v4, vm0, $0xb8;
	[tilespmem:$0x18C00] =	vst v63  }
0x577: {  	s13 =	simm.s32 $0xB400  }
0x578: {  	[tilespmem:s13], [sflag:$0x2] =	stream.indirect_vreg.gather [hbm4b:s3+s2], $0x80, v3, vm0, $0xb8;
	[tilespmem:$0x18C00] =	vst v63  }
0x579: {  	s11 =	simm.s32 $0xBC00  }
0x57a: {  	[tilespmem:s11], [sflag:$0x2] =	stream.indirect_vreg.gather [hbm4b:s6+s2], $0x80, v3, vm0, $0xb8;
	[tilespmem:$0x18C00] =	vst v63  }
0x57b: {  	s16 =	simm.s32 $0xC400  }
0x57c: {  	[tilespmem:s16], [sflag:$0x2] =	stream.indirect_vreg.gather [hbm4b:s12+s2], $0x80, v3, vm0, $0xb8;
	[tilespmem:$0x18C00] =	vst v63  }
0x57d: {  	_ =	swait.ge [sflag:s22], $0x6000  }
0x57e: {  	[sflag:s22] =	ssyncset.done $0x0  }
0x57f: {  	s0 =	simm.s32 $0x12C00;
	s25 =	rddreg [dreg:$0x1f];
	[sflag:s22] =	ssyncadd.s32 $0xFFFFA000  }
0x580: {  	[hbm4b:s25+s2] =	stream.linear.scatter [tilespmem:s0], [sflag:$0x8], $0x6000, $0x38;
	[tilespmem:$0x18C00] =	vst v63  }
0x581: {  	_ =	swait.ge [sflag:s23], $0x6000  }
0x582: {  	[sflag:s23] =	ssyncset.done $0x0  }
0x583: {  	[sflag:s23] =	ssyncadd.s32 $0xFFFFA000  }
0x584: {  	v3 =	vld [tilespmem:$0xBC0];
	_ =	sdelay $0x4  }
0x585: {  	v60 =	vshrl.u32 v3, $0x3  }
0x586: {  	v4 =	vmul.u32 $0x30, v60  }
0x587: {  	v3 =	vand.u32 $0x7, v3  }
0x588: {  	v3 =	vor.u32 v3, v4  }
0x589: {  	v4 =	vperm.xlane v3, v0;
	_ =	sdelay $0x1  }
0x58a: {  	v4 =	vadd.s32 v1, v4;
	_ =	sdelay $0x3  }
0x58b: {  	v3 =	vperm.xlane v3, v2  }
0x58c: {  	[tilespmem:s7], [sflag:$0x3] =	stream.indirect_vreg.gather [hbm4b:s3+s2], $0x80, v4, vm0, $0xb8;
	[tilespmem:$0x18C00] =	vst v63  }
0x58d: {  	s26 =	simm.s32 $0xD400;
	v3 =	vadd.s32 v1, v3  }
0x58e: {  	[tilespmem:s26], [sflag:$0x3] =	stream.indirect_vreg.gather [hbm4b:s6+s2], $0x80, v4, vm0, $0xb8;
	[tilespmem:$0x18C00] =	vst v63  }
0x58f: {  	s31 =	simm.s32 $0xDC00  }
0x590: {  	[tilespmem:s31], [sflag:$0x3] =	stream.indirect_vreg.gather [hbm4b:s12+s2], $0x80, v4, vm0, $0xb8;
	[tilespmem:$0x18C00] =	vst v63  }
0x591: {  	s11 =	simm.s32 $0xE400  }
0x592: {  	[tilespmem:s11], [sflag:$0x3] =	stream.indirect_vreg.gather [hbm4b:s3+s2], $0x80, v3, vm0, $0xb8;
	[tilespmem:$0x18C00] =	vst v63  }
0x593: {  	s13 =	simm.s32 $0xEC00  }
0x594: {  	[tilespmem:s13], [sflag:$0x3] =	stream.indirect_vreg.gather [hbm4b:s6+s2], $0x80, v3, vm0, $0xb8;
	[tilespmem:$0x18C00] =	vst v63  }
0x595: {  	s16 =	simm.s32 $0xF400  }
0x596: {  	[tilespmem:s16], [sflag:$0x3] =	stream.indirect_vreg.gather [hbm4b:s12+s2], $0x80, v3, vm0, $0xb8;
	[tilespmem:$0x18C00] =	vst v63  }
0x597: {  	v3 =	vld [tilespmem:$0xBD0];
	_ =	sdelay $0x4  }
0x598: {  	v61 =	vshrl.u32 v3, $0x3  }
0x599: {  	v4 =	vmul.u32 $0x30, v61  }
0x59a: {  	v3 =	vand.u32 $0x7, v3  }
0x59b: {  	v3 =	vor.u32 v3, v4  }
0x59c: {  	v4 =	vperm.xlane v3, v0;
	_ =	sdelay $0x1  }
0x59d: {  	v4 =	vadd.s32 v1, v4;
	_ =	sdelay $0x3  }
0x59e: {  	s19 =	simm.s32 $0xFC00;
	v3 =	vperm.xlane v3, v2  }
0x59f: {  	[tilespmem:s19], [sflag:$0x3] =	stream.indirect_vreg.gather [hbm4b:s3+s2], $0x80, v4, vm0, $0xb8;
	[tilespmem:$0x18C00] =	vst v63  }
0x5a0: {  	s25 =	simm.s32 $0x10400;
	v3 =	vadd.s32 v1, v3  }
0x5a1: {  	[tilespmem:s25], [sflag:$0x3] =	stream.indirect_vreg.gather [hbm4b:s6+s2], $0x80, v4, vm0, $0xb8;
	[tilespmem:$0x18C00] =	vst v63  }
0x5a2: {  	s1 =	simm.s32 $0x10C00  }
0x5a3: {  	[tilespmem:s1], [sflag:$0x3] =	stream.indirect_vreg.gather [hbm4b:s12+s2], $0x80, v4, vm0, $0xb8;
	[tilespmem:$0x18C00] =	vst v63  }
0x5a4: {  	s26 =	simm.s32 $0x11400  }
0x5a5: {  	[tilespmem:s26], [sflag:$0x3] =	stream.indirect_vreg.gather [hbm4b:s3+s2], $0x80, v3, vm0, $0xb8;
	[tilespmem:$0x18C00] =	vst v63  }
0x5a6: {  	s8 =	simm.s32 $0x11C00  }
0x5a7: {  	[tilespmem:s8], [sflag:$0x3] =	stream.indirect_vreg.gather [hbm4b:s6+s2], $0x80, v3, vm0, $0xb8;
	[tilespmem:$0x18C00] =	vst v63  }
0x5a8: {  	s31 =	simm.s32 $0x12400  }
0x5a9: {  	[tilespmem:s31], [sflag:$0x3] =	stream.indirect_vreg.gather [hbm4b:s12+s2], $0x80, v3, vm0, $0xb8;
	[tilespmem:$0x18C00] =	vst v63  }
0x5aa: {  	_ =	swait.ge [sflag:s14], $0x6000  }
0x5ab: {  	s1 =	sld [smem:$0x7F7]  }
0x5ac: {  	[sflag:s14] =	ssyncset.done $0x0  }
0x5ad: {  	[sflag:s14] =	ssyncadd.s32 $0xFFFFA000  }
0x5ae: {  	[hbm4b:s1+s2] =	stream.linear.scatter [tilespmem:s17], [sflag:$0x5], $0x6000, $0x38;
	[tilespmem:$0x18C00] =	vst v63  }
0x5af: {  	_ =	swait.ge [sflag:s24], $0x6000  }
0x5b0: {  	[sflag:s24] =	ssyncset.done $0x0  }
0x5b1: {  	[sflag:s24] =	ssyncadd.s32 $0xFFFFA000  }
0x5b2: {  	v3 =	vld [tilespmem:$0xBE0];
	_ =	sdelay $0x4  }
0x5b3: {  	v62 =	vshrl.u32 v3, $0x3  }
0x5b4: {  	v4 =	vmul.u32 $0x30, v62  }
0x5b5: {  	v3 =	vand.u32 $0x7, v3  }
0x5b6: {  	v3 =	vor.u32 v3, v4  }
0x5b7: {  	v4 =	vperm.xlane v3, v0;
	_ =	sdelay $0x1  }
0x5b8: {  	v4 =	vadd.s32 v1, v4;
	_ =	sdelay $0x3  }
0x5b9: {  	v3 =	vperm.xlane v3, v2  }
0x5ba: {  	[tilespmem:s0], [sflag:$0x4] =	stream.indirect_vreg.gather [hbm4b:s3+s2], $0x80, v4, vm0, $0xb8;
	[tilespmem:$0x18C00] =	vst v63  }
0x5bb: {  	s5 =	simm.s32 $0x13400;
	v3 =	vadd.s32 v1, v3  }
0x5bc: {  	[tilespmem:s5], [sflag:$0x4] =	stream.indirect_vreg.gather [hbm4b:s6+s2], $0x80, v4, vm0, $0xb8;
	[tilespmem:$0x18C00] =	vst v63  }
0x5bd: {  	s5 =	simm.s32 $0x13C00  }
0x5be: {  	[tilespmem:s5], [sflag:$0x4] =	stream.indirect_vreg.gather [hbm4b:s12+s2], $0x80, v4, vm0, $0xb8;
	[tilespmem:$0x18C00] =	vst v63  }
0x5bf: {  	s8 =	simm.s32 $0x14400  }
0x5c0: {  	[tilespmem:s8], [sflag:$0x4] =	stream.indirect_vreg.gather [hbm4b:s3+s2], $0x80, v3, vm0, $0xb8;
	[tilespmem:$0x18C00] =	vst v63  }
0x5c1: {  	s11 =	simm.s32 $0x14C00  }
0x5c2: {  	[tilespmem:s11], [sflag:$0x4] =	stream.indirect_vreg.gather [hbm4b:s6+s2], $0x80, v3, vm0, $0xb8;
	[tilespmem:$0x18C00] =	vst v63  }
0x5c3: {  	s9 =	simm.s32 $0x15400  }
0x5c4: {  	[tilespmem:s9], [sflag:$0x4] =	stream.indirect_vreg.gather [hbm4b:s12+s2], $0x80, v3, vm0, $0xb8;
	[tilespmem:$0x18C00] =	vst v63  }
0x5c5: {  	v3 =	vld [tilespmem:$0xBF0];
	_ =	sdelay $0x4  }
0x5c6: {  	v63 =	vshrl.u32 v3, $0x3  }
0x5c7: {  	v4 =	vmul.u32 $0x30, v63  }
0x5c8: {  	v3 =	vand.u32 $0x7, v3  }
0x5c9: {  	v3 =	vor.u32 v3, v4  }
0x5ca: {  	v4 =	vperm.xlane v3, v0;
	_ =	sdelay $0x1  }
0x5cb: {  	v4 =	vadd.s32 v1, v4;
	_ =	sdelay $0x3  }
0x5cc: {  	s18 =	simm.s32 $0x15C00;
	v3 =	vperm.xlane v3, v2  }
0x5cd: {  	[tilespmem:s18], [sflag:$0x4] =	stream.indirect_vreg.gather [hbm4b:s3+s2], $0x80, v4, vm0, $0xb8;
	[tilespmem:$0x18C00] =	vst v63  }
0x5ce: {  	s13 =	simm.s32 $0x16400;
	v3 =	vadd.s32 v1, v3  }
0x5cf: {  	[tilespmem:s13], [sflag:$0x4] =	stream.indirect_vreg.gather [hbm4b:s6+s2], $0x80, v4, vm0, $0xb8;
	[tilespmem:$0x18C00] =	vst v63  }
0x5d0: {  	s16 =	simm.s32 $0x16C00  }
0x5d1: {  	[tilespmem:s16], [sflag:$0x4] =	stream.indirect_vreg.gather [hbm4b:s12+s2], $0x80, v4, vm0, $0xb8;
	[tilespmem:$0x18C00] =	vst v63  }
0x5d2: {  	s17 =	simm.s32 $0x17400  }
0x5d3: {  	[tilespmem:s17], [sflag:$0x4] =	stream.indirect_vreg.gather [hbm4b:s3+s2], $0x80, v3, vm0, $0xb8;
	[tilespmem:$0x18C00] =	vst v63  }
0x5d4: {  	s18 =	simm.s32 $0x17C00  }
0x5d5: {  	[tilespmem:s18], [sflag:$0x4] =	stream.indirect_vreg.gather [hbm4b:s6+s2], $0x80, v3, vm0, $0xb8;
	[tilespmem:$0x18C00] =	vst v63  }
0x5d6: {  	s28 =	simm.s32 $0x18400  }
0x5d7: {  	[tilespmem:s28], [sflag:$0x4] =	stream.indirect_vreg.gather [hbm4b:s12+s2], $0x80, v3, vm0, $0xb8;
	[tilespmem:$0x18C00] =	vst v63  }
0x5d8: {  	_ =	swait.ge [sflag:s15], $0x6000  }
0x5d9: {  	s19 =	sld [smem:$0x7F8]  }
0x5da: {  	[sflag:s15] =	ssyncset.done $0x0  }
0x5db: {  	[sflag:s15] =	ssyncadd.s32 $0xFFFFA000  }
0x5dc: {  	[hbm4b:s19+s2] =	stream.linear.scatter [tilespmem:s10], [sflag:$0x6], $0x6000, $0x38;
	[tilespmem:$0x18C00] =	vst v63  }
0x5dd: {  	_ =	swait.ge [sflag:s20], $0x6000  }
0x5de: {  	s25 =	sld [smem:$0x7F9]  }
0x5df: {  	[sflag:s20] =	ssyncset.done $0x0  }
0x5e0: {  	[sflag:s20] =	ssyncadd.s32 $0xFFFFA000  }
0x5e1: {  	[hbm4b:s25+s2] =	stream.linear.scatter [tilespmem:s7], [sflag:$0x7], $0x6000, $0x38;
	[tilespmem:$0x18C00] =	vst v63  }
0x5e2: {  	_ =	swait.ge [sflag:s22], $0x6000  }
0x5e3: {  	s28 =	sld [smem:$0x7FA]  }
0x5e4: {  	[sflag:s22] =	ssyncset.done $0x0  }
0x5e5: {  	s4 =	simm.s32 $0x12C00;
	[sflag:s22] =	ssyncadd.s32 $0xFFFFA000  }
0x5e6: {  	[hbm4b:s28+s2] =	stream.linear.scatter [tilespmem:s4], [sflag:$0x8], $0x6000, $0x38;
	[tilespmem:$0x18C00] =	vst v63  }
0x5e7: {  	_ =	swait.ge [sflag:s30], $0x6000  }
0x5e8: {  	[sflag:s30] =	ssyncset.done $0x0  }
0x5e9: {  	[sflag:s30] =	ssyncadd.s32 $0xFFFFA000  }
0x5ea: {  	_ =	swait.ge [sflag:s21], $0x6000  }
0x5eb: {  	[sflag:s21] =	ssyncset.done $0x0  }
0x5ec: {  	[sflag:s21] =	ssyncadd.s32 $0xFFFFA000  }
0x5ed: {  	_ =	swait.ge [sflag:s23], $0x6000  }
0x5ee: {  	[sflag:s23] =	ssyncset.done $0x0  }
0x5ef: {  	[sflag:s23] =	ssyncadd.s32 $0xFFFFA000  }
0x5f0: {  	_ =	swait.ge [sflag:s24], $0x6000  }
0x5f1: {  	s30 =	sld [smem:$0x7F5]  }
0x5f2: {  	s31 =	sld [smem:$0x7FB];
	_ =	sdelay $0x1  }
0x5f3: {  	s0 =	sadd.s32 $0x1, s30  }
0x5f4: {  	p0 =	sne.s32 s0, s31  }
.Ltmp1:
0x5f5: {  	_ = 	snop;
	(pc) =	sbr.rel @p0 .LBB2_1-.Ltmp1, $3  }
0x5f6: {  	_ =	sdelay $0x1  }
0x5f7: {  	[sflag:s24] =	ssyncset.done $0x0  }
0x5f8: {  	[sflag:s24] =	ssyncadd.s32 $0xFFFFA000  }
0x5f9: {  	_ =	sfence.sel $0x180000  }
0x5fa: {  	[bflag:$0x0] =	sbarrier.arrive $0xFFFF  }
0x5fb: {  	_ =	strace $0x90000047  }
0x5fc: {  	s0 =	stileid.u32;
	[bflag:$0x2] =	sbarrier.arrive $0xFFFF  }
0x5fd: {  	p0 =	sne.s32 s0, $0x0;
	s0 =	rddreg [dreg:$0x4]  }
0x5fe: {  	s0 =	sadd.s32 @!p0 $0x100000, s0  }
0x5ff: {  	[sflag:s0] =	ssyncadd.tile.s32 @!p0 $0x1;
	_ =	shalt  }
.Lfunc_end2:
_tile_overlayer_lowered:
.L_overlay_start_2:
0x600: {  	(tag) =	ssettag $0x2  }
0x601: {  	s0 =	rddreg [dreg:$0x0];
	s2 =	stileid.u32  }
0x602: {  	s1 =	rddreg [dreg:$0x1];
	p0 =	sne.s32 s2, $0x0  }
0x603: {  	s3 =	rddreg [dreg:$0x2];
	[bflag:$0x3] =	sbarrier.arrive $0xFFFF;
	s2 =	simm.s32 @!p0 $0x1C09  }
0x604: {  	[timem:s3], [sflag:s2] =	dma.local @!p0 [hbm:s0], s1  }
0x605: {  	s0 =	simm.s32 @!p0 $0x9  }
0x606: {  	_ =	swait.ge @!p0 [sflag:s0], s1  }
0x607: {  	s1 =	ssub.s32 @!p0 $0x0, s1;
	[sflag:s0] =	ssyncset.done @!p0 $0x0  }
0x608: {  	[sflag:s0] =	ssyncadd.s32 @!p0 s1  }
0x609: {  	[bflag:$0x3] =	sbarrier.arrive $0xFFFF  }
0x60a: {  	_ =	shalt  }

</sc_bundles>
